<compile_context>
chip_gen: v7x
topology: tpu7x:2x2x1
jax: 0.10.2.dev20260603
libtpu: 0.0.44.dev20260713+nightly
codegen_flags: <defaults>
</compile_context>

<pallas_src>
import functools

import jax
import jax.numpy as jnp
from jax import lax
from jax.experimental import pallas as pl
from jax.experimental.pallas import tpu as pltpu
from jax.experimental.pallas import tpu_sc as plsc

NSRC = (10000, 5000)
NDST = (5000, 2500)
ECNT = (256000, 64000)
T = 4
H = 4
DH = 32
HID = 128
OUTD = 64
NTILE = 16
_F32 = jnp.float32


def _proj_body(h_ref, wc_ref, aal_ref, aar_ref, wsk_ref, bsk_ref,
               whA_ref, whB_ref, el_ref, er_ref, xs_ref):
    h = h_ref[:, :]
    for t in range(T):
        wh = jnp.dot(h, wc_ref[t], preferred_element_type=_F32)
        whA_ref[t, :, :] = wh[:, :64]
        whB_ref[t, :, :] = wh[:, 64:]
        el_ref[t, :, :] = jnp.dot(wh, aal_ref[t], preferred_element_type=_F32)
        er_ref[t, :, :] = jnp.dot(wh, aar_ref[t], preferred_element_type=_F32)
    xs_ref[:, :] = jnp.dot(h, wsk_ref[:, :], preferred_element_type=_F32) + bsk_ref[:, :]


def _proj(h, wc, aal, aar, wsk, bsk, n):
    R = 200
    const2 = lambda i: (0, 0)
    const3 = lambda i: (0, 0, 0)
    row3 = lambda i: (0, i, 0)
    return pl.pallas_call(
        _proj_body,
        grid=(n // R,),
        in_specs=[
            pl.BlockSpec((R, HID), lambda i: (i, 0)),
            pl.BlockSpec((T, HID, HID), const3),
            pl.BlockSpec((T, HID, 16), const3),
            pl.BlockSpec((T, HID, 16), const3),
            pl.BlockSpec((HID, HID), const2),
            pl.BlockSpec((1, HID), const2),
        ],
        out_specs=[
            pl.BlockSpec((T, R, 64), row3),
            pl.BlockSpec((T, R, 64), row3),
            pl.BlockSpec((T, R, 16), row3),
            pl.BlockSpec((T, R, 16), row3),
            pl.BlockSpec((R, HID), lambda i: (i, 0)),
        ],
        out_shape=[
            jax.ShapeDtypeStruct((T, n, 64), _F32),
            jax.ShapeDtypeStruct((T, n, 64), _F32),
            jax.ShapeDtypeStruct((T, n, 16), _F32),
            jax.ShapeDtypeStruct((T, n, 16), _F32),
            jax.ShapeDtypeStruct((n, HID), _F32),
        ],
    )(h, wc, aal, aar, wsk, bsk)


def _edge_body(sde_ref, whA, whB, el_t, er_t,
               numA_o, numB_o, den_o,
               num_sp, den_sp,
               sde, skc, dkec, dknc, elb, erb, wb, rows, sem, sem2,
               *, E, nsrc, ndstp, C, IZ):
    core = lax.axis_index("c")
    sub = lax.axis_index("s")
    epc = E // NTILE
    nch = epc // C
    nkdp = ((T * ndstp + 8 * NTILE - 1) // (8 * NTILE)) * (8 * NTILE)
    rpt = nkdp // NTILE
    niz, rem = rpt // IZ, rpt % IZ
    base_r = sub * rpt
    ebase = sub * epc

    def zrow(i, _):
        for q in range(4):
            rows[i, pl.ds(q * 16, 16)] = jnp.zeros((16,), _F32)
        wb[i, :] = jnp.zeros((16,), _F32)
        return 0
    lax.fori_loop(0, C, zrow, 0)

    def zinit(i, _):
        pltpu.sync_copy(rows.at[pl.ds(0, IZ)],
                        num_sp.at[pl.ds(base_r + i * IZ, IZ)])
        return 0
    lax.fori_loop(0, niz, zinit, 0)
    if rem:
        pltpu.sync_copy(rows.at[pl.ds(0, rem)],
                        num_sp.at[pl.ds(base_r + niz * IZ, rem)])

    @pl.when(core == 0)
    def _():
        def zden(i, _):
            pltpu.sync_copy(wb.at[pl.ds(0, IZ)],
                            den_sp.at[pl.ds(base_r + i * IZ, IZ)])
            return 0
        lax.fori_loop(0, niz, zden, 0)
        if rem:
            pltpu.sync_copy(wb.at[pl.ds(0, rem)],
                            den_sp.at[pl.ds(base_r + niz * IZ, rem)])

    plsc.subcore_barrier()

    def chunk(k, _):
        b = ebase + k * C
        pltpu.sync_copy(sde_ref.at[:, pl.ds(b, C)], sde)

        def keys(j, _):
            s = sde[0, pl.ds(j * 16, 16)]
            d = sde[1, pl.ds(j * 16, 16)]
            t = sde[2, pl.ds(j * 16, 16)]
            skc[pl.ds(j * 16, 16)] = t * nsrc + s
            dkec[pl.ds(j * 16, 16)] = t * nsrc + d
            dknc[pl.ds(j * 16, 16)] = t * ndstp + d
            return 0
        lax.fori_loop(0, C // 16, keys, 0)

        g_el = pltpu.async_copy(el_t.at[skc], elb, sem)
        g_er = pltpu.async_copy(er_t.at[dkec], erb, sem)

        @pl.when(core == 0)
        def _():
            pltpu.async_copy(whA.at[skc], rows, sem2)

        @pl.when(core == 1)
        def _():
            pltpu.async_copy(whB.at[skc], rows, sem2)

        g_el.wait()
        g_er.wait()

        def wcomp(j, _):
            e = elb[j, :] + erb[j, :]
            e = jnp.where(e > 0.0, e, 0.2 * e)
            wb[j, :] = jnp.exp(e)
            return 0
        lax.fori_loop(0, C, wcomp, 0)

        pltpu.make_async_copy(whA.at[skc], rows, sem2).wait()

        def _mk_scale(h0):
            def scale(j, _):
                wrow = wb[j, :]
                w0 = wrow[h0]
                w1 = wrow[h0 + 1]
                rows[j, pl.ds(0, 16)] = rows[j, pl.ds(0, 16)] * w0
                rows[j, pl.ds(16, 16)] = rows[j, pl.ds(16, 16)] * w0
                rows[j, pl.ds(32, 16)] = rows[j, pl.ds(32, 16)] * w1
                rows[j, pl.ds(48, 16)] = rows[j, pl.ds(48, 16)] * w1
                return 0
            return scale

        @pl.when(core == 0)
        def _():
            lax.fori_loop(0, C, _mk_scale(0), 0)

        @pl.when(core == 1)
        def _():
            lax.fori_loop(0, C, _mk_scale(2), 0)

        s_num = pltpu.async_copy(rows, num_sp.at[dknc], sem, add=True)

        @pl.when(core == 0)
        def _():
            pltpu.async_copy(wb, den_sp.at[dknc], sem, add=True).wait()

        s_num.wait()
        return 0
    lax.fori_loop(0, nch, chunk, 0)

    plsc.subcore_barrier()

    def _cout(r, sz):
        pltpu.sync_copy(num_sp.at[pl.ds(r, sz)], rows.at[pl.ds(0, sz)])

        @pl.when(core == 0)
        def _():
            pltpu.sync_copy(rows.at[pl.ds(0, sz)], numA_o.at[pl.ds(r, sz)])
            pltpu.sync_copy(den_sp.at[pl.ds(r, sz)], wb.at[pl.ds(0, sz)])
            pltpu.sync_copy(wb.at[pl.ds(0, sz)], den_o.at[pl.ds(r, sz)])

        @pl.when(core == 1)
        def _():
            pltpu.sync_copy(rows.at[pl.ds(0, sz)], numB_o.at[pl.ds(r, sz)])

    def cout(i, _):
        _cout(base_r + i * IZ, IZ)
        return 0
    lax.fori_loop(0, niz, cout, 0)
    if rem:
        _cout(base_r + niz * IZ, rem)


def _edge(sde, whA2, whB2, el2, er2, layer):
    E = ECNT[layer]
    nsrc = NSRC[layer]
    ndst = NDST[layer]
    C = 128 if layer == 0 else 80
    ndstp = ((ndst + 7) // 8) * 8
    nkdp = ((T * ndstp + 8 * NTILE - 1) // (8 * NTILE)) * (8 * NTILE)
    IZ = (min(C, nkdp // NTILE) // 8) * 8
    mesh = plsc.VectorSubcoreMesh(core_axis_name="c", subcore_axis_name="s")
    body = functools.partial(_edge_body, E=E, nsrc=nsrc, ndstp=ndstp, C=C, IZ=IZ)
    f = pl.kernel(
        body,
        out_type=[
            jax.ShapeDtypeStruct((nkdp, 64), _F32),
            jax.ShapeDtypeStruct((nkdp, 64), _F32),
            jax.ShapeDtypeStruct((nkdp, 16), _F32),
        ],
        mesh=mesh,
        compiler_params=pltpu.CompilerParams(use_tc_tiling_on_sc=False),
        scratch_types=[
            pltpu.VMEM_SHARED((nkdp, 64), _F32),
            pltpu.VMEM_SHARED((nkdp, 16), _F32),
            pltpu.VMEM((3, C), jnp.int32),
            pltpu.VMEM((C,), jnp.int32),
            pltpu.VMEM((C,), jnp.int32),
            pltpu.VMEM((C,), jnp.int32),
            pltpu.VMEM((C, 16), _F32),
            pltpu.VMEM((C, 16), _F32),
            pltpu.VMEM((C, 16), _F32),
            pltpu.VMEM((C, 64), _F32),
            pltpu.SemaphoreType.DMA,
            pltpu.SemaphoreType.DMA,
        ],
    )
    return f(sde, whA2, whB2, el2, er2)


def _combine_step(numA_ref, numB_ref, den_ref, xs_ref, cb_ref, acc_ref):
    t = pl.program_id(0)

    @pl.when(t == 0)
    def _():
        acc_ref[:, :] = xs_ref[:, :] + jnp.sum(cb_ref[:, :], axis=0, keepdims=True)

    den = den_ref[:, :]
    parts = []
    for h in range(H):
        src_ref = numA_ref if h < 2 else numB_ref
        nm = src_ref[:, (h % 2) * 32:(h % 2 + 1) * 32]
        dh = den[:, h:h + 1]
        dh = jnp.where(dh > 0.0, dh, 1.0)
        parts.append(nm / dh)
    acc_ref[:, :] = acc_ref[:, :] + jnp.concatenate(parts, axis=1)


def _bn_v(v, g, b):
    mu = jnp.mean(v, axis=0, keepdims=True)
    var = jnp.mean((v - mu) ** 2, axis=0, keepdims=True)
    return g * (v - mu) * lax.rsqrt(var + 1e-5) + b


def _fin0_body(numA_ref, numB_ref, den_ref, xs_ref, cb_ref, g_ref, b_ref,
               out_ref, acc_ref, *, n):
    _combine_step(numA_ref, numB_ref, den_ref, xs_ref, cb_ref, acc_ref)

    @pl.when(pl.program_id(0) == T - 1)
    def _():
        hn = _bn_v(acc_ref[:n, :], g_ref[:, :], b_ref[:, :])
        out_ref[:, :] = jnp.where(hn > 0.0, hn, jnp.exp(hn) - 1.0)


def _fin1_body(numA_ref, numB_ref, den_ref, xs_ref, cb_ref, g_ref, b_ref,
               w1_ref, b1_ref, g1_ref, bt1_ref, w2_ref, b2_ref,
               out_ref, acc_ref, *, n):
    _combine_step(numA_ref, numB_ref, den_ref, xs_ref, cb_ref, acc_ref)

    @pl.when(pl.program_id(0) == T - 1)
    def _():
        hn = _bn_v(acc_ref[:n, :], g_ref[:, :], b_ref[:, :])
        hh = jnp.where(hn > 0.0, hn, jnp.exp(hn) - 1.0)
        m = jnp.dot(hh, w1_ref[:, :], preferred_element_type=_F32) + b1_ref[:, :]
        m = _bn_v(m, g1_ref[:, :], bt1_ref[:, :])
        m = jnp.maximum(m, 0.0)
        out_ref[:, :] = (jnp.dot(m, w2_ref[:, :], preferred_element_type=_F32)
                         + b2_ref[:, :])


def _fin(numA, numB, den, xs, cb, g, b, n, extra=None):
    np_ = xs.shape[0]
    const2 = lambda t: (0, 0)
    blk = lambda w: pl.BlockSpec((np_, w), lambda t: (t, 0))
    in_specs = [blk(64), blk(64), blk(16),
                pl.BlockSpec((np_, HID), const2),
                pl.BlockSpec((T, HID), const2),
                pl.BlockSpec((1, HID), const2),
                pl.BlockSpec((1, HID), const2)]
    args = [numA, numB, den, xs, cb, g[None, :], b[None, :]]
    if extra is None:
        body = functools.partial(_fin0_body, n=n)
        out = jax.ShapeDtypeStruct((n, HID), _F32)
        out_spec = pl.BlockSpec((n, HID), const2)
    else:
        body = functools.partial(_fin1_body, n=n)
        w1, b1, g1, bt1, w2, b2 = extra
        args += [w1, b1[None, :], g1[None, :], bt1[None, :], w2, b2[None, :]]
        in_specs += [pl.BlockSpec((HID, HID), const2),
                     pl.BlockSpec((1, HID), const2),
                     pl.BlockSpec((1, HID), const2),
                     pl.BlockSpec((1, HID), const2),
                     pl.BlockSpec((HID, OUTD), const2),
                     pl.BlockSpec((1, OUTD), const2)]
        out = jax.ShapeDtypeStruct((n, OUTD), _F32)
        out_spec = pl.BlockSpec((n, OUTD), const2)
    return pl.pallas_call(
        body,
        grid=(T,),
        in_specs=in_specs,
        out_specs=out_spec,
        out_shape=out,
        scratch_shapes=[pltpu.VMEM((np_, HID), _F32)],
    )(*args)


def _attn_mat(a):
    oh = jax.nn.one_hot(jnp.arange(H), 16, dtype=_F32)
    m = a[:, :, :, None] * oh[None, :, None, :]
    return m.reshape(T, HID, 16)


def kernel(x, edge_index0, etype0, edge_index1, etype1, Wconv, attn_l, attn_r,
           conv_bias, Wskip, bskip, gamma, beta, mlp_W1, mlp_b1, mlp_g, mlp_bt,
           mlp_W2, mlp_b2):
    eidx = (edge_index0, edge_index1)
    ety = (etype0, etype1)
    h = x
    out = None
    for i in range(2):
        nsrc, ndst = NSRC[i], NDST[i]
        aal = _attn_mat(attn_l[i])
        aar = _attn_mat(attn_r[i])
        whA, whB, el, er, xs = _proj(h, Wconv[i], aal, aar, Wskip[i],
                                     bskip[i][None, :], nsrc)
        sde = jnp.concatenate([eidx[i].astype(jnp.int32),
                               ety[i].astype(jnp.int32)[None, :]], axis=0)
        numA, numB, den = _edge(sde,
                                whA.reshape(T * nsrc, 64),
                                whB.reshape(T * nsrc, 64),
                                el.reshape(T * nsrc, 16),
                                er.reshape(T * nsrc, 16), i)
        ndstp = ((ndst + 7) // 8) * 8
        if i == 0:
            h = _fin(numA, numB, den, xs[:ndstp], conv_bias[i], gamma[i],
                     beta[i], ndst)
        else:
            out = _fin(numA, numB, den, xs[:ndstp], conv_bias[i], gamma[i],
                       beta[i], ndst,
                       extra=(mlp_W1, mlp_b1, mlp_g, mlp_bt, mlp_W2, mlp_b2))
    return out

# --- scband reference (transcript-rebuilt; emitter-appended) ---
"""Pipeline reference for scband-rgat-10763188044024 (READ-ONLY COPY).

The authoritative reference and input builder live on the scoring server;
editing this copy changes nothing except your own understanding.
"""

import jax, jax.numpy as jnp
import numpy as np

N_SRC = [10000, 5000]
N_DST = [5000, 2500]
E_CNT = [256000, 64000]
T = 4
H = 4
DH = 32
HID = 128
IN = 128
OUT = 64


def setup_inputs(seed: int = 0) -> dict:
    key = jax.random.key(seed)
    k = jax.random.split(key, 24)
    inp = {}
    inp["x"] = jax.random.normal(k[0], (N_SRC[0], IN), dtype=jnp.float32)
    src0 = jax.random.randint(k[1], (E_CNT[0],), 0, N_SRC[0])
    dst0 = jax.random.randint(k[2], (E_CNT[0],), 0, N_DST[0])
    inp["edge_index0"] = jnp.stack([src0, dst0])
    inp["etype0"] = jax.random.randint(k[3], (E_CNT[0],), 0, T)
    src1 = jax.random.randint(k[4], (E_CNT[1],), 0, N_SRC[1])
    dst1 = jax.random.randint(k[5], (E_CNT[1],), 0, N_DST[1])
    inp["edge_index1"] = jnp.stack([src1, dst1])
    inp["etype1"] = jax.random.randint(k[6], (E_CNT[1],), 0, T)
    # learned parameters (layer-0 in_channels == hidden_channels == 128, so conv weights stack cleanly)
    inp["Wconv"] = 0.1 * jax.random.normal(k[7], (2, T, IN, HID), dtype=jnp.float32)
    inp["attn_l"] = 0.05 * jax.random.normal(k[8], (2, T, H, DH), dtype=jnp.float32)
    inp["attn_r"] = 0.05 * jax.random.normal(k[9], (2, T, H, DH), dtype=jnp.float32)
    inp["conv_bias"] = jnp.zeros((2, T, HID), dtype=jnp.float32)
    inp["Wskip"] = 0.1 * jax.random.normal(k[10], (2, IN, HID), dtype=jnp.float32)
    inp["bskip"] = jnp.zeros((2, HID), dtype=jnp.float32)
    inp["gamma"] = jnp.ones((2, HID), dtype=jnp.float32)
    inp["beta"] = jnp.zeros((2, HID), dtype=jnp.float32)
    inp["mlp_W1"] = 0.1 * jax.random.normal(k[11], (HID, HID), dtype=jnp.float32)
    inp["mlp_b1"] = jnp.zeros((HID,), dtype=jnp.float32)
    inp["mlp_g"] = jnp.ones((HID,), dtype=jnp.float32)
    inp["mlp_bt"] = jnp.zeros((HID,), dtype=jnp.float32)
    inp["mlp_W2"] = 0.1 * jax.random.normal(k[12], (HID, OUT), dtype=jnp.float32)
    inp["mlp_b2"] = jnp.zeros((OUT,), dtype=jnp.float32)
    return inp


def _gat(x_src, x_dst, src, dst, mask, W, al, ar, b, n_dst):
    # DGL GATConv with shared fc, allow_zero_in_degree=True, negative_slope=0.2
    Wh_s = (x_src @ W).reshape(-1, H, DH)
    Wh_d = (x_dst @ W).reshape(-1, H, DH)
    el = jnp.sum(Wh_s * al, axis=-1)  # [n_src, H]
    er = jnp.sum(Wh_d * ar, axis=-1)  # [n_dst, H]
    e = jax.nn.leaky_relu(el[src] + er[dst], negative_slope=0.2)  # [E, H]
    e_m = jnp.where(mask[:, None], e, -1e30)
    m = jax.ops.segment_max(e_m, dst, num_segments=n_dst)  # [n_dst, H]
    m_safe = jnp.where(m < -1e29, 0.0, m)
    logits = jnp.where(mask[:, None], e - m_safe[dst], -1e30)
    ex = jnp.exp(logits)  # 0 for masked-out edges
    denom = jax.ops.segment_sum(ex, dst, num_segments=n_dst)  # [n_dst, H]
    num = jax.ops.segment_sum(ex[:, :, None] * Wh_s[src], dst, num_segments=n_dst)  # [n_dst, H, DH]
    out = num / jnp.where(denom > 0, denom, 1.0)[:, :, None]
    return out.reshape(n_dst, HID) + b


def _bn(h, g, bt):
    mu = jnp.mean(h, axis=0)
    var = jnp.mean((h - mu) ** 2, axis=0)
    return g * (h - mu) / jnp.sqrt(var + 1e-5) + bt


def reference(x, edge_index0, etype0, edge_index1, etype1, Wconv, attn_l, attn_r, conv_bias, Wskip, bskip, gamma, beta, mlp_W1, mlp_b1, mlp_g, mlp_bt, mlp_W2, mlp_b2):
    eidx = [edge_index0, edge_index1]
    ety = [etype0, etype1]
    h = x
    for i in range(2):
        n_dst = N_DST[i]
        h_dst = h[:n_dst]
        src = eidx[i][0]
        dst = eidx[i][1]
        x_skip = h_dst @ Wskip[i] + bskip[i]
        for j in range(T):
            mask = ety[i] == j
            x_skip = x_skip + _gat(h, h_dst, src, dst, mask, Wconv[i, j], attn_l[i, j], attn_r[i, j], conv_bias[i, j], n_dst)
        h = _bn(x_skip, gamma[i], beta[i])
        h = jax.nn.elu(h)
        # dropout is identity in eval
    h2 = h @ mlp_W1 + mlp_b1
    h2 = _bn(h2, mlp_g, mlp_bt)
    h2 = jax.nn.relu(h2)
    return h2 @ mlp_W2 + mlp_b2

if __name__ == "__main__":
    import jax
    _d = setup_inputs()
    print(jax.jit(kernel)(*tuple(_d.values())))

</pallas_src>

<mosaic_0001>
#map = affine_map<(d0, d1) -> (0, 0)>
module attributes {stable_mosaic.version = 14 : i64} {
  func.func @_edge_body(%arg0: i32, %arg1: i32, %arg2: memref<3x256000xi32, #tpu.memory_space<hbm>>, %arg3: memref<40000x64xf32, #tpu.memory_space<hbm>>, %arg4: memref<40000x64xf32, #tpu.memory_space<hbm>>, %arg5: memref<40000x16xf32, #tpu.memory_space<hbm>>, %arg6: memref<40000x16xf32, #tpu.memory_space<hbm>>, %arg7: memref<20096x64xf32, #tpu.memory_space<hbm>>, %arg8: memref<20096x64xf32, #tpu.memory_space<hbm>>, %arg9: memref<20096x16xf32, #tpu.memory_space<hbm>>, %arg10: memref<20096x64xf32, #tpu.memory_space<vmem_shared>>, %arg11: memref<20096x16xf32, #tpu.memory_space<vmem_shared>>, %arg12: memref<3x128xi32, #tpu.memory_space<vmem>>, %arg13: memref<128xi32, #tpu.memory_space<vmem>>, %arg14: memref<128xi32, #tpu.memory_space<vmem>>, %arg15: memref<128xi32, #tpu.memory_space<vmem>>, %arg16: memref<128x16xf32, #tpu.memory_space<vmem>>, %arg17: memref<128x16xf32, #tpu.memory_space<vmem>>, %arg18: memref<128x16xf32, #tpu.memory_space<vmem>>, %arg19: memref<128x64xf32, #tpu.memory_space<vmem>>, %arg20: memref<!tpu.dma_semaphore, #tpu.memory_space<semaphore_mem>>, %arg21: memref<!tpu.dma_semaphore, #tpu.memory_space<semaphore_mem>>) attributes {dimension_semantics = [#tpu.dimension_semantics<core_parallel>, #tpu.dimension_semantics<subcore_parallel>], iteration_bounds = array<i64: 2, 16>, scalar_prefetch = 0 : i64, scratch_operands = 12 : i64, tpu.core_type = #tpu.core_type<sc_vector_subcore>, window_params = [{transform_indices = #map}, {transform_indices = #map}, {transform_indices = #map}, {transform_indices = #map}, {transform_indices = #map}, {transform_indices = #map}, {transform_indices = #map}, {transform_indices = #map}]} {
    %mul3A = arith.constant 1256 : i32
    %mul3A_0 = arith.muli %arg1, %mul3A : i32
    %mul3A_1 = arith.constant 16000 : i32
    %mul3A_2 = arith.muli %arg1, %mul3A_1 : i32
    %scan3A = arith.constant 0 : i32
    %scan3A_3 = arith.constant 0 : i32
    %scan3A_4 = arith.constant 128 : i32
    %scan3A_5 = arith.addi %scan3A_3, %scan3A_4 : i32
    %scan3A_6 = arith.constant 1 : i32
    %scan3A_7 = scf.for %scan3A_46 = %scan3A_3 to %scan3A_5 step %scan3A_6 iter_args(%scan3A_47 = %scan3A) -> (i32)  : i32 {
      %broadcast_in_dim3A = arith.constant 0.000000e+00 : f32
      %broadcast_in_dim3A_48 = vector.broadcast %broadcast_in_dim3A : f32 to vector<16xf32>
      %swap3A = arith.index_cast %scan3A_46 : i32 to index
      %swap3A_49 = arith.constant 0 : index
      %swap3A_50 = tpu.vector_load %arg19[%swap3A, %swap3A_49] {strides = array<i32>} : memref<128x64xf32, #tpu.memory_space<vmem>>, vector<1x16xf32>,
      %swap3A_51 = vector.shape_cast %swap3A_50 : vector<1x16xf32> to vector<16xf32>
      %swap3A_52 = vector.shape_cast %broadcast_in_dim3A_48 : vector<16xf32> to vector<1x16xf32>
      tpu.vector_store %arg19[%swap3A, %swap3A_49], %swap3A_52 {strides = array<i32>} : memref<128x64xf32, #tpu.memory_space<vmem>>, vector<1x16xf32>,
      %broadcast_in_dim3A_53 = arith.constant 0.000000e+00 : f32
      %broadcast_in_dim3A_54 = vector.broadcast %broadcast_in_dim3A_53 : f32 to vector<16xf32>
      %swap3A_55 = arith.index_cast %scan3A_46 : i32 to index
      %swap3A_56 = arith.constant 16 : index
      %swap3A_57 = tpu.vector_load %arg19[%swap3A_55, %swap3A_56] {strides = array<i32>} : memref<128x64xf32, #tpu.memory_space<vmem>>, vector<1x16xf32>,
      %swap3A_58 = vector.shape_cast %swap3A_57 : vector<1x16xf32> to vector<16xf32>
      %swap3A_59 = vector.shape_cast %broadcast_in_dim3A_54 : vector<16xf32> to vector<1x16xf32>
      tpu.vector_store %arg19[%swap3A_55, %swap3A_56], %swap3A_59 {strides = array<i32>} : memref<128x64xf32, #tpu.memory_space<vmem>>, vector<1x16xf32>,
      %broadcast_in_dim3A_60 = arith.constant 0.000000e+00 : f32
      %broadcast_in_dim3A_61 = vector.broadcast %broadcast_in_dim3A_60 : f32 to vector<16xf32>
      %swap3A_62 = arith.index_cast %scan3A_46 : i32 to index
      %swap3A_63 = arith.constant 32 : index
      %swap3A_64 = tpu.vector_load %arg19[%swap3A_62, %swap3A_63] {strides = array<i32>} : memref<128x64xf32, #tpu.memory_space<vmem>>, vector<1x16xf32>,
      %swap3A_65 = vector.shape_cast %swap3A_64 : vector<1x16xf32> to vector<16xf32>
      %swap3A_66 = vector.shape_cast %broadcast_in_dim3A_61 : vector<16xf32> to vector<1x16xf32>
      tpu.vector_store %arg19[%swap3A_62, %swap3A_63], %swap3A_66 {strides = array<i32>} : memref<128x64xf32, #tpu.memory_space<vmem>>, vector<1x16xf32>,
      %broadcast_in_dim3A_67 = arith.constant 0.000000e+00 : f32
      %broadcast_in_dim3A_68 = vector.broadcast %broadcast_in_dim3A_67 : f32 to vector<16xf32>
      %swap3A_69 = arith.index_cast %scan3A_46 : i32 to index
      %swap3A_70 = arith.constant 48 : index
      %swap3A_71 = tpu.vector_load %arg19[%swap3A_69, %swap3A_70] {strides = array<i32>} : memref<128x64xf32, #tpu.memory_space<vmem>>, vector<1x16xf32>,
      %swap3A_72 = vector.shape_cast %swap3A_71 : vector<1x16xf32> to vector<16xf32>
      %swap3A_73 = vector.shape_cast %broadcast_in_dim3A_68 : vector<16xf32> to vector<1x16xf32>
      tpu.vector_store %arg19[%swap3A_69, %swap3A_70], %swap3A_73 {strides = array<i32>} : memref<128x64xf32, #tpu.memory_space<vmem>>, vector<1x16xf32>,
      %broadcast_in_dim3A_74 = arith.constant 0.000000e+00 : f32
      %broadcast_in_dim3A_75 = vector.broadcast %broadcast_in_dim3A_74 : f32 to vector<16xf32>
      %swap3A_76 = arith.index_cast %scan3A_46 : i32 to index
      %swap3A_77 = arith.constant 0 : index
      %swap3A_78 = tpu.vector_load %arg18[%swap3A_76, %swap3A_77] {strides = array<i32>} : memref<128x16xf32, #tpu.memory_space<vmem>>, vector<1x16xf32>,
      %swap3A_79 = vector.shape_cast %swap3A_78 : vector<1x16xf32> to vector<16xf32>
      %swap3A_80 = vector.shape_cast %broadcast_in_dim3A_75 : vector<16xf32> to vector<1x16xf32>
      tpu.vector_store %arg18[%swap3A_76, %swap3A_77], %swap3A_80 {strides = array<i32>} : memref<128x16xf32, #tpu.memory_space<vmem>>, vector<1x16xf32>,
      %scan3A_81 = arith.constant 0 : i32
      scf.yield %scan3A_81 : i32
    }
    %scan3A_8 = arith.constant 128 : i32
    %scan3A_9 = arith.constant 0 : i32
    %scan3A_10 = arith.constant 0 : i32
    %scan3A_11 = arith.constant 9 : i32
    %scan3A_12 = arith.addi %scan3A_10, %scan3A_11 : i32
    %scan3A_13 = arith.constant 1 : i32
    %scan3A_14 = scf.for %scan3A_46 = %scan3A_10 to %scan3A_12 step %scan3A_13 iter_args(%scan3A_47 = %scan3A_9) -> (i32)  : i32 {
      %mul3A_48 = arith.constant 128 : i32
      %mul3A_49 = arith.muli %scan3A_46, %mul3A_48 : i32
      %add3A_50 = arith.addi %mul3A_0, %mul3A_49 : i32
      "tpu.region"() ({
        %run_scoped3A = tpu.sem_alloc : memref<!tpu.dma_semaphore, #tpu.memory_space<semaphore_mem>>
        %dma_start3A = arith.constant 0 : i32
        %dma_start3A_52 = arith.constant 0 : i32
        %dma_start3A_53 = tpu.memref_slice %arg19[%dma_start3A, %dma_start3A_52] : memref<128x64xf32, #tpu.memory_space<vmem>> -> memref<128x64xf32, #tpu.memory_space<vmem>>
        %dma_start3A_54 = arith.constant 0 : i32
        %dma_start3A_55 = tpu.memref_slice %arg10[%add3A_50, %dma_start3A_54] : memref<20096x64xf32, #tpu.memory_space<vmem_shared>> -> memref<128x64xf32, #tpu.memory_space<vmem_shared>>
        %dma_start3A_56 = arith.constant 0 : i32
        %dma_start3A_57 = tpu.memref_slice %arg10[%add3A_50, %dma_start3A_56] : memref<20096x64xf32, #tpu.memory_space<vmem_shared>> -> memref<128x64xf32, #tpu.memory_space<vmem_shared>>
        %dma_start3A_58 = arith.constant 0 : i32
        %dma_start3A_59 = arith.constant 0 : i32
        %dma_start3A_60 = tpu.memref_slice %arg19[%dma_start3A_58, %dma_start3A_59] : memref<128x64xf32, #tpu.memory_space<vmem>> -> memref<128x64xf32, #tpu.memory_space<vmem>>
        tpu.enqueue_dma source(%dma_start3A_60 : memref<128x64xf32, #tpu.memory_space<vmem>>) target(%dma_start3A_57 : memref<128x64xf32, #tpu.memory_space<vmem_shared>>) target_semaphore(%run_scoped3A : memref<!tpu.dma_semaphore, #tpu.memory_space<semaphore_mem>>)
        %dma_wait3A = arith.constant 0 : i32
        %dma_wait3A_61 = arith.constant 0 : i32
        %dma_wait3A_62 = tpu.memref_slice %arg19[%dma_wait3A, %dma_wait3A_61] : memref<128x64xf32, #tpu.memory_space<vmem>> -> memref<128x64xf32, #tpu.memory_space<vmem>>
        %dma_wait3A_63 = arith.constant 0 : i32
        %dma_wait3A_64 = tpu.memref_slice %arg10[%add3A_50, %dma_wait3A_63] : memref<20096x64xf32, #tpu.memory_space<vmem_shared>> -> memref<128x64xf32, #tpu.memory_space<vmem_shared>>
        %dma_wait3A_65 = arith.constant 0 : i32
        %dma_wait3A_66 = tpu.memref_slice %arg10[%add3A_50, %dma_wait3A_65] : memref<20096x64xf32, #tpu.memory_space<vmem_shared>> -> memref<128x64xf32, #tpu.memory_space<vmem_shared>>
        %dma_wait3A_67 = arith.constant 0 : i32
        %dma_wait3A_68 = arith.constant 0 : i32
        %dma_wait3A_69 = tpu.memref_slice %arg19[%dma_wait3A_67, %dma_wait3A_68] : memref<128x64xf32, #tpu.memory_space<vmem>> -> memref<128x64xf32, #tpu.memory_space<vmem>>
        tpu.wait_dma2 semaphore(%run_scoped3A : memref<!tpu.dma_semaphore, #tpu.memory_space<semaphore_mem>>) src(%dma_wait3A_69 : memref<128x64xf32, #tpu.memory_space<vmem>>) dst(%dma_wait3A_66 : memref<128x64xf32, #tpu.memory_space<vmem_shared>>)
        tpu.yield
      }) : () -> ()
      %scan3A_51 = arith.constant 0 : i32
      scf.yield %scan3A_51 : i32
    }
    %scan3A_15 = arith.constant 9 : i32
    %add3A = arith.constant 1152 : i32
    %add3A_16 = arith.addi %mul3A_0, %add3A : i32
    "tpu.region"() ({
      %run_scoped3A = tpu.sem_alloc : memref<!tpu.dma_semaphore, #tpu.memory_space<semaphore_mem>>
      %dma_start3A = arith.constant 0 : i32
      %dma_start3A_46 = arith.constant 0 : i32
      %dma_start3A_47 = tpu.memref_slice %arg19[%dma_start3A, %dma_start3A_46] : memref<128x64xf32, #tpu.memory_space<vmem>> -> memref<104x64xf32, #tpu.memory_space<vmem>>
      %dma_start3A_48 = arith.constant 0 : i32
      %dma_start3A_49 = tpu.memref_slice %arg10[%add3A_16, %dma_start3A_48] : memref<20096x64xf32, #tpu.memory_space<vmem_shared>> -> memref<104x64xf32, #tpu.memory_space<vmem_shared>>
      %dma_start3A_50 = arith.constant 0 : i32
      %dma_start3A_51 = tpu.memref_slice %arg10[%add3A_16, %dma_start3A_50] : memref<20096x64xf32, #tpu.memory_space<vmem_shared>> -> memref<104x64xf32, #tpu.memory_space<vmem_shared>>
      %dma_start3A_52 = arith.constant 0 : i32
      %dma_start3A_53 = arith.constant 0 : i32
      %dma_start3A_54 = tpu.memref_slice %arg19[%dma_start3A_52, %dma_start3A_53] : memref<128x64xf32, #tpu.memory_space<vmem>> -> memref<104x64xf32, #tpu.memory_space<vmem>>
      tpu.enqueue_dma source(%dma_start3A_54 : memref<104x64xf32, #tpu.memory_space<vmem>>) target(%dma_start3A_51 : memref<104x64xf32, #tpu.memory_space<vmem_shared>>) target_semaphore(%run_scoped3A : memref<!tpu.dma_semaphore, #tpu.memory_space<semaphore_mem>>)
      %dma_wait3A = arith.constant 0 : i32
      %dma_wait3A_55 = arith.constant 0 : i32
      %dma_wait3A_56 = tpu.memref_slice %arg19[%dma_wait3A, %dma_wait3A_55] : memref<128x64xf32, #tpu.memory_space<vmem>> -> memref<104x64xf32, #tpu.memory_space<vmem>>
      %dma_wait3A_57 = arith.constant 0 : i32
      %dma_wait3A_58 = tpu.memref_slice %arg10[%add3A_16, %dma_wait3A_57] : memref<20096x64xf32, #tpu.memory_space<vmem_shared>> -> memref<104x64xf32, #tpu.memory_space<vmem_shared>>
      %dma_wait3A_59 = arith.constant 0 : i32
      %dma_wait3A_60 = tpu.memref_slice %arg10[%add3A_16, %dma_wait3A_59] : memref<20096x64xf32, #tpu.memory_space<vmem_shared>> -> memref<104x64xf32, #tpu.memory_space<vmem_shared>>
      %dma_wait3A_61 = arith.constant 0 : i32
      %dma_wait3A_62 = arith.constant 0 : i32
      %dma_wait3A_63 = tpu.memref_slice %arg19[%dma_wait3A_61, %dma_wait3A_62] : memref<128x64xf32, #tpu.memory_space<vmem>> -> memref<104x64xf32, #tpu.memory_space<vmem>>
      tpu.wait_dma2 semaphore(%run_scoped3A : memref<!tpu.dma_semaphore, #tpu.memory_space<semaphore_mem>>) src(%dma_wait3A_63 : memref<104x64xf32, #tpu.memory_space<vmem>>) dst(%dma_wait3A_60 : memref<104x64xf32, #tpu.memory_space<vmem_shared>>)
      tpu.yield
    }) : () -> ()
    %eq3A = arith.constant 0 : i32
    %eq3A_17 = arith.cmpi eq, %arg0, %eq3A : i32
    %convert_element_type3A = arith.extui %eq3A_17 : i1 to i32
    %cond3A = arith.constant 0 : i32
    %cond3A_18 = arith.cmpi ne, %convert_element_type3A, %cond3A : i32
    scf.if %cond3A_18 {
      %scan3A_46 = arith.constant 0 : i32
      %scan3A_47 = arith.constant 0 : i32
      %scan3A_48 = arith.constant 9 : i32
      %scan3A_49 = arith.addi %scan3A_47, %scan3A_48 : i32
      %scan3A_50 = arith.constant 1 : i32
      %scan3A_51 = scf.for %scan3A_55 = %scan3A_47 to %scan3A_49 step %scan3A_50 iter_args(%scan3A_56 = %scan3A_46) -> (i32)  : i32 {
        %mul3A_57 = arith.constant 128 : i32
        %mul3A_58 = arith.muli %scan3A_55, %mul3A_57 : i32
        %add3A_59 = arith.addi %mul3A_0, %mul3A_58 : i32
        "tpu.region"() ({
          %run_scoped3A = tpu.sem_alloc : memref<!tpu.dma_semaphore, #tpu.memory_space<semaphore_mem>>
          %dma_start3A = arith.constant 0 : i32
          %dma_start3A_61 = arith.constant 0 : i32
          %dma_start3A_62 = tpu.memref_slice %arg18[%dma_start3A, %dma_start3A_61] : memref<128x16xf32, #tpu.memory_space<vmem>> -> memref<128x16xf32, #tpu.memory_space<vmem>>
          %dma_start3A_63 = arith.constant 0 : i32
          %dma_start3A_64 = tpu.memref_slice %arg11[%add3A_59, %dma_start3A_63] : memref<20096x16xf32, #tpu.memory_space<vmem_shared>> -> memref<128x16xf32, #tpu.memory_space<vmem_shared>>
          %dma_start3A_65 = arith.constant 0 : i32
          %dma_start3A_66 = tpu.memref_slice %arg11[%add3A_59, %dma_start3A_65] : memref<20096x16xf32, #tpu.memory_space<vmem_shared>> -> memref<128x16xf32, #tpu.memory_space<vmem_shared>>
          %dma_start3A_67 = arith.constant 0 : i32
          %dma_start3A_68 = arith.constant 0 : i32
          %dma_start3A_69 = tpu.memref_slice %arg18[%dma_start3A_67, %dma_start3A_68] : memref<128x16xf32, #tpu.memory_space<vmem>> -> memref<128x16xf32, #tpu.memory_space<vmem>>
          tpu.enqueue_dma source(%dma_start3A_69 : memref<128x16xf32, #tpu.memory_space<vmem>>) target(%dma_start3A_66 : memref<128x16xf32, #tpu.memory_space<vmem_shared>>) target_semaphore(%run_scoped3A : memref<!tpu.dma_semaphore, #tpu.memory_space<semaphore_mem>>)
          %dma_wait3A = arith.constant 0 : i32
          %dma_wait3A_70 = arith.constant 0 : i32
          %dma_wait3A_71 = tpu.memref_slice %arg18[%dma_wait3A, %dma_wait3A_70] : memref<128x16xf32, #tpu.memory_space<vmem>> -> memref<128x16xf32, #tpu.memory_space<vmem>>
          %dma_wait3A_72 = arith.constant 0 : i32
          %dma_wait3A_73 = tpu.memref_slice %arg11[%add3A_59, %dma_wait3A_72] : memref<20096x16xf32, #tpu.memory_space<vmem_shared>> -> memref<128x16xf32, #tpu.memory_space<vmem_shared>>
          %dma_wait3A_74 = arith.constant 0 : i32
          %dma_wait3A_75 = tpu.memref_slice %arg11[%add3A_59, %dma_wait3A_74] : memref<20096x16xf32, #tpu.memory_space<vmem_shared>> -> memref<128x16xf32, #tpu.memory_space<vmem_shared>>
          %dma_wait3A_76 = arith.constant 0 : i32
          %dma_wait3A_77 = arith.constant 0 : i32
          %dma_wait3A_78 = tpu.memref_slice %arg18[%dma_wait3A_76, %dma_wait3A_77] : memref<128x16xf32, #tpu.memory_space<vmem>> -> memref<128x16xf32, #tpu.memory_space<vmem>>
          tpu.wait_dma2 semaphore(%run_scoped3A : memref<!tpu.dma_semaphore, #tpu.memory_space<semaphore_mem>>) src(%dma_wait3A_78 : memref<128x16xf32, #tpu.memory_space<vmem>>) dst(%dma_wait3A_75 : memref<128x16xf32, #tpu.memory_space<vmem_shared>>)
          tpu.yield
        }) : () -> ()
        %scan3A_60 = arith.constant 0 : i32
        scf.yield %scan3A_60 : i32
      }
      %scan3A_52 = arith.constant 9 : i32
      %add3A_53 = arith.constant 1152 : i32
      %add3A_54 = arith.addi %mul3A_0, %add3A_53 : i32
      "tpu.region"() ({
        %run_scoped3A = tpu.sem_alloc : memref<!tpu.dma_semaphore, #tpu.memory_space<semaphore_mem>>
        %dma_start3A = arith.constant 0 : i32
        %dma_start3A_55 = arith.constant 0 : i32
        %dma_start3A_56 = tpu.memref_slice %arg18[%dma_start3A, %dma_start3A_55] : memref<128x16xf32, #tpu.memory_space<vmem>> -> memref<104x16xf32, #tpu.memory_space<vmem>>
        %dma_start3A_57 = arith.constant 0 : i32
        %dma_start3A_58 = tpu.memref_slice %arg11[%add3A_54, %dma_start3A_57] : memref<20096x16xf32, #tpu.memory_space<vmem_shared>> -> memref<104x16xf32, #tpu.memory_space<vmem_shared>>
        %dma_start3A_59 = arith.constant 0 : i32
        %dma_start3A_60 = tpu.memref_slice %arg11[%add3A_54, %dma_start3A_59] : memref<20096x16xf32, #tpu.memory_space<vmem_shared>> -> memref<104x16xf32, #tpu.memory_space<vmem_shared>>
        %dma_start3A_61 = arith.constant 0 : i32
        %dma_start3A_62 = arith.constant 0 : i32
        %dma_start3A_63 = tpu.memref_slice %arg18[%dma_start3A_61, %dma_start3A_62] : memref<128x16xf32, #tpu.memory_space<vmem>> -> memref<104x16xf32, #tpu.memory_space<vmem>>
        tpu.enqueue_dma source(%dma_start3A_63 : memref<104x16xf32, #tpu.memory_space<vmem>>) target(%dma_start3A_60 : memref<104x16xf32, #tpu.memory_space<vmem_shared>>) target_semaphore(%run_scoped3A : memref<!tpu.dma_semaphore, #tpu.memory_space<semaphore_mem>>)
        %dma_wait3A = arith.constant 0 : i32
        %dma_wait3A_64 = arith.constant 0 : i32
        %dma_wait3A_65 = tpu.memref_slice %arg18[%dma_wait3A, %dma_wait3A_64] : memref<128x16xf32, #tpu.memory_space<vmem>> -> memref<104x16xf32, #tpu.memory_space<vmem>>
        %dma_wait3A_66 = arith.constant 0 : i32
        %dma_wait3A_67 = tpu.memref_slice %arg11[%add3A_54, %dma_wait3A_66] : memref<20096x16xf32, #tpu.memory_space<vmem_shared>> -> memref<104x16xf32, #tpu.memory_space<vmem_shared>>
        %dma_wait3A_68 = arith.constant 0 : i32
        %dma_wait3A_69 = tpu.memref_slice %arg11[%add3A_54, %dma_wait3A_68] : memref<20096x16xf32, #tpu.memory_space<vmem_shared>> -> memref<104x16xf32, #tpu.memory_space<vmem_shared>>
        %dma_wait3A_70 = arith.constant 0 : i32
        %dma_wait3A_71 = arith.constant 0 : i32
        %dma_wait3A_72 = tpu.memref_slice %arg18[%dma_wait3A_70, %dma_wait3A_71] : memref<128x16xf32, #tpu.memory_space<vmem>> -> memref<104x16xf32, #tpu.memory_space<vmem>>
        tpu.wait_dma2 semaphore(%run_scoped3A : memref<!tpu.dma_semaphore, #tpu.memory_space<semaphore_mem>>) src(%dma_wait3A_72 : memref<104x16xf32, #tpu.memory_space<vmem>>) dst(%dma_wait3A_69 : memref<104x16xf32, #tpu.memory_space<vmem_shared>>)
        tpu.yield
      }) : () -> ()
    } else {
    }
    %barrier3A = arith.constant 0 : index
    tpu.barrier barrier_id(%barrier3A)
    %scan3A_19 = arith.constant 0 : i32
    %scan3A_20 = arith.constant 0 : i32
    %scan3A_21 = arith.constant 125 : i32
    %scan3A_22 = arith.addi %scan3A_20, %scan3A_21 : i32
    %scan3A_23 = arith.constant 1 : i32
    %scan3A_24 = scf.for %scan3A_46 = %scan3A_20 to %scan3A_22 step %scan3A_23 iter_args(%scan3A_47 = %scan3A_19) -> (i32)  : i32 {
      %mul3A_48 = arith.constant 128 : i32
      %mul3A_49 = arith.muli %scan3A_46, %mul3A_48 : i32
      %add3A_50 = arith.addi %mul3A_2, %mul3A_49 : i32
      "tpu.region"() ({
        %run_scoped3A = tpu.sem_alloc : memref<!tpu.dma_semaphore, #tpu.memory_space<semaphore_mem>>
        %dma_start3A_110 = arith.constant 0 : i32
        %dma_start3A_111 = tpu.memref_slice %arg2[%dma_start3A_110, %add3A_50] : memref<3x256000xi32, #tpu.memory_space<hbm>> -> memref<3x128xi32, #tpu.memory_space<hbm>>
        %dma_start3A_112 = arith.constant 0 : i32
        %dma_start3A_113 = tpu.memref_slice %arg2[%dma_start3A_112, %add3A_50] : memref<3x256000xi32, #tpu.memory_space<hbm>> -> memref<3x128xi32, #tpu.memory_space<hbm>>
        tpu.enqueue_dma source(%dma_start3A_113 : memref<3x128xi32, #tpu.memory_space<hbm>>) target(%arg12 : memref<3x128xi32, #tpu.memory_space<vmem>>) target_semaphore(%run_scoped3A : memref<!tpu.dma_semaphore, #tpu.memory_space<semaphore_mem>>)
        %dma_wait3A_114 = arith.constant 0 : i32
        %dma_wait3A_115 = tpu.memref_slice %arg2[%dma_wait3A_114, %add3A_50] : memref<3x256000xi32, #tpu.memory_space<hbm>> -> memref<3x128xi32, #tpu.memory_space<hbm>>
        %dma_wait3A_116 = arith.constant 0 : i32
        %dma_wait3A_117 = tpu.memref_slice %arg2[%dma_wait3A_116, %add3A_50] : memref<3x256000xi32, #tpu.memory_space<hbm>> -> memref<3x128xi32, #tpu.memory_space<hbm>>
        tpu.wait_dma2 semaphore(%run_scoped3A : memref<!tpu.dma_semaphore, #tpu.memory_space<semaphore_mem>>) src(%dma_wait3A_117 : memref<3x128xi32, #tpu.memory_space<hbm>>) dst(%arg12 : memref<3x128xi32, #tpu.memory_space<vmem>>)
        tpu.yield
      }) : () -> ()
      %scan3A_51 = arith.constant 0 : i32
      %scan3A_52 = arith.constant 0 : i32
      %scan3A_53 = arith.constant 8 : i32
      %scan3A_54 = arith.addi %scan3A_52, %scan3A_53 : i32
      %scan3A_55 = arith.constant 1 : i32
      %scan3A_56 = scf.for %scan3A_110 = %scan3A_52 to %scan3A_54 step %scan3A_55 iter_args(%scan3A_111 = %scan3A_51) -> (i32)  : i32 {
        %mul3A_112 = arith.constant 16 : i32
        %mul3A_113 = arith.muli %scan3A_110, %mul3A_112 : i32
        %get3A = arith.constant 0 : i32
        %get3A_114 = arith.index_cast %get3A : i32 to index
        %get3A_115 = arith.index_cast %mul3A_113 : i32 to index
        %get3A_116 = tpu.vector_load %arg12[%get3A_114, %get3A_115] {strides = array<i32>} : memref<3x128xi32, #tpu.memory_space<vmem>>, vector<1x16xi32>,
        %get3A_117 = vector.shape_cast %get3A_116 : vector<1x16xi32> to vector<16xi32>
        %mul3A_118 = arith.constant 16 : i32
        %mul3A_119 = arith.muli %scan3A_110, %mul3A_118 : i32
        %get3A_120 = arith.constant 1 : i32
        %get3A_121 = arith.index_cast %get3A_120 : i32 to index
        %get3A_122 = arith.index_cast %mul3A_119 : i32 to index
        %get3A_123 = tpu.vector_load %arg12[%get3A_121, %get3A_122] {strides = array<i32>} : memref<3x128xi32, #tpu.memory_space<vmem>>, vector<1x16xi32>,
        %get3A_124 = vector.shape_cast %get3A_123 : vector<1x16xi32> to vector<16xi32>
        %mul3A_125 = arith.constant 16 : i32
        %mul3A_126 = arith.muli %scan3A_110, %mul3A_125 : i32
        %get3A_127 = arith.constant 2 : i32
        %get3A_128 = arith.index_cast %get3A_127 : i32 to index
        %get3A_129 = arith.index_cast %mul3A_126 : i32 to index
        %get3A_130 = tpu.vector_load %arg12[%get3A_128, %get3A_129] {strides = array<i32>} : memref<3x128xi32, #tpu.memory_space<vmem>>, vector<1x16xi32>,
        %get3A_131 = vector.shape_cast %get3A_130 : vector<1x16xi32> to vector<16xi32>
        %mul3A_132 = arith.constant 10000 : i32
        %mul3A_133 = vector.broadcast %mul3A_132 : i32 to vector<16xi32>
        %mul3A_134 = arith.muli %get3A_131, %mul3A_133 : vector<16xi32>
        %add3A_135 = arith.addi %mul3A_134, %get3A_117 : vector<16xi32>
        %mul3A_136 = arith.constant 16 : i32
        %mul3A_137 = arith.muli %scan3A_110, %mul3A_136 : i32
        %swap3A = arith.index_cast %mul3A_137 : i32 to index
        %swap3A_138 = tpu.vector_load %arg13[%swap3A] {strides = array<i32>} : memref<128xi32, #tpu.memory_space<vmem>>, vector<16xi32>,
        %swap3A_139 = vector.shape_cast %swap3A_138 : vector<16xi32> to vector<16xi32>
        %swap3A_140 = vector.shape_cast %add3A_135 : vector<16xi32> to vector<16xi32>
        tpu.vector_store %arg13[%swap3A], %swap3A_140 {strides = array<i32>} : memref<128xi32, #tpu.memory_space<vmem>>, vector<16xi32>,
        %mul3A_141 = arith.constant 10000 : i32
        %mul3A_142 = vector.broadcast %mul3A_141 : i32 to vector<16xi32>
        %mul3A_143 = arith.muli %get3A_131, %mul3A_142 : vector<16xi32>
        %add3A_144 = arith.addi %mul3A_143, %get3A_124 : vector<16xi32>
        %mul3A_145 = arith.constant 16 : i32
        %mul3A_146 = arith.muli %scan3A_110, %mul3A_145 : i32
        %swap3A_147 = arith.index_cast %mul3A_146 : i32 to index
        %swap3A_148 = tpu.vector_load %arg14[%swap3A_147] {strides = array<i32>} : memref<128xi32, #tpu.memory_space<vmem>>, vector<16xi32>,
        %swap3A_149 = vector.shape_cast %swap3A_148 : vector<16xi32> to vector<16xi32>
        %swap3A_150 = vector.shape_cast %add3A_144 : vector<16xi32> to vector<16xi32>
        tpu.vector_store %arg14[%swap3A_147], %swap3A_150 {strides = array<i32>} : memref<128xi32, #tpu.memory_space<vmem>>, vector<16xi32>,
        %mul3A_151 = arith.constant 5000 : i32
        %mul3A_152 = vector.broadcast %mul3A_151 : i32 to vector<16xi32>
        %mul3A_153 = arith.muli %get3A_131, %mul3A_152 : vector<16xi32>
        %add3A_154 = arith.addi %mul3A_153, %get3A_124 : vector<16xi32>
        %mul3A_155 = arith.constant 16 : i32
        %mul3A_156 = arith.muli %scan3A_110, %mul3A_155 : i32
        %swap3A_157 = arith.index_cast %mul3A_156 : i32 to index
        %swap3A_158 = tpu.vector_load %arg15[%swap3A_157] {strides = array<i32>} : memref<128xi32, #tpu.memory_space<vmem>>, vector<16xi32>,
        %swap3A_159 = vector.shape_cast %swap3A_158 : vector<16xi32> to vector<16xi32>
        %swap3A_160 = vector.shape_cast %add3A_154 : vector<16xi32> to vector<16xi32>
        tpu.vector_store %arg15[%swap3A_157], %swap3A_160 {strides = array<i32>} : memref<128xi32, #tpu.memory_space<vmem>>, vector<16xi32>,
        %scan3A_161 = arith.constant 0 : i32
        scf.yield %scan3A_161 : i32
      }
      %scan3A_57 = arith.constant 8 : i32
      %dma_start3A = arith.constant 0 : i32
      %dma_start3A_58 = arith.constant 0 : i32
      %dma_start3A_59 = tpu.memref_slice %arg5[%dma_start3A, %dma_start3A_58] : memref<40000x16xf32, #tpu.memory_space<hbm>> -> memref<40000x16xf32, #tpu.memory_space<hbm>>
      tpu.enqueue_indirect_dma source(%dma_start3A_59 : memref<40000x16xf32, #tpu.memory_space<hbm>>) target(%arg16 : memref<128x16xf32, #tpu.memory_space<vmem>>) offsets(%arg13 : memref<128xi32, #tpu.memory_space<vmem>>) semaphore(%arg20 : memref<!tpu.dma_semaphore, #tpu.memory_space<semaphore_mem>>)
      %dma_start3A_60 = arith.constant 0 : i32
      %dma_start3A_61 = arith.constant 0 : i32
      %dma_start3A_62 = tpu.memref_slice %arg6[%dma_start3A_60, %dma_start3A_61] : memref<40000x16xf32, #tpu.memory_space<hbm>> -> memref<40000x16xf32, #tpu.memory_space<hbm>>
      tpu.enqueue_indirect_dma source(%dma_start3A_62 : memref<40000x16xf32, #tpu.memory_space<hbm>>) target(%arg17 : memref<128x16xf32, #tpu.memory_space<vmem>>) offsets(%arg14 : memref<128xi32, #tpu.memory_space<vmem>>) semaphore(%arg20 : memref<!tpu.dma_semaphore, #tpu.memory_space<semaphore_mem>>)
      %eq3A_63 = arith.constant 0 : i32
      %eq3A_64 = arith.cmpi eq, %arg0, %eq3A_63 : i32
      %convert_element_type3A_65 = arith.extui %eq3A_64 : i1 to i32
      %cond3A_66 = arith.constant 0 : i32
      %cond3A_67 = arith.cmpi ne, %convert_element_type3A_65, %cond3A_66 : i32
      scf.if %cond3A_67 {
        %dma_start3A_110 = arith.constant 0 : i32
        %dma_start3A_111 = arith.constant 0 : i32
        %dma_start3A_112 = tpu.memref_slice %arg3[%dma_start3A_110, %dma_start3A_111] : memref<40000x64xf32, #tpu.memory_space<hbm>> -> memref<40000x64xf32, #tpu.memory_space<hbm>>
        tpu.enqueue_indirect_dma source(%dma_start3A_112 : memref<40000x64xf32, #tpu.memory_space<hbm>>) target(%arg19 : memref<128x64xf32, #tpu.memory_space<vmem>>) offsets(%arg13 : memref<128xi32, #tpu.memory_space<vmem>>) semaphore(%arg21 : memref<!tpu.dma_semaphore, #tpu.memory_space<semaphore_mem>>)
      } else {
      }
      %eq3A_68 = arith.constant 1 : i32
      %eq3A_69 = arith.cmpi eq, %arg0, %eq3A_68 : i32
      %convert_element_type3A_70 = arith.extui %eq3A_69 : i1 to i32
      %cond3A_71 = arith.constant 0 : i32
      %cond3A_72 = arith.cmpi ne, %convert_element_type3A_70, %cond3A_71 : i32
      scf.if %cond3A_72 {
        %dma_start3A_110 = arith.constant 0 : i32
        %dma_start3A_111 = arith.constant 0 : i32
        %dma_start3A_112 = tpu.memref_slice %arg4[%dma_start3A_110, %dma_start3A_111] : memref<40000x64xf32, #tpu.memory_space<hbm>> -> memref<40000x64xf32, #tpu.memory_space<hbm>>
        tpu.enqueue_indirect_dma source(%dma_start3A_112 : memref<40000x64xf32, #tpu.memory_space<hbm>>) target(%arg19 : memref<128x64xf32, #tpu.memory_space<vmem>>) offsets(%arg13 : memref<128xi32, #tpu.memory_space<vmem>>) semaphore(%arg21 : memref<!tpu.dma_semaphore, #tpu.memory_space<semaphore_mem>>)
      } else {
      }
      %dma_wait3A = arith.constant 0 : i32
      %dma_wait3A_73 = arith.constant 0 : i32
      %dma_wait3A_74 = tpu.memref_slice %arg5[%dma_wait3A, %dma_wait3A_73] : memref<40000x16xf32, #tpu.memory_space<hbm>> -> memref<40000x16xf32, #tpu.memory_space<hbm>>
      tpu.wait_indirect_dma semaphore(%arg20 : memref<!tpu.dma_semaphore, #tpu.memory_space<semaphore_mem>>) src(%dma_wait3A_74 : memref<40000x16xf32, #tpu.memory_space<hbm>>) dst(%arg16 : memref<128x16xf32, #tpu.memory_space<vmem>>)
      %dma_wait3A_75 = arith.constant 0 : i32
      %dma_wait3A_76 = arith.constant 0 : i32
      %dma_wait3A_77 = tpu.memref_slice %arg6[%dma_wait3A_75, %dma_wait3A_76] : memref<40000x16xf32, #tpu.memory_space<hbm>> -> memref<40000x16xf32, #tpu.memory_space<hbm>>
      tpu.wait_indirect_dma semaphore(%arg20 : memref<!tpu.dma_semaphore, #tpu.memory_space<semaphore_mem>>) src(%dma_wait3A_77 : memref<40000x16xf32, #tpu.memory_space<hbm>>) dst(%arg17 : memref<128x16xf32, #tpu.memory_space<vmem>>)
      %scan3A_78 = arith.constant 0 : i32
      %scan3A_79 = arith.constant 0 : i32
      %scan3A_80 = arith.constant 128 : i32
      %scan3A_81 = arith.addi %scan3A_79, %scan3A_80 : i32
      %scan3A_82 = arith.constant 1 : i32
      %scan3A_83 = scf.for %scan3A_110 = %scan3A_79 to %scan3A_81 step %scan3A_82 iter_args(%scan3A_111 = %scan3A_78) -> (i32)  : i32 {
        %get3A = arith.index_cast %scan3A_110 : i32 to index
        %get3A_112 = arith.constant 0 : index
        %get3A_113 = tpu.vector_load %arg16[%get3A, %get3A_112] {strides = array<i32>} : memref<128x16xf32, #tpu.memory_space<vmem>>, vector<1x16xf32>,
        %get3A_114 = vector.shape_cast %get3A_113 : vector<1x16xf32> to vector<16xf32>
        %get3A_115 = arith.index_cast %scan3A_110 : i32 to index
        %get3A_116 = arith.constant 0 : index
        %get3A_117 = tpu.vector_load %arg17[%get3A_115, %get3A_116] {strides = array<i32>} : memref<128x16xf32, #tpu.memory_space<vmem>>, vector<1x16xf32>,
        %get3A_118 = vector.shape_cast %get3A_117 : vector<1x16xf32> to vector<16xf32>
        %add3A_119 = arith.addf %get3A_114, %get3A_118 : vector<16xf32>
        %gt3A = arith.constant 0.000000e+00 : f32
        %gt3A_120 = vector.broadcast %gt3A : f32 to vector<16xf32>
        %gt3A_121 = arith.cmpf ogt, %add3A_119, %gt3A_120 : vector<16xf32>
        %mul3A_122 = arith.constant 2.000000e-01 : f32
        %mul3A_123 = vector.broadcast %mul3A_122 : f32 to vector<16xf32>
        %mul3A_124 = arith.mulf %mul3A_123, %add3A_119 : vector<16xf32>
        %select_n3A = arith.select %gt3A_121, %add3A_119, %mul3A_124 : vector<16xi1>, vector<16xf32>
        %exp3A = math.exp %select_n3A : vector<16xf32>
        %swap3A = arith.index_cast %scan3A_110 : i32 to index
        %swap3A_125 = arith.constant 0 : index
        %swap3A_126 = tpu.vector_load %arg18[%swap3A, %swap3A_125] {strides = array<i32>} : memref<128x16xf32, #tpu.memory_space<vmem>>, vector<1x16xf32>,
        %swap3A_127 = vector.shape_cast %swap3A_126 : vector<1x16xf32> to vector<16xf32>
        %swap3A_128 = vector.shape_cast %exp3A : vector<16xf32> to vector<1x16xf32>
        tpu.vector_store %arg18[%swap3A, %swap3A_125], %swap3A_128 {strides = array<i32>} : memref<128x16xf32, #tpu.memory_space<vmem>>, vector<1x16xf32>,
        %scan3A_129 = arith.constant 0 : i32
        scf.yield %scan3A_129 : i32
      }
      %scan3A_84 = arith.constant 128 : i32
      %dma_wait3A_85 = arith.constant 0 : i32
      %dma_wait3A_86 = arith.constant 0 : i32
      %dma_wait3A_87 = tpu.memref_slice %arg3[%dma_wait3A_85, %dma_wait3A_86] : memref<40000x64xf32, #tpu.memory_space<hbm>> -> memref<40000x64xf32, #tpu.memory_space<hbm>>
      tpu.wait_indirect_dma semaphore(%arg21 : memref<!tpu.dma_semaphore, #tpu.memory_space<semaphore_mem>>) src(%dma_wait3A_87 : memref<40000x64xf32, #tpu.memory_space<hbm>>) dst(%arg19 : memref<128x64xf32, #tpu.memory_space<vmem>>)
      %eq3A_88 = arith.constant 0 : i32
      %eq3A_89 = arith.cmpi eq, %arg0, %eq3A_88 : i32
      %convert_element_type3A_90 = arith.extui %eq3A_89 : i1 to i32
      %cond3A_91 = arith.constant 0 : i32
      %cond3A_92 = arith.cmpi ne, %convert_element_type3A_90, %cond3A_91 : i32
      scf.if %cond3A_92 {
        %scan3A_110 = arith.constant 0 : i32
        %scan3A_111 = arith.constant 0 : i32
        %scan3A_112 = arith.constant 128 : i32
        %scan3A_113 = arith.addi %scan3A_111, %scan3A_112 : i32
        %scan3A_114 = arith.constant 1 : i32
        %scan3A_115 = scf.for %scan3A_117 = %scan3A_111 to %scan3A_113 step %scan3A_114 iter_args(%scan3A_118 = %scan3A_110) -> (i32)  : i32 {
          %get3A = arith.index_cast %scan3A_117 : i32 to index
          %get3A_119 = arith.constant 0 : index
          %get3A_120 = tpu.vector_load %arg18[%get3A, %get3A_119] {strides = array<i32>} : memref<128x16xf32, #tpu.memory_space<vmem>>, vector<1x16xf32>,
          %get3A_121 = vector.shape_cast %get3A_120 : vector<1x16xf32> to vector<16xf32>
          %slice3A = vector.extract_strided_slice %get3A_121 {offsets = [0], sizes = [1], strides = [1]} : vector<16xf32> to vector<1xf32>
          %squeeze3A = vector.extract %slice3A[0] : f32 from vector<1xf32>
          %slice3A_122 = vector.extract_strided_slice %get3A_121 {offsets = [1], sizes = [1], strides = [1]} : vector<16xf32> to vector<1xf32>
          %squeeze3A_123 = vector.extract %slice3A_122[0] : f32 from vector<1xf32>
          %get3A_124 = arith.index_cast %scan3A_117 : i32 to index
          %get3A_125 = arith.constant 0 : index
          %get3A_126 = tpu.vector_load %arg19[%get3A_124, %get3A_125] {strides = array<i32>} : memref<128x64xf32, #tpu.memory_space<vmem>>, vector<1x16xf32>,
          %get3A_127 = vector.shape_cast %get3A_126 : vector<1x16xf32> to vector<16xf32>
          %mul3A_128 = vector.broadcast %squeeze3A : f32 to vector<16xf32>
          %mul3A_129 = arith.mulf %get3A_127, %mul3A_128 : vector<16xf32>
          %swap3A = arith.index_cast %scan3A_117 : i32 to index
          %swap3A_130 = arith.constant 0 : index
          %swap3A_131 = tpu.vector_load %arg19[%swap3A, %swap3A_130] {strides = array<i32>} : memref<128x64xf32, #tpu.memory_space<vmem>>, vector<1x16xf32>,
          %swap3A_132 = vector.shape_cast %swap3A_131 : vector<1x16xf32> to vector<16xf32>
          %swap3A_133 = vector.shape_cast %mul3A_129 : vector<16xf32> to vector<1x16xf32>
          tpu.vector_store %arg19[%swap3A, %swap3A_130], %swap3A_133 {strides = array<i32>} : memref<128x64xf32, #tpu.memory_space<vmem>>, vector<1x16xf32>,
          %get3A_134 = arith.index_cast %scan3A_117 : i32 to index
          %get3A_135 = arith.constant 16 : index
          %get3A_136 = tpu.vector_load %arg19[%get3A_134, %get3A_135] {strides = array<i32>} : memref<128x64xf32, #tpu.memory_space<vmem>>, vector<1x16xf32>,
          %get3A_137 = vector.shape_cast %get3A_136 : vector<1x16xf32> to vector<16xf32>
          %mul3A_138 = vector.broadcast %squeeze3A : f32 to vector<16xf32>
          %mul3A_139 = arith.mulf %get3A_137, %mul3A_138 : vector<16xf32>
          %swap3A_140 = arith.index_cast %scan3A_117 : i32 to index
          %swap3A_141 = arith.constant 16 : index
          %swap3A_142 = tpu.vector_load %arg19[%swap3A_140, %swap3A_141] {strides = array<i32>} : memref<128x64xf32, #tpu.memory_space<vmem>>, vector<1x16xf32>,
          %swap3A_143 = vector.shape_cast %swap3A_142 : vector<1x16xf32> to vector<16xf32>
          %swap3A_144 = vector.shape_cast %mul3A_139 : vector<16xf32> to vector<1x16xf32>
          tpu.vector_store %arg19[%swap3A_140, %swap3A_141], %swap3A_144 {strides = array<i32>} : memref<128x64xf32, #tpu.memory_space<vmem>>, vector<1x16xf32>,
          %get3A_145 = arith.index_cast %scan3A_117 : i32 to index
          %get3A_146 = arith.constant 32 : index
          %get3A_147 = tpu.vector_load %arg19[%get3A_145, %get3A_146] {strides = array<i32>} : memref<128x64xf32, #tpu.memory_space<vmem>>, vector<1x16xf32>,
          %get3A_148 = vector.shape_cast %get3A_147 : vector<1x16xf32> to vector<16xf32>
          %mul3A_149 = vector.broadcast %squeeze3A_123 : f32 to vector<16xf32>
          %mul3A_150 = arith.mulf %get3A_148, %mul3A_149 : vector<16xf32>
          %swap3A_151 = arith.index_cast %scan3A_117 : i32 to index
          %swap3A_152 = arith.constant 32 : index
          %swap3A_153 = tpu.vector_load %arg19[%swap3A_151, %swap3A_152] {strides = array<i32>} : memref<128x64xf32, #tpu.memory_space<vmem>>, vector<1x16xf32>,
          %swap3A_154 = vector.shape_cast %swap3A_153 : vector<1x16xf32> to vector<16xf32>
          %swap3A_155 = vector.shape_cast %mul3A_150 : vector<16xf32> to vector<1x16xf32>
          tpu.vector_store %arg19[%swap3A_151, %swap3A_152], %swap3A_155 {strides = array<i32>} : memref<128x64xf32, #tpu.memory_space<vmem>>, vector<1x16xf32>,
          %get3A_156 = arith.index_cast %scan3A_117 : i32 to index
          %get3A_157 = arith.constant 48 : index
          %get3A_158 = tpu.vector_load %arg19[%get3A_156, %get3A_157] {strides = array<i32>} : memref<128x64xf32, #tpu.memory_space<vmem>>, vector<1x16xf32>,
          %get3A_159 = vector.shape_cast %get3A_158 : vector<1x16xf32> to vector<16xf32>
          %mul3A_160 = vector.broadcast %squeeze3A_123 : f32 to vector<16xf32>
          %mul3A_161 = arith.mulf %get3A_159, %mul3A_160 : vector<16xf32>
          %swap3A_162 = arith.index_cast %scan3A_117 : i32 to index
          %swap3A_163 = arith.constant 48 : index
          %swap3A_164 = tpu.vector_load %arg19[%swap3A_162, %swap3A_163] {strides = array<i32>} : memref<128x64xf32, #tpu.memory_space<vmem>>, vector<1x16xf32>,
          %swap3A_165 = vector.shape_cast %swap3A_164 : vector<1x16xf32> to vector<16xf32>
          %swap3A_166 = vector.shape_cast %mul3A_161 : vector<16xf32> to vector<1x16xf32>
          tpu.vector_store %arg19[%swap3A_162, %swap3A_163], %swap3A_166 {strides = array<i32>} : memref<128x64xf32, #tpu.memory_space<vmem>>, vector<1x16xf32>,
          %scan3A_167 = arith.constant 0 : i32
          scf.yield %scan3A_167 : i32
        }
        %scan3A_116 = arith.constant 128 : i32
      } else {
      }
      %eq3A_93 = arith.constant 1 : i32
      %eq3A_94 = arith.cmpi eq, %arg0, %eq3A_93 : i32
      %convert_element_type3A_95 = arith.extui %eq3A_94 : i1 to i32
      %cond3A_96 = arith.constant 0 : i32
      %cond3A_97 = arith.cmpi ne, %convert_element_type3A_95, %cond3A_96 : i32
      scf.if %cond3A_97 {
        %scan3A_110 = arith.constant 0 : i32
        %scan3A_111 = arith.constant 0 : i32
        %scan3A_112 = arith.constant 128 : i32
        %scan3A_113 = arith.addi %scan3A_111, %scan3A_112 : i32
        %scan3A_114 = arith.constant 1 : i32
        %scan3A_115 = scf.for %scan3A_117 = %scan3A_111 to %scan3A_113 step %scan3A_114 iter_args(%scan3A_118 = %scan3A_110) -> (i32)  : i32 {
          %get3A = arith.index_cast %scan3A_117 : i32 to index
          %get3A_119 = arith.constant 0 : index
          %get3A_120 = tpu.vector_load %arg18[%get3A, %get3A_119] {strides = array<i32>} : memref<128x16xf32, #tpu.memory_space<vmem>>, vector<1x16xf32>,
          %get3A_121 = vector.shape_cast %get3A_120 : vector<1x16xf32> to vector<16xf32>
          %slice3A = vector.extract_strided_slice %get3A_121 {offsets = [2], sizes = [1], strides = [1]} : vector<16xf32> to vector<1xf32>
          %squeeze3A = vector.extract %slice3A[0] : f32 from vector<1xf32>
          %slice3A_122 = vector.extract_strided_slice %get3A_121 {offsets = [3], sizes = [1], strides = [1]} : vector<16xf32> to vector<1xf32>
          %squeeze3A_123 = vector.extract %slice3A_122[0] : f32 from vector<1xf32>
          %get3A_124 = arith.index_cast %scan3A_117 : i32 to index
          %get3A_125 = arith.constant 0 : index
          %get3A_126 = tpu.vector_load %arg19[%get3A_124, %get3A_125] {strides = array<i32>} : memref<128x64xf32, #tpu.memory_space<vmem>>, vector<1x16xf32>,
          %get3A_127 = vector.shape_cast %get3A_126 : vector<1x16xf32> to vector<16xf32>
          %mul3A_128 = vector.broadcast %squeeze3A : f32 to vector<16xf32>
          %mul3A_129 = arith.mulf %get3A_127, %mul3A_128 : vector<16xf32>
          %swap3A = arith.index_cast %scan3A_117 : i32 to index
          %swap3A_130 = arith.constant 0 : index
          %swap3A_131 = tpu.vector_load %arg19[%swap3A, %swap3A_130] {strides = array<i32>} : memref<128x64xf32, #tpu.memory_space<vmem>>, vector<1x16xf32>,
          %swap3A_132 = vector.shape_cast %swap3A_131 : vector<1x16xf32> to vector<16xf32>
          %swap3A_133 = vector.shape_cast %mul3A_129 : vector<16xf32> to vector<1x16xf32>
          tpu.vector_store %arg19[%swap3A, %swap3A_130], %swap3A_133 {strides = array<i32>} : memref<128x64xf32, #tpu.memory_space<vmem>>, vector<1x16xf32>,
          %get3A_134 = arith.index_cast %scan3A_117 : i32 to index
          %get3A_135 = arith.constant 16 : index
          %get3A_136 = tpu.vector_load %arg19[%get3A_134, %get3A_135] {strides = array<i32>} : memref<128x64xf32, #tpu.memory_space<vmem>>, vector<1x16xf32>,
          %get3A_137 = vector.shape_cast %get3A_136 : vector<1x16xf32> to vector<16xf32>
          %mul3A_138 = vector.broadcast %squeeze3A : f32 to vector<16xf32>
          %mul3A_139 = arith.mulf %get3A_137, %mul3A_138 : vector<16xf32>
          %swap3A_140 = arith.index_cast %scan3A_117 : i32 to index
          %swap3A_141 = arith.constant 16 : index
          %swap3A_142 = tpu.vector_load %arg19[%swap3A_140, %swap3A_141] {strides = array<i32>} : memref<128x64xf32, #tpu.memory_space<vmem>>, vector<1x16xf32>,
          %swap3A_143 = vector.shape_cast %swap3A_142 : vector<1x16xf32> to vector<16xf32>
          %swap3A_144 = vector.shape_cast %mul3A_139 : vector<16xf32> to vector<1x16xf32>
          tpu.vector_store %arg19[%swap3A_140, %swap3A_141], %swap3A_144 {strides = array<i32>} : memref<128x64xf32, #tpu.memory_space<vmem>>, vector<1x16xf32>,
          %get3A_145 = arith.index_cast %scan3A_117 : i32 to index
          %get3A_146 = arith.constant 32 : index
          %get3A_147 = tpu.vector_load %arg19[%get3A_145, %get3A_146] {strides = array<i32>} : memref<128x64xf32, #tpu.memory_space<vmem>>, vector<1x16xf32>,
          %get3A_148 = vector.shape_cast %get3A_147 : vector<1x16xf32> to vector<16xf32>
          %mul3A_149 = vector.broadcast %squeeze3A_123 : f32 to vector<16xf32>
          %mul3A_150 = arith.mulf %get3A_148, %mul3A_149 : vector<16xf32>
          %swap3A_151 = arith.index_cast %scan3A_117 : i32 to index
          %swap3A_152 = arith.constant 32 : index
          %swap3A_153 = tpu.vector_load %arg19[%swap3A_151, %swap3A_152] {strides = array<i32>} : memref<128x64xf32, #tpu.memory_space<vmem>>, vector<1x16xf32>,
          %swap3A_154 = vector.shape_cast %swap3A_153 : vector<1x16xf32> to vector<16xf32>
          %swap3A_155 = vector.shape_cast %mul3A_150 : vector<16xf32> to vector<1x16xf32>
          tpu.vector_store %arg19[%swap3A_151, %swap3A_152], %swap3A_155 {strides = array<i32>} : memref<128x64xf32, #tpu.memory_space<vmem>>, vector<1x16xf32>,
          %get3A_156 = arith.index_cast %scan3A_117 : i32 to index
          %get3A_157 = arith.constant 48 : index
          %get3A_158 = tpu.vector_load %arg19[%get3A_156, %get3A_157] {strides = array<i32>} : memref<128x64xf32, #tpu.memory_space<vmem>>, vector<1x16xf32>,
          %get3A_159 = vector.shape_cast %get3A_158 : vector<1x16xf32> to vector<16xf32>
          %mul3A_160 = vector.broadcast %squeeze3A_123 : f32 to vector<16xf32>
          %mul3A_161 = arith.mulf %get3A_159, %mul3A_160 : vector<16xf32>
          %swap3A_162 = arith.index_cast %scan3A_117 : i32 to index
          %swap3A_163 = arith.constant 48 : index
          %swap3A_164 = tpu.vector_load %arg19[%swap3A_162, %swap3A_163] {strides = array<i32>} : memref<128x64xf32, #tpu.memory_space<vmem>>, vector<1x16xf32>,
          %swap3A_165 = vector.shape_cast %swap3A_164 : vector<1x16xf32> to vector<16xf32>
          %swap3A_166 = vector.shape_cast %mul3A_161 : vector<16xf32> to vector<1x16xf32>
          tpu.vector_store %arg19[%swap3A_162, %swap3A_163], %swap3A_166 {strides = array<i32>} : memref<128x64xf32, #tpu.memory_space<vmem>>, vector<1x16xf32>,
          %scan3A_167 = arith.constant 0 : i32
          scf.yield %scan3A_167 : i32
        }
        %scan3A_116 = arith.constant 128 : i32
      } else {
      }
      %dma_start3A_98 = arith.constant 0 : i32
      %dma_start3A_99 = arith.constant 0 : i32
      %dma_start3A_100 = tpu.memref_slice %arg10[%dma_start3A_98, %dma_start3A_99] : memref<20096x64xf32, #tpu.memory_space<vmem_shared>> -> memref<20096x64xf32, #tpu.memory_space<vmem_shared>>
      tpu.enqueue_indirect_dma source(%arg19 : memref<128x64xf32, #tpu.memory_space<vmem>>) target(%dma_start3A_100 : memref<20096x64xf32, #tpu.memory_space<vmem_shared>>) offsets(%arg15 : memref<128xi32, #tpu.memory_space<vmem>>) semaphore(%arg20 : memref<!tpu.dma_semaphore, #tpu.memory_space<semaphore_mem>>) {add = true}
      %eq3A_101 = arith.constant 0 : i32
      %eq3A_102 = arith.cmpi eq, %arg0, %eq3A_101 : i32
      %convert_element_type3A_103 = arith.extui %eq3A_102 : i1 to i32
      %cond3A_104 = arith.constant 0 : i32
      %cond3A_105 = arith.cmpi ne, %convert_element_type3A_103, %cond3A_104 : i32
      scf.if %cond3A_105 {
        %dma_start3A_110 = arith.constant 0 : i32
        %dma_start3A_111 = arith.constant 0 : i32
        %dma_start3A_112 = tpu.memref_slice %arg11[%dma_start3A_110, %dma_start3A_111] : memref<20096x16xf32, #tpu.memory_space<vmem_shared>> -> memref<20096x16xf32, #tpu.memory_space<vmem_shared>>
        tpu.enqueue_indirect_dma source(%arg18 : memref<128x16xf32, #tpu.memory_space<vmem>>) target(%dma_start3A_112 : memref<20096x16xf32, #tpu.memory_space<vmem_shared>>) offsets(%arg15 : memref<128xi32, #tpu.memory_space<vmem>>) semaphore(%arg20 : memref<!tpu.dma_semaphore, #tpu.memory_space<semaphore_mem>>) {add = true}
        %dma_wait3A_113 = arith.constant 0 : i32
        %dma_wait3A_114 = arith.constant 0 : i32
        %dma_wait3A_115 = tpu.memref_slice %arg11[%dma_wait3A_113, %dma_wait3A_114] : memref<20096x16xf32, #tpu.memory_space<vmem_shared>> -> memref<20096x16xf32, #tpu.memory_space<vmem_shared>>
        tpu.wait_indirect_dma semaphore(%arg20 : memref<!tpu.dma_semaphore, #tpu.memory_space<semaphore_mem>>) src(%arg18 : memref<128x16xf32, #tpu.memory_space<vmem>>) dst(%dma_wait3A_115 : memref<20096x16xf32, #tpu.memory_space<vmem_shared>>)
      } else {
      }
      %dma_wait3A_106 = arith.constant 0 : i32
      %dma_wait3A_107 = arith.constant 0 : i32
      %dma_wait3A_108 = tpu.memref_slice %arg10[%dma_wait3A_106, %dma_wait3A_107] : memref<20096x64xf32, #tpu.memory_space<vmem_shared>> -> memref<20096x64xf32, #tpu.memory_space<vmem_shared>>
      tpu.wait_indirect_dma semaphore(%arg20 : memref<!tpu.dma_semaphore, #tpu.memory_space<semaphore_mem>>) src(%arg19 : memref<128x64xf32, #tpu.memory_space<vmem>>) dst(%dma_wait3A_108 : memref<20096x64xf32, #tpu.memory_space<vmem_shared>>)
      %scan3A_109 = arith.constant 0 : i32
      scf.yield %scan3A_109 : i32
    }
    %scan3A_25 = arith.constant 125 : i32
    %barrier3A_26 = arith.constant 0 : index
    tpu.barrier barrier_id(%barrier3A_26)
    %scan3A_27 = arith.constant 0 : i32
    %scan3A_28 = arith.constant 0 : i32
    %scan3A_29 = arith.constant 9 : i32
    %scan3A_30 = arith.addi %scan3A_28, %scan3A_29 : i32
    %scan3A_31 = arith.constant 1 : i32
    %scan3A_32 = scf.for %scan3A_46 = %scan3A_28 to %scan3A_30 step %scan3A_31 iter_args(%scan3A_47 = %scan3A_27) -> (i32)  : i32 {
      %mul3A_48 = arith.constant 128 : i32
      %mul3A_49 = arith.muli %scan3A_46, %mul3A_48 : i32
      %add3A_50 = arith.addi %mul3A_0, %mul3A_49 : i32
      "tpu.region"() ({
        %run_scoped3A = tpu.sem_alloc : memref<!tpu.dma_semaphore, #tpu.memory_space<semaphore_mem>>
        %dma_start3A = arith.constant 0 : i32
        %dma_start3A_62 = arith.constant 0 : i32
        %dma_start3A_63 = tpu.memref_slice %arg19[%dma_start3A, %dma_start3A_62] : memref<128x64xf32, #tpu.memory_space<vmem>> -> memref<128x64xf32, #tpu.memory_space<vmem>>
        %dma_start3A_64 = arith.constant 0 : i32
        %dma_start3A_65 = tpu.memref_slice %arg10[%add3A_50, %dma_start3A_64] : memref<20096x64xf32, #tpu.memory_space<vmem_shared>> -> memref<128x64xf32, #tpu.memory_space<vmem_shared>>
        %dma_start3A_66 = arith.constant 0 : i32
        %dma_start3A_67 = arith.constant 0 : i32
        %dma_start3A_68 = tpu.memref_slice %arg19[%dma_start3A_66, %dma_start3A_67] : memref<128x64xf32, #tpu.memory_space<vmem>> -> memref<128x64xf32, #tpu.memory_space<vmem>>
        %dma_start3A_69 = arith.constant 0 : i32
        %dma_start3A_70 = tpu.memref_slice %arg10[%add3A_50, %dma_start3A_69] : memref<20096x64xf32, #tpu.memory_space<vmem_shared>> -> memref<128x64xf32, #tpu.memory_space<vmem_shared>>
        tpu.enqueue_dma source(%dma_start3A_70 : memref<128x64xf32, #tpu.memory_space<vmem_shared>>) target(%dma_start3A_68 : memref<128x64xf32, #tpu.memory_space<vmem>>) target_semaphore(%run_scoped3A : memref<!tpu.dma_semaphore, #tpu.memory_space<semaphore_mem>>)
        %dma_wait3A = arith.constant 0 : i32
        %dma_wait3A_71 = arith.constant 0 : i32
        %dma_wait3A_72 = tpu.memref_slice %arg19[%dma_wait3A, %dma_wait3A_71] : memref<128x64xf32, #tpu.memory_space<vmem>> -> memref<128x64xf32, #tpu.memory_space<vmem>>
        %dma_wait3A_73 = arith.constant 0 : i32
        %dma_wait3A_74 = tpu.memref_slice %arg10[%add3A_50, %dma_wait3A_73] : memref<20096x64xf32, #tpu.memory_space<vmem_shared>> -> memref<128x64xf32, #tpu.memory_space<vmem_shared>>
        %dma_wait3A_75 = arith.constant 0 : i32
        %dma_wait3A_76 = arith.constant 0 : i32
        %dma_wait3A_77 = tpu.memref_slice %arg19[%dma_wait3A_75, %dma_wait3A_76] : memref<128x64xf32, #tpu.memory_space<vmem>> -> memref<128x64xf32, #tpu.memory_space<vmem>>
        %dma_wait3A_78 = arith.constant 0 : i32
        %dma_wait3A_79 = tpu.memref_slice %arg10[%add3A_50, %dma_wait3A_78] : memref<20096x64xf32, #tpu.memory_space<vmem_shared>> -> memref<128x64xf32, #tpu.memory_space<vmem_shared>>
        tpu.wait_dma2 semaphore(%run_scoped3A : memref<!tpu.dma_semaphore, #tpu.memory_space<semaphore_mem>>) src(%dma_wait3A_79 : memref<128x64xf32, #tpu.memory_space<vmem_shared>>) dst(%dma_wait3A_77 : memref<128x64xf32, #tpu.memory_space<vmem>>)
        tpu.yield
      }) : () -> ()
      %eq3A_51 = arith.constant 0 : i32
      %eq3A_52 = arith.cmpi eq, %arg0, %eq3A_51 : i32
      %convert_element_type3A_53 = arith.extui %eq3A_52 : i1 to i32
      %cond3A_54 = arith.constant 0 : i32
      %cond3A_55 = arith.cmpi ne, %convert_element_type3A_53, %cond3A_54 : i32
      scf.if %cond3A_55 {
        "tpu.region"() ({
          %run_scoped3A = tpu.sem_alloc : memref<!tpu.dma_semaphore, #tpu.memory_space<semaphore_mem>>
          %dma_start3A = arith.constant 0 : i32
          %dma_start3A_62 = arith.constant 0 : i32
          %dma_start3A_63 = tpu.memref_slice %arg19[%dma_start3A, %dma_start3A_62] : memref<128x64xf32, #tpu.memory_space<vmem>> -> memref<128x64xf32, #tpu.memory_space<vmem>>
          %dma_start3A_64 = arith.constant 0 : i32
          %dma_start3A_65 = tpu.memref_slice %arg7[%add3A_50, %dma_start3A_64] : memref<20096x64xf32, #tpu.memory_space<hbm>> -> memref<128x64xf32, #tpu.memory_space<hbm>>
          %dma_start3A_66 = arith.constant 0 : i32
          %dma_start3A_67 = tpu.memref_slice %arg7[%add3A_50, %dma_start3A_66] : memref<20096x64xf32, #tpu.memory_space<hbm>> -> memref<128x64xf32, #tpu.memory_space<hbm>>
          %dma_start3A_68 = arith.constant 0 : i32
          %dma_start3A_69 = arith.constant 0 : i32
          %dma_start3A_70 = tpu.memref_slice %arg19[%dma_start3A_68, %dma_start3A_69] : memref<128x64xf32, #tpu.memory_space<vmem>> -> memref<128x64xf32, #tpu.memory_space<vmem>>
          tpu.enqueue_dma source(%dma_start3A_70 : memref<128x64xf32, #tpu.memory_space<vmem>>) target(%dma_start3A_67 : memref<128x64xf32, #tpu.memory_space<hbm>>) target_semaphore(%run_scoped3A : memref<!tpu.dma_semaphore, #tpu.memory_space<semaphore_mem>>)
          %dma_wait3A = arith.constant 0 : i32
          %dma_wait3A_71 = arith.constant 0 : i32
          %dma_wait3A_72 = tpu.memref_slice %arg19[%dma_wait3A, %dma_wait3A_71] : memref<128x64xf32, #tpu.memory_space<vmem>> -> memref<128x64xf32, #tpu.memory_space<vmem>>
          %dma_wait3A_73 = arith.constant 0 : i32
          %dma_wait3A_74 = tpu.memref_slice %arg7[%add3A_50, %dma_wait3A_73] : memref<20096x64xf32, #tpu.memory_space<hbm>> -> memref<128x64xf32, #tpu.memory_space<hbm>>
          %dma_wait3A_75 = arith.constant 0 : i32
          %dma_wait3A_76 = tpu.memref_slice %arg7[%add3A_50, %dma_wait3A_75] : memref<20096x64xf32, #tpu.memory_space<hbm>> -> memref<128x64xf32, #tpu.memory_space<hbm>>
          %dma_wait3A_77 = arith.constant 0 : i32
          %dma_wait3A_78 = arith.constant 0 : i32
          %dma_wait3A_79 = tpu.memref_slice %arg19[%dma_wait3A_77, %dma_wait3A_78] : memref<128x64xf32, #tpu.memory_space<vmem>> -> memref<128x64xf32, #tpu.memory_space<vmem>>
          tpu.wait_dma2 semaphore(%run_scoped3A : memref<!tpu.dma_semaphore, #tpu.memory_space<semaphore_mem>>) src(%dma_wait3A_79 : memref<128x64xf32, #tpu.memory_space<vmem>>) dst(%dma_wait3A_76 : memref<128x64xf32, #tpu.memory_space<hbm>>)
          tpu.yield
        }) : () -> ()
        "tpu.region"() ({
          %run_scoped3A = tpu.sem_alloc : memref<!tpu.dma_semaphore, #tpu.memory_space<semaphore_mem>>
          %dma_start3A = arith.constant 0 : i32
          %dma_start3A_62 = arith.constant 0 : i32
          %dma_start3A_63 = tpu.memref_slice %arg18[%dma_start3A, %dma_start3A_62] : memref<128x16xf32, #tpu.memory_space<vmem>> -> memref<128x16xf32, #tpu.memory_space<vmem>>
          %dma_start3A_64 = arith.constant 0 : i32
          %dma_start3A_65 = tpu.memref_slice %arg11[%add3A_50, %dma_start3A_64] : memref<20096x16xf32, #tpu.memory_space<vmem_shared>> -> memref<128x16xf32, #tpu.memory_space<vmem_shared>>
          %dma_start3A_66 = arith.constant 0 : i32
          %dma_start3A_67 = arith.constant 0 : i32
          %dma_start3A_68 = tpu.memref_slice %arg18[%dma_start3A_66, %dma_start3A_67] : memref<128x16xf32, #tpu.memory_space<vmem>> -> memref<128x16xf32, #tpu.memory_space<vmem>>
          %dma_start3A_69 = arith.constant 0 : i32
          %dma_start3A_70 = tpu.memref_slice %arg11[%add3A_50, %dma_start3A_69] : memref<20096x16xf32, #tpu.memory_space<vmem_shared>> -> memref<128x16xf32, #tpu.memory_space<vmem_shared>>
          tpu.enqueue_dma source(%dma_start3A_70 : memref<128x16xf32, #tpu.memory_space<vmem_shared>>) target(%dma_start3A_68 : memref<128x16xf32, #tpu.memory_space<vmem>>) target_semaphore(%run_scoped3A : memref<!tpu.dma_semaphore, #tpu.memory_space<semaphore_mem>>)
          %dma_wait3A = arith.constant 0 : i32
          %dma_wait3A_71 = arith.constant 0 : i32
          %dma_wait3A_72 = tpu.memref_slice %arg18[%dma_wait3A, %dma_wait3A_71] : memref<128x16xf32, #tpu.memory_space<vmem>> -> memref<128x16xf32, #tpu.memory_space<vmem>>
          %dma_wait3A_73 = arith.constant 0 : i32
          %dma_wait3A_74 = tpu.memref_slice %arg11[%add3A_50, %dma_wait3A_73] : memref<20096x16xf32, #tpu.memory_space<vmem_shared>> -> memref<128x16xf32, #tpu.memory_space<vmem_shared>>
          %dma_wait3A_75 = arith.constant 0 : i32
          %dma_wait3A_76 = arith.constant 0 : i32
          %dma_wait3A_77 = tpu.memref_slice %arg18[%dma_wait3A_75, %dma_wait3A_76] : memref<128x16xf32, #tpu.memory_space<vmem>> -> memref<128x16xf32, #tpu.memory_space<vmem>>
          %dma_wait3A_78 = arith.constant 0 : i32
          %dma_wait3A_79 = tpu.memref_slice %arg11[%add3A_50, %dma_wait3A_78] : memref<20096x16xf32, #tpu.memory_space<vmem_shared>> -> memref<128x16xf32, #tpu.memory_space<vmem_shared>>
          tpu.wait_dma2 semaphore(%run_scoped3A : memref<!tpu.dma_semaphore, #tpu.memory_space<semaphore_mem>>) src(%dma_wait3A_79 : memref<128x16xf32, #tpu.memory_space<vmem_shared>>) dst(%dma_wait3A_77 : memref<128x16xf32, #tpu.memory_space<vmem>>)
          tpu.yield
        }) : () -> ()
        "tpu.region"() ({
          %run_scoped3A = tpu.sem_alloc : memref<!tpu.dma_semaphore, #tpu.memory_space<semaphore_mem>>
          %dma_start3A = arith.constant 0 : i32
          %dma_start3A_62 = arith.constant 0 : i32
          %dma_start3A_63 = tpu.memref_slice %arg18[%dma_start3A, %dma_start3A_62] : memref<128x16xf32, #tpu.memory_space<vmem>> -> memref<128x16xf32, #tpu.memory_space<vmem>>
          %dma_start3A_64 = arith.constant 0 : i32
          %dma_start3A_65 = tpu.memref_slice %arg9[%add3A_50, %dma_start3A_64] : memref<20096x16xf32, #tpu.memory_space<hbm>> -> memref<128x16xf32, #tpu.memory_space<hbm>>
          %dma_start3A_66 = arith.constant 0 : i32
          %dma_start3A_67 = tpu.memref_slice %arg9[%add3A_50, %dma_start3A_66] : memref<20096x16xf32, #tpu.memory_space<hbm>> -> memref<128x16xf32, #tpu.memory_space<hbm>>
          %dma_start3A_68 = arith.constant 0 : i32
          %dma_start3A_69 = arith.constant 0 : i32
          %dma_start3A_70 = tpu.memref_slice %arg18[%dma_start3A_68, %dma_start3A_69] : memref<128x16xf32, #tpu.memory_space<vmem>> -> memref<128x16xf32, #tpu.memory_space<vmem>>
          tpu.enqueue_dma source(%dma_start3A_70 : memref<128x16xf32, #tpu.memory_space<vmem>>) target(%dma_start3A_67 : memref<128x16xf32, #tpu.memory_space<hbm>>) target_semaphore(%run_scoped3A : memref<!tpu.dma_semaphore, #tpu.memory_space<semaphore_mem>>)
          %dma_wait3A = arith.constant 0 : i32
          %dma_wait3A_71 = arith.constant 0 : i32
          %dma_wait3A_72 = tpu.memref_slice %arg18[%dma_wait3A, %dma_wait3A_71] : memref<128x16xf32, #tpu.memory_space<vmem>> -> memref<128x16xf32, #tpu.memory_space<vmem>>
          %dma_wait3A_73 = arith.constant 0 : i32
          %dma_wait3A_74 = tpu.memref_slice %arg9[%add3A_50, %dma_wait3A_73] : memref<20096x16xf32, #tpu.memory_space<hbm>> -> memref<128x16xf32, #tpu.memory_space<hbm>>
          %dma_wait3A_75 = arith.constant 0 : i32
          %dma_wait3A_76 = tpu.memref_slice %arg9[%add3A_50, %dma_wait3A_75] : memref<20096x16xf32, #tpu.memory_space<hbm>> -> memref<128x16xf32, #tpu.memory_space<hbm>>
          %dma_wait3A_77 = arith.constant 0 : i32
          %dma_wait3A_78 = arith.constant 0 : i32
          %dma_wait3A_79 = tpu.memref_slice %arg18[%dma_wait3A_77, %dma_wait3A_78] : memref<128x16xf32, #tpu.memory_space<vmem>> -> memref<128x16xf32, #tpu.memory_space<vmem>>
          tpu.wait_dma2 semaphore(%run_scoped3A : memref<!tpu.dma_semaphore, #tpu.memory_space<semaphore_mem>>) src(%dma_wait3A_79 : memref<128x16xf32, #tpu.memory_space<vmem>>) dst(%dma_wait3A_76 : memref<128x16xf32, #tpu.memory_space<hbm>>)
          tpu.yield
        }) : () -> ()
      } else {
      }
      %eq3A_56 = arith.constant 1 : i32
      %eq3A_57 = arith.cmpi eq, %arg0, %eq3A_56 : i32
      %convert_element_type3A_58 = arith.extui %eq3A_57 : i1 to i32
      %cond3A_59 = arith.constant 0 : i32
      %cond3A_60 = arith.cmpi ne, %convert_element_type3A_58, %cond3A_59 : i32
      scf.if %cond3A_60 {
        "tpu.region"() ({
          %run_scoped3A = tpu.sem_alloc : memref<!tpu.dma_semaphore, #tpu.memory_space<semaphore_mem>>
          %dma_start3A = arith.constant 0 : i32
          %dma_start3A_62 = arith.constant 0 : i32
          %dma_start3A_63 = tpu.memref_slice %arg19[%dma_start3A, %dma_start3A_62] : memref<128x64xf32, #tpu.memory_space<vmem>> -> memref<128x64xf32, #tpu.memory_space<vmem>>
          %dma_start3A_64 = arith.constant 0 : i32
          %dma_start3A_65 = tpu.memref_slice %arg8[%add3A_50, %dma_start3A_64] : memref<20096x64xf32, #tpu.memory_space<hbm>> -> memref<128x64xf32, #tpu.memory_space<hbm>>
          %dma_start3A_66 = arith.constant 0 : i32
          %dma_start3A_67 = tpu.memref_slice %arg8[%add3A_50, %dma_start3A_66] : memref<20096x64xf32, #tpu.memory_space<hbm>> -> memref<128x64xf32, #tpu.memory_space<hbm>>
          %dma_start3A_68 = arith.constant 0 : i32
          %dma_start3A_69 = arith.constant 0 : i32
          %dma_start3A_70 = tpu.memref_slice %arg19[%dma_start3A_68, %dma_start3A_69] : memref<128x64xf32, #tpu.memory_space<vmem>> -> memref<128x64xf32, #tpu.memory_space<vmem>>
          tpu.enqueue_dma source(%dma_start3A_70 : memref<128x64xf32, #tpu.memory_space<vmem>>) target(%dma_start3A_67 : memref<128x64xf32, #tpu.memory_space<hbm>>) target_semaphore(%run_scoped3A : memref<!tpu.dma_semaphore, #tpu.memory_space<semaphore_mem>>)
          %dma_wait3A = arith.constant 0 : i32
          %dma_wait3A_71 = arith.constant 0 : i32
          %dma_wait3A_72 = tpu.memref_slice %arg19[%dma_wait3A, %dma_wait3A_71] : memref<128x64xf32, #tpu.memory_space<vmem>> -> memref<128x64xf32, #tpu.memory_space<vmem>>
          %dma_wait3A_73 = arith.constant 0 : i32
          %dma_wait3A_74 = tpu.memref_slice %arg8[%add3A_50, %dma_wait3A_73] : memref<20096x64xf32, #tpu.memory_space<hbm>> -> memref<128x64xf32, #tpu.memory_space<hbm>>
          %dma_wait3A_75 = arith.constant 0 : i32
          %dma_wait3A_76 = tpu.memref_slice %arg8[%add3A_50, %dma_wait3A_75] : memref<20096x64xf32, #tpu.memory_space<hbm>> -> memref<128x64xf32, #tpu.memory_space<hbm>>
          %dma_wait3A_77 = arith.constant 0 : i32
          %dma_wait3A_78 = arith.constant 0 : i32
          %dma_wait3A_79 = tpu.memref_slice %arg19[%dma_wait3A_77, %dma_wait3A_78] : memref<128x64xf32, #tpu.memory_space<vmem>> -> memref<128x64xf32, #tpu.memory_space<vmem>>
          tpu.wait_dma2 semaphore(%run_scoped3A : memref<!tpu.dma_semaphore, #tpu.memory_space<semaphore_mem>>) src(%dma_wait3A_79 : memref<128x64xf32, #tpu.memory_space<vmem>>) dst(%dma_wait3A_76 : memref<128x64xf32, #tpu.memory_space<hbm>>)
          tpu.yield
        }) : () -> ()
      } else {
      }
      %scan3A_61 = arith.constant 0 : i32
      scf.yield %scan3A_61 : i32
    }
    %scan3A_33 = arith.constant 9 : i32
    %add3A_34 = arith.constant 1152 : i32
    %add3A_35 = arith.addi %mul3A_0, %add3A_34 : i32
    "tpu.region"() ({
      %run_scoped3A = tpu.sem_alloc : memref<!tpu.dma_semaphore, #tpu.memory_space<semaphore_mem>>
      %dma_start3A = arith.constant 0 : i32
      %dma_start3A_46 = arith.constant 0 : i32
      %dma_start3A_47 = tpu.memref_slice %arg19[%dma_start3A, %dma_start3A_46] : memref<128x64xf32, #tpu.memory_space<vmem>> -> memref<104x64xf32, #tpu.memory_space<vmem>>
      %dma_start3A_48 = arith.constant 0 : i32
      %dma_start3A_49 = tpu.memref_slice %arg10[%add3A_35, %dma_start3A_48] : memref<20096x64xf32, #tpu.memory_space<vmem_shared>> -> memref<104x64xf32, #tpu.memory_space<vmem_shared>>
      %dma_start3A_50 = arith.constant 0 : i32
      %dma_start3A_51 = arith.constant 0 : i32
      %dma_start3A_52 = tpu.memref_slice %arg19[%dma_start3A_50, %dma_start3A_51] : memref<128x64xf32, #tpu.memory_space<vmem>> -> memref<104x64xf32, #tpu.memory_space<vmem>>
      %dma_start3A_53 = arith.constant 0 : i32
      %dma_start3A_54 = tpu.memref_slice %arg10[%add3A_35, %dma_start3A_53] : memref<20096x64xf32, #tpu.memory_space<vmem_shared>> -> memref<104x64xf32, #tpu.memory_space<vmem_shared>>
      tpu.enqueue_dma source(%dma_start3A_54 : memref<104x64xf32, #tpu.memory_space<vmem_shared>>) target(%dma_start3A_52 : memref<104x64xf32, #tpu.memory_space<vmem>>) target_semaphore(%run_scoped3A : memref<!tpu.dma_semaphore, #tpu.memory_space<semaphore_mem>>)
      %dma_wait3A = arith.constant 0 : i32
      %dma_wait3A_55 = arith.constant 0 : i32
      %dma_wait3A_56 = tpu.memref_slice %arg19[%dma_wait3A, %dma_wait3A_55] : memref<128x64xf32, #tpu.memory_space<vmem>> -> memref<104x64xf32, #tpu.memory_space<vmem>>
      %dma_wait3A_57 = arith.constant 0 : i32
      %dma_wait3A_58 = tpu.memref_slice %arg10[%add3A_35, %dma_wait3A_57] : memref<20096x64xf32, #tpu.memory_space<vmem_shared>> -> memref<104x64xf32, #tpu.memory_space<vmem_shared>>
      %dma_wait3A_59 = arith.constant 0 : i32
      %dma_wait3A_60 = arith.constant 0 : i32
      %dma_wait3A_61 = tpu.memref_slice %arg19[%dma_wait3A_59, %dma_wait3A_60] : memref<128x64xf32, #tpu.memory_space<vmem>> -> memref<104x64xf32, #tpu.memory_space<vmem>>
      %dma_wait3A_62 = arith.constant 0 : i32
      %dma_wait3A_63 = tpu.memref_slice %arg10[%add3A_35, %dma_wait3A_62] : memref<20096x64xf32, #tpu.memory_space<vmem_shared>> -> memref<104x64xf32, #tpu.memory_space<vmem_shared>>
      tpu.wait_dma2 semaphore(%run_scoped3A : memref<!tpu.dma_semaphore, #tpu.memory_space<semaphore_mem>>) src(%dma_wait3A_63 : memref<104x64xf32, #tpu.memory_space<vmem_shared>>) dst(%dma_wait3A_61 : memref<104x64xf32, #tpu.memory_space<vmem>>)
      tpu.yield
    }) : () -> ()
    %eq3A_36 = arith.constant 0 : i32
    %eq3A_37 = arith.cmpi eq, %arg0, %eq3A_36 : i32
    %convert_element_type3A_38 = arith.extui %eq3A_37 : i1 to i32
    %cond3A_39 = arith.constant 0 : i32
    %cond3A_40 = arith.cmpi ne, %convert_element_type3A_38, %cond3A_39 : i32
    scf.if %cond3A_40 {
      "tpu.region"() ({
        %run_scoped3A = tpu.sem_alloc : memref<!tpu.dma_semaphore, #tpu.memory_space<semaphore_mem>>
        %dma_start3A = arith.constant 0 : i32
        %dma_start3A_46 = arith.constant 0 : i32
        %dma_start3A_47 = tpu.memref_slice %arg19[%dma_start3A, %dma_start3A_46] : memref<128x64xf32, #tpu.memory_space<vmem>> -> memref<104x64xf32, #tpu.memory_space<vmem>>
        %dma_start3A_48 = arith.constant 0 : i32
        %dma_start3A_49 = tpu.memref_slice %arg7[%add3A_35, %dma_start3A_48] : memref<20096x64xf32, #tpu.memory_space<hbm>> -> memref<104x64xf32, #tpu.memory_space<hbm>>
        %dma_start3A_50 = arith.constant 0 : i32
        %dma_start3A_51 = tpu.memref_slice %arg7[%add3A_35, %dma_start3A_50] : memref<20096x64xf32, #tpu.memory_space<hbm>> -> memref<104x64xf32, #tpu.memory_space<hbm>>
        %dma_start3A_52 = arith.constant 0 : i32
        %dma_start3A_53 = arith.constant 0 : i32
        %dma_start3A_54 = tpu.memref_slice %arg19[%dma_start3A_52, %dma_start3A_53] : memref<128x64xf32, #tpu.memory_space<vmem>> -> memref<104x64xf32, #tpu.memory_space<vmem>>
        tpu.enqueue_dma source(%dma_start3A_54 : memref<104x64xf32, #tpu.memory_space<vmem>>) target(%dma_start3A_51 : memref<104x64xf32, #tpu.memory_space<hbm>>) target_semaphore(%run_scoped3A : memref<!tpu.dma_semaphore, #tpu.memory_space<semaphore_mem>>)
        %dma_wait3A = arith.constant 0 : i32
        %dma_wait3A_55 = arith.constant 0 : i32
        %dma_wait3A_56 = tpu.memref_slice %arg19[%dma_wait3A, %dma_wait3A_55] : memref<128x64xf32, #tpu.memory_space<vmem>> -> memref<104x64xf32, #tpu.memory_space<vmem>>
        %dma_wait3A_57 = arith.constant 0 : i32
        %dma_wait3A_58 = tpu.memref_slice %arg7[%add3A_35, %dma_wait3A_57] : memref<20096x64xf32, #tpu.memory_space<hbm>> -> memref<104x64xf32, #tpu.memory_space<hbm>>
        %dma_wait3A_59 = arith.constant 0 : i32
        %dma_wait3A_60 = tpu.memref_slice %arg7[%add3A_35, %dma_wait3A_59] : memref<20096x64xf32, #tpu.memory_space<hbm>> -> memref<104x64xf32, #tpu.memory_space<hbm>>
        %dma_wait3A_61 = arith.constant 0 : i32
        %dma_wait3A_62 = arith.constant 0 : i32
        %dma_wait3A_63 = tpu.memref_slice %arg19[%dma_wait3A_61, %dma_wait3A_62] : memref<128x64xf32, #tpu.memory_space<vmem>> -> memref<104x64xf32, #tpu.memory_space<vmem>>
        tpu.wait_dma2 semaphore(%run_scoped3A : memref<!tpu.dma_semaphore, #tpu.memory_space<semaphore_mem>>) src(%dma_wait3A_63 : memref<104x64xf32, #tpu.memory_space<vmem>>) dst(%dma_wait3A_60 : memref<104x64xf32, #tpu.memory_space<hbm>>)
        tpu.yield
      }) : () -> ()
      "tpu.region"() ({
        %run_scoped3A = tpu.sem_alloc : memref<!tpu.dma_semaphore, #tpu.memory_space<semaphore_mem>>
        %dma_start3A = arith.constant 0 : i32
        %dma_start3A_46 = arith.constant 0 : i32
        %dma_start3A_47 = tpu.memref_slice %arg18[%dma_start3A, %dma_start3A_46] : memref<128x16xf32, #tpu.memory_space<vmem>> -> memref<104x16xf32, #tpu.memory_space<vmem>>
        %dma_start3A_48 = arith.constant 0 : i32
        %dma_start3A_49 = tpu.memref_slice %arg11[%add3A_35, %dma_start3A_48] : memref<20096x16xf32, #tpu.memory_space<vmem_shared>> -> memref<104x16xf32, #tpu.memory_space<vmem_shared>>
        %dma_start3A_50 = arith.constant 0 : i32
        %dma_start3A_51 = arith.constant 0 : i32
        %dma_start3A_52 = tpu.memref_slice %arg18[%dma_start3A_50, %dma_start3A_51] : memref<128x16xf32, #tpu.memory_space<vmem>> -> memref<104x16xf32, #tpu.memory_space<vmem>>
        %dma_start3A_53 = arith.constant 0 : i32
        %dma_start3A_54 = tpu.memref_slice %arg11[%add3A_35, %dma_start3A_53] : memref<20096x16xf32, #tpu.memory_space<vmem_shared>> -> memref<104x16xf32, #tpu.memory_space<vmem_shared>>
        tpu.enqueue_dma source(%dma_start3A_54 : memref<104x16xf32, #tpu.memory_space<vmem_shared>>) target(%dma_start3A_52 : memref<104x16xf32, #tpu.memory_space<vmem>>) target_semaphore(%run_scoped3A : memref<!tpu.dma_semaphore, #tpu.memory_space<semaphore_mem>>)
        %dma_wait3A = arith.constant 0 : i32
        %dma_wait3A_55 = arith.constant 0 : i32
        %dma_wait3A_56 = tpu.memref_slice %arg18[%dma_wait3A, %dma_wait3A_55] : memref<128x16xf32, #tpu.memory_space<vmem>> -> memref<104x16xf32, #tpu.memory_space<vmem>>
        %dma_wait3A_57 = arith.constant 0 : i32
        %dma_wait3A_58 = tpu.memref_slice %arg11[%add3A_35, %dma_wait3A_57] : memref<20096x16xf32, #tpu.memory_space<vmem_shared>> -> memref<104x16xf32, #tpu.memory_space<vmem_shared>>
        %dma_wait3A_59 = arith.constant 0 : i32
        %dma_wait3A_60 = arith.constant 0 : i32
        %dma_wait3A_61 = tpu.memref_slice %arg18[%dma_wait3A_59, %dma_wait3A_60] : memref<128x16xf32, #tpu.memory_space<vmem>> -> memref<104x16xf32, #tpu.memory_space<vmem>>
        %dma_wait3A_62 = arith.constant 0 : i32
        %dma_wait3A_63 = tpu.memref_slice %arg11[%add3A_35, %dma_wait3A_62] : memref<20096x16xf32, #tpu.memory_space<vmem_shared>> -> memref<104x16xf32, #tpu.memory_space<vmem_shared>>
        tpu.wait_dma2 semaphore(%run_scoped3A : memref<!tpu.dma_semaphore, #tpu.memory_space<semaphore_mem>>) src(%dma_wait3A_63 : memref<104x16xf32, #tpu.memory_space<vmem_shared>>) dst(%dma_wait3A_61 : memref<104x16xf32, #tpu.memory_space<vmem>>)
        tpu.yield
      }) : () -> ()
      "tpu.region"() ({
        %run_scoped3A = tpu.sem_alloc : memref<!tpu.dma_semaphore, #tpu.memory_space<semaphore_mem>>
        %dma_start3A = arith.constant 0 : i32
        %dma_start3A_46 = arith.constant 0 : i32
        %dma_start3A_47 = tpu.memref_slice %arg18[%dma_start3A, %dma_start3A_46] : memref<128x16xf32, #tpu.memory_space<vmem>> -> memref<104x16xf32, #tpu.memory_space<vmem>>
        %dma_start3A_48 = arith.constant 0 : i32
        %dma_start3A_49 = tpu.memref_slice %arg9[%add3A_35, %dma_start3A_48] : memref<20096x16xf32, #tpu.memory_space<hbm>> -> memref<104x16xf32, #tpu.memory_space<hbm>>
        %dma_start3A_50 = arith.constant 0 : i32
        %dma_start3A_51 = tpu.memref_slice %arg9[%add3A_35, %dma_start3A_50] : memref<20096x16xf32, #tpu.memory_space<hbm>> -> memref<104x16xf32, #tpu.memory_space<hbm>>
        %dma_start3A_52 = arith.constant 0 : i32
        %dma_start3A_53 = arith.constant 0 : i32
        %dma_start3A_54 = tpu.memref_slice %arg18[%dma_start3A_52, %dma_start3A_53] : memref<128x16xf32, #tpu.memory_space<vmem>> -> memref<104x16xf32, #tpu.memory_space<vmem>>
        tpu.enqueue_dma source(%dma_start3A_54 : memref<104x16xf32, #tpu.memory_space<vmem>>) target(%dma_start3A_51 : memref<104x16xf32, #tpu.memory_space<hbm>>) target_semaphore(%run_scoped3A : memref<!tpu.dma_semaphore, #tpu.memory_space<semaphore_mem>>)
        %dma_wait3A = arith.constant 0 : i32
        %dma_wait3A_55 = arith.constant 0 : i32
        %dma_wait3A_56 = tpu.memref_slice %arg18[%dma_wait3A, %dma_wait3A_55] : memref<128x16xf32, #tpu.memory_space<vmem>> -> memref<104x16xf32, #tpu.memory_space<vmem>>
        %dma_wait3A_57 = arith.constant 0 : i32
        %dma_wait3A_58 = tpu.memref_slice %arg9[%add3A_35, %dma_wait3A_57] : memref<20096x16xf32, #tpu.memory_space<hbm>> -> memref<104x16xf32, #tpu.memory_space<hbm>>
        %dma_wait3A_59 = arith.constant 0 : i32
        %dma_wait3A_60 = tpu.memref_slice %arg9[%add3A_35, %dma_wait3A_59] : memref<20096x16xf32, #tpu.memory_space<hbm>> -> memref<104x16xf32, #tpu.memory_space<hbm>>
        %dma_wait3A_61 = arith.constant 0 : i32
        %dma_wait3A_62 = arith.constant 0 : i32
        %dma_wait3A_63 = tpu.memref_slice %arg18[%dma_wait3A_61, %dma_wait3A_62] : memref<128x16xf32, #tpu.memory_space<vmem>> -> memref<104x16xf32, #tpu.memory_space<vmem>>
        tpu.wait_dma2 semaphore(%run_scoped3A : memref<!tpu.dma_semaphore, #tpu.memory_space<semaphore_mem>>) src(%dma_wait3A_63 : memref<104x16xf32, #tpu.memory_space<vmem>>) dst(%dma_wait3A_60 : memref<104x16xf32, #tpu.memory_space<hbm>>)
        tpu.yield
      }) : () -> ()
    } else {
    }
    %eq3A_41 = arith.constant 1 : i32
    %eq3A_42 = arith.cmpi eq, %arg0, %eq3A_41 : i32
    %convert_element_type3A_43 = arith.extui %eq3A_42 : i1 to i32
    %cond3A_44 = arith.constant 0 : i32
    %cond3A_45 = arith.cmpi ne, %convert_element_type3A_43, %cond3A_44 : i32
    scf.if %cond3A_45 {
      "tpu.region"() ({
        %run_scoped3A = tpu.sem_alloc : memref<!tpu.dma_semaphore, #tpu.memory_space<semaphore_mem>>
        %dma_start3A = arith.constant 0 : i32
        %dma_start3A_46 = arith.constant 0 : i32
        %dma_start3A_47 = tpu.memref_slice %arg19[%dma_start3A, %dma_start3A_46] : memref<128x64xf32, #tpu.memory_space<vmem>> -> memref<104x64xf32, #tpu.memory_space<vmem>>
        %dma_start3A_48 = arith.constant 0 : i32
        %dma_start3A_49 = tpu.memref_slice %arg8[%add3A_35, %dma_start3A_48] : memref<20096x64xf32, #tpu.memory_space<hbm>> -> memref<104x64xf32, #tpu.memory_space<hbm>>
        %dma_start3A_50 = arith.constant 0 : i32
        %dma_start3A_51 = tpu.memref_slice %arg8[%add3A_35, %dma_start3A_50] : memref<20096x64xf32, #tpu.memory_space<hbm>> -> memref<104x64xf32, #tpu.memory_space<hbm>>
        %dma_start3A_52 = arith.constant 0 : i32
        %dma_start3A_53 = arith.constant 0 : i32
        %dma_start3A_54 = tpu.memref_slice %arg19[%dma_start3A_52, %dma_start3A_53] : memref<128x64xf32, #tpu.memory_space<vmem>> -> memref<104x64xf32, #tpu.memory_space<vmem>>
        tpu.enqueue_dma source(%dma_start3A_54 : memref<104x64xf32, #tpu.memory_space<vmem>>) target(%dma_start3A_51 : memref<104x64xf32, #tpu.memory_space<hbm>>) target_semaphore(%run_scoped3A : memref<!tpu.dma_semaphore, #tpu.memory_space<semaphore_mem>>)
        %dma_wait3A = arith.constant 0 : i32
        %dma_wait3A_55 = arith.constant 0 : i32
        %dma_wait3A_56 = tpu.memref_slice %arg19[%dma_wait3A, %dma_wait3A_55] : memref<128x64xf32, #tpu.memory_space<vmem>> -> memref<104x64xf32, #tpu.memory_space<vmem>>
        %dma_wait3A_57 = arith.constant 0 : i32
        %dma_wait3A_58 = tpu.memref_slice %arg8[%add3A_35, %dma_wait3A_57] : memref<20096x64xf32, #tpu.memory_space<hbm>> -> memref<104x64xf32, #tpu.memory_space<hbm>>
        %dma_wait3A_59 = arith.constant 0 : i32
        %dma_wait3A_60 = tpu.memref_slice %arg8[%add3A_35, %dma_wait3A_59] : memref<20096x64xf32, #tpu.memory_space<hbm>> -> memref<104x64xf32, #tpu.memory_space<hbm>>
        %dma_wait3A_61 = arith.constant 0 : i32
        %dma_wait3A_62 = arith.constant 0 : i32
        %dma_wait3A_63 = tpu.memref_slice %arg19[%dma_wait3A_61, %dma_wait3A_62] : memref<128x64xf32, #tpu.memory_space<vmem>> -> memref<104x64xf32, #tpu.memory_space<vmem>>
        tpu.wait_dma2 semaphore(%run_scoped3A : memref<!tpu.dma_semaphore, #tpu.memory_space<semaphore_mem>>) src(%dma_wait3A_63 : memref<104x64xf32, #tpu.memory_space<vmem>>) dst(%dma_wait3A_60 : memref<104x64xf32, #tpu.memory_space<hbm>>)
        tpu.yield
      }) : () -> ()
    } else {
    }
    return
  }
}

#map = affine_map<(d0, d1) -> (0, 0)>
module attributes {stable_mosaic.version = 14 : i64} {
  func.func @_edge_body(%arg0: i32, %arg1: i32, %arg2: memref<3x64000xi32, #tpu.memory_space<hbm>>, %arg3: memref<20000x64xf32, #tpu.memory_space<hbm>>, %arg4: memref<20000x64xf32, #tpu.memory_space<hbm>>, %arg5: memref<20000x16xf32, #tpu.memory_space<hbm>>, %arg6: memref<20000x16xf32, #tpu.memory_space<hbm>>, %arg7: memref<10112x64xf32, #tpu.memory_space<hbm>>, %arg8: memref<10112x64xf32, #tpu.memory_space<hbm>>, %arg9: memref<10112x16xf32, #tpu.memory_space<hbm>>, %arg10: memref<10112x64xf32, #tpu.memory_space<vmem_shared>>, %arg11: memref<10112x16xf32, #tpu.memory_space<vmem_shared>>, %arg12: memref<3x80xi32, #tpu.memory_space<vmem>>, %arg13: memref<80xi32, #tpu.memory_space<vmem>>, %arg14: memref<80xi32, #tpu.memory_space<vmem>>, %arg15: memref<80xi32, #tpu.memory_space<vmem>>, %arg16: memref<80x16xf32, #tpu.memory_space<vmem>>, %arg17: memref<80x16xf32, #tpu.memory_space<vmem>>, %arg18: memref<80x16xf32, #tpu.memory_space<vmem>>, %arg19: memref<80x64xf32, #tpu.memory_space<vmem>>, %arg20: memref<!tpu.dma_semaphore, #tpu.memory_space<semaphore_mem>>, %arg21: memref<!tpu.dma_semaphore, #tpu.memory_space<semaphore_mem>>) attributes {dimension_semantics = [#tpu.dimension_semantics<core_parallel>, #tpu.dimension_semantics<subcore_parallel>], iteration_bounds = array<i64: 2, 16>, scalar_prefetch = 0 : i64, scratch_operands = 12 : i64, tpu.core_type = #tpu.core_type<sc_vector_subcore>, window_params = [{transform_indices = #map}, {transform_indices = #map}, {transform_indices = #map}, {transform_indices = #map}, {transform_indices = #map}, {transform_indices = #map}, {transform_indices = #map}, {transform_indices = #map}]} {
    %mul3A = arith.constant 632 : i32
    %mul3A_0 = arith.muli %arg1, %mul3A : i32
    %mul3A_1 = arith.constant 4000 : i32
    %mul3A_2 = arith.muli %arg1, %mul3A_1 : i32
    %scan3A = arith.constant 0 : i32
    %scan3A_3 = arith.constant 0 : i32
    %scan3A_4 = arith.constant 80 : i32
    %scan3A_5 = arith.addi %scan3A_3, %scan3A_4 : i32
    %scan3A_6 = arith.constant 1 : i32
    %scan3A_7 = scf.for %scan3A_46 = %scan3A_3 to %scan3A_5 step %scan3A_6 iter_args(%scan3A_47 = %scan3A) -> (i32)  : i32 {
      %broadcast_in_dim3A = arith.constant 0.000000e+00 : f32
      %broadcast_in_dim3A_48 = vector.broadcast %broadcast_in_dim3A : f32 to vector<16xf32>
      %swap3A = arith.index_cast %scan3A_46 : i32 to index
      %swap3A_49 = arith.constant 0 : index
      %swap3A_50 = tpu.vector_load %arg19[%swap3A, %swap3A_49] {strides = array<i32>} : memref<80x64xf32, #tpu.memory_space<vmem>>, vector<1x16xf32>,
      %swap3A_51 = vector.shape_cast %swap3A_50 : vector<1x16xf32> to vector<16xf32>
      %swap3A_52 = vector.shape_cast %broadcast_in_dim3A_48 : vector<16xf32> to vector<1x16xf32>
      tpu.vector_store %arg19[%swap3A, %swap3A_49], %swap3A_52 {strides = array<i32>} : memref<80x64xf32, #tpu.memory_space<vmem>>, vector<1x16xf32>,
      %broadcast_in_dim3A_53 = arith.constant 0.000000e+00 : f32
      %broadcast_in_dim3A_54 = vector.broadcast %broadcast_in_dim3A_53 : f32 to vector<16xf32>
      %swap3A_55 = arith.index_cast %scan3A_46 : i32 to index
      %swap3A_56 = arith.constant 16 : index
      %swap3A_57 = tpu.vector_load %arg19[%swap3A_55, %swap3A_56] {strides = array<i32>} : memref<80x64xf32, #tpu.memory_space<vmem>>, vector<1x16xf32>,
      %swap3A_58 = vector.shape_cast %swap3A_57 : vector<1x16xf32> to vector<16xf32>
      %swap3A_59 = vector.shape_cast %broadcast_in_dim3A_54 : vector<16xf32> to vector<1x16xf32>
      tpu.vector_store %arg19[%swap3A_55, %swap3A_56], %swap3A_59 {strides = array<i32>} : memref<80x64xf32, #tpu.memory_space<vmem>>, vector<1x16xf32>,
      %broadcast_in_dim3A_60 = arith.constant 0.000000e+00 : f32
      %broadcast_in_dim3A_61 = vector.broadcast %broadcast_in_dim3A_60 : f32 to vector<16xf32>
      %swap3A_62 = arith.index_cast %scan3A_46 : i32 to index
      %swap3A_63 = arith.constant 32 : index
      %swap3A_64 = tpu.vector_load %arg19[%swap3A_62, %swap3A_63] {strides = array<i32>} : memref<80x64xf32, #tpu.memory_space<vmem>>, vector<1x16xf32>,
      %swap3A_65 = vector.shape_cast %swap3A_64 : vector<1x16xf32> to vector<16xf32>
      %swap3A_66 = vector.shape_cast %broadcast_in_dim3A_61 : vector<16xf32> to vector<1x16xf32>
      tpu.vector_store %arg19[%swap3A_62, %swap3A_63], %swap3A_66 {strides = array<i32>} : memref<80x64xf32, #tpu.memory_space<vmem>>, vector<1x16xf32>,
      %broadcast_in_dim3A_67 = arith.constant 0.000000e+00 : f32
      %broadcast_in_dim3A_68 = vector.broadcast %broadcast_in_dim3A_67 : f32 to vector<16xf32>
      %swap3A_69 = arith.index_cast %scan3A_46 : i32 to index
      %swap3A_70 = arith.constant 48 : index
      %swap3A_71 = tpu.vector_load %arg19[%swap3A_69, %swap3A_70] {strides = array<i32>} : memref<80x64xf32, #tpu.memory_space<vmem>>, vector<1x16xf32>,
      %swap3A_72 = vector.shape_cast %swap3A_71 : vector<1x16xf32> to vector<16xf32>
      %swap3A_73 = vector.shape_cast %broadcast_in_dim3A_68 : vector<16xf32> to vector<1x16xf32>
      tpu.vector_store %arg19[%swap3A_69, %swap3A_70], %swap3A_73 {strides = array<i32>} : memref<80x64xf32, #tpu.memory_space<vmem>>, vector<1x16xf32>,
      %broadcast_in_dim3A_74 = arith.constant 0.000000e+00 : f32
      %broadcast_in_dim3A_75 = vector.broadcast %broadcast_in_dim3A_74 : f32 to vector<16xf32>
      %swap3A_76 = arith.index_cast %scan3A_46 : i32 to index
      %swap3A_77 = arith.constant 0 : index
      %swap3A_78 = tpu.vector_load %arg18[%swap3A_76, %swap3A_77] {strides = array<i32>} : memref<80x16xf32, #tpu.memory_space<vmem>>, vector<1x16xf32>,
      %swap3A_79 = vector.shape_cast %swap3A_78 : vector<1x16xf32> to vector<16xf32>
      %swap3A_80 = vector.shape_cast %broadcast_in_dim3A_75 : vector<16xf32> to vector<1x16xf32>
      tpu.vector_store %arg18[%swap3A_76, %swap3A_77], %swap3A_80 {strides = array<i32>} : memref<80x16xf32, #tpu.memory_space<vmem>>, vector<1x16xf32>,
      %scan3A_81 = arith.constant 0 : i32
      scf.yield %scan3A_81 : i32
    }
    %scan3A_8 = arith.constant 80 : i32
    %scan3A_9 = arith.constant 0 : i32
    %scan3A_10 = arith.constant 0 : i32
    %scan3A_11 = arith.constant 7 : i32
    %scan3A_12 = arith.addi %scan3A_10, %scan3A_11 : i32
    %scan3A_13 = arith.constant 1 : i32
    %scan3A_14 = scf.for %scan3A_46 = %scan3A_10 to %scan3A_12 step %scan3A_13 iter_args(%scan3A_47 = %scan3A_9) -> (i32)  : i32 {
      %mul3A_48 = arith.constant 80 : i32
      %mul3A_49 = arith.muli %scan3A_46, %mul3A_48 : i32
      %add3A_50 = arith.addi %mul3A_0, %mul3A_49 : i32
      "tpu.region"() ({
        %run_scoped3A = tpu.sem_alloc : memref<!tpu.dma_semaphore, #tpu.memory_space<semaphore_mem>>
        %dma_start3A = arith.constant 0 : i32
        %dma_start3A_52 = arith.constant 0 : i32
        %dma_start3A_53 = tpu.memref_slice %arg19[%dma_start3A, %dma_start3A_52] : memref<80x64xf32, #tpu.memory_space<vmem>> -> memref<80x64xf32, #tpu.memory_space<vmem>>
        %dma_start3A_54 = arith.constant 0 : i32
        %dma_start3A_55 = tpu.memref_slice %arg10[%add3A_50, %dma_start3A_54] : memref<10112x64xf32, #tpu.memory_space<vmem_shared>> -> memref<80x64xf32, #tpu.memory_space<vmem_shared>>
        %dma_start3A_56 = arith.constant 0 : i32
        %dma_start3A_57 = tpu.memref_slice %arg10[%add3A_50, %dma_start3A_56] : memref<10112x64xf32, #tpu.memory_space<vmem_shared>> -> memref<80x64xf32, #tpu.memory_space<vmem_shared>>
        %dma_start3A_58 = arith.constant 0 : i32
        %dma_start3A_59 = arith.constant 0 : i32
        %dma_start3A_60 = tpu.memref_slice %arg19[%dma_start3A_58, %dma_start3A_59] : memref<80x64xf32, #tpu.memory_space<vmem>> -> memref<80x64xf32, #tpu.memory_space<vmem>>
        tpu.enqueue_dma source(%dma_start3A_60 : memref<80x64xf32, #tpu.memory_space<vmem>>) target(%dma_start3A_57 : memref<80x64xf32, #tpu.memory_space<vmem_shared>>) target_semaphore(%run_scoped3A : memref<!tpu.dma_semaphore, #tpu.memory_space<semaphore_mem>>)
        %dma_wait3A = arith.constant 0 : i32
        %dma_wait3A_61 = arith.constant 0 : i32
        %dma_wait3A_62 = tpu.memref_slice %arg19[%dma_wait3A, %dma_wait3A_61] : memref<80x64xf32, #tpu.memory_space<vmem>> -> memref<80x64xf32, #tpu.memory_space<vmem>>
        %dma_wait3A_63 = arith.constant 0 : i32
        %dma_wait3A_64 = tpu.memref_slice %arg10[%add3A_50, %dma_wait3A_63] : memref<10112x64xf32, #tpu.memory_space<vmem_shared>> -> memref<80x64xf32, #tpu.memory_space<vmem_shared>>
        %dma_wait3A_65 = arith.constant 0 : i32
        %dma_wait3A_66 = tpu.memref_slice %arg10[%add3A_50, %dma_wait3A_65] : memref<10112x64xf32, #tpu.memory_space<vmem_shared>> -> memref<80x64xf32, #tpu.memory_space<vmem_shared>>
        %dma_wait3A_67 = arith.constant 0 : i32
        %dma_wait3A_68 = arith.constant 0 : i32
        %dma_wait3A_69 = tpu.memref_slice %arg19[%dma_wait3A_67, %dma_wait3A_68] : memref<80x64xf32, #tpu.memory_space<vmem>> -> memref<80x64xf32, #tpu.memory_space<vmem>>
        tpu.wait_dma2 semaphore(%run_scoped3A : memref<!tpu.dma_semaphore, #tpu.memory_space<semaphore_mem>>) src(%dma_wait3A_69 : memref<80x64xf32, #tpu.memory_space<vmem>>) dst(%dma_wait3A_66 : memref<80x64xf32, #tpu.memory_space<vmem_shared>>)
        tpu.yield
      }) : () -> ()
      %scan3A_51 = arith.constant 0 : i32
      scf.yield %scan3A_51 : i32
    }
    %scan3A_15 = arith.constant 7 : i32
    %add3A = arith.constant 560 : i32
    %add3A_16 = arith.addi %mul3A_0, %add3A : i32
    "tpu.region"() ({
      %run_scoped3A = tpu.sem_alloc : memref<!tpu.dma_semaphore, #tpu.memory_space<semaphore_mem>>
      %dma_start3A = arith.constant 0 : i32
      %dma_start3A_46 = arith.constant 0 : i32
      %dma_start3A_47 = tpu.memref_slice %arg19[%dma_start3A, %dma_start3A_46] : memref<80x64xf32, #tpu.memory_space<vmem>> -> memref<72x64xf32, #tpu.memory_space<vmem>>
      %dma_start3A_48 = arith.constant 0 : i32
      %dma_start3A_49 = tpu.memref_slice %arg10[%add3A_16, %dma_start3A_48] : memref<10112x64xf32, #tpu.memory_space<vmem_shared>> -> memref<72x64xf32, #tpu.memory_space<vmem_shared>>
      %dma_start3A_50 = arith.constant 0 : i32
      %dma_start3A_51 = tpu.memref_slice %arg10[%add3A_16, %dma_start3A_50] : memref<10112x64xf32, #tpu.memory_space<vmem_shared>> -> memref<72x64xf32, #tpu.memory_space<vmem_shared>>
      %dma_start3A_52 = arith.constant 0 : i32
      %dma_start3A_53 = arith.constant 0 : i32
      %dma_start3A_54 = tpu.memref_slice %arg19[%dma_start3A_52, %dma_start3A_53] : memref<80x64xf32, #tpu.memory_space<vmem>> -> memref<72x64xf32, #tpu.memory_space<vmem>>
      tpu.enqueue_dma source(%dma_start3A_54 : memref<72x64xf32, #tpu.memory_space<vmem>>) target(%dma_start3A_51 : memref<72x64xf32, #tpu.memory_space<vmem_shared>>) target_semaphore(%run_scoped3A : memref<!tpu.dma_semaphore, #tpu.memory_space<semaphore_mem>>)
      %dma_wait3A = arith.constant 0 : i32
      %dma_wait3A_55 = arith.constant 0 : i32
      %dma_wait3A_56 = tpu.memref_slice %arg19[%dma_wait3A, %dma_wait3A_55] : memref<80x64xf32, #tpu.memory_space<vmem>> -> memref<72x64xf32, #tpu.memory_space<vmem>>
      %dma_wait3A_57 = arith.constant 0 : i32
      %dma_wait3A_58 = tpu.memref_slice %arg10[%add3A_16, %dma_wait3A_57] : memref<10112x64xf32, #tpu.memory_space<vmem_shared>> -> memref<72x64xf32, #tpu.memory_space<vmem_shared>>
      %dma_wait3A_59 = arith.constant 0 : i32
      %dma_wait3A_60 = tpu.memref_slice %arg10[%add3A_16, %dma_wait3A_59] : memref<10112x64xf32, #tpu.memory_space<vmem_shared>> -> memref<72x64xf32, #tpu.memory_space<vmem_shared>>
      %dma_wait3A_61 = arith.constant 0 : i32
      %dma_wait3A_62 = arith.constant 0 : i32
      %dma_wait3A_63 = tpu.memref_slice %arg19[%dma_wait3A_61, %dma_wait3A_62] : memref<80x64xf32, #tpu.memory_space<vmem>> -> memref<72x64xf32, #tpu.memory_space<vmem>>
      tpu.wait_dma2 semaphore(%run_scoped3A : memref<!tpu.dma_semaphore, #tpu.memory_space<semaphore_mem>>) src(%dma_wait3A_63 : memref<72x64xf32, #tpu.memory_space<vmem>>) dst(%dma_wait3A_60 : memref<72x64xf32, #tpu.memory_space<vmem_shared>>)
      tpu.yield
    }) : () -> ()
    %eq3A = arith.constant 0 : i32
    %eq3A_17 = arith.cmpi eq, %arg0, %eq3A : i32
    %convert_element_type3A = arith.extui %eq3A_17 : i1 to i32
    %cond3A = arith.constant 0 : i32
    %cond3A_18 = arith.cmpi ne, %convert_element_type3A, %cond3A : i32
    scf.if %cond3A_18 {
      %scan3A_46 = arith.constant 0 : i32
      %scan3A_47 = arith.constant 0 : i32
      %scan3A_48 = arith.constant 7 : i32
      %scan3A_49 = arith.addi %scan3A_47, %scan3A_48 : i32
      %scan3A_50 = arith.constant 1 : i32
      %scan3A_51 = scf.for %scan3A_55 = %scan3A_47 to %scan3A_49 step %scan3A_50 iter_args(%scan3A_56 = %scan3A_46) -> (i32)  : i32 {
        %mul3A_57 = arith.constant 80 : i32
        %mul3A_58 = arith.muli %scan3A_55, %mul3A_57 : i32
        %add3A_59 = arith.addi %mul3A_0, %mul3A_58 : i32
        "tpu.region"() ({
          %run_scoped3A = tpu.sem_alloc : memref<!tpu.dma_semaphore, #tpu.memory_space<semaphore_mem>>
          %dma_start3A = arith.constant 0 : i32
          %dma_start3A_61 = arith.constant 0 : i32
          %dma_start3A_62 = tpu.memref_slice %arg18[%dma_start3A, %dma_start3A_61] : memref<80x16xf32, #tpu.memory_space<vmem>> -> memref<80x16xf32, #tpu.memory_space<vmem>>
          %dma_start3A_63 = arith.constant 0 : i32
          %dma_start3A_64 = tpu.memref_slice %arg11[%add3A_59, %dma_start3A_63] : memref<10112x16xf32, #tpu.memory_space<vmem_shared>> -> memref<80x16xf32, #tpu.memory_space<vmem_shared>>
          %dma_start3A_65 = arith.constant 0 : i32
          %dma_start3A_66 = tpu.memref_slice %arg11[%add3A_59, %dma_start3A_65] : memref<10112x16xf32, #tpu.memory_space<vmem_shared>> -> memref<80x16xf32, #tpu.memory_space<vmem_shared>>
          %dma_start3A_67 = arith.constant 0 : i32
          %dma_start3A_68 = arith.constant 0 : i32
          %dma_start3A_69 = tpu.memref_slice %arg18[%dma_start3A_67, %dma_start3A_68] : memref<80x16xf32, #tpu.memory_space<vmem>> -> memref<80x16xf32, #tpu.memory_space<vmem>>
          tpu.enqueue_dma source(%dma_start3A_69 : memref<80x16xf32, #tpu.memory_space<vmem>>) target(%dma_start3A_66 : memref<80x16xf32, #tpu.memory_space<vmem_shared>>) target_semaphore(%run_scoped3A : memref<!tpu.dma_semaphore, #tpu.memory_space<semaphore_mem>>)
          %dma_wait3A = arith.constant 0 : i32
          %dma_wait3A_70 = arith.constant 0 : i32
          %dma_wait3A_71 = tpu.memref_slice %arg18[%dma_wait3A, %dma_wait3A_70] : memref<80x16xf32, #tpu.memory_space<vmem>> -> memref<80x16xf32, #tpu.memory_space<vmem>>
          %dma_wait3A_72 = arith.constant 0 : i32
          %dma_wait3A_73 = tpu.memref_slice %arg11[%add3A_59, %dma_wait3A_72] : memref<10112x16xf32, #tpu.memory_space<vmem_shared>> -> memref<80x16xf32, #tpu.memory_space<vmem_shared>>
          %dma_wait3A_74 = arith.constant 0 : i32
          %dma_wait3A_75 = tpu.memref_slice %arg11[%add3A_59, %dma_wait3A_74] : memref<10112x16xf32, #tpu.memory_space<vmem_shared>> -> memref<80x16xf32, #tpu.memory_space<vmem_shared>>
          %dma_wait3A_76 = arith.constant 0 : i32
          %dma_wait3A_77 = arith.constant 0 : i32
          %dma_wait3A_78 = tpu.memref_slice %arg18[%dma_wait3A_76, %dma_wait3A_77] : memref<80x16xf32, #tpu.memory_space<vmem>> -> memref<80x16xf32, #tpu.memory_space<vmem>>
          tpu.wait_dma2 semaphore(%run_scoped3A : memref<!tpu.dma_semaphore, #tpu.memory_space<semaphore_mem>>) src(%dma_wait3A_78 : memref<80x16xf32, #tpu.memory_space<vmem>>) dst(%dma_wait3A_75 : memref<80x16xf32, #tpu.memory_space<vmem_shared>>)
          tpu.yield
        }) : () -> ()
        %scan3A_60 = arith.constant 0 : i32
        scf.yield %scan3A_60 : i32
      }
      %scan3A_52 = arith.constant 7 : i32
      %add3A_53 = arith.constant 560 : i32
      %add3A_54 = arith.addi %mul3A_0, %add3A_53 : i32
      "tpu.region"() ({
        %run_scoped3A = tpu.sem_alloc : memref<!tpu.dma_semaphore, #tpu.memory_space<semaphore_mem>>
        %dma_start3A = arith.constant 0 : i32
        %dma_start3A_55 = arith.constant 0 : i32
        %dma_start3A_56 = tpu.memref_slice %arg18[%dma_start3A, %dma_start3A_55] : memref<80x16xf32, #tpu.memory_space<vmem>> -> memref<72x16xf32, #tpu.memory_space<vmem>>
        %dma_start3A_57 = arith.constant 0 : i32
        %dma_start3A_58 = tpu.memref_slice %arg11[%add3A_54, %dma_start3A_57] : memref<10112x16xf32, #tpu.memory_space<vmem_shared>> -> memref<72x16xf32, #tpu.memory_space<vmem_shared>>
        %dma_start3A_59 = arith.constant 0 : i32
        %dma_start3A_60 = tpu.memref_slice %arg11[%add3A_54, %dma_start3A_59] : memref<10112x16xf32, #tpu.memory_space<vmem_shared>> -> memref<72x16xf32, #tpu.memory_space<vmem_shared>>
        %dma_start3A_61 = arith.constant 0 : i32
        %dma_start3A_62 = arith.constant 0 : i32
        %dma_start3A_63 = tpu.memref_slice %arg18[%dma_start3A_61, %dma_start3A_62] : memref<80x16xf32, #tpu.memory_space<vmem>> -> memref<72x16xf32, #tpu.memory_space<vmem>>
        tpu.enqueue_dma source(%dma_start3A_63 : memref<72x16xf32, #tpu.memory_space<vmem>>) target(%dma_start3A_60 : memref<72x16xf32, #tpu.memory_space<vmem_shared>>) target_semaphore(%run_scoped3A : memref<!tpu.dma_semaphore, #tpu.memory_space<semaphore_mem>>)
        %dma_wait3A = arith.constant 0 : i32
        %dma_wait3A_64 = arith.constant 0 : i32
        %dma_wait3A_65 = tpu.memref_slice %arg18[%dma_wait3A, %dma_wait3A_64] : memref<80x16xf32, #tpu.memory_space<vmem>> -> memref<72x16xf32, #tpu.memory_space<vmem>>
        %dma_wait3A_66 = arith.constant 0 : i32
        %dma_wait3A_67 = tpu.memref_slice %arg11[%add3A_54, %dma_wait3A_66] : memref<10112x16xf32, #tpu.memory_space<vmem_shared>> -> memref<72x16xf32, #tpu.memory_space<vmem_shared>>
        %dma_wait3A_68 = arith.constant 0 : i32
        %dma_wait3A_69 = tpu.memref_slice %arg11[%add3A_54, %dma_wait3A_68] : memref<10112x16xf32, #tpu.memory_space<vmem_shared>> -> memref<72x16xf32, #tpu.memory_space<vmem_shared>>
        %dma_wait3A_70 = arith.constant 0 : i32
        %dma_wait3A_71 = arith.constant 0 : i32
        %dma_wait3A_72 = tpu.memref_slice %arg18[%dma_wait3A_70, %dma_wait3A_71] : memref<80x16xf32, #tpu.memory_space<vmem>> -> memref<72x16xf32, #tpu.memory_space<vmem>>
        tpu.wait_dma2 semaphore(%run_scoped3A : memref<!tpu.dma_semaphore, #tpu.memory_space<semaphore_mem>>) src(%dma_wait3A_72 : memref<72x16xf32, #tpu.memory_space<vmem>>) dst(%dma_wait3A_69 : memref<72x16xf32, #tpu.memory_space<vmem_shared>>)
        tpu.yield
      }) : () -> ()
    } else {
    }
    %barrier3A = arith.constant 0 : index
    tpu.barrier barrier_id(%barrier3A)
    %scan3A_19 = arith.constant 0 : i32
    %scan3A_20 = arith.constant 0 : i32
    %scan3A_21 = arith.constant 50 : i32
    %scan3A_22 = arith.addi %scan3A_20, %scan3A_21 : i32
    %scan3A_23 = arith.constant 1 : i32
    %scan3A_24 = scf.for %scan3A_46 = %scan3A_20 to %scan3A_22 step %scan3A_23 iter_args(%scan3A_47 = %scan3A_19) -> (i32)  : i32 {
      %mul3A_48 = arith.constant 80 : i32
      %mul3A_49 = arith.muli %scan3A_46, %mul3A_48 : i32
      %add3A_50 = arith.addi %mul3A_2, %mul3A_49 : i32
      "tpu.region"() ({
        %run_scoped3A = tpu.sem_alloc : memref<!tpu.dma_semaphore, #tpu.memory_space<semaphore_mem>>
        %dma_start3A_110 = arith.constant 0 : i32
        %dma_start3A_111 = tpu.memref_slice %arg2[%dma_start3A_110, %add3A_50] : memref<3x64000xi32, #tpu.memory_space<hbm>> -> memref<3x80xi32, #tpu.memory_space<hbm>>
        %dma_start3A_112 = arith.constant 0 : i32
        %dma_start3A_113 = tpu.memref_slice %arg2[%dma_start3A_112, %add3A_50] : memref<3x64000xi32, #tpu.memory_space<hbm>> -> memref<3x80xi32, #tpu.memory_space<hbm>>
        tpu.enqueue_dma source(%dma_start3A_113 : memref<3x80xi32, #tpu.memory_space<hbm>>) target(%arg12 : memref<3x80xi32, #tpu.memory_space<vmem>>) target_semaphore(%run_scoped3A : memref<!tpu.dma_semaphore, #tpu.memory_space<semaphore_mem>>)
        %dma_wait3A_114 = arith.constant 0 : i32
        %dma_wait3A_115 = tpu.memref_slice %arg2[%dma_wait3A_114, %add3A_50] : memref<3x64000xi32, #tpu.memory_space<hbm>> -> memref<3x80xi32, #tpu.memory_space<hbm>>
        %dma_wait3A_116 = arith.constant 0 : i32
        %dma_wait3A_117 = tpu.memref_slice %arg2[%dma_wait3A_116, %add3A_50] : memref<3x64000xi32, #tpu.memory_space<hbm>> -> memref<3x80xi32, #tpu.memory_space<hbm>>
        tpu.wait_dma2 semaphore(%run_scoped3A : memref<!tpu.dma_semaphore, #tpu.memory_space<semaphore_mem>>) src(%dma_wait3A_117 : memref<3x80xi32, #tpu.memory_space<hbm>>) dst(%arg12 : memref<3x80xi32, #tpu.memory_space<vmem>>)
        tpu.yield
      }) : () -> ()
      %scan3A_51 = arith.constant 0 : i32
      %scan3A_52 = arith.constant 0 : i32
      %scan3A_53 = arith.constant 5 : i32
      %scan3A_54 = arith.addi %scan3A_52, %scan3A_53 : i32
      %scan3A_55 = arith.constant 1 : i32
      %scan3A_56 = scf.for %scan3A_110 = %scan3A_52 to %scan3A_54 step %scan3A_55 iter_args(%scan3A_111 = %scan3A_51) -> (i32)  : i32 {
        %mul3A_112 = arith.constant 16 : i32
        %mul3A_113 = arith.muli %scan3A_110, %mul3A_112 : i32
        %get3A = arith.constant 0 : i32
        %get3A_114 = arith.index_cast %get3A : i32 to index
        %get3A_115 = arith.index_cast %mul3A_113 : i32 to index
        %get3A_116 = tpu.vector_load %arg12[%get3A_114, %get3A_115] {strides = array<i32>} : memref<3x80xi32, #tpu.memory_space<vmem>>, vector<1x16xi32>,
        %get3A_117 = vector.shape_cast %get3A_116 : vector<1x16xi32> to vector<16xi32>
        %mul3A_118 = arith.constant 16 : i32
        %mul3A_119 = arith.muli %scan3A_110, %mul3A_118 : i32
        %get3A_120 = arith.constant 1 : i32
        %get3A_121 = arith.index_cast %get3A_120 : i32 to index
        %get3A_122 = arith.index_cast %mul3A_119 : i32 to index
        %get3A_123 = tpu.vector_load %arg12[%get3A_121, %get3A_122] {strides = array<i32>} : memref<3x80xi32, #tpu.memory_space<vmem>>, vector<1x16xi32>,
        %get3A_124 = vector.shape_cast %get3A_123 : vector<1x16xi32> to vector<16xi32>
        %mul3A_125 = arith.constant 16 : i32
        %mul3A_126 = arith.muli %scan3A_110, %mul3A_125 : i32
        %get3A_127 = arith.constant 2 : i32
        %get3A_128 = arith.index_cast %get3A_127 : i32 to index
        %get3A_129 = arith.index_cast %mul3A_126 : i32 to index
        %get3A_130 = tpu.vector_load %arg12[%get3A_128, %get3A_129] {strides = array<i32>} : memref<3x80xi32, #tpu.memory_space<vmem>>, vector<1x16xi32>,
        %get3A_131 = vector.shape_cast %get3A_130 : vector<1x16xi32> to vector<16xi32>
        %mul3A_132 = arith.constant 5000 : i32
        %mul3A_133 = vector.broadcast %mul3A_132 : i32 to vector<16xi32>
        %mul3A_134 = arith.muli %get3A_131, %mul3A_133 : vector<16xi32>
        %add3A_135 = arith.addi %mul3A_134, %get3A_117 : vector<16xi32>
        %mul3A_136 = arith.constant 16 : i32
        %mul3A_137 = arith.muli %scan3A_110, %mul3A_136 : i32
        %swap3A = arith.index_cast %mul3A_137 : i32 to index
        %swap3A_138 = tpu.vector_load %arg13[%swap3A] {strides = array<i32>} : memref<80xi32, #tpu.memory_space<vmem>>, vector<16xi32>,
        %swap3A_139 = vector.shape_cast %swap3A_138 : vector<16xi32> to vector<16xi32>
        %swap3A_140 = vector.shape_cast %add3A_135 : vector<16xi32> to vector<16xi32>
        tpu.vector_store %arg13[%swap3A], %swap3A_140 {strides = array<i32>} : memref<80xi32, #tpu.memory_space<vmem>>, vector<16xi32>,
        %mul3A_141 = arith.constant 5000 : i32
        %mul3A_142 = vector.broadcast %mul3A_141 : i32 to vector<16xi32>
        %mul3A_143 = arith.muli %get3A_131, %mul3A_142 : vector<16xi32>
        %add3A_144 = arith.addi %mul3A_143, %get3A_124 : vector<16xi32>
        %mul3A_145 = arith.constant 16 : i32
        %mul3A_146 = arith.muli %scan3A_110, %mul3A_145 : i32
        %swap3A_147 = arith.index_cast %mul3A_146 : i32 to index
        %swap3A_148 = tpu.vector_load %arg14[%swap3A_147] {strides = array<i32>} : memref<80xi32, #tpu.memory_space<vmem>>, vector<16xi32>,
        %swap3A_149 = vector.shape_cast %swap3A_148 : vector<16xi32> to vector<16xi32>
        %swap3A_150 = vector.shape_cast %add3A_144 : vector<16xi32> to vector<16xi32>
        tpu.vector_store %arg14[%swap3A_147], %swap3A_150 {strides = array<i32>} : memref<80xi32, #tpu.memory_space<vmem>>, vector<16xi32>,
        %mul3A_151 = arith.constant 2504 : i32
        %mul3A_152 = vector.broadcast %mul3A_151 : i32 to vector<16xi32>
        %mul3A_153 = arith.muli %get3A_131, %mul3A_152 : vector<16xi32>
        %add3A_154 = arith.addi %mul3A_153, %get3A_124 : vector<16xi32>
        %mul3A_155 = arith.constant 16 : i32
        %mul3A_156 = arith.muli %scan3A_110, %mul3A_155 : i32
        %swap3A_157 = arith.index_cast %mul3A_156 : i32 to index
        %swap3A_158 = tpu.vector_load %arg15[%swap3A_157] {strides = array<i32>} : memref<80xi32, #tpu.memory_space<vmem>>, vector<16xi32>,
        %swap3A_159 = vector.shape_cast %swap3A_158 : vector<16xi32> to vector<16xi32>
        %swap3A_160 = vector.shape_cast %add3A_154 : vector<16xi32> to vector<16xi32>
        tpu.vector_store %arg15[%swap3A_157], %swap3A_160 {strides = array<i32>} : memref<80xi32, #tpu.memory_space<vmem>>, vector<16xi32>,
        %scan3A_161 = arith.constant 0 : i32
        scf.yield %scan3A_161 : i32
      }
      %scan3A_57 = arith.constant 5 : i32
      %dma_start3A = arith.constant 0 : i32
      %dma_start3A_58 = arith.constant 0 : i32
      %dma_start3A_59 = tpu.memref_slice %arg5[%dma_start3A, %dma_start3A_58] : memref<20000x16xf32, #tpu.memory_space<hbm>> -> memref<20000x16xf32, #tpu.memory_space<hbm>>
      tpu.enqueue_indirect_dma source(%dma_start3A_59 : memref<20000x16xf32, #tpu.memory_space<hbm>>) target(%arg16 : memref<80x16xf32, #tpu.memory_space<vmem>>) offsets(%arg13 : memref<80xi32, #tpu.memory_space<vmem>>) semaphore(%arg20 : memref<!tpu.dma_semaphore, #tpu.memory_space<semaphore_mem>>)
      %dma_start3A_60 = arith.constant 0 : i32
      %dma_start3A_61 = arith.constant 0 : i32
      %dma_start3A_62 = tpu.memref_slice %arg6[%dma_start3A_60, %dma_start3A_61] : memref<20000x16xf32, #tpu.memory_space<hbm>> -> memref<20000x16xf32, #tpu.memory_space<hbm>>
      tpu.enqueue_indirect_dma source(%dma_start3A_62 : memref<20000x16xf32, #tpu.memory_space<hbm>>) target(%arg17 : memref<80x16xf32, #tpu.memory_space<vmem>>) offsets(%arg14 : memref<80xi32, #tpu.memory_space<vmem>>) semaphore(%arg20 : memref<!tpu.dma_semaphore, #tpu.memory_space<semaphore_mem>>)
      %eq3A_63 = arith.constant 0 : i32
      %eq3A_64 = arith.cmpi eq, %arg0, %eq3A_63 : i32
      %convert_element_type3A_65 = arith.extui %eq3A_64 : i1 to i32
      %cond3A_66 = arith.constant 0 : i32
      %cond3A_67 = arith.cmpi ne, %convert_element_type3A_65, %cond3A_66 : i32
      scf.if %cond3A_67 {
        %dma_start3A_110 = arith.constant 0 : i32
        %dma_start3A_111 = arith.constant 0 : i32
        %dma_start3A_112 = tpu.memref_slice %arg3[%dma_start3A_110, %dma_start3A_111] : memref<20000x64xf32, #tpu.memory_space<hbm>> -> memref<20000x64xf32, #tpu.memory_space<hbm>>
        tpu.enqueue_indirect_dma source(%dma_start3A_112 : memref<20000x64xf32, #tpu.memory_space<hbm>>) target(%arg19 : memref<80x64xf32, #tpu.memory_space<vmem>>) offsets(%arg13 : memref<80xi32, #tpu.memory_space<vmem>>) semaphore(%arg21 : memref<!tpu.dma_semaphore, #tpu.memory_space<semaphore_mem>>)
      } else {
      }
      %eq3A_68 = arith.constant 1 : i32
      %eq3A_69 = arith.cmpi eq, %arg0, %eq3A_68 : i32
      %convert_element_type3A_70 = arith.extui %eq3A_69 : i1 to i32
      %cond3A_71 = arith.constant 0 : i32
      %cond3A_72 = arith.cmpi ne, %convert_element_type3A_70, %cond3A_71 : i32
      scf.if %cond3A_72 {
        %dma_start3A_110 = arith.constant 0 : i32
        %dma_start3A_111 = arith.constant 0 : i32
        %dma_start3A_112 = tpu.memref_slice %arg4[%dma_start3A_110, %dma_start3A_111] : memref<20000x64xf32, #tpu.memory_space<hbm>> -> memref<20000x64xf32, #tpu.memory_space<hbm>>
        tpu.enqueue_indirect_dma source(%dma_start3A_112 : memref<20000x64xf32, #tpu.memory_space<hbm>>) target(%arg19 : memref<80x64xf32, #tpu.memory_space<vmem>>) offsets(%arg13 : memref<80xi32, #tpu.memory_space<vmem>>) semaphore(%arg21 : memref<!tpu.dma_semaphore, #tpu.memory_space<semaphore_mem>>)
      } else {
      }
      %dma_wait3A = arith.constant 0 : i32
      %dma_wait3A_73 = arith.constant 0 : i32
      %dma_wait3A_74 = tpu.memref_slice %arg5[%dma_wait3A, %dma_wait3A_73] : memref<20000x16xf32, #tpu.memory_space<hbm>> -> memref<20000x16xf32, #tpu.memory_space<hbm>>
      tpu.wait_indirect_dma semaphore(%arg20 : memref<!tpu.dma_semaphore, #tpu.memory_space<semaphore_mem>>) src(%dma_wait3A_74 : memref<20000x16xf32, #tpu.memory_space<hbm>>) dst(%arg16 : memref<80x16xf32, #tpu.memory_space<vmem>>)
      %dma_wait3A_75 = arith.constant 0 : i32
      %dma_wait3A_76 = arith.constant 0 : i32
      %dma_wait3A_77 = tpu.memref_slice %arg6[%dma_wait3A_75, %dma_wait3A_76] : memref<20000x16xf32, #tpu.memory_space<hbm>> -> memref<20000x16xf32, #tpu.memory_space<hbm>>
      tpu.wait_indirect_dma semaphore(%arg20 : memref<!tpu.dma_semaphore, #tpu.memory_space<semaphore_mem>>) src(%dma_wait3A_77 : memref<20000x16xf32, #tpu.memory_space<hbm>>) dst(%arg17 : memref<80x16xf32, #tpu.memory_space<vmem>>)
      %scan3A_78 = arith.constant 0 : i32
      %scan3A_79 = arith.constant 0 : i32
      %scan3A_80 = arith.constant 80 : i32
      %scan3A_81 = arith.addi %scan3A_79, %scan3A_80 : i32
      %scan3A_82 = arith.constant 1 : i32
      %scan3A_83 = scf.for %scan3A_110 = %scan3A_79 to %scan3A_81 step %scan3A_82 iter_args(%scan3A_111 = %scan3A_78) -> (i32)  : i32 {
        %get3A = arith.index_cast %scan3A_110 : i32 to index
        %get3A_112 = arith.constant 0 : index
        %get3A_113 = tpu.vector_load %arg16[%get3A, %get3A_112] {strides = array<i32>} : memref<80x16xf32, #tpu.memory_space<vmem>>, vector<1x16xf32>,
        %get3A_114 = vector.shape_cast %get3A_113 : vector<1x16xf32> to vector<16xf32>
        %get3A_115 = arith.index_cast %scan3A_110 : i32 to index
        %get3A_116 = arith.constant 0 : index
        %get3A_117 = tpu.vector_load %arg17[%get3A_115, %get3A_116] {strides = array<i32>} : memref<80x16xf32, #tpu.memory_space<vmem>>, vector<1x16xf32>,
        %get3A_118 = vector.shape_cast %get3A_117 : vector<1x16xf32> to vector<16xf32>
        %add3A_119 = arith.addf %get3A_114, %get3A_118 : vector<16xf32>
        %gt3A = arith.constant 0.000000e+00 : f32
        %gt3A_120 = vector.broadcast %gt3A : f32 to vector<16xf32>
        %gt3A_121 = arith.cmpf ogt, %add3A_119, %gt3A_120 : vector<16xf32>
        %mul3A_122 = arith.constant 2.000000e-01 : f32
        %mul3A_123 = vector.broadcast %mul3A_122 : f32 to vector<16xf32>
        %mul3A_124 = arith.mulf %mul3A_123, %add3A_119 : vector<16xf32>
        %select_n3A = arith.select %gt3A_121, %add3A_119, %mul3A_124 : vector<16xi1>, vector<16xf32>
        %exp3A = math.exp %select_n3A : vector<16xf32>
        %swap3A = arith.index_cast %scan3A_110 : i32 to index
        %swap3A_125 = arith.constant 0 : index
        %swap3A_126 = tpu.vector_load %arg18[%swap3A, %swap3A_125] {strides = array<i32>} : memref<80x16xf32, #tpu.memory_space<vmem>>, vector<1x16xf32>,
        %swap3A_127 = vector.shape_cast %swap3A_126 : vector<1x16xf32> to vector<16xf32>
        %swap3A_128 = vector.shape_cast %exp3A : vector<16xf32> to vector<1x16xf32>
        tpu.vector_store %arg18[%swap3A, %swap3A_125], %swap3A_128 {strides = array<i32>} : memref<80x16xf32, #tpu.memory_space<vmem>>, vector<1x16xf32>,
        %scan3A_129 = arith.constant 0 : i32
        scf.yield %scan3A_129 : i32
      }
      %scan3A_84 = arith.constant 80 : i32
      %dma_wait3A_85 = arith.constant 0 : i32
      %dma_wait3A_86 = arith.constant 0 : i32
      %dma_wait3A_87 = tpu.memref_slice %arg3[%dma_wait3A_85, %dma_wait3A_86] : memref<20000x64xf32, #tpu.memory_space<hbm>> -> memref<20000x64xf32, #tpu.memory_space<hbm>>
      tpu.wait_indirect_dma semaphore(%arg21 : memref<!tpu.dma_semaphore, #tpu.memory_space<semaphore_mem>>) src(%dma_wait3A_87 : memref<20000x64xf32, #tpu.memory_space<hbm>>) dst(%arg19 : memref<80x64xf32, #tpu.memory_space<vmem>>)
      %eq3A_88 = arith.constant 0 : i32
      %eq3A_89 = arith.cmpi eq, %arg0, %eq3A_88 : i32
      %convert_element_type3A_90 = arith.extui %eq3A_89 : i1 to i32
      %cond3A_91 = arith.constant 0 : i32
      %cond3A_92 = arith.cmpi ne, %convert_element_type3A_90, %cond3A_91 : i32
      scf.if %cond3A_92 {
        %scan3A_110 = arith.constant 0 : i32
        %scan3A_111 = arith.constant 0 : i32
        %scan3A_112 = arith.constant 80 : i32
        %scan3A_113 = arith.addi %scan3A_111, %scan3A_112 : i32
        %scan3A_114 = arith.constant 1 : i32
        %scan3A_115 = scf.for %scan3A_117 = %scan3A_111 to %scan3A_113 step %scan3A_114 iter_args(%scan3A_118 = %scan3A_110) -> (i32)  : i32 {
          %get3A = arith.index_cast %scan3A_117 : i32 to index
          %get3A_119 = arith.constant 0 : index
          %get3A_120 = tpu.vector_load %arg18[%get3A, %get3A_119] {strides = array<i32>} : memref<80x16xf32, #tpu.memory_space<vmem>>, vector<1x16xf32>,
          %get3A_121 = vector.shape_cast %get3A_120 : vector<1x16xf32> to vector<16xf32>
          %slice3A = vector.extract_strided_slice %get3A_121 {offsets = [0], sizes = [1], strides = [1]} : vector<16xf32> to vector<1xf32>
          %squeeze3A = vector.extract %slice3A[0] : f32 from vector<1xf32>
          %slice3A_122 = vector.extract_strided_slice %get3A_121 {offsets = [1], sizes = [1], strides = [1]} : vector<16xf32> to vector<1xf32>
          %squeeze3A_123 = vector.extract %slice3A_122[0] : f32 from vector<1xf32>
          %get3A_124 = arith.index_cast %scan3A_117 : i32 to index
          %get3A_125 = arith.constant 0 : index
          %get3A_126 = tpu.vector_load %arg19[%get3A_124, %get3A_125] {strides = array<i32>} : memref<80x64xf32, #tpu.memory_space<vmem>>, vector<1x16xf32>,
          %get3A_127 = vector.shape_cast %get3A_126 : vector<1x16xf32> to vector<16xf32>
          %mul3A_128 = vector.broadcast %squeeze3A : f32 to vector<16xf32>
          %mul3A_129 = arith.mulf %get3A_127, %mul3A_128 : vector<16xf32>
          %swap3A = arith.index_cast %scan3A_117 : i32 to index
          %swap3A_130 = arith.constant 0 : index
          %swap3A_131 = tpu.vector_load %arg19[%swap3A, %swap3A_130] {strides = array<i32>} : memref<80x64xf32, #tpu.memory_space<vmem>>, vector<1x16xf32>,
          %swap3A_132 = vector.shape_cast %swap3A_131 : vector<1x16xf32> to vector<16xf32>
          %swap3A_133 = vector.shape_cast %mul3A_129 : vector<16xf32> to vector<1x16xf32>
          tpu.vector_store %arg19[%swap3A, %swap3A_130], %swap3A_133 {strides = array<i32>} : memref<80x64xf32, #tpu.memory_space<vmem>>, vector<1x16xf32>,
          %get3A_134 = arith.index_cast %scan3A_117 : i32 to index
          %get3A_135 = arith.constant 16 : index
          %get3A_136 = tpu.vector_load %arg19[%get3A_134, %get3A_135] {strides = array<i32>} : memref<80x64xf32, #tpu.memory_space<vmem>>, vector<1x16xf32>,
          %get3A_137 = vector.shape_cast %get3A_136 : vector<1x16xf32> to vector<16xf32>
          %mul3A_138 = vector.broadcast %squeeze3A : f32 to vector<16xf32>
          %mul3A_139 = arith.mulf %get3A_137, %mul3A_138 : vector<16xf32>
          %swap3A_140 = arith.index_cast %scan3A_117 : i32 to index
          %swap3A_141 = arith.constant 16 : index
          %swap3A_142 = tpu.vector_load %arg19[%swap3A_140, %swap3A_141] {strides = array<i32>} : memref<80x64xf32, #tpu.memory_space<vmem>>, vector<1x16xf32>,
          %swap3A_143 = vector.shape_cast %swap3A_142 : vector<1x16xf32> to vector<16xf32>
          %swap3A_144 = vector.shape_cast %mul3A_139 : vector<16xf32> to vector<1x16xf32>
          tpu.vector_store %arg19[%swap3A_140, %swap3A_141], %swap3A_144 {strides = array<i32>} : memref<80x64xf32, #tpu.memory_space<vmem>>, vector<1x16xf32>,
          %get3A_145 = arith.index_cast %scan3A_117 : i32 to index
          %get3A_146 = arith.constant 32 : index
          %get3A_147 = tpu.vector_load %arg19[%get3A_145, %get3A_146] {strides = array<i32>} : memref<80x64xf32, #tpu.memory_space<vmem>>, vector<1x16xf32>,
          %get3A_148 = vector.shape_cast %get3A_147 : vector<1x16xf32> to vector<16xf32>
          %mul3A_149 = vector.broadcast %squeeze3A_123 : f32 to vector<16xf32>
          %mul3A_150 = arith.mulf %get3A_148, %mul3A_149 : vector<16xf32>
          %swap3A_151 = arith.index_cast %scan3A_117 : i32 to index
          %swap3A_152 = arith.constant 32 : index
          %swap3A_153 = tpu.vector_load %arg19[%swap3A_151, %swap3A_152] {strides = array<i32>} : memref<80x64xf32, #tpu.memory_space<vmem>>, vector<1x16xf32>,
          %swap3A_154 = vector.shape_cast %swap3A_153 : vector<1x16xf32> to vector<16xf32>
          %swap3A_155 = vector.shape_cast %mul3A_150 : vector<16xf32> to vector<1x16xf32>
          tpu.vector_store %arg19[%swap3A_151, %swap3A_152], %swap3A_155 {strides = array<i32>} : memref<80x64xf32, #tpu.memory_space<vmem>>, vector<1x16xf32>,
          %get3A_156 = arith.index_cast %scan3A_117 : i32 to index
          %get3A_157 = arith.constant 48 : index
          %get3A_158 = tpu.vector_load %arg19[%get3A_156, %get3A_157] {strides = array<i32>} : memref<80x64xf32, #tpu.memory_space<vmem>>, vector<1x16xf32>,
          %get3A_159 = vector.shape_cast %get3A_158 : vector<1x16xf32> to vector<16xf32>
          %mul3A_160 = vector.broadcast %squeeze3A_123 : f32 to vector<16xf32>
          %mul3A_161 = arith.mulf %get3A_159, %mul3A_160 : vector<16xf32>
          %swap3A_162 = arith.index_cast %scan3A_117 : i32 to index
          %swap3A_163 = arith.constant 48 : index
          %swap3A_164 = tpu.vector_load %arg19[%swap3A_162, %swap3A_163] {strides = array<i32>} : memref<80x64xf32, #tpu.memory_space<vmem>>, vector<1x16xf32>,
          %swap3A_165 = vector.shape_cast %swap3A_164 : vector<1x16xf32> to vector<16xf32>
          %swap3A_166 = vector.shape_cast %mul3A_161 : vector<16xf32> to vector<1x16xf32>
          tpu.vector_store %arg19[%swap3A_162, %swap3A_163], %swap3A_166 {strides = array<i32>} : memref<80x64xf32, #tpu.memory_space<vmem>>, vector<1x16xf32>,
          %scan3A_167 = arith.constant 0 : i32
          scf.yield %scan3A_167 : i32
        }
        %scan3A_116 = arith.constant 80 : i32
      } else {
      }
      %eq3A_93 = arith.constant 1 : i32
      %eq3A_94 = arith.cmpi eq, %arg0, %eq3A_93 : i32
      %convert_element_type3A_95 = arith.extui %eq3A_94 : i1 to i32
      %cond3A_96 = arith.constant 0 : i32
      %cond3A_97 = arith.cmpi ne, %convert_element_type3A_95, %cond3A_96 : i32
      scf.if %cond3A_97 {
        %scan3A_110 = arith.constant 0 : i32
        %scan3A_111 = arith.constant 0 : i32
        %scan3A_112 = arith.constant 80 : i32
        %scan3A_113 = arith.addi %scan3A_111, %scan3A_112 : i32
        %scan3A_114 = arith.constant 1 : i32
        %scan3A_115 = scf.for %scan3A_117 = %scan3A_111 to %scan3A_113 step %scan3A_114 iter_args(%scan3A_118 = %scan3A_110) -> (i32)  : i32 {
          %get3A = arith.index_cast %scan3A_117 : i32 to index
          %get3A_119 = arith.constant 0 : index
          %get3A_120 = tpu.vector_load %arg18[%get3A, %get3A_119] {strides = array<i32>} : memref<80x16xf32, #tpu.memory_space<vmem>>, vector<1x16xf32>,
          %get3A_121 = vector.shape_cast %get3A_120 : vector<1x16xf32> to vector<16xf32>
          %slice3A = vector.extract_strided_slice %get3A_121 {offsets = [2], sizes = [1], strides = [1]} : vector<16xf32> to vector<1xf32>
          %squeeze3A = vector.extract %slice3A[0] : f32 from vector<1xf32>
          %slice3A_122 = vector.extract_strided_slice %get3A_121 {offsets = [3], sizes = [1], strides = [1]} : vector<16xf32> to vector<1xf32>
          %squeeze3A_123 = vector.extract %slice3A_122[0] : f32 from vector<1xf32>
          %get3A_124 = arith.index_cast %scan3A_117 : i32 to index
          %get3A_125 = arith.constant 0 : index
          %get3A_126 = tpu.vector_load %arg19[%get3A_124, %get3A_125] {strides = array<i32>} : memref<80x64xf32, #tpu.memory_space<vmem>>, vector<1x16xf32>,
          %get3A_127 = vector.shape_cast %get3A_126 : vector<1x16xf32> to vector<16xf32>
          %mul3A_128 = vector.broadcast %squeeze3A : f32 to vector<16xf32>
          %mul3A_129 = arith.mulf %get3A_127, %mul3A_128 : vector<16xf32>
          %swap3A = arith.index_cast %scan3A_117 : i32 to index
          %swap3A_130 = arith.constant 0 : index
          %swap3A_131 = tpu.vector_load %arg19[%swap3A, %swap3A_130] {strides = array<i32>} : memref<80x64xf32, #tpu.memory_space<vmem>>, vector<1x16xf32>,
          %swap3A_132 = vector.shape_cast %swap3A_131 : vector<1x16xf32> to vector<16xf32>
          %swap3A_133 = vector.shape_cast %mul3A_129 : vector<16xf32> to vector<1x16xf32>
          tpu.vector_store %arg19[%swap3A, %swap3A_130], %swap3A_133 {strides = array<i32>} : memref<80x64xf32, #tpu.memory_space<vmem>>, vector<1x16xf32>,
          %get3A_134 = arith.index_cast %scan3A_117 : i32 to index
          %get3A_135 = arith.constant 16 : index
          %get3A_136 = tpu.vector_load %arg19[%get3A_134, %get3A_135] {strides = array<i32>} : memref<80x64xf32, #tpu.memory_space<vmem>>, vector<1x16xf32>,
          %get3A_137 = vector.shape_cast %get3A_136 : vector<1x16xf32> to vector<16xf32>
          %mul3A_138 = vector.broadcast %squeeze3A : f32 to vector<16xf32>
          %mul3A_139 = arith.mulf %get3A_137, %mul3A_138 : vector<16xf32>
          %swap3A_140 = arith.index_cast %scan3A_117 : i32 to index
          %swap3A_141 = arith.constant 16 : index
          %swap3A_142 = tpu.vector_load %arg19[%swap3A_140, %swap3A_141] {strides = array<i32>} : memref<80x64xf32, #tpu.memory_space<vmem>>, vector<1x16xf32>,
          %swap3A_143 = vector.shape_cast %swap3A_142 : vector<1x16xf32> to vector<16xf32>
          %swap3A_144 = vector.shape_cast %mul3A_139 : vector<16xf32> to vector<1x16xf32>
          tpu.vector_store %arg19[%swap3A_140, %swap3A_141], %swap3A_144 {strides = array<i32>} : memref<80x64xf32, #tpu.memory_space<vmem>>, vector<1x16xf32>,
          %get3A_145 = arith.index_cast %scan3A_117 : i32 to index
          %get3A_146 = arith.constant 32 : index
          %get3A_147 = tpu.vector_load %arg19[%get3A_145, %get3A_146] {strides = array<i32>} : memref<80x64xf32, #tpu.memory_space<vmem>>, vector<1x16xf32>,
          %get3A_148 = vector.shape_cast %get3A_147 : vector<1x16xf32> to vector<16xf32>
          %mul3A_149 = vector.broadcast %squeeze3A_123 : f32 to vector<16xf32>
          %mul3A_150 = arith.mulf %get3A_148, %mul3A_149 : vector<16xf32>
          %swap3A_151 = arith.index_cast %scan3A_117 : i32 to index
          %swap3A_152 = arith.constant 32 : index
          %swap3A_153 = tpu.vector_load %arg19[%swap3A_151, %swap3A_152] {strides = array<i32>} : memref<80x64xf32, #tpu.memory_space<vmem>>, vector<1x16xf32>,
          %swap3A_154 = vector.shape_cast %swap3A_153 : vector<1x16xf32> to vector<16xf32>
          %swap3A_155 = vector.shape_cast %mul3A_150 : vector<16xf32> to vector<1x16xf32>
          tpu.vector_store %arg19[%swap3A_151, %swap3A_152], %swap3A_155 {strides = array<i32>} : memref<80x64xf32, #tpu.memory_space<vmem>>, vector<1x16xf32>,
          %get3A_156 = arith.index_cast %scan3A_117 : i32 to index
          %get3A_157 = arith.constant 48 : index
          %get3A_158 = tpu.vector_load %arg19[%get3A_156, %get3A_157] {strides = array<i32>} : memref<80x64xf32, #tpu.memory_space<vmem>>, vector<1x16xf32>,
          %get3A_159 = vector.shape_cast %get3A_158 : vector<1x16xf32> to vector<16xf32>
          %mul3A_160 = vector.broadcast %squeeze3A_123 : f32 to vector<16xf32>
          %mul3A_161 = arith.mulf %get3A_159, %mul3A_160 : vector<16xf32>
          %swap3A_162 = arith.index_cast %scan3A_117 : i32 to index
          %swap3A_163 = arith.constant 48 : index
          %swap3A_164 = tpu.vector_load %arg19[%swap3A_162, %swap3A_163] {strides = array<i32>} : memref<80x64xf32, #tpu.memory_space<vmem>>, vector<1x16xf32>,
          %swap3A_165 = vector.shape_cast %swap3A_164 : vector<1x16xf32> to vector<16xf32>
          %swap3A_166 = vector.shape_cast %mul3A_161 : vector<16xf32> to vector<1x16xf32>
          tpu.vector_store %arg19[%swap3A_162, %swap3A_163], %swap3A_166 {strides = array<i32>} : memref<80x64xf32, #tpu.memory_space<vmem>>, vector<1x16xf32>,
          %scan3A_167 = arith.constant 0 : i32
          scf.yield %scan3A_167 : i32
        }
        %scan3A_116 = arith.constant 80 : i32
      } else {
      }
      %dma_start3A_98 = arith.constant 0 : i32
      %dma_start3A_99 = arith.constant 0 : i32
      %dma_start3A_100 = tpu.memref_slice %arg10[%dma_start3A_98, %dma_start3A_99] : memref<10112x64xf32, #tpu.memory_space<vmem_shared>> -> memref<10112x64xf32, #tpu.memory_space<vmem_shared>>
      tpu.enqueue_indirect_dma source(%arg19 : memref<80x64xf32, #tpu.memory_space<vmem>>) target(%dma_start3A_100 : memref<10112x64xf32, #tpu.memory_space<vmem_shared>>) offsets(%arg15 : memref<80xi32, #tpu.memory_space<vmem>>) semaphore(%arg20 : memref<!tpu.dma_semaphore, #tpu.memory_space<semaphore_mem>>) {add = true}
      %eq3A_101 = arith.constant 0 : i32
      %eq3A_102 = arith.cmpi eq, %arg0, %eq3A_101 : i32
      %convert_element_type3A_103 = arith.extui %eq3A_102 : i1 to i32
      %cond3A_104 = arith.constant 0 : i32
      %cond3A_105 = arith.cmpi ne, %convert_element_type3A_103, %cond3A_104 : i32
      scf.if %cond3A_105 {
        %dma_start3A_110 = arith.constant 0 : i32
        %dma_start3A_111 = arith.constant 0 : i32
        %dma_start3A_112 = tpu.memref_slice %arg11[%dma_start3A_110, %dma_start3A_111] : memref<10112x16xf32, #tpu.memory_space<vmem_shared>> -> memref<10112x16xf32, #tpu.memory_space<vmem_shared>>
        tpu.enqueue_indirect_dma source(%arg18 : memref<80x16xf32, #tpu.memory_space<vmem>>) target(%dma_start3A_112 : memref<10112x16xf32, #tpu.memory_space<vmem_shared>>) offsets(%arg15 : memref<80xi32, #tpu.memory_space<vmem>>) semaphore(%arg20 : memref<!tpu.dma_semaphore, #tpu.memory_space<semaphore_mem>>) {add = true}
        %dma_wait3A_113 = arith.constant 0 : i32
        %dma_wait3A_114 = arith.constant 0 : i32
        %dma_wait3A_115 = tpu.memref_slice %arg11[%dma_wait3A_113, %dma_wait3A_114] : memref<10112x16xf32, #tpu.memory_space<vmem_shared>> -> memref<10112x16xf32, #tpu.memory_space<vmem_shared>>
        tpu.wait_indirect_dma semaphore(%arg20 : memref<!tpu.dma_semaphore, #tpu.memory_space<semaphore_mem>>) src(%arg18 : memref<80x16xf32, #tpu.memory_space<vmem>>) dst(%dma_wait3A_115 : memref<10112x16xf32, #tpu.memory_space<vmem_shared>>)
      } else {
      }
      %dma_wait3A_106 = arith.constant 0 : i32
      %dma_wait3A_107 = arith.constant 0 : i32
      %dma_wait3A_108 = tpu.memref_slice %arg10[%dma_wait3A_106, %dma_wait3A_107] : memref<10112x64xf32, #tpu.memory_space<vmem_shared>> -> memref<10112x64xf32, #tpu.memory_space<vmem_shared>>
      tpu.wait_indirect_dma semaphore(%arg20 : memref<!tpu.dma_semaphore, #tpu.memory_space<semaphore_mem>>) src(%arg19 : memref<80x64xf32, #tpu.memory_space<vmem>>) dst(%dma_wait3A_108 : memref<10112x64xf32, #tpu.memory_space<vmem_shared>>)
      %scan3A_109 = arith.constant 0 : i32
      scf.yield %scan3A_109 : i32
    }
    %scan3A_25 = arith.constant 50 : i32
    %barrier3A_26 = arith.constant 0 : index
    tpu.barrier barrier_id(%barrier3A_26)
    %scan3A_27 = arith.constant 0 : i32
    %scan3A_28 = arith.constant 0 : i32
    %scan3A_29 = arith.constant 7 : i32
    %scan3A_30 = arith.addi %scan3A_28, %scan3A_29 : i32
    %scan3A_31 = arith.constant 1 : i32
    %scan3A_32 = scf.for %scan3A_46 = %scan3A_28 to %scan3A_30 step %scan3A_31 iter_args(%scan3A_47 = %scan3A_27) -> (i32)  : i32 {
      %mul3A_48 = arith.constant 80 : i32
      %mul3A_49 = arith.muli %scan3A_46, %mul3A_48 : i32
      %add3A_50 = arith.addi %mul3A_0, %mul3A_49 : i32
      "tpu.region"() ({
        %run_scoped3A = tpu.sem_alloc : memref<!tpu.dma_semaphore, #tpu.memory_space<semaphore_mem>>
        %dma_start3A = arith.constant 0 : i32
        %dma_start3A_62 = arith.constant 0 : i32
        %dma_start3A_63 = tpu.memref_slice %arg19[%dma_start3A, %dma_start3A_62] : memref<80x64xf32, #tpu.memory_space<vmem>> -> memref<80x64xf32, #tpu.memory_space<vmem>>
        %dma_start3A_64 = arith.constant 0 : i32
        %dma_start3A_65 = tpu.memref_slice %arg10[%add3A_50, %dma_start3A_64] : memref<10112x64xf32, #tpu.memory_space<vmem_shared>> -> memref<80x64xf32, #tpu.memory_space<vmem_shared>>
        %dma_start3A_66 = arith.constant 0 : i32
        %dma_start3A_67 = arith.constant 0 : i32
        %dma_start3A_68 = tpu.memref_slice %arg19[%dma_start3A_66, %dma_start3A_67] : memref<80x64xf32, #tpu.memory_space<vmem>> -> memref<80x64xf32, #tpu.memory_space<vmem>>
        %dma_start3A_69 = arith.constant 0 : i32
        %dma_start3A_70 = tpu.memref_slice %arg10[%add3A_50, %dma_start3A_69] : memref<10112x64xf32, #tpu.memory_space<vmem_shared>> -> memref<80x64xf32, #tpu.memory_space<vmem_shared>>
        tpu.enqueue_dma source(%dma_start3A_70 : memref<80x64xf32, #tpu.memory_space<vmem_shared>>) target(%dma_start3A_68 : memref<80x64xf32, #tpu.memory_space<vmem>>) target_semaphore(%run_scoped3A : memref<!tpu.dma_semaphore, #tpu.memory_space<semaphore_mem>>)
        %dma_wait3A = arith.constant 0 : i32
        %dma_wait3A_71 = arith.constant 0 : i32
        %dma_wait3A_72 = tpu.memref_slice %arg19[%dma_wait3A, %dma_wait3A_71] : memref<80x64xf32, #tpu.memory_space<vmem>> -> memref<80x64xf32, #tpu.memory_space<vmem>>
        %dma_wait3A_73 = arith.constant 0 : i32
        %dma_wait3A_74 = tpu.memref_slice %arg10[%add3A_50, %dma_wait3A_73] : memref<10112x64xf32, #tpu.memory_space<vmem_shared>> -> memref<80x64xf32, #tpu.memory_space<vmem_shared>>
        %dma_wait3A_75 = arith.constant 0 : i32
        %dma_wait3A_76 = arith.constant 0 : i32
        %dma_wait3A_77 = tpu.memref_slice %arg19[%dma_wait3A_75, %dma_wait3A_76] : memref<80x64xf32, #tpu.memory_space<vmem>> -> memref<80x64xf32, #tpu.memory_space<vmem>>
        %dma_wait3A_78 = arith.constant 0 : i32
        %dma_wait3A_79 = tpu.memref_slice %arg10[%add3A_50, %dma_wait3A_78] : memref<10112x64xf32, #tpu.memory_space<vmem_shared>> -> memref<80x64xf32, #tpu.memory_space<vmem_shared>>
        tpu.wait_dma2 semaphore(%run_scoped3A : memref<!tpu.dma_semaphore, #tpu.memory_space<semaphore_mem>>) src(%dma_wait3A_79 : memref<80x64xf32, #tpu.memory_space<vmem_shared>>) dst(%dma_wait3A_77 : memref<80x64xf32, #tpu.memory_space<vmem>>)
        tpu.yield
      }) : () -> ()
      %eq3A_51 = arith.constant 0 : i32
      %eq3A_52 = arith.cmpi eq, %arg0, %eq3A_51 : i32
      %convert_element_type3A_53 = arith.extui %eq3A_52 : i1 to i32
      %cond3A_54 = arith.constant 0 : i32
      %cond3A_55 = arith.cmpi ne, %convert_element_type3A_53, %cond3A_54 : i32
      scf.if %cond3A_55 {
        "tpu.region"() ({
          %run_scoped3A = tpu.sem_alloc : memref<!tpu.dma_semaphore, #tpu.memory_space<semaphore_mem>>
          %dma_start3A = arith.constant 0 : i32
          %dma_start3A_62 = arith.constant 0 : i32
          %dma_start3A_63 = tpu.memref_slice %arg19[%dma_start3A, %dma_start3A_62] : memref<80x64xf32, #tpu.memory_space<vmem>> -> memref<80x64xf32, #tpu.memory_space<vmem>>
          %dma_start3A_64 = arith.constant 0 : i32
          %dma_start3A_65 = tpu.memref_slice %arg7[%add3A_50, %dma_start3A_64] : memref<10112x64xf32, #tpu.memory_space<hbm>> -> memref<80x64xf32, #tpu.memory_space<hbm>>
          %dma_start3A_66 = arith.constant 0 : i32
          %dma_start3A_67 = tpu.memref_slice %arg7[%add3A_50, %dma_start3A_66] : memref<10112x64xf32, #tpu.memory_space<hbm>> -> memref<80x64xf32, #tpu.memory_space<hbm>>
          %dma_start3A_68 = arith.constant 0 : i32
          %dma_start3A_69 = arith.constant 0 : i32
          %dma_start3A_70 = tpu.memref_slice %arg19[%dma_start3A_68, %dma_start3A_69] : memref<80x64xf32, #tpu.memory_space<vmem>> -> memref<80x64xf32, #tpu.memory_space<vmem>>
          tpu.enqueue_dma source(%dma_start3A_70 : memref<80x64xf32, #tpu.memory_space<vmem>>) target(%dma_start3A_67 : memref<80x64xf32, #tpu.memory_space<hbm>>) target_semaphore(%run_scoped3A : memref<!tpu.dma_semaphore, #tpu.memory_space<semaphore_mem>>)
          %dma_wait3A = arith.constant 0 : i32
          %dma_wait3A_71 = arith.constant 0 : i32
          %dma_wait3A_72 = tpu.memref_slice %arg19[%dma_wait3A, %dma_wait3A_71] : memref<80x64xf32, #tpu.memory_space<vmem>> -> memref<80x64xf32, #tpu.memory_space<vmem>>
          %dma_wait3A_73 = arith.constant 0 : i32
          %dma_wait3A_74 = tpu.memref_slice %arg7[%add3A_50, %dma_wait3A_73] : memref<10112x64xf32, #tpu.memory_space<hbm>> -> memref<80x64xf32, #tpu.memory_space<hbm>>
          %dma_wait3A_75 = arith.constant 0 : i32
          %dma_wait3A_76 = tpu.memref_slice %arg7[%add3A_50, %dma_wait3A_75] : memref<10112x64xf32, #tpu.memory_space<hbm>> -> memref<80x64xf32, #tpu.memory_space<hbm>>
          %dma_wait3A_77 = arith.constant 0 : i32
          %dma_wait3A_78 = arith.constant 0 : i32
          %dma_wait3A_79 = tpu.memref_slice %arg19[%dma_wait3A_77, %dma_wait3A_78] : memref<80x64xf32, #tpu.memory_space<vmem>> -> memref<80x64xf32, #tpu.memory_space<vmem>>
          tpu.wait_dma2 semaphore(%run_scoped3A : memref<!tpu.dma_semaphore, #tpu.memory_space<semaphore_mem>>) src(%dma_wait3A_79 : memref<80x64xf32, #tpu.memory_space<vmem>>) dst(%dma_wait3A_76 : memref<80x64xf32, #tpu.memory_space<hbm>>)
          tpu.yield
        }) : () -> ()
        "tpu.region"() ({
          %run_scoped3A = tpu.sem_alloc : memref<!tpu.dma_semaphore, #tpu.memory_space<semaphore_mem>>
          %dma_start3A = arith.constant 0 : i32
          %dma_start3A_62 = arith.constant 0 : i32
          %dma_start3A_63 = tpu.memref_slice %arg18[%dma_start3A, %dma_start3A_62] : memref<80x16xf32, #tpu.memory_space<vmem>> -> memref<80x16xf32, #tpu.memory_space<vmem>>
          %dma_start3A_64 = arith.constant 0 : i32
          %dma_start3A_65 = tpu.memref_slice %arg11[%add3A_50, %dma_start3A_64] : memref<10112x16xf32, #tpu.memory_space<vmem_shared>> -> memref<80x16xf32, #tpu.memory_space<vmem_shared>>
          %dma_start3A_66 = arith.constant 0 : i32
          %dma_start3A_67 = arith.constant 0 : i32
          %dma_start3A_68 = tpu.memref_slice %arg18[%dma_start3A_66, %dma_start3A_67] : memref<80x16xf32, #tpu.memory_space<vmem>> -> memref<80x16xf32, #tpu.memory_space<vmem>>
          %dma_start3A_69 = arith.constant 0 : i32
          %dma_start3A_70 = tpu.memref_slice %arg11[%add3A_50, %dma_start3A_69] : memref<10112x16xf32, #tpu.memory_space<vmem_shared>> -> memref<80x16xf32, #tpu.memory_space<vmem_shared>>
          tpu.enqueue_dma source(%dma_start3A_70 : memref<80x16xf32, #tpu.memory_space<vmem_shared>>) target(%dma_start3A_68 : memref<80x16xf32, #tpu.memory_space<vmem>>) target_semaphore(%run_scoped3A : memref<!tpu.dma_semaphore, #tpu.memory_space<semaphore_mem>>)
          %dma_wait3A = arith.constant 0 : i32
          %dma_wait3A_71 = arith.constant 0 : i32
          %dma_wait3A_72 = tpu.memref_slice %arg18[%dma_wait3A, %dma_wait3A_71] : memref<80x16xf32, #tpu.memory_space<vmem>> -> memref<80x16xf32, #tpu.memory_space<vmem>>
          %dma_wait3A_73 = arith.constant 0 : i32
          %dma_wait3A_74 = tpu.memref_slice %arg11[%add3A_50, %dma_wait3A_73] : memref<10112x16xf32, #tpu.memory_space<vmem_shared>> -> memref<80x16xf32, #tpu.memory_space<vmem_shared>>
          %dma_wait3A_75 = arith.constant 0 : i32
          %dma_wait3A_76 = arith.constant 0 : i32
          %dma_wait3A_77 = tpu.memref_slice %arg18[%dma_wait3A_75, %dma_wait3A_76] : memref<80x16xf32, #tpu.memory_space<vmem>> -> memref<80x16xf32, #tpu.memory_space<vmem>>
          %dma_wait3A_78 = arith.constant 0 : i32
          %dma_wait3A_79 = tpu.memref_slice %arg11[%add3A_50, %dma_wait3A_78] : memref<10112x16xf32, #tpu.memory_space<vmem_shared>> -> memref<80x16xf32, #tpu.memory_space<vmem_shared>>
          tpu.wait_dma2 semaphore(%run_scoped3A : memref<!tpu.dma_semaphore, #tpu.memory_space<semaphore_mem>>) src(%dma_wait3A_79 : memref<80x16xf32, #tpu.memory_space<vmem_shared>>) dst(%dma_wait3A_77 : memref<80x16xf32, #tpu.memory_space<vmem>>)
          tpu.yield
        }) : () -> ()
        "tpu.region"() ({
          %run_scoped3A = tpu.sem_alloc : memref<!tpu.dma_semaphore, #tpu.memory_space<semaphore_mem>>
          %dma_start3A = arith.constant 0 : i32
          %dma_start3A_62 = arith.constant 0 : i32
          %dma_start3A_63 = tpu.memref_slice %arg18[%dma_start3A, %dma_start3A_62] : memref<80x16xf32, #tpu.memory_space<vmem>> -> memref<80x16xf32, #tpu.memory_space<vmem>>
          %dma_start3A_64 = arith.constant 0 : i32
          %dma_start3A_65 = tpu.memref_slice %arg9[%add3A_50, %dma_start3A_64] : memref<10112x16xf32, #tpu.memory_space<hbm>> -> memref<80x16xf32, #tpu.memory_space<hbm>>
          %dma_start3A_66 = arith.constant 0 : i32
          %dma_start3A_67 = tpu.memref_slice %arg9[%add3A_50, %dma_start3A_66] : memref<10112x16xf32, #tpu.memory_space<hbm>> -> memref<80x16xf32, #tpu.memory_space<hbm>>
          %dma_start3A_68 = arith.constant 0 : i32
          %dma_start3A_69 = arith.constant 0 : i32
          %dma_start3A_70 = tpu.memref_slice %arg18[%dma_start3A_68, %dma_start3A_69] : memref<80x16xf32, #tpu.memory_space<vmem>> -> memref<80x16xf32, #tpu.memory_space<vmem>>
          tpu.enqueue_dma source(%dma_start3A_70 : memref<80x16xf32, #tpu.memory_space<vmem>>) target(%dma_start3A_67 : memref<80x16xf32, #tpu.memory_space<hbm>>) target_semaphore(%run_scoped3A : memref<!tpu.dma_semaphore, #tpu.memory_space<semaphore_mem>>)
          %dma_wait3A = arith.constant 0 : i32
          %dma_wait3A_71 = arith.constant 0 : i32
          %dma_wait3A_72 = tpu.memref_slice %arg18[%dma_wait3A, %dma_wait3A_71] : memref<80x16xf32, #tpu.memory_space<vmem>> -> memref<80x16xf32, #tpu.memory_space<vmem>>
          %dma_wait3A_73 = arith.constant 0 : i32
          %dma_wait3A_74 = tpu.memref_slice %arg9[%add3A_50, %dma_wait3A_73] : memref<10112x16xf32, #tpu.memory_space<hbm>> -> memref<80x16xf32, #tpu.memory_space<hbm>>
          %dma_wait3A_75 = arith.constant 0 : i32
          %dma_wait3A_76 = tpu.memref_slice %arg9[%add3A_50, %dma_wait3A_75] : memref<10112x16xf32, #tpu.memory_space<hbm>> -> memref<80x16xf32, #tpu.memory_space<hbm>>
          %dma_wait3A_77 = arith.constant 0 : i32
          %dma_wait3A_78 = arith.constant 0 : i32
          %dma_wait3A_79 = tpu.memref_slice %arg18[%dma_wait3A_77, %dma_wait3A_78] : memref<80x16xf32, #tpu.memory_space<vmem>> -> memref<80x16xf32, #tpu.memory_space<vmem>>
          tpu.wait_dma2 semaphore(%run_scoped3A : memref<!tpu.dma_semaphore, #tpu.memory_space<semaphore_mem>>) src(%dma_wait3A_79 : memref<80x16xf32, #tpu.memory_space<vmem>>) dst(%dma_wait3A_76 : memref<80x16xf32, #tpu.memory_space<hbm>>)
          tpu.yield
        }) : () -> ()
      } else {
      }
      %eq3A_56 = arith.constant 1 : i32
      %eq3A_57 = arith.cmpi eq, %arg0, %eq3A_56 : i32
      %convert_element_type3A_58 = arith.extui %eq3A_57 : i1 to i32
      %cond3A_59 = arith.constant 0 : i32
      %cond3A_60 = arith.cmpi ne, %convert_element_type3A_58, %cond3A_59 : i32
      scf.if %cond3A_60 {
        "tpu.region"() ({
          %run_scoped3A = tpu.sem_alloc : memref<!tpu.dma_semaphore, #tpu.memory_space<semaphore_mem>>
          %dma_start3A = arith.constant 0 : i32
          %dma_start3A_62 = arith.constant 0 : i32
          %dma_start3A_63 = tpu.memref_slice %arg19[%dma_start3A, %dma_start3A_62] : memref<80x64xf32, #tpu.memory_space<vmem>> -> memref<80x64xf32, #tpu.memory_space<vmem>>
          %dma_start3A_64 = arith.constant 0 : i32
          %dma_start3A_65 = tpu.memref_slice %arg8[%add3A_50, %dma_start3A_64] : memref<10112x64xf32, #tpu.memory_space<hbm>> -> memref<80x64xf32, #tpu.memory_space<hbm>>
          %dma_start3A_66 = arith.constant 0 : i32
          %dma_start3A_67 = tpu.memref_slice %arg8[%add3A_50, %dma_start3A_66] : memref<10112x64xf32, #tpu.memory_space<hbm>> -> memref<80x64xf32, #tpu.memory_space<hbm>>
          %dma_start3A_68 = arith.constant 0 : i32
          %dma_start3A_69 = arith.constant 0 : i32
          %dma_start3A_70 = tpu.memref_slice %arg19[%dma_start3A_68, %dma_start3A_69] : memref<80x64xf32, #tpu.memory_space<vmem>> -> memref<80x64xf32, #tpu.memory_space<vmem>>
          tpu.enqueue_dma source(%dma_start3A_70 : memref<80x64xf32, #tpu.memory_space<vmem>>) target(%dma_start3A_67 : memref<80x64xf32, #tpu.memory_space<hbm>>) target_semaphore(%run_scoped3A : memref<!tpu.dma_semaphore, #tpu.memory_space<semaphore_mem>>)
          %dma_wait3A = arith.constant 0 : i32
          %dma_wait3A_71 = arith.constant 0 : i32
          %dma_wait3A_72 = tpu.memref_slice %arg19[%dma_wait3A, %dma_wait3A_71] : memref<80x64xf32, #tpu.memory_space<vmem>> -> memref<80x64xf32, #tpu.memory_space<vmem>>
          %dma_wait3A_73 = arith.constant 0 : i32
          %dma_wait3A_74 = tpu.memref_slice %arg8[%add3A_50, %dma_wait3A_73] : memref<10112x64xf32, #tpu.memory_space<hbm>> -> memref<80x64xf32, #tpu.memory_space<hbm>>
          %dma_wait3A_75 = arith.constant 0 : i32
          %dma_wait3A_76 = tpu.memref_slice %arg8[%add3A_50, %dma_wait3A_75] : memref<10112x64xf32, #tpu.memory_space<hbm>> -> memref<80x64xf32, #tpu.memory_space<hbm>>
          %dma_wait3A_77 = arith.constant 0 : i32
          %dma_wait3A_78 = arith.constant 0 : i32
          %dma_wait3A_79 = tpu.memref_slice %arg19[%dma_wait3A_77, %dma_wait3A_78] : memref<80x64xf32, #tpu.memory_space<vmem>> -> memref<80x64xf32, #tpu.memory_space<vmem>>
          tpu.wait_dma2 semaphore(%run_scoped3A : memref<!tpu.dma_semaphore, #tpu.memory_space<semaphore_mem>>) src(%dma_wait3A_79 : memref<80x64xf32, #tpu.memory_space<vmem>>) dst(%dma_wait3A_76 : memref<80x64xf32, #tpu.memory_space<hbm>>)
          tpu.yield
        }) : () -> ()
      } else {
      }
      %scan3A_61 = arith.constant 0 : i32
      scf.yield %scan3A_61 : i32
    }
    %scan3A_33 = arith.constant 7 : i32
    %add3A_34 = arith.constant 560 : i32
    %add3A_35 = arith.addi %mul3A_0, %add3A_34 : i32
    "tpu.region"() ({
      %run_scoped3A = tpu.sem_alloc : memref<!tpu.dma_semaphore, #tpu.memory_space<semaphore_mem>>
      %dma_start3A = arith.constant 0 : i32
      %dma_start3A_46 = arith.constant 0 : i32
      %dma_start3A_47 = tpu.memref_slice %arg19[%dma_start3A, %dma_start3A_46] : memref<80x64xf32, #tpu.memory_space<vmem>> -> memref<72x64xf32, #tpu.memory_space<vmem>>
      %dma_start3A_48 = arith.constant 0 : i32
      %dma_start3A_49 = tpu.memref_slice %arg10[%add3A_35, %dma_start3A_48] : memref<10112x64xf32, #tpu.memory_space<vmem_shared>> -> memref<72x64xf32, #tpu.memory_space<vmem_shared>>
      %dma_start3A_50 = arith.constant 0 : i32
      %dma_start3A_51 = arith.constant 0 : i32
      %dma_start3A_52 = tpu.memref_slice %arg19[%dma_start3A_50, %dma_start3A_51] : memref<80x64xf32, #tpu.memory_space<vmem>> -> memref<72x64xf32, #tpu.memory_space<vmem>>
      %dma_start3A_53 = arith.constant 0 : i32
      %dma_start3A_54 = tpu.memref_slice %arg10[%add3A_35, %dma_start3A_53] : memref<10112x64xf32, #tpu.memory_space<vmem_shared>> -> memref<72x64xf32, #tpu.memory_space<vmem_shared>>
      tpu.enqueue_dma source(%dma_start3A_54 : memref<72x64xf32, #tpu.memory_space<vmem_shared>>) target(%dma_start3A_52 : memref<72x64xf32, #tpu.memory_space<vmem>>) target_semaphore(%run_scoped3A : memref<!tpu.dma_semaphore, #tpu.memory_space<semaphore_mem>>)
      %dma_wait3A = arith.constant 0 : i32
      %dma_wait3A_55 = arith.constant 0 : i32
      %dma_wait3A_56 = tpu.memref_slice %arg19[%dma_wait3A, %dma_wait3A_55] : memref<80x64xf32, #tpu.memory_space<vmem>> -> memref<72x64xf32, #tpu.memory_space<vmem>>
      %dma_wait3A_57 = arith.constant 0 : i32
      %dma_wait3A_58 = tpu.memref_slice %arg10[%add3A_35, %dma_wait3A_57] : memref<10112x64xf32, #tpu.memory_space<vmem_shared>> -> memref<72x64xf32, #tpu.memory_space<vmem_shared>>
      %dma_wait3A_59 = arith.constant 0 : i32
      %dma_wait3A_60 = arith.constant 0 : i32
      %dma_wait3A_61 = tpu.memref_slice %arg19[%dma_wait3A_59, %dma_wait3A_60] : memref<80x64xf32, #tpu.memory_space<vmem>> -> memref<72x64xf32, #tpu.memory_space<vmem>>
      %dma_wait3A_62 = arith.constant 0 : i32
      %dma_wait3A_63 = tpu.memref_slice %arg10[%add3A_35, %dma_wait3A_62] : memref<10112x64xf32, #tpu.memory_space<vmem_shared>> -> memref<72x64xf32, #tpu.memory_space<vmem_shared>>
      tpu.wait_dma2 semaphore(%run_scoped3A : memref<!tpu.dma_semaphore, #tpu.memory_space<semaphore_mem>>) src(%dma_wait3A_63 : memref<72x64xf32, #tpu.memory_space<vmem_shared>>) dst(%dma_wait3A_61 : memref<72x64xf32, #tpu.memory_space<vmem>>)
      tpu.yield
    }) : () -> ()
    %eq3A_36 = arith.constant 0 : i32
    %eq3A_37 = arith.cmpi eq, %arg0, %eq3A_36 : i32
    %convert_element_type3A_38 = arith.extui %eq3A_37 : i1 to i32
    %cond3A_39 = arith.constant 0 : i32
    %cond3A_40 = arith.cmpi ne, %convert_element_type3A_38, %cond3A_39 : i32
    scf.if %cond3A_40 {
      "tpu.region"() ({
        %run_scoped3A = tpu.sem_alloc : memref<!tpu.dma_semaphore, #tpu.memory_space<semaphore_mem>>
        %dma_start3A = arith.constant 0 : i32
        %dma_start3A_46 = arith.constant 0 : i32
        %dma_start3A_47 = tpu.memref_slice %arg19[%dma_start3A, %dma_start3A_46] : memref<80x64xf32, #tpu.memory_space<vmem>> -> memref<72x64xf32, #tpu.memory_space<vmem>>
        %dma_start3A_48 = arith.constant 0 : i32
        %dma_start3A_49 = tpu.memref_slice %arg7[%add3A_35, %dma_start3A_48] : memref<10112x64xf32, #tpu.memory_space<hbm>> -> memref<72x64xf32, #tpu.memory_space<hbm>>
        %dma_start3A_50 = arith.constant 0 : i32
        %dma_start3A_51 = tpu.memref_slice %arg7[%add3A_35, %dma_start3A_50] : memref<10112x64xf32, #tpu.memory_space<hbm>> -> memref<72x64xf32, #tpu.memory_space<hbm>>
        %dma_start3A_52 = arith.constant 0 : i32
        %dma_start3A_53 = arith.constant 0 : i32
        %dma_start3A_54 = tpu.memref_slice %arg19[%dma_start3A_52, %dma_start3A_53] : memref<80x64xf32, #tpu.memory_space<vmem>> -> memref<72x64xf32, #tpu.memory_space<vmem>>
        tpu.enqueue_dma source(%dma_start3A_54 : memref<72x64xf32, #tpu.memory_space<vmem>>) target(%dma_start3A_51 : memref<72x64xf32, #tpu.memory_space<hbm>>) target_semaphore(%run_scoped3A : memref<!tpu.dma_semaphore, #tpu.memory_space<semaphore_mem>>)
        %dma_wait3A = arith.constant 0 : i32
        %dma_wait3A_55 = arith.constant 0 : i32
        %dma_wait3A_56 = tpu.memref_slice %arg19[%dma_wait3A, %dma_wait3A_55] : memref<80x64xf32, #tpu.memory_space<vmem>> -> memref<72x64xf32, #tpu.memory_space<vmem>>
        %dma_wait3A_57 = arith.constant 0 : i32
        %dma_wait3A_58 = tpu.memref_slice %arg7[%add3A_35, %dma_wait3A_57] : memref<10112x64xf32, #tpu.memory_space<hbm>> -> memref<72x64xf32, #tpu.memory_space<hbm>>
        %dma_wait3A_59 = arith.constant 0 : i32
        %dma_wait3A_60 = tpu.memref_slice %arg7[%add3A_35, %dma_wait3A_59] : memref<10112x64xf32, #tpu.memory_space<hbm>> -> memref<72x64xf32, #tpu.memory_space<hbm>>
        %dma_wait3A_61 = arith.constant 0 : i32
        %dma_wait3A_62 = arith.constant 0 : i32
        %dma_wait3A_63 = tpu.memref_slice %arg19[%dma_wait3A_61, %dma_wait3A_62] : memref<80x64xf32, #tpu.memory_space<vmem>> -> memref<72x64xf32, #tpu.memory_space<vmem>>
        tpu.wait_dma2 semaphore(%run_scoped3A : memref<!tpu.dma_semaphore, #tpu.memory_space<semaphore_mem>>) src(%dma_wait3A_63 : memref<72x64xf32, #tpu.memory_space<vmem>>) dst(%dma_wait3A_60 : memref<72x64xf32, #tpu.memory_space<hbm>>)
        tpu.yield
      }) : () -> ()
      "tpu.region"() ({
        %run_scoped3A = tpu.sem_alloc : memref<!tpu.dma_semaphore, #tpu.memory_space<semaphore_mem>>
        %dma_start3A = arith.constant 0 : i32
        %dma_start3A_46 = arith.constant 0 : i32
        %dma_start3A_47 = tpu.memref_slice %arg18[%dma_start3A, %dma_start3A_46] : memref<80x16xf32, #tpu.memory_space<vmem>> -> memref<72x16xf32, #tpu.memory_space<vmem>>
        %dma_start3A_48 = arith.constant 0 : i32
        %dma_start3A_49 = tpu.memref_slice %arg11[%add3A_35, %dma_start3A_48] : memref<10112x16xf32, #tpu.memory_space<vmem_shared>> -> memref<72x16xf32, #tpu.memory_space<vmem_shared>>
        %dma_start3A_50 = arith.constant 0 : i32
        %dma_start3A_51 = arith.constant 0 : i32
        %dma_start3A_52 = tpu.memref_slice %arg18[%dma_start3A_50, %dma_start3A_51] : memref<80x16xf32, #tpu.memory_space<vmem>> -> memref<72x16xf32, #tpu.memory_space<vmem>>
        %dma_start3A_53 = arith.constant 0 : i32
        %dma_start3A_54 = tpu.memref_slice %arg11[%add3A_35, %dma_start3A_53] : memref<10112x16xf32, #tpu.memory_space<vmem_shared>> -> memref<72x16xf32, #tpu.memory_space<vmem_shared>>
        tpu.enqueue_dma source(%dma_start3A_54 : memref<72x16xf32, #tpu.memory_space<vmem_shared>>) target(%dma_start3A_52 : memref<72x16xf32, #tpu.memory_space<vmem>>) target_semaphore(%run_scoped3A : memref<!tpu.dma_semaphore, #tpu.memory_space<semaphore_mem>>)
        %dma_wait3A = arith.constant 0 : i32
        %dma_wait3A_55 = arith.constant 0 : i32
        %dma_wait3A_56 = tpu.memref_slice %arg18[%dma_wait3A, %dma_wait3A_55] : memref<80x16xf32, #tpu.memory_space<vmem>> -> memref<72x16xf32, #tpu.memory_space<vmem>>
        %dma_wait3A_57 = arith.constant 0 : i32
        %dma_wait3A_58 = tpu.memref_slice %arg11[%add3A_35, %dma_wait3A_57] : memref<10112x16xf32, #tpu.memory_space<vmem_shared>> -> memref<72x16xf32, #tpu.memory_space<vmem_shared>>
        %dma_wait3A_59 = arith.constant 0 : i32
        %dma_wait3A_60 = arith.constant 0 : i32
        %dma_wait3A_61 = tpu.memref_slice %arg18[%dma_wait3A_59, %dma_wait3A_60] : memref<80x16xf32, #tpu.memory_space<vmem>> -> memref<72x16xf32, #tpu.memory_space<vmem>>
        %dma_wait3A_62 = arith.constant 0 : i32
        %dma_wait3A_63 = tpu.memref_slice %arg11[%add3A_35, %dma_wait3A_62] : memref<10112x16xf32, #tpu.memory_space<vmem_shared>> -> memref<72x16xf32, #tpu.memory_space<vmem_shared>>
        tpu.wait_dma2 semaphore(%run_scoped3A : memref<!tpu.dma_semaphore, #tpu.memory_space<semaphore_mem>>) src(%dma_wait3A_63 : memref<72x16xf32, #tpu.memory_space<vmem_shared>>) dst(%dma_wait3A_61 : memref<72x16xf32, #tpu.memory_space<vmem>>)
        tpu.yield
      }) : () -> ()
      "tpu.region"() ({
        %run_scoped3A = tpu.sem_alloc : memref<!tpu.dma_semaphore, #tpu.memory_space<semaphore_mem>>
        %dma_start3A = arith.constant 0 : i32
        %dma_start3A_46 = arith.constant 0 : i32
        %dma_start3A_47 = tpu.memref_slice %arg18[%dma_start3A, %dma_start3A_46] : memref<80x16xf32, #tpu.memory_space<vmem>> -> memref<72x16xf32, #tpu.memory_space<vmem>>
        %dma_start3A_48 = arith.constant 0 : i32
        %dma_start3A_49 = tpu.memref_slice %arg9[%add3A_35, %dma_start3A_48] : memref<10112x16xf32, #tpu.memory_space<hbm>> -> memref<72x16xf32, #tpu.memory_space<hbm>>
        %dma_start3A_50 = arith.constant 0 : i32
        %dma_start3A_51 = tpu.memref_slice %arg9[%add3A_35, %dma_start3A_50] : memref<10112x16xf32, #tpu.memory_space<hbm>> -> memref<72x16xf32, #tpu.memory_space<hbm>>
        %dma_start3A_52 = arith.constant 0 : i32
        %dma_start3A_53 = arith.constant 0 : i32
        %dma_start3A_54 = tpu.memref_slice %arg18[%dma_start3A_52, %dma_start3A_53] : memref<80x16xf32, #tpu.memory_space<vmem>> -> memref<72x16xf32, #tpu.memory_space<vmem>>
        tpu.enqueue_dma source(%dma_start3A_54 : memref<72x16xf32, #tpu.memory_space<vmem>>) target(%dma_start3A_51 : memref<72x16xf32, #tpu.memory_space<hbm>>) target_semaphore(%run_scoped3A : memref<!tpu.dma_semaphore, #tpu.memory_space<semaphore_mem>>)
        %dma_wait3A = arith.constant 0 : i32
        %dma_wait3A_55 = arith.constant 0 : i32
        %dma_wait3A_56 = tpu.memref_slice %arg18[%dma_wait3A, %dma_wait3A_55] : memref<80x16xf32, #tpu.memory_space<vmem>> -> memref<72x16xf32, #tpu.memory_space<vmem>>
        %dma_wait3A_57 = arith.constant 0 : i32
        %dma_wait3A_58 = tpu.memref_slice %arg9[%add3A_35, %dma_wait3A_57] : memref<10112x16xf32, #tpu.memory_space<hbm>> -> memref<72x16xf32, #tpu.memory_space<hbm>>
        %dma_wait3A_59 = arith.constant 0 : i32
        %dma_wait3A_60 = tpu.memref_slice %arg9[%add3A_35, %dma_wait3A_59] : memref<10112x16xf32, #tpu.memory_space<hbm>> -> memref<72x16xf32, #tpu.memory_space<hbm>>
        %dma_wait3A_61 = arith.constant 0 : i32
        %dma_wait3A_62 = arith.constant 0 : i32
        %dma_wait3A_63 = tpu.memref_slice %arg18[%dma_wait3A_61, %dma_wait3A_62] : memref<80x16xf32, #tpu.memory_space<vmem>> -> memref<72x16xf32, #tpu.memory_space<vmem>>
        tpu.wait_dma2 semaphore(%run_scoped3A : memref<!tpu.dma_semaphore, #tpu.memory_space<semaphore_mem>>) src(%dma_wait3A_63 : memref<72x16xf32, #tpu.memory_space<vmem>>) dst(%dma_wait3A_60 : memref<72x16xf32, #tpu.memory_space<hbm>>)
        tpu.yield
      }) : () -> ()
    } else {
    }
    %eq3A_41 = arith.constant 1 : i32
    %eq3A_42 = arith.cmpi eq, %arg0, %eq3A_41 : i32
    %convert_element_type3A_43 = arith.extui %eq3A_42 : i1 to i32
    %cond3A_44 = arith.constant 0 : i32
    %cond3A_45 = arith.cmpi ne, %convert_element_type3A_43, %cond3A_44 : i32
    scf.if %cond3A_45 {
      "tpu.region"() ({
        %run_scoped3A = tpu.sem_alloc : memref<!tpu.dma_semaphore, #tpu.memory_space<semaphore_mem>>
        %dma_start3A = arith.constant 0 : i32
        %dma_start3A_46 = arith.constant 0 : i32
        %dma_start3A_47 = tpu.memref_slice %arg19[%dma_start3A, %dma_start3A_46] : memref<80x64xf32, #tpu.memory_space<vmem>> -> memref<72x64xf32, #tpu.memory_space<vmem>>
        %dma_start3A_48 = arith.constant 0 : i32
        %dma_start3A_49 = tpu.memref_slice %arg8[%add3A_35, %dma_start3A_48] : memref<10112x64xf32, #tpu.memory_space<hbm>> -> memref<72x64xf32, #tpu.memory_space<hbm>>
        %dma_start3A_50 = arith.constant 0 : i32
        %dma_start3A_51 = tpu.memref_slice %arg8[%add3A_35, %dma_start3A_50] : memref<10112x64xf32, #tpu.memory_space<hbm>> -> memref<72x64xf32, #tpu.memory_space<hbm>>
        %dma_start3A_52 = arith.constant 0 : i32
        %dma_start3A_53 = arith.constant 0 : i32
        %dma_start3A_54 = tpu.memref_slice %arg19[%dma_start3A_52, %dma_start3A_53] : memref<80x64xf32, #tpu.memory_space<vmem>> -> memref<72x64xf32, #tpu.memory_space<vmem>>
        tpu.enqueue_dma source(%dma_start3A_54 : memref<72x64xf32, #tpu.memory_space<vmem>>) target(%dma_start3A_51 : memref<72x64xf32, #tpu.memory_space<hbm>>) target_semaphore(%run_scoped3A : memref<!tpu.dma_semaphore, #tpu.memory_space<semaphore_mem>>)
        %dma_wait3A = arith.constant 0 : i32
        %dma_wait3A_55 = arith.constant 0 : i32
        %dma_wait3A_56 = tpu.memref_slice %arg19[%dma_wait3A, %dma_wait3A_55] : memref<80x64xf32, #tpu.memory_space<vmem>> -> memref<72x64xf32, #tpu.memory_space<vmem>>
        %dma_wait3A_57 = arith.constant 0 : i32
        %dma_wait3A_58 = tpu.memref_slice %arg8[%add3A_35, %dma_wait3A_57] : memref<10112x64xf32, #tpu.memory_space<hbm>> -> memref<72x64xf32, #tpu.memory_space<hbm>>
        %dma_wait3A_59 = arith.constant 0 : i32
        %dma_wait3A_60 = tpu.memref_slice %arg8[%add3A_35, %dma_wait3A_59] : memref<10112x64xf32, #tpu.memory_space<hbm>> -> memref<72x64xf32, #tpu.memory_space<hbm>>
        %dma_wait3A_61 = arith.constant 0 : i32
        %dma_wait3A_62 = arith.constant 0 : i32
        %dma_wait3A_63 = tpu.memref_slice %arg19[%dma_wait3A_61, %dma_wait3A_62] : memref<80x64xf32, #tpu.memory_space<vmem>> -> memref<72x64xf32, #tpu.memory_space<vmem>>
        tpu.wait_dma2 semaphore(%run_scoped3A : memref<!tpu.dma_semaphore, #tpu.memory_space<semaphore_mem>>) src(%dma_wait3A_63 : memref<72x64xf32, #tpu.memory_space<vmem>>) dst(%dma_wait3A_60 : memref<72x64xf32, #tpu.memory_space<hbm>>)
        tpu.yield
      }) : () -> ()
    } else {
    }
    return
  }
}

module attributes {stable_mosaic.version = 14 : i64} {
  func.func @_proj_body(%arg0: i32, %arg1: memref<200x128xf32, #tpu.memory_space<vmem>>, %arg2: memref<4x128x128xf32, #tpu.memory_space<vmem>>, %arg3: memref<4x128x16xf32, #tpu.memory_space<vmem>>, %arg4: memref<4x128x16xf32, #tpu.memory_space<vmem>>, %arg5: memref<128x128xf32, #tpu.memory_space<vmem>>, %arg6: memref<1x128xf32, #tpu.memory_space<vmem>>, %arg7: memref<4x200x64xf32, #tpu.memory_space<vmem>>, %arg8: memref<4x200x64xf32, #tpu.memory_space<vmem>>, %arg9: memref<4x200x16xf32, #tpu.memory_space<vmem>>, %arg10: memref<4x200x16xf32, #tpu.memory_space<vmem>>, %arg11: memref<200x128xf32, #tpu.memory_space<vmem>>) attributes {dimension_semantics = [#tpu.dimension_semantics<arbitrary>], iteration_bounds = array<i64: 50>, scalar_prefetch = 0 : i64, scratch_operands = 0 : i64, tpu.core_type = #tpu.core_type<tc>, window_params = [{transform_indices = @transform_0, window_bounds = array<i64: 200, 128>}, {pipeline_mode = #tpu.pipeline_mode<synchronous>, transform_indices = @transform_1, window_bounds = array<i64: 4, 128, 128>}, {pipeline_mode = #tpu.pipeline_mode<synchronous>, transform_indices = @transform_2, window_bounds = array<i64: 4, 128, 16>}, {pipeline_mode = #tpu.pipeline_mode<synchronous>, transform_indices = @transform_3, window_bounds = array<i64: 4, 128, 16>}, {pipeline_mode = #tpu.pipeline_mode<synchronous>, transform_indices = @transform_4, window_bounds = array<i64: 128, 128>}, {pipeline_mode = #tpu.pipeline_mode<synchronous>, transform_indices = @transform_5, window_bounds = array<i64: 1, 128>}, {transform_indices = @transform_6, window_bounds = array<i64: 4, 200, 64>}, {transform_indices = @transform_7, window_bounds = array<i64: 4, 200, 64>}, {transform_indices = @transform_8, window_bounds = array<i64: 4, 200, 16>}, {transform_indices = @transform_9, window_bounds = array<i64: 4, 200, 16>}, {transform_indices = @transform_10, window_bounds = array<i64: 200, 128>}]} {
    %get3A = arith.constant 0 : index
    %get3A_0 = arith.constant 0 : index
    %get3A_1 = vector.load %arg1[%get3A, %get3A_0] : memref<200x128xf32, #tpu.memory_space<vmem>>, vector<200x128xf32>
    %get3A_2 = arith.constant 0 : index
    %get3A_3 = arith.constant 0 : index
    %get3A_4 = arith.constant 0 : index
    %get3A_5 = vector.load %arg2[%get3A_2, %get3A_3, %get3A_4] : memref<4x128x128xf32, #tpu.memory_space<vmem>>, vector<1x128x128xf32>
    %get3A_6 = vector.shape_cast %get3A_5 : vector<1x128x128xf32> to vector<128x128xf32>
    %dot_general3A = arith.constant dense<0.000000e+00> : vector<200x128xf32>
    %dot_general3A_7 = tpu.matmul %get3A_1, %get3A_6, %dot_general3A {dimension_numbers = #tpu.dot_dimension_numbers<[1], [0], [0], [1], [0, 0, 1, 1], [], []>, transpose_lhs_hint = false} : vector<200x128xf32>, vector<128x128xf32>, vector<200x128xf32> -> vector<200x128xf32>
    %slice3A = vector.extract_strided_slice %dot_general3A_7 {offsets = [0, 0], sizes = [200, 64], strides = [1, 1]} : vector<200x128xf32> to vector<200x64xf32>
    %swap3A = arith.constant 0 : index
    %swap3A_8 = arith.constant 0 : index
    %swap3A_9 = arith.constant 0 : index
    %swap3A_10 = vector.load %arg7[%swap3A, %swap3A_8, %swap3A_9] : memref<4x200x64xf32, #tpu.memory_space<vmem>>, vector<1x200x64xf32>
    %swap3A_11 = vector.shape_cast %swap3A_10 : vector<1x200x64xf32> to vector<200x64xf32>
    %swap3A_12 = vector.shape_cast %slice3A : vector<200x64xf32> to vector<1x200x64xf32>
    tpu.vector_store %arg7[%swap3A, %swap3A_8, %swap3A_9], %swap3A_12 {strides = array<i32>} : memref<4x200x64xf32, #tpu.memory_space<vmem>>, vector<1x200x64xf32>,
    %slice3A_13 = vector.extract_strided_slice %dot_general3A_7 {offsets = [0, 64], sizes = [200, 64], strides = [1, 1]} : vector<200x128xf32> to vector<200x64xf32>
    %swap3A_14 = arith.constant 0 : index
    %swap3A_15 = arith.constant 0 : index
    %swap3A_16 = arith.constant 0 : index
    %swap3A_17 = vector.load %arg8[%swap3A_14, %swap3A_15, %swap3A_16] : memref<4x200x64xf32, #tpu.memory_space<vmem>>, vector<1x200x64xf32>
    %swap3A_18 = vector.shape_cast %swap3A_17 : vector<1x200x64xf32> to vector<200x64xf32>
    %swap3A_19 = vector.shape_cast %slice3A_13 : vector<200x64xf32> to vector<1x200x64xf32>
    tpu.vector_store %arg8[%swap3A_14, %swap3A_15, %swap3A_16], %swap3A_19 {strides = array<i32>} : memref<4x200x64xf32, #tpu.memory_space<vmem>>, vector<1x200x64xf32>,
    %get3A_20 = arith.constant 0 : index
    %get3A_21 = arith.constant 0 : index
    %get3A_22 = arith.constant 0 : index
    %get3A_23 = vector.load %arg3[%get3A_20, %get3A_21, %get3A_22] : memref<4x128x16xf32, #tpu.memory_space<vmem>>, vector<1x128x16xf32>
    %get3A_24 = vector.shape_cast %get3A_23 : vector<1x128x16xf32> to vector<128x16xf32>
    %dot_general3A_25 = arith.constant dense<0.000000e+00> : vector<200x16xf32>
    %dot_general3A_26 = tpu.matmul %dot_general3A_7, %get3A_24, %dot_general3A_25 {dimension_numbers = #tpu.dot_dimension_numbers<[1], [0], [0], [1], [0, 0, 1, 1], [], []>, transpose_lhs_hint = false} : vector<200x128xf32>, vector<128x16xf32>, vector<200x16xf32> -> vector<200x16xf32>
    %swap3A_27 = arith.constant 0 : index
    %swap3A_28 = arith.constant 0 : index
    %swap3A_29 = arith.constant 0 : index
    %swap3A_30 = vector.load %arg9[%swap3A_27, %swap3A_28, %swap3A_29] : memref<4x200x16xf32, #tpu.memory_space<vmem>>, vector<1x200x16xf32>
    %swap3A_31 = vector.shape_cast %swap3A_30 : vector<1x200x16xf32> to vector<200x16xf32>
    %swap3A_32 = vector.shape_cast %dot_general3A_26 : vector<200x16xf32> to vector<1x200x16xf32>
    tpu.vector_store %arg9[%swap3A_27, %swap3A_28, %swap3A_29], %swap3A_32 {strides = array<i32>} : memref<4x200x16xf32, #tpu.memory_space<vmem>>, vector<1x200x16xf32>,
    %get3A_33 = arith.constant 0 : index
    %get3A_34 = arith.constant 0 : index
    %get3A_35 = arith.constant 0 : index
    %get3A_36 = vector.load %arg4[%get3A_33, %get3A_34, %get3A_35] : memref<4x128x16xf32, #tpu.memory_space<vmem>>, vector<1x128x16xf32>
    %get3A_37 = vector.shape_cast %get3A_36 : vector<1x128x16xf32> to vector<128x16xf32>
    %dot_general3A_38 = arith.constant dense<0.000000e+00> : vector<200x16xf32>
    %dot_general3A_39 = tpu.matmul %dot_general3A_7, %get3A_37, %dot_general3A_38 {dimension_numbers = #tpu.dot_dimension_numbers<[1], [0], [0], [1], [0, 0, 1, 1], [], []>, transpose_lhs_hint = false} : vector<200x128xf32>, vector<128x16xf32>, vector<200x16xf32> -> vector<200x16xf32>
    %swap3A_40 = arith.constant 0 : index
    %swap3A_41 = arith.constant 0 : index
    %swap3A_42 = arith.constant 0 : index
    %swap3A_43 = vector.load %arg10[%swap3A_40, %swap3A_41, %swap3A_42] : memref<4x200x16xf32, #tpu.memory_space<vmem>>, vector<1x200x16xf32>
    %swap3A_44 = vector.shape_cast %swap3A_43 : vector<1x200x16xf32> to vector<200x16xf32>
    %swap3A_45 = vector.shape_cast %dot_general3A_39 : vector<200x16xf32> to vector<1x200x16xf32>
    tpu.vector_store %arg10[%swap3A_40, %swap3A_41, %swap3A_42], %swap3A_45 {strides = array<i32>} : memref<4x200x16xf32, #tpu.memory_space<vmem>>, vector<1x200x16xf32>,
    %get3A_46 = arith.constant 1 : index
    %get3A_47 = arith.constant 0 : index
    %get3A_48 = arith.constant 0 : index
    %get3A_49 = vector.load %arg2[%get3A_46, %get3A_47, %get3A_48] : memref<4x128x128xf32, #tpu.memory_space<vmem>>, vector<1x128x128xf32>
    %get3A_50 = vector.shape_cast %get3A_49 : vector<1x128x128xf32> to vector<128x128xf32>
    %dot_general3A_51 = arith.constant dense<0.000000e+00> : vector<200x128xf32>
    %dot_general3A_52 = tpu.matmul %get3A_1, %get3A_50, %dot_general3A_51 {dimension_numbers = #tpu.dot_dimension_numbers<[1], [0], [0], [1], [0, 0, 1, 1], [], []>, transpose_lhs_hint = false} : vector<200x128xf32>, vector<128x128xf32>, vector<200x128xf32> -> vector<200x128xf32>
    %slice3A_53 = vector.extract_strided_slice %dot_general3A_52 {offsets = [0, 0], sizes = [200, 64], strides = [1, 1]} : vector<200x128xf32> to vector<200x64xf32>
    %swap3A_54 = arith.constant 1 : index
    %swap3A_55 = arith.constant 0 : index
    %swap3A_56 = arith.constant 0 : index
    %swap3A_57 = vector.load %arg7[%swap3A_54, %swap3A_55, %swap3A_56] : memref<4x200x64xf32, #tpu.memory_space<vmem>>, vector<1x200x64xf32>
    %swap3A_58 = vector.shape_cast %swap3A_57 : vector<1x200x64xf32> to vector<200x64xf32>
    %swap3A_59 = vector.shape_cast %slice3A_53 : vector<200x64xf32> to vector<1x200x64xf32>
    tpu.vector_store %arg7[%swap3A_54, %swap3A_55, %swap3A_56], %swap3A_59 {strides = array<i32>} : memref<4x200x64xf32, #tpu.memory_space<vmem>>, vector<1x200x64xf32>,
    %slice3A_60 = vector.extract_strided_slice %dot_general3A_52 {offsets = [0, 64], sizes = [200, 64], strides = [1, 1]} : vector<200x128xf32> to vector<200x64xf32>
    %swap3A_61 = arith.constant 1 : index
    %swap3A_62 = arith.constant 0 : index
    %swap3A_63 = arith.constant 0 : index
    %swap3A_64 = vector.load %arg8[%swap3A_61, %swap3A_62, %swap3A_63] : memref<4x200x64xf32, #tpu.memory_space<vmem>>, vector<1x200x64xf32>
    %swap3A_65 = vector.shape_cast %swap3A_64 : vector<1x200x64xf32> to vector<200x64xf32>
    %swap3A_66 = vector.shape_cast %slice3A_60 : vector<200x64xf32> to vector<1x200x64xf32>
    tpu.vector_store %arg8[%swap3A_61, %swap3A_62, %swap3A_63], %swap3A_66 {strides = array<i32>} : memref<4x200x64xf32, #tpu.memory_space<vmem>>, vector<1x200x64xf32>,
    %get3A_67 = arith.constant 1 : index
    %get3A_68 = arith.constant 0 : index
    %get3A_69 = arith.constant 0 : index
    %get3A_70 = vector.load %arg3[%get3A_67, %get3A_68, %get3A_69] : memref<4x128x16xf32, #tpu.memory_space<vmem>>, vector<1x128x16xf32>
    %get3A_71 = vector.shape_cast %get3A_70 : vector<1x128x16xf32> to vector<128x16xf32>
    %dot_general3A_72 = arith.constant dense<0.000000e+00> : vector<200x16xf32>
    %dot_general3A_73 = tpu.matmul %dot_general3A_52, %get3A_71, %dot_general3A_72 {dimension_numbers = #tpu.dot_dimension_numbers<[1], [0], [0], [1], [0, 0, 1, 1], [], []>, transpose_lhs_hint = false} : vector<200x128xf32>, vector<128x16xf32>, vector<200x16xf32> -> vector<200x16xf32>
    %swap3A_74 = arith.constant 1 : index
    %swap3A_75 = arith.constant 0 : index
    %swap3A_76 = arith.constant 0 : index
    %swap3A_77 = vector.load %arg9[%swap3A_74, %swap3A_75, %swap3A_76] : memref<4x200x16xf32, #tpu.memory_space<vmem>>, vector<1x200x16xf32>
    %swap3A_78 = vector.shape_cast %swap3A_77 : vector<1x200x16xf32> to vector<200x16xf32>
    %swap3A_79 = vector.shape_cast %dot_general3A_73 : vector<200x16xf32> to vector<1x200x16xf32>
    tpu.vector_store %arg9[%swap3A_74, %swap3A_75, %swap3A_76], %swap3A_79 {strides = array<i32>} : memref<4x200x16xf32, #tpu.memory_space<vmem>>, vector<1x200x16xf32>,
    %get3A_80 = arith.constant 1 : index
    %get3A_81 = arith.constant 0 : index
    %get3A_82 = arith.constant 0 : index
    %get3A_83 = vector.load %arg4[%get3A_80, %get3A_81, %get3A_82] : memref<4x128x16xf32, #tpu.memory_space<vmem>>, vector<1x128x16xf32>
    %get3A_84 = vector.shape_cast %get3A_83 : vector<1x128x16xf32> to vector<128x16xf32>
    %dot_general3A_85 = arith.constant dense<0.000000e+00> : vector<200x16xf32>
    %dot_general3A_86 = tpu.matmul %dot_general3A_52, %get3A_84, %dot_general3A_85 {dimension_numbers = #tpu.dot_dimension_numbers<[1], [0], [0], [1], [0, 0, 1, 1], [], []>, transpose_lhs_hint = false} : vector<200x128xf32>, vector<128x16xf32>, vector<200x16xf32> -> vector<200x16xf32>
    %swap3A_87 = arith.constant 1 : index
    %swap3A_88 = arith.constant 0 : index
    %swap3A_89 = arith.constant 0 : index
    %swap3A_90 = vector.load %arg10[%swap3A_87, %swap3A_88, %swap3A_89] : memref<4x200x16xf32, #tpu.memory_space<vmem>>, vector<1x200x16xf32>
    %swap3A_91 = vector.shape_cast %swap3A_90 : vector<1x200x16xf32> to vector<200x16xf32>
    %swap3A_92 = vector.shape_cast %dot_general3A_86 : vector<200x16xf32> to vector<1x200x16xf32>
    tpu.vector_store %arg10[%swap3A_87, %swap3A_88, %swap3A_89], %swap3A_92 {strides = array<i32>} : memref<4x200x16xf32, #tpu.memory_space<vmem>>, vector<1x200x16xf32>,
    %get3A_93 = arith.constant 2 : index
    %get3A_94 = arith.constant 0 : index
    %get3A_95 = arith.constant 0 : index
    %get3A_96 = vector.load %arg2[%get3A_93, %get3A_94, %get3A_95] : memref<4x128x128xf32, #tpu.memory_space<vmem>>, vector<1x128x128xf32>
    %get3A_97 = vector.shape_cast %get3A_96 : vector<1x128x128xf32> to vector<128x128xf32>
    %dot_general3A_98 = arith.constant dense<0.000000e+00> : vector<200x128xf32>
    %dot_general3A_99 = tpu.matmul %get3A_1, %get3A_97, %dot_general3A_98 {dimension_numbers = #tpu.dot_dimension_numbers<[1], [0], [0], [1], [0, 0, 1, 1], [], []>, transpose_lhs_hint = false} : vector<200x128xf32>, vector<128x128xf32>, vector<200x128xf32> -> vector<200x128xf32>
    %slice3A_100 = vector.extract_strided_slice %dot_general3A_99 {offsets = [0, 0], sizes = [200, 64], strides = [1, 1]} : vector<200x128xf32> to vector<200x64xf32>
    %swap3A_101 = arith.constant 2 : index
    %swap3A_102 = arith.constant 0 : index
    %swap3A_103 = arith.constant 0 : index
    %swap3A_104 = vector.load %arg7[%swap3A_101, %swap3A_102, %swap3A_103] : memref<4x200x64xf32, #tpu.memory_space<vmem>>, vector<1x200x64xf32>
    %swap3A_105 = vector.shape_cast %swap3A_104 : vector<1x200x64xf32> to vector<200x64xf32>
    %swap3A_106 = vector.shape_cast %slice3A_100 : vector<200x64xf32> to vector<1x200x64xf32>
    tpu.vector_store %arg7[%swap3A_101, %swap3A_102, %swap3A_103], %swap3A_106 {strides = array<i32>} : memref<4x200x64xf32, #tpu.memory_space<vmem>>, vector<1x200x64xf32>,
    %slice3A_107 = vector.extract_strided_slice %dot_general3A_99 {offsets = [0, 64], sizes = [200, 64], strides = [1, 1]} : vector<200x128xf32> to vector<200x64xf32>
    %swap3A_108 = arith.constant 2 : index
    %swap3A_109 = arith.constant 0 : index
    %swap3A_110 = arith.constant 0 : index
    %swap3A_111 = vector.load %arg8[%swap3A_108, %swap3A_109, %swap3A_110] : memref<4x200x64xf32, #tpu.memory_space<vmem>>, vector<1x200x64xf32>
    %swap3A_112 = vector.shape_cast %swap3A_111 : vector<1x200x64xf32> to vector<200x64xf32>
    %swap3A_113 = vector.shape_cast %slice3A_107 : vector<200x64xf32> to vector<1x200x64xf32>
    tpu.vector_store %arg8[%swap3A_108, %swap3A_109, %swap3A_110], %swap3A_113 {strides = array<i32>} : memref<4x200x64xf32, #tpu.memory_space<vmem>>, vector<1x200x64xf32>,
    %get3A_114 = arith.constant 2 : index
    %get3A_115 = arith.constant 0 : index
    %get3A_116 = arith.constant 0 : index
    %get3A_117 = vector.load %arg3[%get3A_114, %get3A_115, %get3A_116] : memref<4x128x16xf32, #tpu.memory_space<vmem>>, vector<1x128x16xf32>
    %get3A_118 = vector.shape_cast %get3A_117 : vector<1x128x16xf32> to vector<128x16xf32>
    %dot_general3A_119 = arith.constant dense<0.000000e+00> : vector<200x16xf32>
    %dot_general3A_120 = tpu.matmul %dot_general3A_99, %get3A_118, %dot_general3A_119 {dimension_numbers = #tpu.dot_dimension_numbers<[1], [0], [0], [1], [0, 0, 1, 1], [], []>, transpose_lhs_hint = false} : vector<200x128xf32>, vector<128x16xf32>, vector<200x16xf32> -> vector<200x16xf32>
    %swap3A_121 = arith.constant 2 : index
    %swap3A_122 = arith.constant 0 : index
    %swap3A_123 = arith.constant 0 : index
    %swap3A_124 = vector.load %arg9[%swap3A_121, %swap3A_122, %swap3A_123] : memref<4x200x16xf32, #tpu.memory_space<vmem>>, vector<1x200x16xf32>
    %swap3A_125 = vector.shape_cast %swap3A_124 : vector<1x200x16xf32> to vector<200x16xf32>
    %swap3A_126 = vector.shape_cast %dot_general3A_120 : vector<200x16xf32> to vector<1x200x16xf32>
    tpu.vector_store %arg9[%swap3A_121, %swap3A_122, %swap3A_123], %swap3A_126 {strides = array<i32>} : memref<4x200x16xf32, #tpu.memory_space<vmem>>, vector<1x200x16xf32>,
    %get3A_127 = arith.constant 2 : index
    %get3A_128 = arith.constant 0 : index
    %get3A_129 = arith.constant 0 : index
    %get3A_130 = vector.load %arg4[%get3A_127, %get3A_128, %get3A_129] : memref<4x128x16xf32, #tpu.memory_space<vmem>>, vector<1x128x16xf32>
    %get3A_131 = vector.shape_cast %get3A_130 : vector<1x128x16xf32> to vector<128x16xf32>
    %dot_general3A_132 = arith.constant dense<0.000000e+00> : vector<200x16xf32>
    %dot_general3A_133 = tpu.matmul %dot_general3A_99, %get3A_131, %dot_general3A_132 {dimension_numbers = #tpu.dot_dimension_numbers<[1], [0], [0], [1], [0, 0, 1, 1], [], []>, transpose_lhs_hint = false} : vector<200x128xf32>, vector<128x16xf32>, vector<200x16xf32> -> vector<200x16xf32>
    %swap3A_134 = arith.constant 2 : index
    %swap3A_135 = arith.constant 0 : index
    %swap3A_136 = arith.constant 0 : index
    %swap3A_137 = vector.load %arg10[%swap3A_134, %swap3A_135, %swap3A_136] : memref<4x200x16xf32, #tpu.memory_space<vmem>>, vector<1x200x16xf32>
    %swap3A_138 = vector.shape_cast %swap3A_137 : vector<1x200x16xf32> to vector<200x16xf32>
    %swap3A_139 = vector.shape_cast %dot_general3A_133 : vector<200x16xf32> to vector<1x200x16xf32>
    tpu.vector_store %arg10[%swap3A_134, %swap3A_135, %swap3A_136], %swap3A_139 {strides = array<i32>} : memref<4x200x16xf32, #tpu.memory_space<vmem>>, vector<1x200x16xf32>,
    %get3A_140 = arith.constant 3 : index
    %get3A_141 = arith.constant 0 : index
    %get3A_142 = arith.constant 0 : index
    %get3A_143 = vector.load %arg2[%get3A_140, %get3A_141, %get3A_142] : memref<4x128x128xf32, #tpu.memory_space<vmem>>, vector<1x128x128xf32>
    %get3A_144 = vector.shape_cast %get3A_143 : vector<1x128x128xf32> to vector<128x128xf32>
    %dot_general3A_145 = arith.constant dense<0.000000e+00> : vector<200x128xf32>
    %dot_general3A_146 = tpu.matmul %get3A_1, %get3A_144, %dot_general3A_145 {dimension_numbers = #tpu.dot_dimension_numbers<[1], [0], [0], [1], [0, 0, 1, 1], [], []>, transpose_lhs_hint = false} : vector<200x128xf32>, vector<128x128xf32>, vector<200x128xf32> -> vector<200x128xf32>
    %slice3A_147 = vector.extract_strided_slice %dot_general3A_146 {offsets = [0, 0], sizes = [200, 64], strides = [1, 1]} : vector<200x128xf32> to vector<200x64xf32>
    %swap3A_148 = arith.constant 3 : index
    %swap3A_149 = arith.constant 0 : index
    %swap3A_150 = arith.constant 0 : index
    %swap3A_151 = vector.load %arg7[%swap3A_148, %swap3A_149, %swap3A_150] : memref<4x200x64xf32, #tpu.memory_space<vmem>>, vector<1x200x64xf32>
    %swap3A_152 = vector.shape_cast %swap3A_151 : vector<1x200x64xf32> to vector<200x64xf32>
    %swap3A_153 = vector.shape_cast %slice3A_147 : vector<200x64xf32> to vector<1x200x64xf32>
    tpu.vector_store %arg7[%swap3A_148, %swap3A_149, %swap3A_150], %swap3A_153 {strides = array<i32>} : memref<4x200x64xf32, #tpu.memory_space<vmem>>, vector<1x200x64xf32>,
    %slice3A_154 = vector.extract_strided_slice %dot_general3A_146 {offsets = [0, 64], sizes = [200, 64], strides = [1, 1]} : vector<200x128xf32> to vector<200x64xf32>
    %swap3A_155 = arith.constant 3 : index
    %swap3A_156 = arith.constant 0 : index
    %swap3A_157 = arith.constant 0 : index
    %swap3A_158 = vector.load %arg8[%swap3A_155, %swap3A_156, %swap3A_157] : memref<4x200x64xf32, #tpu.memory_space<vmem>>, vector<1x200x64xf32>
    %swap3A_159 = vector.shape_cast %swap3A_158 : vector<1x200x64xf32> to vector<200x64xf32>
    %swap3A_160 = vector.shape_cast %slice3A_154 : vector<200x64xf32> to vector<1x200x64xf32>
    tpu.vector_store %arg8[%swap3A_155, %swap3A_156, %swap3A_157], %swap3A_160 {strides = array<i32>} : memref<4x200x64xf32, #tpu.memory_space<vmem>>, vector<1x200x64xf32>,
    %get3A_161 = arith.constant 3 : index
    %get3A_162 = arith.constant 0 : index
    %get3A_163 = arith.constant 0 : index
    %get3A_164 = vector.load %arg3[%get3A_161, %get3A_162, %get3A_163] : memref<4x128x16xf32, #tpu.memory_space<vmem>>, vector<1x128x16xf32>
    %get3A_165 = vector.shape_cast %get3A_164 : vector<1x128x16xf32> to vector<128x16xf32>
    %dot_general3A_166 = arith.constant dense<0.000000e+00> : vector<200x16xf32>
    %dot_general3A_167 = tpu.matmul %dot_general3A_146, %get3A_165, %dot_general3A_166 {dimension_numbers = #tpu.dot_dimension_numbers<[1], [0], [0], [1], [0, 0, 1, 1], [], []>, transpose_lhs_hint = false} : vector<200x128xf32>, vector<128x16xf32>, vector<200x16xf32> -> vector<200x16xf32>
    %swap3A_168 = arith.constant 3 : index
    %swap3A_169 = arith.constant 0 : index
    %swap3A_170 = arith.constant 0 : index
    %swap3A_171 = vector.load %arg9[%swap3A_168, %swap3A_169, %swap3A_170] : memref<4x200x16xf32, #tpu.memory_space<vmem>>, vector<1x200x16xf32>
    %swap3A_172 = vector.shape_cast %swap3A_171 : vector<1x200x16xf32> to vector<200x16xf32>
    %swap3A_173 = vector.shape_cast %dot_general3A_167 : vector<200x16xf32> to vector<1x200x16xf32>
    tpu.vector_store %arg9[%swap3A_168, %swap3A_169, %swap3A_170], %swap3A_173 {strides = array<i32>} : memref<4x200x16xf32, #tpu.memory_space<vmem>>, vector<1x200x16xf32>,
    %get3A_174 = arith.constant 3 : index
    %get3A_175 = arith.constant 0 : index
    %get3A_176 = arith.constant 0 : index
    %get3A_177 = vector.load %arg4[%get3A_174, %get3A_175, %get3A_176] : memref<4x128x16xf32, #tpu.memory_space<vmem>>, vector<1x128x16xf32>
    %get3A_178 = vector.shape_cast %get3A_177 : vector<1x128x16xf32> to vector<128x16xf32>
    %dot_general3A_179 = arith.constant dense<0.000000e+00> : vector<200x16xf32>
    %dot_general3A_180 = tpu.matmul %dot_general3A_146, %get3A_178, %dot_general3A_179 {dimension_numbers = #tpu.dot_dimension_numbers<[1], [0], [0], [1], [0, 0, 1, 1], [], []>, transpose_lhs_hint = false} : vector<200x128xf32>, vector<128x16xf32>, vector<200x16xf32> -> vector<200x16xf32>
    %swap3A_181 = arith.constant 3 : index
    %swap3A_182 = arith.constant 0 : index
    %swap3A_183 = arith.constant 0 : index
    %swap3A_184 = vector.load %arg10[%swap3A_181, %swap3A_182, %swap3A_183] : memref<4x200x16xf32, #tpu.memory_space<vmem>>, vector<1x200x16xf32>
    %swap3A_185 = vector.shape_cast %swap3A_184 : vector<1x200x16xf32> to vector<200x16xf32>
    %swap3A_186 = vector.shape_cast %dot_general3A_180 : vector<200x16xf32> to vector<1x200x16xf32>
    tpu.vector_store %arg10[%swap3A_181, %swap3A_182, %swap3A_183], %swap3A_186 {strides = array<i32>} : memref<4x200x16xf32, #tpu.memory_space<vmem>>, vector<1x200x16xf32>,
    %get3A_187 = arith.constant 0 : index
    %get3A_188 = arith.constant 0 : index
    %get3A_189 = vector.load %arg5[%get3A_187, %get3A_188] : memref<128x128xf32, #tpu.memory_space<vmem>>, vector<128x128xf32>
    %dot_general3A_190 = arith.constant dense<0.000000e+00> : vector<200x128xf32>
    %dot_general3A_191 = tpu.matmul %get3A_1, %get3A_189, %dot_general3A_190 {dimension_numbers = #tpu.dot_dimension_numbers<[1], [0], [0], [1], [0, 0, 1, 1], [], []>, transpose_lhs_hint = false} : vector<200x128xf32>, vector<128x128xf32>, vector<200x128xf32> -> vector<200x128xf32>
    %get3A_192 = arith.constant 0 : index
    %get3A_193 = arith.constant 0 : index
    %get3A_194 = vector.load %arg6[%get3A_192, %get3A_193] : memref<1x128xf32, #tpu.memory_space<vmem>>, vector<1x128xf32>
    %add3A = vector.broadcast %get3A_194 : vector<1x128xf32> to vector<200x128xf32>
    %add3A_195 = arith.addf %dot_general3A_191, %add3A : vector<200x128xf32>
    %swap3A_196 = arith.constant 0 : index
    %swap3A_197 = arith.constant 0 : index
    %swap3A_198 = vector.load %arg11[%swap3A_196, %swap3A_197] : memref<200x128xf32, #tpu.memory_space<vmem>>, vector<200x128xf32>
    tpu.vector_store %arg11[%swap3A_196, %swap3A_197], %add3A_195 {strides = array<i32>} : memref<200x128xf32, #tpu.memory_space<vmem>>, vector<200x128xf32>,
    return
  }
  func.func @transform_0(%arg0: i32) -> (i32, i32) {
    %c0_i32 = arith.constant 0 : i32
    %c0_i32_0 = arith.constant 0 : i32
    return %arg0, %c0_i32 : i32, i32
  }
  func.func @transform_1(%arg0: i32) -> (i32, i32, i32) {
    %c0_i32 = arith.constant 0 : i32
    %c0_i32_0 = arith.constant 0 : i32
    %c0_i32_1 = arith.constant 0 : i32
    %c0_i32_2 = arith.constant 0 : i32
    return %c0_i32, %c0_i32_0, %c0_i32_1 : i32, i32, i32
  }
  func.func @transform_2(%arg0: i32) -> (i32, i32, i32) {
    %c0_i32 = arith.constant 0 : i32
    %c0_i32_0 = arith.constant 0 : i32
    %c0_i32_1 = arith.constant 0 : i32
    %c0_i32_2 = arith.constant 0 : i32
    return %c0_i32, %c0_i32_0, %c0_i32_1 : i32, i32, i32
  }
  func.func @transform_3(%arg0: i32) -> (i32, i32, i32) {
    %c0_i32 = arith.constant 0 : i32
    %c0_i32_0 = arith.constant 0 : i32
    %c0_i32_1 = arith.constant 0 : i32
    %c0_i32_2 = arith.constant 0 : i32
    return %c0_i32, %c0_i32_0, %c0_i32_1 : i32, i32, i32
  }
  func.func @transform_4(%arg0: i32) -> (i32, i32) {
    %c0_i32 = arith.constant 0 : i32
    %c0_i32_0 = arith.constant 0 : i32
    %c0_i32_1 = arith.constant 0 : i32
    return %c0_i32, %c0_i32_0 : i32, i32
  }
  func.func @transform_5(%arg0: i32) -> (i32, i32) {
    %c0_i32 = arith.constant 0 : i32
    %c0_i32_0 = arith.constant 0 : i32
    %c0_i32_1 = arith.constant 0 : i32
    return %c0_i32, %c0_i32_0 : i32, i32
  }
  func.func @transform_6(%arg0: i32) -> (i32, i32, i32) {
    %c0_i32 = arith.constant 0 : i32
    %c0_i32_0 = arith.constant 0 : i32
    %c0_i32_1 = arith.constant 0 : i32
    return %c0_i32, %arg0, %c0_i32_0 : i32, i32, i32
  }
  func.func @transform_7(%arg0: i32) -> (i32, i32, i32) {
    %c0_i32 = arith.constant 0 : i32
    %c0_i32_0 = arith.constant 0 : i32
    %c0_i32_1 = arith.constant 0 : i32
    return %c0_i32, %arg0, %c0_i32_0 : i32, i32, i32
  }
  func.func @transform_8(%arg0: i32) -> (i32, i32, i32) {
    %c0_i32 = arith.constant 0 : i32
    %c0_i32_0 = arith.constant 0 : i32
    %c0_i32_1 = arith.constant 0 : i32
    return %c0_i32, %arg0, %c0_i32_0 : i32, i32, i32
  }
  func.func @transform_9(%arg0: i32) -> (i32, i32, i32) {
    %c0_i32 = arith.constant 0 : i32
    %c0_i32_0 = arith.constant 0 : i32
    %c0_i32_1 = arith.constant 0 : i32
    return %c0_i32, %arg0, %c0_i32_0 : i32, i32, i32
  }
  func.func @transform_10(%arg0: i32) -> (i32, i32) {
    %c0_i32 = arith.constant 0 : i32
    %c0_i32_0 = arith.constant 0 : i32
    return %arg0, %c0_i32 : i32, i32
  }
}

module attributes {stable_mosaic.version = 14 : i64} {
  func.func @_fin0_body(%arg0: i32, %arg1: memref<5000x64xf32, #tpu.memory_space<vmem>>, %arg2: memref<5000x64xf32, #tpu.memory_space<vmem>>, %arg3: memref<5000x16xf32, #tpu.memory_space<vmem>>, %arg4: memref<5000x128xf32, #tpu.memory_space<vmem>>, %arg5: memref<4x128xf32, #tpu.memory_space<vmem>>, %arg6: memref<1x128xf32, #tpu.memory_space<vmem>>, %arg7: memref<1x128xf32, #tpu.memory_space<vmem>>, %arg8: memref<5000x128xf32, #tpu.memory_space<vmem>>, %arg9: memref<5000x128xf32, #tpu.memory_space<vmem>>) attributes {dimension_semantics = [#tpu.dimension_semantics<arbitrary>], iteration_bounds = array<i64: 4>, scalar_prefetch = 0 : i64, scratch_operands = 1 : i64, tpu.core_type = #tpu.core_type<tc>, window_params = [{transform_indices = @transform_0, window_bounds = array<i64: 5000, 64>}, {transform_indices = @transform_1, window_bounds = array<i64: 5000, 64>}, {transform_indices = @transform_2, window_bounds = array<i64: 5000, 16>}, {pipeline_mode = #tpu.pipeline_mode<synchronous>, transform_indices = @transform_3, window_bounds = array<i64: 5000, 128>}, {pipeline_mode = #tpu.pipeline_mode<synchronous>, transform_indices = @transform_4, window_bounds = array<i64: 4, 128>}, {pipeline_mode = #tpu.pipeline_mode<synchronous>, transform_indices = @transform_5, window_bounds = array<i64: 1, 128>}, {pipeline_mode = #tpu.pipeline_mode<synchronous>, transform_indices = @transform_6, window_bounds = array<i64: 1, 128>}, {pipeline_mode = #tpu.pipeline_mode<synchronous>, transform_indices = @transform_7, window_bounds = array<i64: 5000, 128>}]} {
    %eq3A = arith.constant 0 : i32
    %eq3A_0 = arith.cmpi eq, %arg0, %eq3A : i32
    %convert_element_type3A = arith.extui %eq3A_0 : i1 to i32
    %cond3A = arith.constant 0 : i32
    %cond3A_1 = arith.cmpi ne, %convert_element_type3A, %cond3A : i32
    scf.if %cond3A_1 {
      %get3A_56 = arith.constant 0 : index
      %get3A_57 = arith.constant 0 : index
      %get3A_58 = vector.load %arg4[%get3A_56, %get3A_57] : memref<5000x128xf32, #tpu.memory_space<vmem>>, vector<5000x128xf32>
      %get3A_59 = arith.constant 0 : index
      %get3A_60 = arith.constant 0 : index
      %get3A_61 = vector.load %arg5[%get3A_59, %get3A_60] : memref<4x128xf32, #tpu.memory_space<vmem>>, vector<4x128xf32>
      %reduce_sum3A = arith.constant dense<0.000000e+00> : vector<128xf32>
      %reduce_sum3A_62 = vector.multi_reduction <add>, %get3A_61, %reduce_sum3A [0] : vector<4x128xf32> to vector<128xf32>
      %broadcast_in_dim3A_63 = vector.shape_cast %reduce_sum3A_62 : vector<128xf32> to vector<1x128xf32>
      %add3A_64 = vector.broadcast %broadcast_in_dim3A_63 : vector<1x128xf32> to vector<5000x128xf32>
      %add3A_65 = arith.addf %get3A_58, %add3A_64 : vector<5000x128xf32>
      %swap3A_66 = arith.constant 0 : index
      %swap3A_67 = arith.constant 0 : index
      %swap3A_68 = vector.load %arg9[%swap3A_66, %swap3A_67] : memref<5000x128xf32, #tpu.memory_space<vmem>>, vector<5000x128xf32>
      tpu.vector_store %arg9[%swap3A_66, %swap3A_67], %add3A_65 {strides = array<i32>} : memref<5000x128xf32, #tpu.memory_space<vmem>>, vector<5000x128xf32>,
    } else {
    }
    %get3A = arith.constant 0 : index
    %get3A_2 = arith.constant 0 : index
    %get3A_3 = vector.load %arg3[%get3A, %get3A_2] : memref<5000x16xf32, #tpu.memory_space<vmem>>, vector<5000x16xf32>
    %get3A_4 = arith.constant 0 : index
    %get3A_5 = arith.constant 0 : index
    %get3A_6 = vector.load %arg1[%get3A_4, %get3A_5] : memref<5000x64xf32, #tpu.memory_space<vmem>>, vector<5000x32xf32>
    %slice3A = vector.extract_strided_slice %get3A_3 {offsets = [0, 0], sizes = [5000, 1], strides = [1, 1]} : vector<5000x16xf32> to vector<5000x1xf32>
    %gt3A = arith.constant 0.000000e+00 : f32
    %gt3A_7 = vector.broadcast %gt3A : f32 to vector<5000x1xf32>
    %gt3A_8 = arith.cmpf ogt, %slice3A, %gt3A_7 : vector<5000x1xf32>
    %jit3A = arith.constant 1.000000e+00 : f32
    %broadcast_in_dim3A = vector.broadcast %jit3A : f32 to vector<5000x1xf32>
    %select_n3A = arith.select %gt3A_8, %slice3A, %broadcast_in_dim3A : vector<5000x1xi1>, vector<5000x1xf32>
    %div3A = vector.broadcast %select_n3A : vector<5000x1xf32> to vector<5000x32xf32>
    %div3A_9 = arith.divf %get3A_6, %div3A : vector<5000x32xf32>
    %get3A_10 = arith.constant 0 : index
    %get3A_11 = arith.constant 32 : index
    %get3A_12 = vector.load %arg1[%get3A_10, %get3A_11] : memref<5000x64xf32, #tpu.memory_space<vmem>>, vector<5000x32xf32>
    %slice3A_13 = vector.extract_strided_slice %get3A_3 {offsets = [0, 1], sizes = [5000, 1], strides = [1, 1]} : vector<5000x16xf32> to vector<5000x1xf32>
    %gt3A_14 = arith.constant 0.000000e+00 : f32
    %gt3A_15 = vector.broadcast %gt3A_14 : f32 to vector<5000x1xf32>
    %gt3A_16 = arith.cmpf ogt, %slice3A_13, %gt3A_15 : vector<5000x1xf32>
    %jit3A_17 = arith.constant 1.000000e+00 : f32
    %broadcast_in_dim3A_18 = vector.broadcast %jit3A_17 : f32 to vector<5000x1xf32>
    %select_n3A_19 = arith.select %gt3A_16, %slice3A_13, %broadcast_in_dim3A_18 : vector<5000x1xi1>, vector<5000x1xf32>
    %div3A_20 = vector.broadcast %select_n3A_19 : vector<5000x1xf32> to vector<5000x32xf32>
    %div3A_21 = arith.divf %get3A_12, %div3A_20 : vector<5000x32xf32>
    %get3A_22 = arith.constant 0 : index
    %get3A_23 = arith.constant 0 : index
    %get3A_24 = vector.load %arg2[%get3A_22, %get3A_23] : memref<5000x64xf32, #tpu.memory_space<vmem>>, vector<5000x32xf32>
    %slice3A_25 = vector.extract_strided_slice %get3A_3 {offsets = [0, 2], sizes = [5000, 1], strides = [1, 1]} : vector<5000x16xf32> to vector<5000x1xf32>
    %gt3A_26 = arith.constant 0.000000e+00 : f32
    %gt3A_27 = vector.broadcast %gt3A_26 : f32 to vector<5000x1xf32>
    %gt3A_28 = arith.cmpf ogt, %slice3A_25, %gt3A_27 : vector<5000x1xf32>
    %jit3A_29 = arith.constant 1.000000e+00 : f32
    %broadcast_in_dim3A_30 = vector.broadcast %jit3A_29 : f32 to vector<5000x1xf32>
    %select_n3A_31 = arith.select %gt3A_28, %slice3A_25, %broadcast_in_dim3A_30 : vector<5000x1xi1>, vector<5000x1xf32>
    %div3A_32 = vector.broadcast %select_n3A_31 : vector<5000x1xf32> to vector<5000x32xf32>
    %div3A_33 = arith.divf %get3A_24, %div3A_32 : vector<5000x32xf32>
    %get3A_34 = arith.constant 0 : index
    %get3A_35 = arith.constant 32 : index
    %get3A_36 = vector.load %arg2[%get3A_34, %get3A_35] : memref<5000x64xf32, #tpu.memory_space<vmem>>, vector<5000x32xf32>
    %slice3A_37 = vector.extract_strided_slice %get3A_3 {offsets = [0, 3], sizes = [5000, 1], strides = [1, 1]} : vector<5000x16xf32> to vector<5000x1xf32>
    %gt3A_38 = arith.constant 0.000000e+00 : f32
    %gt3A_39 = vector.broadcast %gt3A_38 : f32 to vector<5000x1xf32>
    %gt3A_40 = arith.cmpf ogt, %slice3A_37, %gt3A_39 : vector<5000x1xf32>
    %jit3A_41 = arith.constant 1.000000e+00 : f32
    %broadcast_in_dim3A_42 = vector.broadcast %jit3A_41 : f32 to vector<5000x1xf32>
    %select_n3A_43 = arith.select %gt3A_40, %slice3A_37, %broadcast_in_dim3A_42 : vector<5000x1xi1>, vector<5000x1xf32>
    %div3A_44 = vector.broadcast %select_n3A_43 : vector<5000x1xf32> to vector<5000x32xf32>
    %div3A_45 = arith.divf %get3A_36, %div3A_44 : vector<5000x32xf32>
    %get3A_46 = arith.constant 0 : index
    %get3A_47 = arith.constant 0 : index
    %get3A_48 = vector.load %arg9[%get3A_46, %get3A_47] : memref<5000x128xf32, #tpu.memory_space<vmem>>, vector<5000x128xf32>
    %concatenate3A = tpu.concatenate %div3A_9, %div3A_21, %div3A_33, %div3A_45 in 1 : vector<5000x32xf32>, vector<5000x32xf32>, vector<5000x32xf32>, vector<5000x32xf32> -> vector<5000x128xf32>
    %add3A = arith.addf %get3A_48, %concatenate3A : vector<5000x128xf32>
    %swap3A = arith.constant 0 : index
    %swap3A_49 = arith.constant 0 : index
    %swap3A_50 = vector.load %arg9[%swap3A, %swap3A_49] : memref<5000x128xf32, #tpu.memory_space<vmem>>, vector<5000x128xf32>
    tpu.vector_store %arg9[%swap3A, %swap3A_49], %add3A {strides = array<i32>} : memref<5000x128xf32, #tpu.memory_space<vmem>>, vector<5000x128xf32>,
    %eq3A_51 = arith.constant 3 : i32
    %eq3A_52 = arith.cmpi eq, %arg0, %eq3A_51 : i32
    %convert_element_type3A_53 = arith.extui %eq3A_52 : i1 to i32
    %cond3A_54 = arith.constant 0 : i32
    %cond3A_55 = arith.cmpi ne, %convert_element_type3A_53, %cond3A_54 : i32
    scf.if %cond3A_55 {
      %get3A_56 = arith.constant 0 : index
      %get3A_57 = arith.constant 0 : index
      %get3A_58 = vector.load %arg9[%get3A_56, %get3A_57] : memref<5000x128xf32, #tpu.memory_space<vmem>>, vector<5000x128xf32>
      %get3A_59 = arith.constant 0 : index
      %get3A_60 = arith.constant 0 : index
      %get3A_61 = vector.load %arg6[%get3A_59, %get3A_60] : memref<1x128xf32, #tpu.memory_space<vmem>>, vector<1x128xf32>
      %get3A_62 = arith.constant 0 : index
      %get3A_63 = arith.constant 0 : index
      %get3A_64 = vector.load %arg7[%get3A_62, %get3A_63] : memref<1x128xf32, #tpu.memory_space<vmem>>, vector<1x128xf32>
      %reduce_sum3A = arith.constant dense<0.000000e+00> : vector<128xf32>
      %reduce_sum3A_65 = vector.multi_reduction <add>, %get3A_58, %reduce_sum3A [0] : vector<5000x128xf32> to vector<128xf32>
      %broadcast_in_dim3A_66 = vector.shape_cast %reduce_sum3A_65 : vector<128xf32> to vector<1x128xf32>
      %div3A_67 = arith.constant 5.000000e+03 : f32
      %div3A_68 = vector.broadcast %div3A_67 : f32 to vector<1x128xf32>
      %div3A_69 = arith.divf %broadcast_in_dim3A_66, %div3A_68 : vector<1x128xf32>
      %sub3A = vector.broadcast %div3A_69 : vector<1x128xf32> to vector<5000x128xf32>
      %sub3A_70 = arith.subf %get3A_58, %sub3A : vector<5000x128xf32>
      %integer_pow3A = arith.mulf %sub3A_70, %sub3A_70 : vector<5000x128xf32>
      %reduce_sum3A_71 = arith.constant dense<0.000000e+00> : vector<128xf32>
      %reduce_sum3A_72 = vector.multi_reduction <add>, %integer_pow3A, %reduce_sum3A_71 [0] : vector<5000x128xf32> to vector<128xf32>
      %broadcast_in_dim3A_73 = vector.shape_cast %reduce_sum3A_72 : vector<128xf32> to vector<1x128xf32>
      %div3A_74 = arith.constant 5.000000e+03 : f32
      %div3A_75 = vector.broadcast %div3A_74 : f32 to vector<1x128xf32>
      %div3A_76 = arith.divf %broadcast_in_dim3A_73, %div3A_75 : vector<1x128xf32>
      %sub3A_77 = vector.broadcast %div3A_69 : vector<1x128xf32> to vector<5000x128xf32>
      %sub3A_78 = arith.subf %get3A_58, %sub3A_77 : vector<5000x128xf32>
      %mul3A = vector.broadcast %get3A_61 : vector<1x128xf32> to vector<5000x128xf32>
      %mul3A_79 = arith.mulf %mul3A, %sub3A_78 : vector<5000x128xf32>
      %add3A_80 = arith.constant 9.99999974E-6 : f32
      %add3A_81 = vector.broadcast %add3A_80 : f32 to vector<1x128xf32>
      %add3A_82 = arith.addf %div3A_76, %add3A_81 : vector<1x128xf32>
      %rsqrt3A = math.rsqrt %add3A_82 : vector<1x128xf32>
      %mul3A_83 = vector.broadcast %rsqrt3A : vector<1x128xf32> to vector<5000x128xf32>
      %mul3A_84 = arith.mulf %mul3A_79, %mul3A_83 : vector<5000x128xf32>
      %add3A_85 = vector.broadcast %get3A_64 : vector<1x128xf32> to vector<5000x128xf32>
      %add3A_86 = arith.addf %mul3A_84, %add3A_85 : vector<5000x128xf32>
      %gt3A_87 = arith.constant 0.000000e+00 : f32
      %gt3A_88 = vector.broadcast %gt3A_87 : f32 to vector<5000x128xf32>
      %gt3A_89 = arith.cmpf ogt, %add3A_86, %gt3A_88 : vector<5000x128xf32>
      %exp3A = math.exp %add3A_86 : vector<5000x128xf32>
      %sub3A_90 = arith.constant 1.000000e+00 : f32
      %sub3A_91 = vector.broadcast %sub3A_90 : f32 to vector<5000x128xf32>
      %sub3A_92 = arith.subf %exp3A, %sub3A_91 : vector<5000x128xf32>
      %select_n3A_93 = arith.select %gt3A_89, %add3A_86, %sub3A_92 : vector<5000x128xi1>, vector<5000x128xf32>
      %swap3A_94 = arith.constant 0 : index
      %swap3A_95 = arith.constant 0 : index
      %swap3A_96 = vector.load %arg8[%swap3A_94, %swap3A_95] : memref<5000x128xf32, #tpu.memory_space<vmem>>, vector<5000x128xf32>
      tpu.vector_store %arg8[%swap3A_94, %swap3A_95], %select_n3A_93 {strides = array<i32>} : memref<5000x128xf32, #tpu.memory_space<vmem>>, vector<5000x128xf32>,
    } else {
    }
    return
  }
  func.func @transform_0(%arg0: i32) -> (i32, i32) {
    %c0_i32 = arith.constant 0 : i32
    %c0_i32_0 = arith.constant 0 : i32
    return %arg0, %c0_i32 : i32, i32
  }
  func.func @transform_1(%arg0: i32) -> (i32, i32) {
    %c0_i32 = arith.constant 0 : i32
    %c0_i32_0 = arith.constant 0 : i32
    return %arg0, %c0_i32 : i32, i32
  }
  func.func @transform_2(%arg0: i32) -> (i32, i32) {
    %c0_i32 = arith.constant 0 : i32
    %c0_i32_0 = arith.constant 0 : i32
    return %arg0, %c0_i32 : i32, i32
  }
  func.func @transform_3(%arg0: i32) -> (i32, i32) {
    %c0_i32 = arith.constant 0 : i32
    %c0_i32_0 = arith.constant 0 : i32
    %c0_i32_1 = arith.constant 0 : i32
    return %c0_i32, %c0_i32_0 : i32, i32
  }
  func.func @transform_4(%arg0: i32) -> (i32, i32) {
    %c0_i32 = arith.constant 0 : i32
    %c0_i32_0 = arith.constant 0 : i32
    %c0_i32_1 = arith.constant 0 : i32
    return %c0_i32, %c0_i32_0 : i32, i32
  }
  func.func @transform_5(%arg0: i32) -> (i32, i32) {
    %c0_i32 = arith.constant 0 : i32
    %c0_i32_0 = arith.constant 0 : i32
    %c0_i32_1 = arith.constant 0 : i32
    return %c0_i32, %c0_i32_0 : i32, i32
  }
  func.func @transform_6(%arg0: i32) -> (i32, i32) {
    %c0_i32 = arith.constant 0 : i32
    %c0_i32_0 = arith.constant 0 : i32
    %c0_i32_1 = arith.constant 0 : i32
    return %c0_i32, %c0_i32_0 : i32, i32
  }
  func.func @transform_7(%arg0: i32) -> (i32, i32) {
    %c0_i32 = arith.constant 0 : i32
    %c0_i32_0 = arith.constant 0 : i32
    %c0_i32_1 = arith.constant 0 : i32
    return %c0_i32, %c0_i32_0 : i32, i32
  }
}

module attributes {stable_mosaic.version = 14 : i64} {
  func.func @_proj_body(%arg0: i32, %arg1: memref<200x128xf32, #tpu.memory_space<vmem>>, %arg2: memref<4x128x128xf32, #tpu.memory_space<vmem>>, %arg3: memref<4x128x16xf32, #tpu.memory_space<vmem>>, %arg4: memref<4x128x16xf32, #tpu.memory_space<vmem>>, %arg5: memref<128x128xf32, #tpu.memory_space<vmem>>, %arg6: memref<1x128xf32, #tpu.memory_space<vmem>>, %arg7: memref<4x200x64xf32, #tpu.memory_space<vmem>>, %arg8: memref<4x200x64xf32, #tpu.memory_space<vmem>>, %arg9: memref<4x200x16xf32, #tpu.memory_space<vmem>>, %arg10: memref<4x200x16xf32, #tpu.memory_space<vmem>>, %arg11: memref<200x128xf32, #tpu.memory_space<vmem>>) attributes {dimension_semantics = [#tpu.dimension_semantics<arbitrary>], iteration_bounds = array<i64: 25>, scalar_prefetch = 0 : i64, scratch_operands = 0 : i64, tpu.core_type = #tpu.core_type<tc>, window_params = [{transform_indices = @transform_0, window_bounds = array<i64: 200, 128>}, {pipeline_mode = #tpu.pipeline_mode<synchronous>, transform_indices = @transform_1, window_bounds = array<i64: 4, 128, 128>}, {pipeline_mode = #tpu.pipeline_mode<synchronous>, transform_indices = @transform_2, window_bounds = array<i64: 4, 128, 16>}, {pipeline_mode = #tpu.pipeline_mode<synchronous>, transform_indices = @transform_3, window_bounds = array<i64: 4, 128, 16>}, {pipeline_mode = #tpu.pipeline_mode<synchronous>, transform_indices = @transform_4, window_bounds = array<i64: 128, 128>}, {pipeline_mode = #tpu.pipeline_mode<synchronous>, transform_indices = @transform_5, window_bounds = array<i64: 1, 128>}, {transform_indices = @transform_6, window_bounds = array<i64: 4, 200, 64>}, {transform_indices = @transform_7, window_bounds = array<i64: 4, 200, 64>}, {transform_indices = @transform_8, window_bounds = array<i64: 4, 200, 16>}, {transform_indices = @transform_9, window_bounds = array<i64: 4, 200, 16>}, {transform_indices = @transform_10, window_bounds = array<i64: 200, 128>}]} {
    %get3A = arith.constant 0 : index
    %get3A_0 = arith.constant 0 : index
    %get3A_1 = vector.load %arg1[%get3A, %get3A_0] : memref<200x128xf32, #tpu.memory_space<vmem>>, vector<200x128xf32>
    %get3A_2 = arith.constant 0 : index
    %get3A_3 = arith.constant 0 : index
    %get3A_4 = arith.constant 0 : index
    %get3A_5 = vector.load %arg2[%get3A_2, %get3A_3, %get3A_4] : memref<4x128x128xf32, #tpu.memory_space<vmem>>, vector<1x128x128xf32>
    %get3A_6 = vector.shape_cast %get3A_5 : vector<1x128x128xf32> to vector<128x128xf32>
    %dot_general3A = arith.constant dense<0.000000e+00> : vector<200x128xf32>
    %dot_general3A_7 = tpu.matmul %get3A_1, %get3A_6, %dot_general3A {dimension_numbers = #tpu.dot_dimension_numbers<[1], [0], [0], [1], [0, 0, 1, 1], [], []>, transpose_lhs_hint = false} : vector<200x128xf32>, vector<128x128xf32>, vector<200x128xf32> -> vector<200x128xf32>
    %slice3A = vector.extract_strided_slice %dot_general3A_7 {offsets = [0, 0], sizes = [200, 64], strides = [1, 1]} : vector<200x128xf32> to vector<200x64xf32>
    %swap3A = arith.constant 0 : index
    %swap3A_8 = arith.constant 0 : index
    %swap3A_9 = arith.constant 0 : index
    %swap3A_10 = vector.load %arg7[%swap3A, %swap3A_8, %swap3A_9] : memref<4x200x64xf32, #tpu.memory_space<vmem>>, vector<1x200x64xf32>
    %swap3A_11 = vector.shape_cast %swap3A_10 : vector<1x200x64xf32> to vector<200x64xf32>
    %swap3A_12 = vector.shape_cast %slice3A : vector<200x64xf32> to vector<1x200x64xf32>
    tpu.vector_store %arg7[%swap3A, %swap3A_8, %swap3A_9], %swap3A_12 {strides = array<i32>} : memref<4x200x64xf32, #tpu.memory_space<vmem>>, vector<1x200x64xf32>,
    %slice3A_13 = vector.extract_strided_slice %dot_general3A_7 {offsets = [0, 64], sizes = [200, 64], strides = [1, 1]} : vector<200x128xf32> to vector<200x64xf32>
    %swap3A_14 = arith.constant 0 : index
    %swap3A_15 = arith.constant 0 : index
    %swap3A_16 = arith.constant 0 : index
    %swap3A_17 = vector.load %arg8[%swap3A_14, %swap3A_15, %swap3A_16] : memref<4x200x64xf32, #tpu.memory_space<vmem>>, vector<1x200x64xf32>
    %swap3A_18 = vector.shape_cast %swap3A_17 : vector<1x200x64xf32> to vector<200x64xf32>
    %swap3A_19 = vector.shape_cast %slice3A_13 : vector<200x64xf32> to vector<1x200x64xf32>
    tpu.vector_store %arg8[%swap3A_14, %swap3A_15, %swap3A_16], %swap3A_19 {strides = array<i32>} : memref<4x200x64xf32, #tpu.memory_space<vmem>>, vector<1x200x64xf32>,
    %get3A_20 = arith.constant 0 : index
    %get3A_21 = arith.constant 0 : index
    %get3A_22 = arith.constant 0 : index
    %get3A_23 = vector.load %arg3[%get3A_20, %get3A_21, %get3A_22] : memref<4x128x16xf32, #tpu.memory_space<vmem>>, vector<1x128x16xf32>
    %get3A_24 = vector.shape_cast %get3A_23 : vector<1x128x16xf32> to vector<128x16xf32>
    %dot_general3A_25 = arith.constant dense<0.000000e+00> : vector<200x16xf32>
    %dot_general3A_26 = tpu.matmul %dot_general3A_7, %get3A_24, %dot_general3A_25 {dimension_numbers = #tpu.dot_dimension_numbers<[1], [0], [0], [1], [0, 0, 1, 1], [], []>, transpose_lhs_hint = false} : vector<200x128xf32>, vector<128x16xf32>, vector<200x16xf32> -> vector<200x16xf32>
    %swap3A_27 = arith.constant 0 : index
    %swap3A_28 = arith.constant 0 : index
    %swap3A_29 = arith.constant 0 : index
    %swap3A_30 = vector.load %arg9[%swap3A_27, %swap3A_28, %swap3A_29] : memref<4x200x16xf32, #tpu.memory_space<vmem>>, vector<1x200x16xf32>
    %swap3A_31 = vector.shape_cast %swap3A_30 : vector<1x200x16xf32> to vector<200x16xf32>
    %swap3A_32 = vector.shape_cast %dot_general3A_26 : vector<200x16xf32> to vector<1x200x16xf32>
    tpu.vector_store %arg9[%swap3A_27, %swap3A_28, %swap3A_29], %swap3A_32 {strides = array<i32>} : memref<4x200x16xf32, #tpu.memory_space<vmem>>, vector<1x200x16xf32>,
    %get3A_33 = arith.constant 0 : index
    %get3A_34 = arith.constant 0 : index
    %get3A_35 = arith.constant 0 : index
    %get3A_36 = vector.load %arg4[%get3A_33, %get3A_34, %get3A_35] : memref<4x128x16xf32, #tpu.memory_space<vmem>>, vector<1x128x16xf32>
    %get3A_37 = vector.shape_cast %get3A_36 : vector<1x128x16xf32> to vector<128x16xf32>
    %dot_general3A_38 = arith.constant dense<0.000000e+00> : vector<200x16xf32>
    %dot_general3A_39 = tpu.matmul %dot_general3A_7, %get3A_37, %dot_general3A_38 {dimension_numbers = #tpu.dot_dimension_numbers<[1], [0], [0], [1], [0, 0, 1, 1], [], []>, transpose_lhs_hint = false} : vector<200x128xf32>, vector<128x16xf32>, vector<200x16xf32> -> vector<200x16xf32>
    %swap3A_40 = arith.constant 0 : index
    %swap3A_41 = arith.constant 0 : index
    %swap3A_42 = arith.constant 0 : index
    %swap3A_43 = vector.load %arg10[%swap3A_40, %swap3A_41, %swap3A_42] : memref<4x200x16xf32, #tpu.memory_space<vmem>>, vector<1x200x16xf32>
    %swap3A_44 = vector.shape_cast %swap3A_43 : vector<1x200x16xf32> to vector<200x16xf32>
    %swap3A_45 = vector.shape_cast %dot_general3A_39 : vector<200x16xf32> to vector<1x200x16xf32>
    tpu.vector_store %arg10[%swap3A_40, %swap3A_41, %swap3A_42], %swap3A_45 {strides = array<i32>} : memref<4x200x16xf32, #tpu.memory_space<vmem>>, vector<1x200x16xf32>,
    %get3A_46 = arith.constant 1 : index
    %get3A_47 = arith.constant 0 : index
    %get3A_48 = arith.constant 0 : index
    %get3A_49 = vector.load %arg2[%get3A_46, %get3A_47, %get3A_48] : memref<4x128x128xf32, #tpu.memory_space<vmem>>, vector<1x128x128xf32>
    %get3A_50 = vector.shape_cast %get3A_49 : vector<1x128x128xf32> to vector<128x128xf32>
    %dot_general3A_51 = arith.constant dense<0.000000e+00> : vector<200x128xf32>
    %dot_general3A_52 = tpu.matmul %get3A_1, %get3A_50, %dot_general3A_51 {dimension_numbers = #tpu.dot_dimension_numbers<[1], [0], [0], [1], [0, 0, 1, 1], [], []>, transpose_lhs_hint = false} : vector<200x128xf32>, vector<128x128xf32>, vector<200x128xf32> -> vector<200x128xf32>
    %slice3A_53 = vector.extract_strided_slice %dot_general3A_52 {offsets = [0, 0], sizes = [200, 64], strides = [1, 1]} : vector<200x128xf32> to vector<200x64xf32>
    %swap3A_54 = arith.constant 1 : index
    %swap3A_55 = arith.constant 0 : index
    %swap3A_56 = arith.constant 0 : index
    %swap3A_57 = vector.load %arg7[%swap3A_54, %swap3A_55, %swap3A_56] : memref<4x200x64xf32, #tpu.memory_space<vmem>>, vector<1x200x64xf32>
    %swap3A_58 = vector.shape_cast %swap3A_57 : vector<1x200x64xf32> to vector<200x64xf32>
    %swap3A_59 = vector.shape_cast %slice3A_53 : vector<200x64xf32> to vector<1x200x64xf32>
    tpu.vector_store %arg7[%swap3A_54, %swap3A_55, %swap3A_56], %swap3A_59 {strides = array<i32>} : memref<4x200x64xf32, #tpu.memory_space<vmem>>, vector<1x200x64xf32>,
    %slice3A_60 = vector.extract_strided_slice %dot_general3A_52 {offsets = [0, 64], sizes = [200, 64], strides = [1, 1]} : vector<200x128xf32> to vector<200x64xf32>
    %swap3A_61 = arith.constant 1 : index
    %swap3A_62 = arith.constant 0 : index
    %swap3A_63 = arith.constant 0 : index
    %swap3A_64 = vector.load %arg8[%swap3A_61, %swap3A_62, %swap3A_63] : memref<4x200x64xf32, #tpu.memory_space<vmem>>, vector<1x200x64xf32>
    %swap3A_65 = vector.shape_cast %swap3A_64 : vector<1x200x64xf32> to vector<200x64xf32>
    %swap3A_66 = vector.shape_cast %slice3A_60 : vector<200x64xf32> to vector<1x200x64xf32>
    tpu.vector_store %arg8[%swap3A_61, %swap3A_62, %swap3A_63], %swap3A_66 {strides = array<i32>} : memref<4x200x64xf32, #tpu.memory_space<vmem>>, vector<1x200x64xf32>,
    %get3A_67 = arith.constant 1 : index
    %get3A_68 = arith.constant 0 : index
    %get3A_69 = arith.constant 0 : index
    %get3A_70 = vector.load %arg3[%get3A_67, %get3A_68, %get3A_69] : memref<4x128x16xf32, #tpu.memory_space<vmem>>, vector<1x128x16xf32>
    %get3A_71 = vector.shape_cast %get3A_70 : vector<1x128x16xf32> to vector<128x16xf32>
    %dot_general3A_72 = arith.constant dense<0.000000e+00> : vector<200x16xf32>
    %dot_general3A_73 = tpu.matmul %dot_general3A_52, %get3A_71, %dot_general3A_72 {dimension_numbers = #tpu.dot_dimension_numbers<[1], [0], [0], [1], [0, 0, 1, 1], [], []>, transpose_lhs_hint = false} : vector<200x128xf32>, vector<128x16xf32>, vector<200x16xf32> -> vector<200x16xf32>
    %swap3A_74 = arith.constant 1 : index
    %swap3A_75 = arith.constant 0 : index
    %swap3A_76 = arith.constant 0 : index
    %swap3A_77 = vector.load %arg9[%swap3A_74, %swap3A_75, %swap3A_76] : memref<4x200x16xf32, #tpu.memory_space<vmem>>, vector<1x200x16xf32>
    %swap3A_78 = vector.shape_cast %swap3A_77 : vector<1x200x16xf32> to vector<200x16xf32>
    %swap3A_79 = vector.shape_cast %dot_general3A_73 : vector<200x16xf32> to vector<1x200x16xf32>
    tpu.vector_store %arg9[%swap3A_74, %swap3A_75, %swap3A_76], %swap3A_79 {strides = array<i32>} : memref<4x200x16xf32, #tpu.memory_space<vmem>>, vector<1x200x16xf32>,
    %get3A_80 = arith.constant 1 : index
    %get3A_81 = arith.constant 0 : index
    %get3A_82 = arith.constant 0 : index
    %get3A_83 = vector.load %arg4[%get3A_80, %get3A_81, %get3A_82] : memref<4x128x16xf32, #tpu.memory_space<vmem>>, vector<1x128x16xf32>
    %get3A_84 = vector.shape_cast %get3A_83 : vector<1x128x16xf32> to vector<128x16xf32>
    %dot_general3A_85 = arith.constant dense<0.000000e+00> : vector<200x16xf32>
    %dot_general3A_86 = tpu.matmul %dot_general3A_52, %get3A_84, %dot_general3A_85 {dimension_numbers = #tpu.dot_dimension_numbers<[1], [0], [0], [1], [0, 0, 1, 1], [], []>, transpose_lhs_hint = false} : vector<200x128xf32>, vector<128x16xf32>, vector<200x16xf32> -> vector<200x16xf32>
    %swap3A_87 = arith.constant 1 : index
    %swap3A_88 = arith.constant 0 : index
    %swap3A_89 = arith.constant 0 : index
    %swap3A_90 = vector.load %arg10[%swap3A_87, %swap3A_88, %swap3A_89] : memref<4x200x16xf32, #tpu.memory_space<vmem>>, vector<1x200x16xf32>
    %swap3A_91 = vector.shape_cast %swap3A_90 : vector<1x200x16xf32> to vector<200x16xf32>
    %swap3A_92 = vector.shape_cast %dot_general3A_86 : vector<200x16xf32> to vector<1x200x16xf32>
    tpu.vector_store %arg10[%swap3A_87, %swap3A_88, %swap3A_89], %swap3A_92 {strides = array<i32>} : memref<4x200x16xf32, #tpu.memory_space<vmem>>, vector<1x200x16xf32>,
    %get3A_93 = arith.constant 2 : index
    %get3A_94 = arith.constant 0 : index
    %get3A_95 = arith.constant 0 : index
    %get3A_96 = vector.load %arg2[%get3A_93, %get3A_94, %get3A_95] : memref<4x128x128xf32, #tpu.memory_space<vmem>>, vector<1x128x128xf32>
    %get3A_97 = vector.shape_cast %get3A_96 : vector<1x128x128xf32> to vector<128x128xf32>
    %dot_general3A_98 = arith.constant dense<0.000000e+00> : vector<200x128xf32>
    %dot_general3A_99 = tpu.matmul %get3A_1, %get3A_97, %dot_general3A_98 {dimension_numbers = #tpu.dot_dimension_numbers<[1], [0], [0], [1], [0, 0, 1, 1], [], []>, transpose_lhs_hint = false} : vector<200x128xf32>, vector<128x128xf32>, vector<200x128xf32> -> vector<200x128xf32>
    %slice3A_100 = vector.extract_strided_slice %dot_general3A_99 {offsets = [0, 0], sizes = [200, 64], strides = [1, 1]} : vector<200x128xf32> to vector<200x64xf32>
    %swap3A_101 = arith.constant 2 : index
    %swap3A_102 = arith.constant 0 : index
    %swap3A_103 = arith.constant 0 : index
    %swap3A_104 = vector.load %arg7[%swap3A_101, %swap3A_102, %swap3A_103] : memref<4x200x64xf32, #tpu.memory_space<vmem>>, vector<1x200x64xf32>
    %swap3A_105 = vector.shape_cast %swap3A_104 : vector<1x200x64xf32> to vector<200x64xf32>
    %swap3A_106 = vector.shape_cast %slice3A_100 : vector<200x64xf32> to vector<1x200x64xf32>
    tpu.vector_store %arg7[%swap3A_101, %swap3A_102, %swap3A_103], %swap3A_106 {strides = array<i32>} : memref<4x200x64xf32, #tpu.memory_space<vmem>>, vector<1x200x64xf32>,
    %slice3A_107 = vector.extract_strided_slice %dot_general3A_99 {offsets = [0, 64], sizes = [200, 64], strides = [1, 1]} : vector<200x128xf32> to vector<200x64xf32>
    %swap3A_108 = arith.constant 2 : index
    %swap3A_109 = arith.constant 0 : index
    %swap3A_110 = arith.constant 0 : index
    %swap3A_111 = vector.load %arg8[%swap3A_108, %swap3A_109, %swap3A_110] : memref<4x200x64xf32, #tpu.memory_space<vmem>>, vector<1x200x64xf32>
    %swap3A_112 = vector.shape_cast %swap3A_111 : vector<1x200x64xf32> to vector<200x64xf32>
    %swap3A_113 = vector.shape_cast %slice3A_107 : vector<200x64xf32> to vector<1x200x64xf32>
    tpu.vector_store %arg8[%swap3A_108, %swap3A_109, %swap3A_110], %swap3A_113 {strides = array<i32>} : memref<4x200x64xf32, #tpu.memory_space<vmem>>, vector<1x200x64xf32>,
    %get3A_114 = arith.constant 2 : index
    %get3A_115 = arith.constant 0 : index
    %get3A_116 = arith.constant 0 : index
    %get3A_117 = vector.load %arg3[%get3A_114, %get3A_115, %get3A_116] : memref<4x128x16xf32, #tpu.memory_space<vmem>>, vector<1x128x16xf32>
    %get3A_118 = vector.shape_cast %get3A_117 : vector<1x128x16xf32> to vector<128x16xf32>
    %dot_general3A_119 = arith.constant dense<0.000000e+00> : vector<200x16xf32>
    %dot_general3A_120 = tpu.matmul %dot_general3A_99, %get3A_118, %dot_general3A_119 {dimension_numbers = #tpu.dot_dimension_numbers<[1], [0], [0], [1], [0, 0, 1, 1], [], []>, transpose_lhs_hint = false} : vector<200x128xf32>, vector<128x16xf32>, vector<200x16xf32> -> vector<200x16xf32>
    %swap3A_121 = arith.constant 2 : index
    %swap3A_122 = arith.constant 0 : index
    %swap3A_123 = arith.constant 0 : index
    %swap3A_124 = vector.load %arg9[%swap3A_121, %swap3A_122, %swap3A_123] : memref<4x200x16xf32, #tpu.memory_space<vmem>>, vector<1x200x16xf32>
    %swap3A_125 = vector.shape_cast %swap3A_124 : vector<1x200x16xf32> to vector<200x16xf32>
    %swap3A_126 = vector.shape_cast %dot_general3A_120 : vector<200x16xf32> to vector<1x200x16xf32>
    tpu.vector_store %arg9[%swap3A_121, %swap3A_122, %swap3A_123], %swap3A_126 {strides = array<i32>} : memref<4x200x16xf32, #tpu.memory_space<vmem>>, vector<1x200x16xf32>,
    %get3A_127 = arith.constant 2 : index
    %get3A_128 = arith.constant 0 : index
    %get3A_129 = arith.constant 0 : index
    %get3A_130 = vector.load %arg4[%get3A_127, %get3A_128, %get3A_129] : memref<4x128x16xf32, #tpu.memory_space<vmem>>, vector<1x128x16xf32>
    %get3A_131 = vector.shape_cast %get3A_130 : vector<1x128x16xf32> to vector<128x16xf32>
    %dot_general3A_132 = arith.constant dense<0.000000e+00> : vector<200x16xf32>
    %dot_general3A_133 = tpu.matmul %dot_general3A_99, %get3A_131, %dot_general3A_132 {dimension_numbers = #tpu.dot_dimension_numbers<[1], [0], [0], [1], [0, 0, 1, 1], [], []>, transpose_lhs_hint = false} : vector<200x128xf32>, vector<128x16xf32>, vector<200x16xf32> -> vector<200x16xf32>
    %swap3A_134 = arith.constant 2 : index
    %swap3A_135 = arith.constant 0 : index
    %swap3A_136 = arith.constant 0 : index
    %swap3A_137 = vector.load %arg10[%swap3A_134, %swap3A_135, %swap3A_136] : memref<4x200x16xf32, #tpu.memory_space<vmem>>, vector<1x200x16xf32>
    %swap3A_138 = vector.shape_cast %swap3A_137 : vector<1x200x16xf32> to vector<200x16xf32>
    %swap3A_139 = vector.shape_cast %dot_general3A_133 : vector<200x16xf32> to vector<1x200x16xf32>
    tpu.vector_store %arg10[%swap3A_134, %swap3A_135, %swap3A_136], %swap3A_139 {strides = array<i32>} : memref<4x200x16xf32, #tpu.memory_space<vmem>>, vector<1x200x16xf32>,
    %get3A_140 = arith.constant 3 : index
    %get3A_141 = arith.constant 0 : index
    %get3A_142 = arith.constant 0 : index
    %get3A_143 = vector.load %arg2[%get3A_140, %get3A_141, %get3A_142] : memref<4x128x128xf32, #tpu.memory_space<vmem>>, vector<1x128x128xf32>
    %get3A_144 = vector.shape_cast %get3A_143 : vector<1x128x128xf32> to vector<128x128xf32>
    %dot_general3A_145 = arith.constant dense<0.000000e+00> : vector<200x128xf32>
    %dot_general3A_146 = tpu.matmul %get3A_1, %get3A_144, %dot_general3A_145 {dimension_numbers = #tpu.dot_dimension_numbers<[1], [0], [0], [1], [0, 0, 1, 1], [], []>, transpose_lhs_hint = false} : vector<200x128xf32>, vector<128x128xf32>, vector<200x128xf32> -> vector<200x128xf32>
    %slice3A_147 = vector.extract_strided_slice %dot_general3A_146 {offsets = [0, 0], sizes = [200, 64], strides = [1, 1]} : vector<200x128xf32> to vector<200x64xf32>
    %swap3A_148 = arith.constant 3 : index
    %swap3A_149 = arith.constant 0 : index
    %swap3A_150 = arith.constant 0 : index
    %swap3A_151 = vector.load %arg7[%swap3A_148, %swap3A_149, %swap3A_150] : memref<4x200x64xf32, #tpu.memory_space<vmem>>, vector<1x200x64xf32>
    %swap3A_152 = vector.shape_cast %swap3A_151 : vector<1x200x64xf32> to vector<200x64xf32>
    %swap3A_153 = vector.shape_cast %slice3A_147 : vector<200x64xf32> to vector<1x200x64xf32>
    tpu.vector_store %arg7[%swap3A_148, %swap3A_149, %swap3A_150], %swap3A_153 {strides = array<i32>} : memref<4x200x64xf32, #tpu.memory_space<vmem>>, vector<1x200x64xf32>,
    %slice3A_154 = vector.extract_strided_slice %dot_general3A_146 {offsets = [0, 64], sizes = [200, 64], strides = [1, 1]} : vector<200x128xf32> to vector<200x64xf32>
    %swap3A_155 = arith.constant 3 : index
    %swap3A_156 = arith.constant 0 : index
    %swap3A_157 = arith.constant 0 : index
    %swap3A_158 = vector.load %arg8[%swap3A_155, %swap3A_156, %swap3A_157] : memref<4x200x64xf32, #tpu.memory_space<vmem>>, vector<1x200x64xf32>
    %swap3A_159 = vector.shape_cast %swap3A_158 : vector<1x200x64xf32> to vector<200x64xf32>
    %swap3A_160 = vector.shape_cast %slice3A_154 : vector<200x64xf32> to vector<1x200x64xf32>
    tpu.vector_store %arg8[%swap3A_155, %swap3A_156, %swap3A_157], %swap3A_160 {strides = array<i32>} : memref<4x200x64xf32, #tpu.memory_space<vmem>>, vector<1x200x64xf32>,
    %get3A_161 = arith.constant 3 : index
    %get3A_162 = arith.constant 0 : index
    %get3A_163 = arith.constant 0 : index
    %get3A_164 = vector.load %arg3[%get3A_161, %get3A_162, %get3A_163] : memref<4x128x16xf32, #tpu.memory_space<vmem>>, vector<1x128x16xf32>
    %get3A_165 = vector.shape_cast %get3A_164 : vector<1x128x16xf32> to vector<128x16xf32>
    %dot_general3A_166 = arith.constant dense<0.000000e+00> : vector<200x16xf32>
    %dot_general3A_167 = tpu.matmul %dot_general3A_146, %get3A_165, %dot_general3A_166 {dimension_numbers = #tpu.dot_dimension_numbers<[1], [0], [0], [1], [0, 0, 1, 1], [], []>, transpose_lhs_hint = false} : vector<200x128xf32>, vector<128x16xf32>, vector<200x16xf32> -> vector<200x16xf32>
    %swap3A_168 = arith.constant 3 : index
    %swap3A_169 = arith.constant 0 : index
    %swap3A_170 = arith.constant 0 : index
    %swap3A_171 = vector.load %arg9[%swap3A_168, %swap3A_169, %swap3A_170] : memref<4x200x16xf32, #tpu.memory_space<vmem>>, vector<1x200x16xf32>
    %swap3A_172 = vector.shape_cast %swap3A_171 : vector<1x200x16xf32> to vector<200x16xf32>
    %swap3A_173 = vector.shape_cast %dot_general3A_167 : vector<200x16xf32> to vector<1x200x16xf32>
    tpu.vector_store %arg9[%swap3A_168, %swap3A_169, %swap3A_170], %swap3A_173 {strides = array<i32>} : memref<4x200x16xf32, #tpu.memory_space<vmem>>, vector<1x200x16xf32>,
    %get3A_174 = arith.constant 3 : index
    %get3A_175 = arith.constant 0 : index
    %get3A_176 = arith.constant 0 : index
    %get3A_177 = vector.load %arg4[%get3A_174, %get3A_175, %get3A_176] : memref<4x128x16xf32, #tpu.memory_space<vmem>>, vector<1x128x16xf32>
    %get3A_178 = vector.shape_cast %get3A_177 : vector<1x128x16xf32> to vector<128x16xf32>
    %dot_general3A_179 = arith.constant dense<0.000000e+00> : vector<200x16xf32>
    %dot_general3A_180 = tpu.matmul %dot_general3A_146, %get3A_178, %dot_general3A_179 {dimension_numbers = #tpu.dot_dimension_numbers<[1], [0], [0], [1], [0, 0, 1, 1], [], []>, transpose_lhs_hint = false} : vector<200x128xf32>, vector<128x16xf32>, vector<200x16xf32> -> vector<200x16xf32>
    %swap3A_181 = arith.constant 3 : index
    %swap3A_182 = arith.constant 0 : index
    %swap3A_183 = arith.constant 0 : index
    %swap3A_184 = vector.load %arg10[%swap3A_181, %swap3A_182, %swap3A_183] : memref<4x200x16xf32, #tpu.memory_space<vmem>>, vector<1x200x16xf32>
    %swap3A_185 = vector.shape_cast %swap3A_184 : vector<1x200x16xf32> to vector<200x16xf32>
    %swap3A_186 = vector.shape_cast %dot_general3A_180 : vector<200x16xf32> to vector<1x200x16xf32>
    tpu.vector_store %arg10[%swap3A_181, %swap3A_182, %swap3A_183], %swap3A_186 {strides = array<i32>} : memref<4x200x16xf32, #tpu.memory_space<vmem>>, vector<1x200x16xf32>,
    %get3A_187 = arith.constant 0 : index
    %get3A_188 = arith.constant 0 : index
    %get3A_189 = vector.load %arg5[%get3A_187, %get3A_188] : memref<128x128xf32, #tpu.memory_space<vmem>>, vector<128x128xf32>
    %dot_general3A_190 = arith.constant dense<0.000000e+00> : vector<200x128xf32>
    %dot_general3A_191 = tpu.matmul %get3A_1, %get3A_189, %dot_general3A_190 {dimension_numbers = #tpu.dot_dimension_numbers<[1], [0], [0], [1], [0, 0, 1, 1], [], []>, transpose_lhs_hint = false} : vector<200x128xf32>, vector<128x128xf32>, vector<200x128xf32> -> vector<200x128xf32>
    %get3A_192 = arith.constant 0 : index
    %get3A_193 = arith.constant 0 : index
    %get3A_194 = vector.load %arg6[%get3A_192, %get3A_193] : memref<1x128xf32, #tpu.memory_space<vmem>>, vector<1x128xf32>
    %add3A = vector.broadcast %get3A_194 : vector<1x128xf32> to vector<200x128xf32>
    %add3A_195 = arith.addf %dot_general3A_191, %add3A : vector<200x128xf32>
    %swap3A_196 = arith.constant 0 : index
    %swap3A_197 = arith.constant 0 : index
    %swap3A_198 = vector.load %arg11[%swap3A_196, %swap3A_197] : memref<200x128xf32, #tpu.memory_space<vmem>>, vector<200x128xf32>
    tpu.vector_store %arg11[%swap3A_196, %swap3A_197], %add3A_195 {strides = array<i32>} : memref<200x128xf32, #tpu.memory_space<vmem>>, vector<200x128xf32>,
    return
  }
  func.func @transform_0(%arg0: i32) -> (i32, i32) {
    %c0_i32 = arith.constant 0 : i32
    %c0_i32_0 = arith.constant 0 : i32
    return %arg0, %c0_i32 : i32, i32
  }
  func.func @transform_1(%arg0: i32) -> (i32, i32, i32) {
    %c0_i32 = arith.constant 0 : i32
    %c0_i32_0 = arith.constant 0 : i32
    %c0_i32_1 = arith.constant 0 : i32
    %c0_i32_2 = arith.constant 0 : i32
    return %c0_i32, %c0_i32_0, %c0_i32_1 : i32, i32, i32
  }
  func.func @transform_2(%arg0: i32) -> (i32, i32, i32) {
    %c0_i32 = arith.constant 0 : i32
    %c0_i32_0 = arith.constant 0 : i32
    %c0_i32_1 = arith.constant 0 : i32
    %c0_i32_2 = arith.constant 0 : i32
    return %c0_i32, %c0_i32_0, %c0_i32_1 : i32, i32, i32
  }
  func.func @transform_3(%arg0: i32) -> (i32, i32, i32) {
    %c0_i32 = arith.constant 0 : i32
    %c0_i32_0 = arith.constant 0 : i32
    %c0_i32_1 = arith.constant 0 : i32
    %c0_i32_2 = arith.constant 0 : i32
    return %c0_i32, %c0_i32_0, %c0_i32_1 : i32, i32, i32
  }
  func.func @transform_4(%arg0: i32) -> (i32, i32) {
    %c0_i32 = arith.constant 0 : i32
    %c0_i32_0 = arith.constant 0 : i32
    %c0_i32_1 = arith.constant 0 : i32
    return %c0_i32, %c0_i32_0 : i32, i32
  }
  func.func @transform_5(%arg0: i32) -> (i32, i32) {
    %c0_i32 = arith.constant 0 : i32
    %c0_i32_0 = arith.constant 0 : i32
    %c0_i32_1 = arith.constant 0 : i32
    return %c0_i32, %c0_i32_0 : i32, i32
  }
  func.func @transform_6(%arg0: i32) -> (i32, i32, i32) {
    %c0_i32 = arith.constant 0 : i32
    %c0_i32_0 = arith.constant 0 : i32
    %c0_i32_1 = arith.constant 0 : i32
    return %c0_i32, %arg0, %c0_i32_0 : i32, i32, i32
  }
  func.func @transform_7(%arg0: i32) -> (i32, i32, i32) {
    %c0_i32 = arith.constant 0 : i32
    %c0_i32_0 = arith.constant 0 : i32
    %c0_i32_1 = arith.constant 0 : i32
    return %c0_i32, %arg0, %c0_i32_0 : i32, i32, i32
  }
  func.func @transform_8(%arg0: i32) -> (i32, i32, i32) {
    %c0_i32 = arith.constant 0 : i32
    %c0_i32_0 = arith.constant 0 : i32
    %c0_i32_1 = arith.constant 0 : i32
    return %c0_i32, %arg0, %c0_i32_0 : i32, i32, i32
  }
  func.func @transform_9(%arg0: i32) -> (i32, i32, i32) {
    %c0_i32 = arith.constant 0 : i32
    %c0_i32_0 = arith.constant 0 : i32
    %c0_i32_1 = arith.constant 0 : i32
    return %c0_i32, %arg0, %c0_i32_0 : i32, i32, i32
  }
  func.func @transform_10(%arg0: i32) -> (i32, i32) {
    %c0_i32 = arith.constant 0 : i32
    %c0_i32_0 = arith.constant 0 : i32
    return %arg0, %c0_i32 : i32, i32
  }
}

module attributes {stable_mosaic.version = 14 : i64} {
  func.func @_fin1_body(%arg0: i32, %arg1: memref<2504x64xf32, #tpu.memory_space<vmem>>, %arg2: memref<2504x64xf32, #tpu.memory_space<vmem>>, %arg3: memref<2504x16xf32, #tpu.memory_space<vmem>>, %arg4: memref<2504x128xf32, #tpu.memory_space<vmem>>, %arg5: memref<4x128xf32, #tpu.memory_space<vmem>>, %arg6: memref<1x128xf32, #tpu.memory_space<vmem>>, %arg7: memref<1x128xf32, #tpu.memory_space<vmem>>, %arg8: memref<128x128xf32, #tpu.memory_space<vmem>>, %arg9: memref<1x128xf32, #tpu.memory_space<vmem>>, %arg10: memref<1x128xf32, #tpu.memory_space<vmem>>, %arg11: memref<1x128xf32, #tpu.memory_space<vmem>>, %arg12: memref<128x64xf32, #tpu.memory_space<vmem>>, %arg13: memref<1x64xf32, #tpu.memory_space<vmem>>, %arg14: memref<2500x64xf32, #tpu.memory_space<vmem>>, %arg15: memref<2504x128xf32, #tpu.memory_space<vmem>>) attributes {dimension_semantics = [#tpu.dimension_semantics<arbitrary>], iteration_bounds = array<i64: 4>, scalar_prefetch = 0 : i64, scratch_operands = 1 : i64, tpu.core_type = #tpu.core_type<tc>, window_params = [{transform_indices = @transform_0, window_bounds = array<i64: 2504, 64>}, {transform_indices = @transform_1, window_bounds = array<i64: 2504, 64>}, {transform_indices = @transform_2, window_bounds = array<i64: 2504, 16>}, {pipeline_mode = #tpu.pipeline_mode<synchronous>, transform_indices = @transform_3, window_bounds = array<i64: 2504, 128>}, {pipeline_mode = #tpu.pipeline_mode<synchronous>, transform_indices = @transform_4, window_bounds = array<i64: 4, 128>}, {pipeline_mode = #tpu.pipeline_mode<synchronous>, transform_indices = @transform_5, window_bounds = array<i64: 1, 128>}, {pipeline_mode = #tpu.pipeline_mode<synchronous>, transform_indices = @transform_6, window_bounds = array<i64: 1, 128>}, {pipeline_mode = #tpu.pipeline_mode<synchronous>, transform_indices = @transform_7, window_bounds = array<i64: 128, 128>}, {pipeline_mode = #tpu.pipeline_mode<synchronous>, transform_indices = @transform_8, window_bounds = array<i64: 1, 128>}, {pipeline_mode = #tpu.pipeline_mode<synchronous>, transform_indices = @transform_9, window_bounds = array<i64: 1, 128>}, {pipeline_mode = #tpu.pipeline_mode<synchronous>, transform_indices = @transform_10, window_bounds = array<i64: 1, 128>}, {pipeline_mode = #tpu.pipeline_mode<synchronous>, transform_indices = @transform_11, window_bounds = array<i64: 128, 64>}, {pipeline_mode = #tpu.pipeline_mode<synchronous>, transform_indices = @transform_12, window_bounds = array<i64: 1, 64>}, {pipeline_mode = #tpu.pipeline_mode<synchronous>, transform_indices = @transform_13, window_bounds = array<i64: 2500, 64>}]} {
    %eq3A = arith.constant 0 : i32
    %eq3A_0 = arith.cmpi eq, %arg0, %eq3A : i32
    %convert_element_type3A = arith.extui %eq3A_0 : i1 to i32
    %cond3A = arith.constant 0 : i32
    %cond3A_1 = arith.cmpi ne, %convert_element_type3A, %cond3A : i32
    scf.if %cond3A_1 {
      %get3A_56 = arith.constant 0 : index
      %get3A_57 = arith.constant 0 : index
      %get3A_58 = vector.load %arg4[%get3A_56, %get3A_57] : memref<2504x128xf32, #tpu.memory_space<vmem>>, vector<2504x128xf32>
      %get3A_59 = arith.constant 0 : index
      %get3A_60 = arith.constant 0 : index
      %get3A_61 = vector.load %arg5[%get3A_59, %get3A_60] : memref<4x128xf32, #tpu.memory_space<vmem>>, vector<4x128xf32>
      %reduce_sum3A = arith.constant dense<0.000000e+00> : vector<128xf32>
      %reduce_sum3A_62 = vector.multi_reduction <add>, %get3A_61, %reduce_sum3A [0] : vector<4x128xf32> to vector<128xf32>
      %broadcast_in_dim3A_63 = vector.shape_cast %reduce_sum3A_62 : vector<128xf32> to vector<1x128xf32>
      %add3A_64 = vector.broadcast %broadcast_in_dim3A_63 : vector<1x128xf32> to vector<2504x128xf32>
      %add3A_65 = arith.addf %get3A_58, %add3A_64 : vector<2504x128xf32>
      %swap3A_66 = arith.constant 0 : index
      %swap3A_67 = arith.constant 0 : index
      %swap3A_68 = vector.load %arg15[%swap3A_66, %swap3A_67] : memref<2504x128xf32, #tpu.memory_space<vmem>>, vector<2504x128xf32>
      tpu.vector_store %arg15[%swap3A_66, %swap3A_67], %add3A_65 {strides = array<i32>} : memref<2504x128xf32, #tpu.memory_space<vmem>>, vector<2504x128xf32>,
    } else {
    }
    %get3A = arith.constant 0 : index
    %get3A_2 = arith.constant 0 : index
    %get3A_3 = vector.load %arg3[%get3A, %get3A_2] : memref<2504x16xf32, #tpu.memory_space<vmem>>, vector<2504x16xf32>
    %get3A_4 = arith.constant 0 : index
    %get3A_5 = arith.constant 0 : index
    %get3A_6 = vector.load %arg1[%get3A_4, %get3A_5] : memref<2504x64xf32, #tpu.memory_space<vmem>>, vector<2504x32xf32>
    %slice3A = vector.extract_strided_slice %get3A_3 {offsets = [0, 0], sizes = [2504, 1], strides = [1, 1]} : vector<2504x16xf32> to vector<2504x1xf32>
    %gt3A = arith.constant 0.000000e+00 : f32
    %gt3A_7 = vector.broadcast %gt3A : f32 to vector<2504x1xf32>
    %gt3A_8 = arith.cmpf ogt, %slice3A, %gt3A_7 : vector<2504x1xf32>
    %jit3A = arith.constant 1.000000e+00 : f32
    %broadcast_in_dim3A = vector.broadcast %jit3A : f32 to vector<2504x1xf32>
    %select_n3A = arith.select %gt3A_8, %slice3A, %broadcast_in_dim3A : vector<2504x1xi1>, vector<2504x1xf32>
    %div3A = vector.broadcast %select_n3A : vector<2504x1xf32> to vector<2504x32xf32>
    %div3A_9 = arith.divf %get3A_6, %div3A : vector<2504x32xf32>
    %get3A_10 = arith.constant 0 : index
    %get3A_11 = arith.constant 32 : index
    %get3A_12 = vector.load %arg1[%get3A_10, %get3A_11] : memref<2504x64xf32, #tpu.memory_space<vmem>>, vector<2504x32xf32>
    %slice3A_13 = vector.extract_strided_slice %get3A_3 {offsets = [0, 1], sizes = [2504, 1], strides = [1, 1]} : vector<2504x16xf32> to vector<2504x1xf32>
    %gt3A_14 = arith.constant 0.000000e+00 : f32
    %gt3A_15 = vector.broadcast %gt3A_14 : f32 to vector<2504x1xf32>
    %gt3A_16 = arith.cmpf ogt, %slice3A_13, %gt3A_15 : vector<2504x1xf32>
    %jit3A_17 = arith.constant 1.000000e+00 : f32
    %broadcast_in_dim3A_18 = vector.broadcast %jit3A_17 : f32 to vector<2504x1xf32>
    %select_n3A_19 = arith.select %gt3A_16, %slice3A_13, %broadcast_in_dim3A_18 : vector<2504x1xi1>, vector<2504x1xf32>
    %div3A_20 = vector.broadcast %select_n3A_19 : vector<2504x1xf32> to vector<2504x32xf32>
    %div3A_21 = arith.divf %get3A_12, %div3A_20 : vector<2504x32xf32>
    %get3A_22 = arith.constant 0 : index
    %get3A_23 = arith.constant 0 : index
    %get3A_24 = vector.load %arg2[%get3A_22, %get3A_23] : memref<2504x64xf32, #tpu.memory_space<vmem>>, vector<2504x32xf32>
    %slice3A_25 = vector.extract_strided_slice %get3A_3 {offsets = [0, 2], sizes = [2504, 1], strides = [1, 1]} : vector<2504x16xf32> to vector<2504x1xf32>
    %gt3A_26 = arith.constant 0.000000e+00 : f32
    %gt3A_27 = vector.broadcast %gt3A_26 : f32 to vector<2504x1xf32>
    %gt3A_28 = arith.cmpf ogt, %slice3A_25, %gt3A_27 : vector<2504x1xf32>
    %jit3A_29 = arith.constant 1.000000e+00 : f32
    %broadcast_in_dim3A_30 = vector.broadcast %jit3A_29 : f32 to vector<2504x1xf32>
    %select_n3A_31 = arith.select %gt3A_28, %slice3A_25, %broadcast_in_dim3A_30 : vector<2504x1xi1>, vector<2504x1xf32>
    %div3A_32 = vector.broadcast %select_n3A_31 : vector<2504x1xf32> to vector<2504x32xf32>
    %div3A_33 = arith.divf %get3A_24, %div3A_32 : vector<2504x32xf32>
    %get3A_34 = arith.constant 0 : index
    %get3A_35 = arith.constant 32 : index
    %get3A_36 = vector.load %arg2[%get3A_34, %get3A_35] : memref<2504x64xf32, #tpu.memory_space<vmem>>, vector<2504x32xf32>
    %slice3A_37 = vector.extract_strided_slice %get3A_3 {offsets = [0, 3], sizes = [2504, 1], strides = [1, 1]} : vector<2504x16xf32> to vector<2504x1xf32>
    %gt3A_38 = arith.constant 0.000000e+00 : f32
    %gt3A_39 = vector.broadcast %gt3A_38 : f32 to vector<2504x1xf32>
    %gt3A_40 = arith.cmpf ogt, %slice3A_37, %gt3A_39 : vector<2504x1xf32>
    %jit3A_41 = arith.constant 1.000000e+00 : f32
    %broadcast_in_dim3A_42 = vector.broadcast %jit3A_41 : f32 to vector<2504x1xf32>
    %select_n3A_43 = arith.select %gt3A_40, %slice3A_37, %broadcast_in_dim3A_42 : vector<2504x1xi1>, vector<2504x1xf32>
    %div3A_44 = vector.broadcast %select_n3A_43 : vector<2504x1xf32> to vector<2504x32xf32>
    %div3A_45 = arith.divf %get3A_36, %div3A_44 : vector<2504x32xf32>
    %get3A_46 = arith.constant 0 : index
    %get3A_47 = arith.constant 0 : index
    %get3A_48 = vector.load %arg15[%get3A_46, %get3A_47] : memref<2504x128xf32, #tpu.memory_space<vmem>>, vector<2504x128xf32>
    %concatenate3A = tpu.concatenate %div3A_9, %div3A_21, %div3A_33, %div3A_45 in 1 : vector<2504x32xf32>, vector<2504x32xf32>, vector<2504x32xf32>, vector<2504x32xf32> -> vector<2504x128xf32>
    %add3A = arith.addf %get3A_48, %concatenate3A : vector<2504x128xf32>
    %swap3A = arith.constant 0 : index
    %swap3A_49 = arith.constant 0 : index
    %swap3A_50 = vector.load %arg15[%swap3A, %swap3A_49] : memref<2504x128xf32, #tpu.memory_space<vmem>>, vector<2504x128xf32>
    tpu.vector_store %arg15[%swap3A, %swap3A_49], %add3A {strides = array<i32>} : memref<2504x128xf32, #tpu.memory_space<vmem>>, vector<2504x128xf32>,
    %eq3A_51 = arith.constant 3 : i32
    %eq3A_52 = arith.cmpi eq, %arg0, %eq3A_51 : i32
    %convert_element_type3A_53 = arith.extui %eq3A_52 : i1 to i32
    %cond3A_54 = arith.constant 0 : i32
    %cond3A_55 = arith.cmpi ne, %convert_element_type3A_53, %cond3A_54 : i32
    scf.if %cond3A_55 {
      %get3A_56 = arith.constant 0 : index
      %get3A_57 = arith.constant 0 : index
      %get3A_58 = vector.load %arg15[%get3A_56, %get3A_57] : memref<2504x128xf32, #tpu.memory_space<vmem>>, vector<2500x128xf32>
      %get3A_59 = arith.constant 0 : index
      %get3A_60 = arith.constant 0 : index
      %get3A_61 = vector.load %arg6[%get3A_59, %get3A_60] : memref<1x128xf32, #tpu.memory_space<vmem>>, vector<1x128xf32>
      %get3A_62 = arith.constant 0 : index
      %get3A_63 = arith.constant 0 : index
      %get3A_64 = vector.load %arg7[%get3A_62, %get3A_63] : memref<1x128xf32, #tpu.memory_space<vmem>>, vector<1x128xf32>
      %reduce_sum3A = arith.constant dense<0.000000e+00> : vector<128xf32>
      %reduce_sum3A_65 = vector.multi_reduction <add>, %get3A_58, %reduce_sum3A [0] : vector<2500x128xf32> to vector<128xf32>
      %broadcast_in_dim3A_66 = vector.shape_cast %reduce_sum3A_65 : vector<128xf32> to vector<1x128xf32>
      %div3A_67 = arith.constant 2.500000e+03 : f32
      %div3A_68 = vector.broadcast %div3A_67 : f32 to vector<1x128xf32>
      %div3A_69 = arith.divf %broadcast_in_dim3A_66, %div3A_68 : vector<1x128xf32>
      %sub3A = vector.broadcast %div3A_69 : vector<1x128xf32> to vector<2500x128xf32>
      %sub3A_70 = arith.subf %get3A_58, %sub3A : vector<2500x128xf32>
      %integer_pow3A = arith.mulf %sub3A_70, %sub3A_70 : vector<2500x128xf32>
      %reduce_sum3A_71 = arith.constant dense<0.000000e+00> : vector<128xf32>
      %reduce_sum3A_72 = vector.multi_reduction <add>, %integer_pow3A, %reduce_sum3A_71 [0] : vector<2500x128xf32> to vector<128xf32>
      %broadcast_in_dim3A_73 = vector.shape_cast %reduce_sum3A_72 : vector<128xf32> to vector<1x128xf32>
      %div3A_74 = arith.constant 2.500000e+03 : f32
      %div3A_75 = vector.broadcast %div3A_74 : f32 to vector<1x128xf32>
      %div3A_76 = arith.divf %broadcast_in_dim3A_73, %div3A_75 : vector<1x128xf32>
      %sub3A_77 = vector.broadcast %div3A_69 : vector<1x128xf32> to vector<2500x128xf32>
      %sub3A_78 = arith.subf %get3A_58, %sub3A_77 : vector<2500x128xf32>
      %mul3A = vector.broadcast %get3A_61 : vector<1x128xf32> to vector<2500x128xf32>
      %mul3A_79 = arith.mulf %mul3A, %sub3A_78 : vector<2500x128xf32>
      %add3A_80 = arith.constant 9.99999974E-6 : f32
      %add3A_81 = vector.broadcast %add3A_80 : f32 to vector<1x128xf32>
      %add3A_82 = arith.addf %div3A_76, %add3A_81 : vector<1x128xf32>
      %rsqrt3A = math.rsqrt %add3A_82 : vector<1x128xf32>
      %mul3A_83 = vector.broadcast %rsqrt3A : vector<1x128xf32> to vector<2500x128xf32>
      %mul3A_84 = arith.mulf %mul3A_79, %mul3A_83 : vector<2500x128xf32>
      %add3A_85 = vector.broadcast %get3A_64 : vector<1x128xf32> to vector<2500x128xf32>
      %add3A_86 = arith.addf %mul3A_84, %add3A_85 : vector<2500x128xf32>
      %gt3A_87 = arith.constant 0.000000e+00 : f32
      %gt3A_88 = vector.broadcast %gt3A_87 : f32 to vector<2500x128xf32>
      %gt3A_89 = arith.cmpf ogt, %add3A_86, %gt3A_88 : vector<2500x128xf32>
      %exp3A = math.exp %add3A_86 : vector<2500x128xf32>
      %sub3A_90 = arith.constant 1.000000e+00 : f32
      %sub3A_91 = vector.broadcast %sub3A_90 : f32 to vector<2500x128xf32>
      %sub3A_92 = arith.subf %exp3A, %sub3A_91 : vector<2500x128xf32>
      %select_n3A_93 = arith.select %gt3A_89, %add3A_86, %sub3A_92 : vector<2500x128xi1>, vector<2500x128xf32>
      %get3A_94 = arith.constant 0 : index
      %get3A_95 = arith.constant 0 : index
      %get3A_96 = vector.load %arg8[%get3A_94, %get3A_95] : memref<128x128xf32, #tpu.memory_space<vmem>>, vector<128x128xf32>
      %dot_general3A = arith.constant dense<0.000000e+00> : vector<2500x128xf32>
      %dot_general3A_97 = tpu.matmul %select_n3A_93, %get3A_96, %dot_general3A {dimension_numbers = #tpu.dot_dimension_numbers<[1], [0], [0], [1], [0, 0, 1, 1], [], []>, transpose_lhs_hint = false} : vector<2500x128xf32>, vector<128x128xf32>, vector<2500x128xf32> -> vector<2500x128xf32>
      %get3A_98 = arith.constant 0 : index
      %get3A_99 = arith.constant 0 : index
      %get3A_100 = vector.load %arg9[%get3A_98, %get3A_99] : memref<1x128xf32, #tpu.memory_space<vmem>>, vector<1x128xf32>
      %add3A_101 = vector.broadcast %get3A_100 : vector<1x128xf32> to vector<2500x128xf32>
      %add3A_102 = arith.addf %dot_general3A_97, %add3A_101 : vector<2500x128xf32>
      %get3A_103 = arith.constant 0 : index
      %get3A_104 = arith.constant 0 : index
      %get3A_105 = vector.load %arg10[%get3A_103, %get3A_104] : memref<1x128xf32, #tpu.memory_space<vmem>>, vector<1x128xf32>
      %get3A_106 = arith.constant 0 : index
      %get3A_107 = arith.constant 0 : index
      %get3A_108 = vector.load %arg11[%get3A_106, %get3A_107] : memref<1x128xf32, #tpu.memory_space<vmem>>, vector<1x128xf32>
      %reduce_sum3A_109 = arith.constant dense<0.000000e+00> : vector<128xf32>
      %reduce_sum3A_110 = vector.multi_reduction <add>, %add3A_102, %reduce_sum3A_109 [0] : vector<2500x128xf32> to vector<128xf32>
      %broadcast_in_dim3A_111 = vector.shape_cast %reduce_sum3A_110 : vector<128xf32> to vector<1x128xf32>
      %div3A_112 = arith.constant 2.500000e+03 : f32
      %div3A_113 = vector.broadcast %div3A_112 : f32 to vector<1x128xf32>
      %div3A_114 = arith.divf %broadcast_in_dim3A_111, %div3A_113 : vector<1x128xf32>
      %sub3A_115 = vector.broadcast %div3A_114 : vector<1x128xf32> to vector<2500x128xf32>
      %sub3A_116 = arith.subf %add3A_102, %sub3A_115 : vector<2500x128xf32>
      %integer_pow3A_117 = arith.mulf %sub3A_116, %sub3A_116 : vector<2500x128xf32>
      %reduce_sum3A_118 = arith.constant dense<0.000000e+00> : vector<128xf32>
      %reduce_sum3A_119 = vector.multi_reduction <add>, %integer_pow3A_117, %reduce_sum3A_118 [0] : vector<2500x128xf32> to vector<128xf32>
      %broadcast_in_dim3A_120 = vector.shape_cast %reduce_sum3A_119 : vector<128xf32> to vector<1x128xf32>
      %div3A_121 = arith.constant 2.500000e+03 : f32
      %div3A_122 = vector.broadcast %div3A_121 : f32 to vector<1x128xf32>
      %div3A_123 = arith.divf %broadcast_in_dim3A_120, %div3A_122 : vector<1x128xf32>
      %sub3A_124 = vector.broadcast %div3A_114 : vector<1x128xf32> to vector<2500x128xf32>
      %sub3A_125 = arith.subf %add3A_102, %sub3A_124 : vector<2500x128xf32>
      %mul3A_126 = vector.broadcast %get3A_105 : vector<1x128xf32> to vector<2500x128xf32>
      %mul3A_127 = arith.mulf %mul3A_126, %sub3A_125 : vector<2500x128xf32>
      %add3A_128 = arith.constant 9.99999974E-6 : f32
      %add3A_129 = vector.broadcast %add3A_128 : f32 to vector<1x128xf32>
      %add3A_130 = arith.addf %div3A_123, %add3A_129 : vector<1x128xf32>
      %rsqrt3A_131 = math.rsqrt %add3A_130 : vector<1x128xf32>
      %mul3A_132 = vector.broadcast %rsqrt3A_131 : vector<1x128xf32> to vector<2500x128xf32>
      %mul3A_133 = arith.mulf %mul3A_127, %mul3A_132 : vector<2500x128xf32>
      %add3A_134 = vector.broadcast %get3A_108 : vector<1x128xf32> to vector<2500x128xf32>
      %add3A_135 = arith.addf %mul3A_133, %add3A_134 : vector<2500x128xf32>
      %max3A = arith.constant 0.000000e+00 : f32
      %max3A_136 = vector.broadcast %max3A : f32 to vector<2500x128xf32>
      %max3A_137 = arith.maximumf %add3A_135, %max3A_136 : vector<2500x128xf32>
      %get3A_138 = arith.constant 0 : index
      %get3A_139 = arith.constant 0 : index
      %get3A_140 = vector.load %arg12[%get3A_138, %get3A_139] : memref<128x64xf32, #tpu.memory_space<vmem>>, vector<128x64xf32>
      %dot_general3A_141 = arith.constant dense<0.000000e+00> : vector<2500x64xf32>
      %dot_general3A_142 = tpu.matmul %max3A_137, %get3A_140, %dot_general3A_141 {dimension_numbers = #tpu.dot_dimension_numbers<[1], [0], [0], [1], [0, 0, 1, 1], [], []>, transpose_lhs_hint = false} : vector<2500x128xf32>, vector<128x64xf32>, vector<2500x64xf32> -> vector<2500x64xf32>
      %get3A_143 = arith.constant 0 : index
      %get3A_144 = arith.constant 0 : index
      %get3A_145 = vector.load %arg13[%get3A_143, %get3A_144] : memref<1x64xf32, #tpu.memory_space<vmem>>, vector<1x64xf32>
      %add3A_146 = vector.broadcast %get3A_145 : vector<1x64xf32> to vector<2500x64xf32>
      %add3A_147 = arith.addf %dot_general3A_142, %add3A_146 : vector<2500x64xf32>
      %swap3A_148 = arith.constant 0 : index
      %swap3A_149 = arith.constant 0 : index
      %swap3A_150 = vector.load %arg14[%swap3A_148, %swap3A_149] : memref<2500x64xf32, #tpu.memory_space<vmem>>, vector<2500x64xf32>
      tpu.vector_store %arg14[%swap3A_148, %swap3A_149], %add3A_147 {strides = array<i32>} : memref<2500x64xf32, #tpu.memory_space<vmem>>, vector<2500x64xf32>,
    } else {
    }
    return
  }
  func.func @transform_0(%arg0: i32) -> (i32, i32) {
    %c0_i32 = arith.constant 0 : i32
    %c0_i32_0 = arith.constant 0 : i32
    return %arg0, %c0_i32 : i32, i32
  }
  func.func @transform_1(%arg0: i32) -> (i32, i32) {
    %c0_i32 = arith.constant 0 : i32
    %c0_i32_0 = arith.constant 0 : i32
    return %arg0, %c0_i32 : i32, i32
  }
  func.func @transform_2(%arg0: i32) -> (i32, i32) {
    %c0_i32 = arith.constant 0 : i32
    %c0_i32_0 = arith.constant 0 : i32
    return %arg0, %c0_i32 : i32, i32
  }
  func.func @transform_3(%arg0: i32) -> (i32, i32) {
    %c0_i32 = arith.constant 0 : i32
    %c0_i32_0 = arith.constant 0 : i32
    %c0_i32_1 = arith.constant 0 : i32
    return %c0_i32, %c0_i32_0 : i32, i32
  }
  func.func @transform_4(%arg0: i32) -> (i32, i32) {
    %c0_i32 = arith.constant 0 : i32
    %c0_i32_0 = arith.constant 0 : i32
    %c0_i32_1 = arith.constant 0 : i32
    return %c0_i32, %c0_i32_0 : i32, i32
  }
  func.func @transform_5(%arg0: i32) -> (i32, i32) {
    %c0_i32 = arith.constant 0 : i32
    %c0_i32_0 = arith.constant 0 : i32
    %c0_i32_1 = arith.constant 0 : i32
    return %c0_i32, %c0_i32_0 : i32, i32
  }
  func.func @transform_6(%arg0: i32) -> (i32, i32) {
    %c0_i32 = arith.constant 0 : i32
    %c0_i32_0 = arith.constant 0 : i32
    %c0_i32_1 = arith.constant 0 : i32
    return %c0_i32, %c0_i32_0 : i32, i32
  }
  func.func @transform_7(%arg0: i32) -> (i32, i32) {
    %c0_i32 = arith.constant 0 : i32
    %c0_i32_0 = arith.constant 0 : i32
    %c0_i32_1 = arith.constant 0 : i32
    return %c0_i32, %c0_i32_0 : i32, i32
  }
  func.func @transform_8(%arg0: i32) -> (i32, i32) {
    %c0_i32 = arith.constant 0 : i32
    %c0_i32_0 = arith.constant 0 : i32
    %c0_i32_1 = arith.constant 0 : i32
    return %c0_i32, %c0_i32_0 : i32, i32
  }
  func.func @transform_9(%arg0: i32) -> (i32, i32) {
    %c0_i32 = arith.constant 0 : i32
    %c0_i32_0 = arith.constant 0 : i32
    %c0_i32_1 = arith.constant 0 : i32
    return %c0_i32, %c0_i32_0 : i32, i32
  }
  func.func @transform_10(%arg0: i32) -> (i32, i32) {
    %c0_i32 = arith.constant 0 : i32
    %c0_i32_0 = arith.constant 0 : i32
    %c0_i32_1 = arith.constant 0 : i32
    return %c0_i32, %c0_i32_0 : i32, i32
  }
  func.func @transform_11(%arg0: i32) -> (i32, i32) {
    %c0_i32 = arith.constant 0 : i32
    %c0_i32_0 = arith.constant 0 : i32
    %c0_i32_1 = arith.constant 0 : i32
    return %c0_i32, %c0_i32_0 : i32, i32
  }
  func.func @transform_12(%arg0: i32) -> (i32, i32) {
    %c0_i32 = arith.constant 0 : i32
    %c0_i32_0 = arith.constant 0 : i32
    %c0_i32_1 = arith.constant 0 : i32
    return %c0_i32, %c0_i32_0 : i32, i32
  }
  func.func @transform_13(%arg0: i32) -> (i32, i32) {
    %c0_i32 = arith.constant 0 : i32
    %c0_i32_0 = arith.constant 0 : i32
    %c0_i32_1 = arith.constant 0 : i32
    return %c0_i32, %c0_i32_0 : i32, i32
  }
}

</mosaic_0001>

<sc_bundles>
// kernel: kernel.11.cloned.1.call-start
scs
__scs_entry_jumppad:
0x0: {  	(pc) =	sbr.rel $0x88, $3  }
0x1: {  	(tag) =	ssettag $0x0;
	lr =	simm.s32 $0x1  }
0x2: {  	[smem:$0x3F8E] =	sst lr;
	_ =	strace $0xD0000000  }
0x3: {  	_ = 	snop  }
0x4: {  	_ = 	snop  }
0x5: {  	_ = 	snop  }
0x6: {  	_ = 	snop  }
0x7: {  	_ = 	snop  }
__scs_overlays_trampoline_lowered:
0x8: {  	[smem:$0x3F9D] =	sst s0  }
0x9: {  	[smem:$0x3F9E] =	sst s1  }
0xa: {  	[smem:$0x3F9F] =	sst s2  }
0xb: {  	[smem:$0x3FA0] =	sst s3  }
0xc: {  	[smem:$0x3FA1] =	sst s4  }
0xd: {  	[smem:$0x3FA2] =	sst s5  }
0xe: {  	[smem:$0x3FA3] =	sst s6  }
0xf: {  	[smem:$0x3FA4] =	sst s7  }
0x10: {  	[smem:$0x3FA5] =	sst s8  }
0x11: {  	[smem:$0x3FA6] =	sst s9;
	s0 =	simm.s32 @!p0 $0x0  }
0x12: {  	s1 =	sld [smem:$0x3F8C];
	s0 =	simm.s32 @p0 $0x1  }
0x13: {  	[smem:$0x3FA7] =	sst s0;
	s0 =	simm.s32 @!p1 $0x0  }
0x14: {  	s2 =	sld [smem:$0x3F8B];
	s0 =	simm.s32 @p1 $0x1  }
0x15: {  	[smem:$0x3FA8] =	sst s0;
	s0 =	simm.s32 @!p2 $0x0  }
0x16: {  	s3 =	sld [smem:$0x3FDB];
	s0 =	simm.s32 @p2 $0x1  }
0x17: {  	s4 =	simm.s32 $0x1BF5;
	[smem:$0x3FAA] =	sst s0  }
0x18: {  	s0 =	sld [smem:$0x3F8D];
	_ =	swait.ge [sflag:s4], $0x0  }
0x19: {  	s7 =	sld [smem:$0x3F8E]  }
0x1a: {  	s8 =	sadd.s32 $0xFFFFE003, lr  }
0x1b: {  	s9 =	sadd.s32 $0xFFFFFEF7, lr;
	s5 =	simm.s32 $0xFFFFFFFF;
	p2 =	slt.u32 s8, $0xFFFFF086  }
0x1c: {  	p1 =	slt.u32 s9, $0xF7A;
	s5 =	simm.s32 @!p2 $0x0  }
0x1d: {  	s5 =	simm.s32 @p1 $0x1;
	p0 =	seq.s32 s7, s2  }
0x1e: {  	s7 =	smul.u32 @!p0 $0xF7A, s2;
	p2 =	seq.s32 @!p0 s5, $0x0  }
0x1f: {  	s9 =	smul.u32 $0xF7A, s1;
	s8 =	simm.s32 @!p0 $0x1BF5;
	p2 =	por !p2, p0  }
0x20: {  	[sflag:s8] =	ssyncset.s32 @!p0 $0xFFFFF086;
	s6 =	sadd.s32 @!p0 s3, s7;
	s7 =	simm.s32 @!p0 $0x108  }
0x21: {  	s3 =	sadd.s32 s3, s9;
	s6 =	sadd.s32 @!p0 $0x88, s6;
	s7 =	simm.s32 @p2 $0x1082  }
0x22: {  	[simem:s7], [sflag:s8] =	dma.local @!p0 [hbm:s6], $0xF7A  }
0x23: {  	s9 =	sor.u32 $0xD0000000, s2;
	s6 =	simm.s32 $0x108;
	_ =	swait.ge @!p0 [sflag:s8], $0x0  }
0x24: {  	s3 =	sadd.s32 $0x88, s3;
	s6 =	simm.s32 @!p1 $0x1082;
	[sflag:s4] =	ssyncset.s32 $0xFFFFF086  }
0x25: {  	[simem:s6], [sflag:s4] =	dma.local [hbm:s3], $0xF7A  }
0x26: {  	[smem:$0x3F8E] =	sst s1;
	(tag) =	ssettag s2;
	_ =	strace s9  }
0x27: {  	s1 =	sld [smem:$0x3F9E]  }
0x28: {  	s2 =	sld [smem:$0x3F9F]  }
0x29: {  	s4 =	sld [smem:$0x3FA1]  }
0x2a: {  	p0 =	seq.s32 s5, $0x0;
	s5 =	sld [smem:$0x3FA2]  }
0x2b: {  	s6 =	sld [smem:$0x3FA3]  }
0x2c: {  	s7 =	sld [smem:$0x3FA4]  }
0x2d: {  	s3 =	simm.s32 $0x108;
	s8 =	sld [smem:$0x3FA5]  }
0x2e: {  	s3 =	simm.s32 @!p0 $0x1082;
	s9 =	sld [smem:$0x3FA6]  }
0x2f: {  	lr =	sadd.s32 s0, s3;
	s0 =	sld [smem:$0x3F9D]  }
0x30: {  	s3 =	sld [smem:$0x3FA0]  }
0x31: {  	[smem:$0x3FA9] =	sst s10  }
0x32: {  	s10 =	sld [smem:$0x3FA7];
	_ =	sdelay $0x3  }
0x33: {  	p0 =	seq.s32 s10, $0x1;
	s10 =	sld [smem:$0x3FA9];
	_ =	sdelay $0x3  }
0x34: {  	[smem:$0x3FA9] =	sst s10  }
0x35: {  	s10 =	sld [smem:$0x3FA8];
	_ =	sdelay $0x3  }
0x36: {  	p1 =	seq.s32 s10, $0x1;
	s10 =	sld [smem:$0x3FA9];
	_ =	sdelay $0x3  }
0x37: {  	[smem:$0x3FA9] =	sst s10  }
0x38: {  	s10 =	sld [smem:$0x3FAA]  }
0x39: {  	_ = 	snop;
	(pc) =	sbr.ind lr, $3  }
0x3a: {  	_ = 	snop  }
0x3b: {  	_ = 	snop  }
0x3c: {  	p2 =	seq.s32 s10, $0x1;
	s10 =	sld [smem:$0x3FA9]  }
0x3d: {  	_ =	shalt  }
0x3e: {  	_ =	shalt  }
0x3f: {  	_ =	shalt  }
0x40: {  	_ =	shalt  }
0x41: {  	_ =	shalt  }
0x42: {  	_ =	shalt  }
0x43: {  	_ =	shalt  }
0x44: {  	_ =	shalt  }
0x45: {  	_ =	shalt  }
0x46: {  	_ =	shalt  }
0x47: {  	_ =	shalt  }
0x48: {  	_ =	shalt  }
0x49: {  	_ =	shalt  }
0x4a: {  	_ =	shalt  }
0x4b: {  	_ =	shalt  }
0x4c: {  	_ =	shalt  }
0x4d: {  	_ =	shalt  }
0x4e: {  	_ =	shalt  }
0x4f: {  	_ =	shalt  }
0x50: {  	_ =	shalt  }
0x51: {  	_ =	shalt  }
0x52: {  	_ =	shalt  }
0x53: {  	_ =	shalt  }
0x54: {  	_ =	shalt  }
0x55: {  	_ =	shalt  }
0x56: {  	_ =	shalt  }
0x57: {  	_ =	shalt  }
0x58: {  	_ =	shalt  }
0x59: {  	_ =	shalt  }
0x5a: {  	_ =	shalt  }
0x5b: {  	_ =	shalt  }
0x5c: {  	_ =	shalt  }
0x5d: {  	_ =	shalt  }
0x5e: {  	_ =	shalt  }
0x5f: {  	_ =	shalt  }
0x60: {  	_ =	shalt  }
0x61: {  	_ =	shalt  }
0x62: {  	_ =	shalt  }
0x63: {  	_ =	shalt  }
0x64: {  	_ =	shalt  }
0x65: {  	_ =	shalt  }
0x66: {  	_ =	shalt  }
0x67: {  	_ =	shalt  }
0x68: {  	_ =	shalt  }
0x69: {  	_ =	shalt  }
0x6a: {  	_ =	shalt  }
0x6b: {  	_ =	shalt  }
0x6c: {  	_ =	shalt  }
0x6d: {  	_ =	shalt  }
0x6e: {  	_ =	shalt  }
0x6f: {  	_ =	shalt  }
0x70: {  	_ =	shalt  }
0x71: {  	_ =	shalt  }
0x72: {  	_ =	shalt  }
0x73: {  	_ =	shalt  }
0x74: {  	_ =	shalt  }
0x75: {  	_ =	shalt  }
0x76: {  	_ =	shalt  }
0x77: {  	_ =	shalt  }
0x78: {  	_ =	shalt  }
0x79: {  	_ =	shalt  }
0x7a: {  	_ =	shalt  }
0x7b: {  	_ =	shalt  }
0x7c: {  	_ =	shalt  }
0x7d: {  	_ =	shalt  }
0x7e: {  	_ =	shalt  }
0x7f: {  	_ =	shalt  }
0x80: {  	_ =	shalt  }
0x81: {  	_ =	shalt  }
0x82: {  	_ =	shalt  }
0x83: {  	_ =	shalt  }
0x84: {  	_ =	shalt  }
0x85: {  	_ =	shalt  }
0x86: {  	_ =	shalt  }
0x87: {  	_ =	shalt  }
.Lfunc_end0:
.L_simem_size_0:
called_computation.1_lowered:
.L_overlay_start_0:
0x88: {  	s2 =	sld [smem:$0x3FD9]  }
0x89: {  	s3 =	sld [smem:$0x3FFE];
	_ =	sdelay $0x1  }
0x8a: {  	s1 =	srdreg.scid  }
0x8b: {  	s0 =	sand.u32 $0x1, s1  }
0x8c: {  	s17 =	sshll.u32 s0, $0xA;
	s2 =	sadd.s32 s3, s2  }
0x8d: {  	s2 =	sadd.s32 s2, s17  }
0x8e: {  	[smem:$0x3FB5] =	sst s2  }
0x8f: {  	_ = 	snop  }
0x90: {  	s2 =	sld [smem:$0x3FD0];
	(tm) =	ssettm $0x1  }
0x91: {  	s18 =	sld [smem:$0x3FFB];
	_ =	sdelay $0x3  }
0x92: {  	_ =	strace s18  }
0x93: {  	s3 =	sld [smem:$0x3FFC];
	_ =	sdelay $0x3  }
0x94: {  	_ =	strace s3  }
0x95: {  	s3 =	sld [smem:$0x3FFD];
	_ =	sdelay $0x3  }
0x96: {  	_ =	strace s3  }
0x97: {  	_ =	strace $0x8FFFFFFF  }
0x98: {  	s19 =	sld [smem:$0x3FDB];
	_ =	sdelay $0x1  }
0x99: {  	s4 =	simm.s32 $_scs_section_size  }
0x9a: {  	s5 =	simm.s32 $_size__tile_overlayer_lowered;
	s6 =	simm.s32 $_tile_overlayer_lowered  }
0x9b: {  	s22 =	simm.s32 $0x1BFF;
	s21 =	sshll.u32 s6, $0x1;
	s3 =	sadd.s32 s4, s19  }
0x9c: {  	s7 =	simm.s32 $0x0;
	s20 =	sshll.u32 s5, $0x1;
	s5 =	sadd.s32 s21, s3  }
0x9d: {  	[timem:s7], [sflag:s22] =	dma.local [hbm:s5], s20  }
0x9e: {  	_ =	swait.ge [sflag:s22], s20  }
0x9f: {  	s4 =	ssub.s32 $0x0, s20;
	[sflag:s22] =	ssyncset.done $0x0  }
0xa0: {  	[sflag:s22] =	ssyncadd.s32 s4;
	_ =	sdelay $0x1  }
0xa1: {  	s23 =	simm.s32 $0x1B8B  }
0xa2: {  	_ =	swait.ge [sflag:s23], $0x1  }
0xa3: {  	[sflag:s23] =	ssyncset.done $0x0  }
0xa4: {  	s25 =	simm.s32 $0x1B8E;
	s24 =	sld [smem:$0x3FFE];
	[sflag:s23] =	ssyncadd.s32 $0xFFFFFFFF  }
0xa5: {  	s26 =	simm.s32 $execute0_lowered;
	[smem:$0x3FD2] =	sst s25  }
0xa6: {  	s5 =	sshll.u32 s26, $0x1;
	_ =	strace $0x80000049;
	[dreg:$0x1] =	wrdreg $0xFFFFFFFF  }
0xa7: {  	s28 =	simm.s32 $_size_execute0_lowered;
	s3 =	sadd.s32 s3, s5;
	[dreg:$0x0] =	wrdreg $0x0  }
0xa8: {  	s5 =	sshll.u32 s28, $0x1;
	[dreg:$0x2] =	wrdreg s3  }
0xa9: {  	[dreg:$0x3] =	wrdreg s5  }
0xaa: {  	[dreg:$0x4] =	wrdreg $0xC0  }
0xab: {  	_ =	task [dreg:s7], $0x5FFFF  }
0xac: {  	[dreg:$0x1] =	wrdreg $0xFFFFFFFF  }
0xad: {  	[dreg:$0x0] =	wrdreg $0x60  }
0xae: {  	[dreg:$0x2] =	wrdreg s24  }
0xaf: {  	[dreg:$0x3] =	wrdreg s2  }
0xb0: {  	[dreg:$0x4] =	wrdreg $0x0  }
0xb1: {  	[dreg:$0x5] =	wrdreg $0x9E000  }
0xb2: {  	[dreg:$0x6] =	wrdreg $0x9  }
0xb3: {  	_ =	task.clear_ibuf [dreg:s7], $0x7FFFF;
	_ =	strace $0x90000049  }
0xb4: {  	s29 =	simm.s32 $0x9;
	_ =	strace $0x8000004B  }
0xb5: {  	_ =	swait.ge [sflag:s29], $0x1  }
0xb6: {  	[sflag:s29] =	ssyncadd.s32 $0xFFFFFFFF  }
0xb7: {  	_ =	strace $0x9000004B  }
0xb8: {  	_ =	sfence  }
0xb9: {  	s30 =	sld [smem:$0x0];
	_ =	sdelay $0x2  }
0xba: {  	s31 =	sshll.u32 s1, $0xD;
	s1 =	sshrl.u32 s1, $0x2  }
0xbb: {  	s3 =	sand.u32 $0x4000, s31;
	s1 =	sadd.s32 s1, s30  }
0xbc: {  	s0 =	sor.u32 s3, s0;
	s1 =	sshll.u32 s1, $0x11  }
0xbd: {  	s0 =	sor.u32 s1, s0  }
0xbe: {  	s0 =	sadd.s32 $0x8F2B, s0  }
0xbf: {  	[sflag:s0] =	ssyncadd.remote.s32 $0x1  }
0xc0: {  	_ =	sfence.sel $0xFFFF  }
0xc1: {  	[dreg:$0x0] =	wrdreg $0xFFFFFFFF;
	(pc) =	sbr.abs _section_cstart, $3  }
0xc2: {  	[dreg:$0x1] =	wrdreg $0xFFFFFFFF  }
0xc3: {  	_ =	task.clear_ibuf [dreg:s7], $0x2FFFF;
	_ =	strace $0x9FFFFFFF  }
0xc4: {  	(tm) =	ssettm $0x7FFFFFFF  }
0xc5: {  	_ =	shalt  }
tec
execute0_lowered:
.L_overlay_start_1:
0x0: {  	(tag) =	ssettag $0x1  }
0x1: {  	s0 =	rddreg [dreg:$0x0]  }
0x2: {  	s1 =	rddreg [dreg:$0x1]  }
0x3: {  	s16 =	rddreg [dreg:$0x2]  }
0x4: {  	s17 =	rddreg [dreg:$0x3];
	s25 =	simm.s32 $0x0  }
0x5: {  	s2 =	srdreg.scid;
	s18 =	stileid.u32;
	s28 =	simm.s32 $0xC710  }
0x6: {  	s30 =	simm.s32 $0x4;
	[smem:$0x7FF] =	sst s25;
	s5 =	sadd.s32 $0xEC800, s0  }
0x7: {  	s6 =	sadd.s32 $0xD4800, s0;
	s2 =	sand.u32 $0x1, s2;
	s3 =	smul.u32 $0x278, s18  }
0x8: {  	s7 =	sadd.s32 $0xCAA00, s0;
	s4 =	sadd.s32 $0x42200, s0;
	s22 =	smul.u32 $0x27800, s18  }
0x9: {  	s9 =	sadd.s32 $0x2E600, s0;
	s26 =	smul.u32 $0x4F0, s18;
	s8 =	ssub.s32 $0x2, s2  }
0xa: {  	_ =	strace $0x8000004A;
	p0 =	seq.s32 s2, $0x0;
	s10 =	sshrl.u32 s8, $0x1  }
0xb: {  	s11 =	sadd.s32 $0x230, s3;
	s24 =	sshrl.u32 s22, $0x2;
	s15 =	sadd.s32 $0xA0, s3  }
0xc: {  	s8 =	ssub.s32 s8, s10;
	s19 =	sshll.u32 s11, $0x6;
	s12 =	sshll.u32 s11, $0x4  }
0xd: {  	s21 =	sshll.u32 s11, $0x3;
	s11 =	sshll.u32 s11, $0x1;
	s20 =	sadd.s32 s12, s17  }
0xe: {  	s29 =	sadd.s32 s19, s16;
	s13 =	sadd.s32 s9, s21;
	[dreg:$0x7] =	wrdreg s20  }
0xf: {  	s10 =	sadd.s32 s4, s21;
	s23 =	sadd.s32 s1, s11;
	[dreg:$0x8] =	wrdreg s13  }
0x10: {  	s8 =	smax.u32 s8, $0x1;
	s11 =	sadd.s32 $0x50, s3;
	[dreg:$0x9] =	wrdreg s10  }
0x11: {  	s1 =	sadd.s32 s26, s1;
	s12 =	smul.u32 $0x13C0, s18;
	[dreg:$0xa] =	wrdreg s23  }
0x12: {  	[dreg:$0xb] =	wrdreg s8;
	s10 =	simm.s32 $0x7400;
	s31 =	sshll.u32 s11, $0x6  }
0x13: {  	[dreg:$0xc] =	wrdreg s1;
	s8 =	sadd.s32 s24, s16;
	s23 =	smul.u32 $0x9E00, s18  }
0x14: {  	s24 =	sadd.s32 $0x190, s3;
	[dreg:$0x6] =	wrdreg s29;
	s10 =	simm.s32 @!p0 $0xA3800  }
0x15: {  	[dreg:$0xd] =	wrdreg s8;
	s20 =	sadd.s32 s31, s16;
	s19 =	sadd.s32 s12, s9  }
0x16: {  	p0 =	sne.s32 s2, $0x0;
	s2 =	sadd.s32 $0x140, s3;
	s26 =	sshll.u32 s24, $0x6  }
0x17: {  	s14 =	sadd.s32 s10, s0;
	s10 =	sshll.u32 s15, $0x6;
	[dreg:$0xe] =	wrdreg s20  }
0x18: {  	s20 =	sadd.s32 s12, s4;
	s22 =	sshll.u32 s2, $0x6;
	s4 =	sshrl.u32 s23, $0x2  }
0x19: {  	s8 =	sadd.s32 s26, s16;
	s12 =	sshll.u32 s11, $0x4;
	s23 =	sshll.u32 s2, $0x4  }
0x1a: {  	s11 =	simm.s32 $0x3;
	s0 =	sadd.s32 s10, s16;
	[dreg:$0x12] =	wrdreg s8  }
0x1b: {  	s13 =	sadd.s32 s4, s17;
	s4 =	sadd.s32 s12, s17;
	s12 =	simm.s32 $0x50  }
0x1c: {  	[dreg:$0xf] =	wrdreg s0;
	s0 =	sadd.s32 $0xF0, s3;
	s3 =	sadd.s32 $0x1E0, s3  }
0x1d: {  	[dreg:$0x15] =	wrdreg s4;
	s4 =	smul.u32 $0xFA0, s18;
	s18 =	simm.s32 $0xC670  }
0x1e: {  	[dreg:$0x14] =	wrdreg s13;
	s21 =	sshll.u32 s0, $0x6;
	s31 =	sshll.u32 s3, $0x6  }
0x1f: {  	s0 =	sshll.u32 s0, $0x4;
	s1 =	sadd.s32 s21, s16;
	s10 =	sadd.s32 s31, s16  }
0x20: {  	s21 =	sshll.u32 s15, $0x4;
	s0 =	sadd.s32 s0, s17;
	[dreg:$0x10] =	wrdreg s1  }
0x21: {  	s15 =	simm.s32 $0xFA00;
	s1 =	sadd.s32 s22, s16;
	[dreg:$0x13] =	wrdreg s10  }
0x22: {  	s22 =	sadd.s32 s21, s17;
	[dreg:$0x17] =	wrdreg s0;
	s0 =	sadd.s32 s23, s17  }
0x23: {  	s10 =	simm.s32 $0xD660;
	s21 =	simm.s32 $0xC760;
	[dreg:$0x11] =	wrdreg s1  }
0x24: {  	s23 =	simm.s32 $0xCC60;
	[dreg:$0x16] =	wrdreg s22;
	s1 =	sshll.u32 s24, $0x4  }
0x25: {  	s24 =	sshll.u32 s3, $0x4;
	[dreg:$0x18] =	wrdreg s0;
	s26 =	sadd.s32 s1, s17  }
0x26: {  	s22 =	simm.s32 $0xC6C0;
	s31 =	sadd.s32 s24, s17;
	[dreg:$0x19] =	wrdreg s26  }
0x27: {  	v0 =	vimm.f32 $0.0e+00;
	s24 =	simm.s32 $0x1;
	[dreg:$0x1a] =	wrdreg s31;
	s26 =	simm.s32 $0x2  }
.LBB2_1:
0x28: {  	s0 =	simm.s32 $0xD680  }
0x29: {  	[tilespmem:s0+$0x0] =	vst v0  }
0x2a: {  	[tilespmem:s0+$0xFFFFFFE0] =	vst v0  }
0x2b: {  	[tilespmem:s0+$0x10] =	vst v0  }
0x2c: {  	s1 =	simm.s32 $0x40;
	s2 =	simm.s32 $0x0;
	[tilespmem:s0+$0xFFFFFFF0] =	vst v0  }
.LBB2_2:
0x2d: {  	p1 =	sne.s32 s1, $0x13C0  }
0x2e: {  	[tilespmem:s2+$0xD160] =	vst v0;
	s0 =	sadd.s32 $0x40, s0;
	s2 =	smov.u32 s1;
	s1 =	sadd.s32 $0x40, s1  }
.Ltmp0:
0x2f: {  	[tilespmem:s0+$0x0] =	vst v0;
	(pc) =	sbr.rel @p1 .LBB2_2-.Ltmp0, $4  }
0x30: {  	_ = 	snop  }
0x31: {  	[tilespmem:s0+$0xFFFFFFE0] =	vst v0  }
0x32: {  	[tilespmem:s0+$0x10] =	vst v0  }
0x33: {  	s2 =	sshra.s32 s2, $0x2;
	[tilespmem:s0+$0xFFFFFFF0] =	vst v0  }
0x34: {  	[tilespmem:s2+$0xD160] =	vst v0;
	s0 =	rddreg [dreg:$0xd]  }
0x35: {  	[spmem:s0] =	stream.linear.scatter [tilespmem:s10], [sflag:$0x3], $0x1400, $0x38;
	[tilespmem:$0xEA60] =	vst v63  }
0x36: {  	_ =	swait.ge [sflag:s11], $0x1400  }
0x37: {  	[sflag:s11] =	ssyncset.done $0x0  }
0x38: {  	s9 =	rddreg [dreg:$0xe];
	[sflag:s11] =	ssyncadd.s32 $0xFFFFEC00  }
0x39: {  	[spmem:s9] =	stream.linear.scatter [tilespmem:s10], [sflag:$0x3], $0x1400, $0x38;
	[tilespmem:$0xEA60] =	vst v63  }
0x3a: {  	_ =	swait.ge [sflag:s11], $0x1400  }
0x3b: {  	[sflag:s11] =	ssyncset.done $0x0  }
0x3c: {  	s1 =	rddreg [dreg:$0xf];
	[sflag:s11] =	ssyncadd.s32 $0xFFFFEC00  }
0x3d: {  	[spmem:s1] =	stream.linear.scatter [tilespmem:s10], [sflag:$0x3], $0x1400, $0x38;
	[tilespmem:$0xEA60] =	vst v63  }
0x3e: {  	_ =	swait.ge [sflag:s11], $0x1400  }
0x3f: {  	[sflag:s11] =	ssyncset.done $0x0  }
0x40: {  	s2 =	rddreg [dreg:$0x10];
	[sflag:s11] =	ssyncadd.s32 $0xFFFFEC00  }
0x41: {  	[spmem:s2] =	stream.linear.scatter [tilespmem:s10], [sflag:$0x3], $0x1400, $0x38;
	[tilespmem:$0xEA60] =	vst v63  }
0x42: {  	_ =	swait.ge [sflag:s11], $0x1400  }
0x43: {  	[sflag:s11] =	ssyncset.done $0x0  }
0x44: {  	s3 =	rddreg [dreg:$0x11];
	[sflag:s11] =	ssyncadd.s32 $0xFFFFEC00  }
0x45: {  	[spmem:s3] =	stream.linear.scatter [tilespmem:s10], [sflag:$0x3], $0x1400, $0x38;
	[tilespmem:$0xEA60] =	vst v63  }
0x46: {  	_ =	swait.ge [sflag:s11], $0x1400  }
0x47: {  	[sflag:s11] =	ssyncset.done $0x0  }
0x48: {  	s8 =	rddreg [dreg:$0x12];
	[sflag:s11] =	ssyncadd.s32 $0xFFFFEC00  }
0x49: {  	[spmem:s8] =	stream.linear.scatter [tilespmem:s10], [sflag:$0x3], $0x1400, $0x38;
	[tilespmem:$0xEA60] =	vst v63  }
0x4a: {  	_ =	swait.ge [sflag:s11], $0x1400  }
0x4b: {  	[sflag:s11] =	ssyncset.done $0x0  }
0x4c: {  	s9 =	rddreg [dreg:$0x13];
	[sflag:s11] =	ssyncadd.s32 $0xFFFFEC00  }
0x4d: {  	[spmem:s9] =	stream.linear.scatter [tilespmem:s10], [sflag:$0x3], $0x1400, $0x38;
	[tilespmem:$0xEA60] =	vst v63  }
0x4e: {  	_ =	swait.ge [sflag:s11], $0x1400  }
0x4f: {  	[sflag:s11] =	ssyncset.done $0x0  }
0x50: {  	[sflag:s11] =	ssyncadd.s32 $0xFFFFEC00  }
0x51: {  	[spmem:s29] =	stream.linear.scatter [tilespmem:s10], [sflag:$0x3], $0x1200, $0x38;
	[tilespmem:$0xEA60] =	vst v63  }
0x52: {  	_ =	swait.ge [sflag:s11], $0x1200  }
0x53: {  	[sflag:s11] =	ssyncset.done $0x0  }
0x54: {  	s0 =	simm.s32 @!p0 $0xD160;
	s1 =	simm.s32 @!p0 $0x3;
	[sflag:s11] =	ssyncadd.s32 $0xFFFFEE00  }
0x55: {  	[spmem:s13] =	stream.linear.scatter @!p0 [tilespmem:s0], [sflag:$0x3], $0x500, $0x38;
	[tilespmem:$0xEA60] =	vst v63  }
0x56: {  	_ =	swait.ge @!p0 [sflag:s1], $0x500  }
0x57: {  	[sflag:s1] =	ssyncset.done @!p0 $0x0  }
0x58: {  	s2 =	rddreg [dreg:$0x15];
	[sflag:s1] =	ssyncadd.s32 @!p0 $0xFFFFFB00  }
0x59: {  	[spmem:s2] =	stream.linear.scatter @!p0 [tilespmem:s0], [sflag:$0x3], $0x500, $0x38;
	[tilespmem:$0xEA60] =	vst v63  }
0x5a: {  	_ =	swait.ge @!p0 [sflag:s1], $0x500  }
0x5b: {  	[sflag:s1] =	ssyncset.done @!p0 $0x0  }
0x5c: {  	s2 =	rddreg [dreg:$0x16];
	[sflag:s1] =	ssyncadd.s32 @!p0 $0xFFFFFB00  }
0x5d: {  	[spmem:s2] =	stream.linear.scatter @!p0 [tilespmem:s0], [sflag:$0x3], $0x500, $0x38;
	[tilespmem:$0xEA60] =	vst v63  }
0x5e: {  	_ =	swait.ge @!p0 [sflag:s1], $0x500  }
0x5f: {  	[sflag:s1] =	ssyncset.done @!p0 $0x0  }
0x60: {  	s2 =	rddreg [dreg:$0x17];
	[sflag:s1] =	ssyncadd.s32 @!p0 $0xFFFFFB00  }
0x61: {  	[spmem:s2] =	stream.linear.scatter @!p0 [tilespmem:s0], [sflag:$0x3], $0x500, $0x38;
	[tilespmem:$0xEA60] =	vst v63  }
0x62: {  	_ =	swait.ge @!p0 [sflag:s1], $0x500  }
0x63: {  	[sflag:s1] =	ssyncset.done @!p0 $0x0  }
0x64: {  	s2 =	rddreg [dreg:$0x18];
	[sflag:s1] =	ssyncadd.s32 @!p0 $0xFFFFFB00  }
0x65: {  	[spmem:s2] =	stream.linear.scatter @!p0 [tilespmem:s0], [sflag:$0x3], $0x500, $0x38;
	[tilespmem:$0xEA60] =	vst v63  }
0x66: {  	_ =	swait.ge @!p0 [sflag:s1], $0x500  }
0x67: {  	[sflag:s1] =	ssyncset.done @!p0 $0x0  }
0x68: {  	s2 =	rddreg [dreg:$0x19];
	[sflag:s1] =	ssyncadd.s32 @!p0 $0xFFFFFB00  }
0x69: {  	[spmem:s2] =	stream.linear.scatter @!p0 [tilespmem:s0], [sflag:$0x3], $0x500, $0x38;
	[tilespmem:$0xEA60] =	vst v63  }
0x6a: {  	_ =	swait.ge @!p0 [sflag:s1], $0x500  }
0x6b: {  	[sflag:s1] =	ssyncset.done @!p0 $0x0  }
0x6c: {  	s2 =	rddreg [dreg:$0x1a];
	[sflag:s1] =	ssyncadd.s32 @!p0 $0xFFFFFB00  }
0x6d: {  	[spmem:s2] =	stream.linear.scatter @!p0 [tilespmem:s0], [sflag:$0x3], $0x500, $0x38;
	[tilespmem:$0xEA60] =	vst v63  }
0x6e: {  	_ =	swait.ge @!p0 [sflag:s1], $0x500  }
0x6f: {  	[sflag:s1] =	ssyncset.done @!p0 $0x0  }
0x70: {  	s2 =	rddreg [dreg:$0x7];
	[sflag:s1] =	ssyncadd.s32 @!p0 $0xFFFFFB00  }
0x71: {  	[spmem:s2] =	stream.linear.scatter @!p0 [tilespmem:s0], [sflag:$0x3], $0x480, $0x38;
	[tilespmem:$0xEA60] =	vst v63  }
.Ltmp1:
0x72: {  	_ =	swait.ge @!p0 [sflag:s1], $0x480;
	(pc) =	sbr.rel .LBB2_4-.Ltmp1, $4  }
0x73: {  	[sflag:s1] =	ssyncset.done @!p0 $0x0  }
0x74: {  	[sflag:s1] =	ssyncadd.s32 @!p0 $0xFFFFFB80  }
0x75: {  	[bflag:$0x0] =	sbarrier.arrive $0xFFFF  }
0x76: {  	s31 =	simm.s32 $0x0  }
.LBB2_13:
0x77: {  	s31 =	sadd.s32 $0x1, s31  }
0x78: {  	p1 =	sne.s32 s31, $0x32  }
.Ltmp2:
0x79: {  	_ = 	snop;
	(pc) =	sbr.rel @!p1 .LBB2_14-.Ltmp2, $4  }
0x7a: {  	_ = 	snop  }
0x7b: {  	_ =	swait.ge [sflag:s24], $0x1400  }
0x7c: {  	[sflag:s24] =	ssyncset.done $0x0  }
0x7d: {  	[sflag:s24] =	ssyncadd.s32 $0xFFFFEC00  }
.LBB2_4:
0x7e: {  	s0 =	smul.u32 $0x50, s31;
	_ =	sdelay $0x1  }
0x7f: {  	s0 =	sadd.s32 s4, s0  }
0x80: {  	s0 =	sshrl.u32 s0, $0x3  }
0x81: {  	s1 =	simm.s32 $0xC580;
	s0 =	sadd.s32 s5, s0  }
0x82: {  	[tilespmem:s1], [sflag:$0x3] =	stream.strided.gather [hbm4b:s0+s12], $0xF0, s15, s12, $0x38;
	[tilespmem:$0xEA60] =	vst v63  }
0x83: {  	_ =	swait.ge [sflag:s11], $0xF0  }
0x84: {  	[sflag:s11] =	ssyncset.done $0x0  }
0x85: {  	[sflag:s11] =	ssyncadd.s32 $0xFFFFFF10  }
0x86: {  	v1 =	vld [tilespmem:$0xC620]  }
0x87: {  	v2 =	vld [tilespmem:$0xC580]  }
0x88: {  	v3 =	vld [tilespmem:$0xC5D0]  }
0x89: {  	v4 =	vld [tilespmem:$0xC630]  }
0x8a: {  	v5 =	vld [tilespmem:$0xC590]  }
0x8b: {  	v7 =	vld [tilespmem:$0xC5E0];
	v6 =	vmul.u32 $0x1388, v1  }
0x8c: {  	v8 =	vld [tilespmem:$0xC640]  }
0x8d: {  	v9 =	vld [tilespmem:$0xC5A0];
	v1 =	vmul.u32 $0x9C8, v1;
	v2 =	vadd.s32 v2, v6  }
0x8e: {  	v10 =	vld [tilespmem:$0xC5F0];
	[tilespmem:$0xC670] =	vst v2;
	v2 =	vadd.s32 v3, v6;
	v6 =	vmul.u32 $0x1388, v4  }
0x8f: {  	v1 =	vadd.s32 v3, v1;
	[tilespmem:$0xC6C0] =	vst v2;
	v2 =	vld [tilespmem:$0xC650]  }
0x90: {  	[tilespmem:$0xC710] =	vst v1;
	v3 =	vmul.u32 $0x9C8, v4;
	v4 =	vld [tilespmem:$0xC5B0];
	v1 =	vadd.s32 v5, v6  }
0x91: {  	v5 =	vmul.u32 $0x1388, v8;
	[tilespmem:$0xC680] =	vst v1;
	v1 =	vadd.s32 v7, v6;
	v6 =	vld [tilespmem:$0xC600]  }
0x92: {  	[tilespmem:$0xC6D0] =	vst v1;
	v1 =	vadd.s32 v7, v3;
	v3 =	vld [tilespmem:$0xC660]  }
0x93: {  	v7 =	vmul.u32 $0x9C8, v8;
	[tilespmem:$0xC720] =	vst v1;
	v1 =	vadd.s32 v9, v5  }
0x94: {  	v63 =	vld [tilespmem:$0xC5C0];
	[tilespmem:$0xC690] =	vst v1;
	v1 =	vadd.s32 v10, v5;
	v5 =	vmul.u32 $0x1388, v2  }
0x95: {  	[tilespmem:$0xC6E0] =	vst v1;
	v1 =	vadd.s32 v10, v7;
	v7 =	vld [tilespmem:$0xC610]  }
0x96: {  	v2 =	vmul.u32 $0x9C8, v2;
	[tilespmem:$0xC730] =	vst v1;
	v1 =	vadd.s32 v4, v5  }
0x97: {  	[tilespmem:$0xC6A0] =	vst v1;
	v1 =	vadd.s32 v6, v5;
	v4 =	vmul.u32 $0x1388, v3  }
0x98: {  	[tilespmem:$0xC6F0] =	vst v1;
	v1 =	vadd.s32 v6, v2  }
0x99: {  	v2 =	vmul.u32 $0x9C8, v3;
	[tilespmem:$0xC740] =	vst v1;
	v1 =	vadd.s32 v63, v4  }
0x9a: {  	[tilespmem:$0xC6B0] =	vst v1;
	v1 =	vadd.s32 v7, v4  }
0x9b: {  	[tilespmem:$0xC700] =	vst v1;
	v1 =	vadd.s32 v7, v2  }
0x9c: {  	[tilespmem:$0xC750] =	vst v1  }
0x9d: {  	[tilespmem:s21], [sflag:$0x1] =	stream.indirect.gather [hbm4b:s6+s12], $0x10, s18, s12, $0xb8;
	[tilespmem:$0xEA60] =	vst v63  }
0x9e: {  	_ = 	snop  }
0x9f: {  	[tilespmem:s23], [sflag:$0x1] =	stream.indirect.gather [hbm4b:s7+s12], $0x10, s22, s12, $0xb8;
	[tilespmem:$0xEA60] =	vst v63  }
0xa0: {  	_ = 	snop  }
0xa1: {  	[tilespmem:s10], [sflag:$0x2] =	stream.indirect.gather [hbm4b:s14+s12], $0x40, s18, s12, $0xb8;
	[tilespmem:$0xEA60] =	vst v63  }
0xa2: {  	_ =	swait.ge [sflag:s24], $0x500  }
0xa3: {  	[sflag:s24] =	ssyncset.done $0x0  }
0xa4: {  	[sflag:s24] =	ssyncadd.s32 $0xFFFFFB00  }
0xa5: {  	_ =	swait.ge [sflag:s24], $0x500  }
0xa6: {  	[sflag:s24] =	ssyncset.done $0x0  }
0xa7: {  	s0 =	simm.s32 $0x0;
	[sflag:s24] =	ssyncadd.s32 $0xFFFFFB00  }
0xa8: {  	v1 =	vld [tilespmem:s0+$0xC760]  }
0xa9: {  	v2 =	vld [tilespmem:s0+$0xCC60];
	_ =	sdelay $0x4  }
0xaa: {  	v1 =	vadd.f32 v2, v1;
	_ =	sdelay $0x1  }
0xab: {  	s8 =	simm.s32 $0x10;
	v2 =	vmul.f32 $2.000000030e-01, v1  }
0xac: {  	v3 =	vld [tilespmem:s8+$0xC760];
	vm0 =	vgt.f32 v1, $0.0e+00  }
0xad: {  	v4 =	vld [tilespmem:s8+$0xCC60];
	v1 =	vsel vm0, v1, v2  }
0xae: {  	s1 =	simm.s32 $0x20;
	v1 =	vmul.f32 $1.442695020e+00, v1  }
0xaf: {  	v2 =	vld [tilespmem:s1+$0xC760]  }
0xb0: {  	(erf) = vpow2.f32 v1;
	v1 =	vld [tilespmem:s1+$0xCC60];
	_ =	sdelay $0x1  }
0xb1: {  	v3 =	vadd.f32 v4, v3;
	_ =	sdelay $0x1  }
0xb2: {  	v4 =	vmul.f32 $2.000000030e-01, v3  }
0xb3: {  	vm14 =	vgt.f32 v3, $0.0e+00;
	v5 =	vadd.f32 v1, v2  }
0xb4: {  	v1 =	vsel vm14, v3, v4  }
0xb5: {  	s2 =	simm.s32 $0x30;
	v2 =	vmul.f32 $1.442695020e+00, v1;
	v3 =	vmul.f32 $2.000000030e-01, v5  }
0xb6: {  	v1 =	vld [tilespmem:s2+$0xC760]  }
0xb7: {  	(erf) = vpow2.f32 v2;
	v2 =	vld [tilespmem:s2+$0xCC60]  }
0xb8: {  	vm15 =	vgt.f32 v5, $0.0e+00  }
0xb9: {  	s3 =	simm.s32 $0x100;
	v4 =	vsel vm15, v5, v3;
	v3 =	vpop (erf)  }
.LBB2_5:
0xba: {  	s9 =	sshra.s32 s3, $0x2  }
0xbb: {  	v4 =	vmul.f32 $1.442695020e+00, v4;
	[tilespmem:s0+$0xD160] =	vst v3;
	s0 =	smov.u32 s8;
	s8 =	smov.u32 s1;
	p1 =	sne.s32 s3, $0x13C0  }
.Ltmp3:
0xbc: {  	s3 =	sadd.s32 $0x40, s3;
	v3 =	vadd.f32 v2, v1;
	v1 =	vld [tilespmem:s9+$0xC760];
	(pc) =	sbr.rel @p1 .LBB2_5-.Ltmp3, $4  }
0xbd: {  	s1 =	smov.u32 s2;
	s2 =	smov.u32 s9;
	v2 =	vld [tilespmem:s9+$0xCC60];
	(erf) = vpow2.f32 v4  }
0xbe: {  	v4 =	vmul.f32 $2.000000030e-01, v3  }
0xbf: {  	vm0 =	vgt.f32 v3, $0.0e+00  }
0xc0: {  	v4 =	vsel vm0, v3, v4;
	v3 =	vpop (erf)  }
0xc1: {  	_ = 	snop  }
0xc2: {  	v1 =	vadd.f32 v2, v1;
	_ =	sdelay $0x1  }
0xc3: {  	v2 =	vmul.f32 $2.000000030e-01, v1  }
0xc4: {  	vm0 =	vgt.f32 v1, $0.0e+00  }
0xc5: {  	v1 =	vsel vm0, v1, v2;
	v2 =	vmul.f32 $1.442695020e+00, v4  }
0xc6: {  	v1 =	vmul.f32 $1.442695020e+00, v1  }
0xc7: {  	(erf) = vpow2.f32 v2  }
0xc8: {  	(erf) = vpow2.f32 v1;
	_ =	sdelay $0x6  }
0xc9: {  	[tilespmem:s0+$0xD160] =	vst v3;
	v1 =	vpop (erf)  }
0xca: {  	[tilespmem:s8+$0xD160] =	vst v1;
	v1 =	vpop (erf)  }
.Ltmp4:
0xcb: {  	[tilespmem:s1+$0xD160] =	vst v1;
	v1 =	vpop (erf);
	(pc) =	sbr.rel @p0 .LBB2_10-.Ltmp4, $4  }
0xcc: {  	[tilespmem:s2+$0xD160] =	vst v1  }
0xcd: {  	_ =	swait.ge [sflag:s26], $0x1400  }
0xce: {  	[sflag:s26] =	ssyncset.done $0x0  }
0xcf: {  	s0 =	simm.s32 $0xD680;
	s3 =	simm.s32 $0x0;
	[sflag:s26] =	ssyncadd.s32 $0xFFFFEC00  }
0xd0: {  	v1 =	vld [tilespmem:s0+$0xFFFFFFF0];
	s2 =	simm.s32 $0x40;
	s1 =	simm.s32 $0xD680  }
.LBB2_8:
0xd1: {  	p1 =	sne.s32 s2, $0x13C0;
	v2 =	vld [tilespmem:s3+$0xD160]  }
0xd2: {  	v3 =	vld [tilespmem:s0+$0x10]  }
0xd3: {  	v4 =	vld [tilespmem:s0+$0xFFFFFFE0]  }
0xd4: {  	v5 =	vld [tilespmem:s0+$0x0];
	_ =	sdelay $0x1  }
0xd5: {  	v6 =	vbroadcast v2, $0x0;
	v2 =	vbroadcast v2, $0x1;
	_ =	sdelay $0x1  }
0xd6: {  	v4 =	vmul.f32 v6, v4;
	v1 =	vmul.f32 v1, v6  }
.Ltmp5:
0xd7: {  	v5 =	vmul.f32 v5, v2;
	v2 =	vmul.f32 v3, v2;
	(pc) =	sbr.rel @p1 .LBB2_8-.Ltmp5, $4  }
0xd8: {  	[tilespmem:s0+$0xFFFFFFE0] =	vst v4  }
0xd9: {  	[tilespmem:s0+$0xFFFFFFF0] =	vst v1  }
0xda: {  	s0 =	sadd.s32 $0x40, s0;
	[tilespmem:s1+$0x0] =	vst v5  }
0xdb: {  	s3 =	sshra.s32 s2, $0x2;
	s2 =	sadd.s32 $0x40, s2;
	v1 =	vld [tilespmem:s0+$0xFFFFFFF0];
	[tilespmem:s1+$0x10] =	vst v2;
	s1 =	smov.u32 s0  }
0xdc: {  	v2 =	vld [tilespmem:s3+$0xD160];
	_ =	sdelay $0x1  }
0xdd: {  	v3 =	vld [tilespmem:s0+$0xFFFFFFE0];
	_ =	sdelay $0x1  }
0xde: {  	v4 =	vld [tilespmem:s0+$0x0]  }
0xdf: {  	v5 =	vld [tilespmem:s0+$0x10];
	v6 =	vbroadcast v2, $0x0;
	_ =	sdelay $0x1  }
0xe0: {  	v2 =	vbroadcast v2, $0x1;
	v3 =	vmul.f32 v6, v3  }
0xe1: {  	v1 =	vmul.f32 v1, v6  }
0xe2: {  	v4 =	vmul.f32 v4, v2;
	[tilespmem:s0+$0xFFFFFFE0] =	vst v3  }
0xe3: {  	v2 =	vmul.f32 v5, v2;
	[tilespmem:s0+$0xFFFFFFF0] =	vst v1  }
0xe4: {  	[tilespmem:s1+$0x0] =	vst v4  }
0xe5: {  	[tilespmem:s1+$0x10] =	vst v2  }
0xe6: {  	[spmem:s16] =	stream.indirect.scatter.add.f32 [tilespmem:s10], [sflag:$0x1], $0x40, s28, s12, $0xb8;
	[tilespmem:$0xEA60] =	vst v63  }
.Ltmp6:
0xe7: {  	s29 =	simm.s32 $0xD160;
	(pc) =	sbr.rel .LBB2_13-.Ltmp6, $4  }
0xe8: {  	[spmem:s17] =	stream.indirect.scatter.add.f32 [tilespmem:s29], [sflag:$0x1], $0x10, s28, s12, $0xb8;
	[tilespmem:$0xEA60] =	vst v63  }
0xe9: {  	_ =	swait.ge [sflag:s24], $0x500  }
0xea: {  	[sflag:s24] =	ssyncset.done $0x0  }
0xeb: {  	[sflag:s24] =	ssyncadd.s32 $0xFFFFFB00  }
.LBB2_10:
0xec: {  	v1 =	vld [tilespmem:s0+$0xFFFFFFF0];
	s2 =	simm.s32 $0x40;
	s1 =	simm.s32 $0xD680  }
.LBB2_11:
0xed: {  	p1 =	sne.s32 s2, $0x13C0;
	v2 =	vld [tilespmem:s3+$0xD160]  }
0xee: {  	v3 =	vld [tilespmem:s0+$0x10]  }
0xef: {  	v4 =	vld [tilespmem:s0+$0xFFFFFFE0]  }
0xf0: {  	v5 =	vld [tilespmem:s0+$0x0];
	_ =	sdelay $0x1  }
0xf1: {  	v6 =	vbroadcast v2, $0x2;
	v2 =	vbroadcast v2, $0x3;
	_ =	sdelay $0x1  }
0xf2: {  	v4 =	vmul.f32 v6, v4;
	v1 =	vmul.f32 v1, v6  }
.Ltmp7:
0xf3: {  	v5 =	vmul.f32 v5, v2;
	v2 =	vmul.f32 v3, v2;
	(pc) =	sbr.rel @p1 .LBB2_11-.Ltmp7, $4  }
0xf4: {  	[tilespmem:s0+$0xFFFFFFE0] =	vst v4  }
0xf5: {  	[tilespmem:s0+$0xFFFFFFF0] =	vst v1  }
0xf6: {  	s0 =	sadd.s32 $0x40, s0;
	[tilespmem:s1+$0x0] =	vst v5  }
0xf7: {  	s3 =	sshra.s32 s2, $0x2;
	s2 =	sadd.s32 $0x40, s2;
	v1 =	vld [tilespmem:s0+$0xFFFFFFF0];
	[tilespmem:s1+$0x10] =	vst v2;
	s1 =	smov.u32 s0  }
0xf8: {  	v2 =	vld [tilespmem:s3+$0xD160];
	_ =	sdelay $0x1  }
0xf9: {  	v3 =	vld [tilespmem:s0+$0xFFFFFFE0];
	_ =	sdelay $0x1  }
0xfa: {  	v4 =	vld [tilespmem:s0+$0x0]  }
0xfb: {  	v5 =	vld [tilespmem:s0+$0x10];
	v6 =	vbroadcast v2, $0x2;
	_ =	sdelay $0x1  }
0xfc: {  	v2 =	vbroadcast v2, $0x3;
	v3 =	vmul.f32 v6, v3  }
0xfd: {  	v1 =	vmul.f32 v1, v6  }
.Ltmp8:
0xfe: {  	v4 =	vmul.f32 v4, v2;
	[tilespmem:s0+$0xFFFFFFE0] =	vst v3;
	(pc) =	sbr.rel .LBB2_13-.Ltmp8, $4  }
0xff: {  	v2 =	vmul.f32 v5, v2;
	[tilespmem:s0+$0xFFFFFFF0] =	vst v1  }
0x100: {  	[tilespmem:s1+$0x0] =	vst v4  }
0x101: {  	[tilespmem:s1+$0x10] =	vst v2  }
0x102: {  	[spmem:s16] =	stream.indirect.scatter.add.f32 [tilespmem:s10], [sflag:$0x1], $0x40, s28, s12, $0xb8;
	[tilespmem:$0xEA60] =	vst v63  }
.LBB2_14:
0x103: {  	[dreg:$0x5] =	wrdreg s25  }
0x104: {  	[bflag:$0x0] =	sbarrier.arrive $0xFFFF  }
0x105: {  	s2 =	rddreg [dreg:$0xd]  }
0x106: {  	[tilespmem:s10], [sflag:$0x4] =	stream.linear.gather [spmem:s2], $0x1400, $0x38;
	[tilespmem:$0xEA60] =	vst v63  }
0x107: {  	_ =	swait.ge [sflag:s30], $0x1400  }
0x108: {  	s8 =	simm.s32 @p0 $0xD660;
	s0 =	simm.s32 @p0 $0x3;
	[sflag:s30] =	ssyncset.done $0x0  }
0x109: {  	s1 =	sadd.s32 @p0 $0x0, s19;
	s9 =	simm.s32 @p0 $0x0;
	[sflag:s30] =	ssyncadd.s32 $0xFFFFEC00  }
0x10a: {  	[hbm4b:s1+s9] =	stream.linear.scatter @p0 [tilespmem:s8], [sflag:$0x3], $0x1400, $0x38;
	[tilespmem:$0xEA60] =	vst v63  }
0x10b: {  	_ =	swait.ge @p0 [sflag:s0], $0x1400  }
0x10c: {  	s15 =	simm.s32 @!p0 $0xD660;
	s25 =	simm.s32 @!p0 $0x4;
	[sflag:s0] =	ssyncset.done @p0 $0x0  }
0x10d: {  	s31 =	simm.s32 @!p0 $0x0;
	s1 =	sadd.s32 @!p0 $0x0, s20;
	[sflag:s0] =	ssyncadd.s32 @p0 $0xFFFFEC00  }
0x10e: {  	[hbm4b:s1+s31] =	stream.linear.scatter @!p0 [tilespmem:s15], [sflag:$0x4], $0x1400, $0x38;
	[tilespmem:$0xEA60] =	vst v63  }
0x10f: {  	_ =	swait.ge @!p0 [sflag:s25], $0x1400  }
0x110: {  	[sflag:s25] =	ssyncset.done @!p0 $0x0  }
0x111: {  	s16 =	simm.s32 @!p0 $0xD160;
	[sflag:s25] =	ssyncadd.s32 @!p0 $0xFFFFEC00  }
0x112: {  	[tilespmem:s16], [sflag:$0x4] =	stream.linear.gather @!p0 [spmem:s13], $0x500, $0x38;
	[tilespmem:$0xEA60] =	vst v63  }
0x113: {  	_ =	swait.ge @!p0 [sflag:s25], $0x500  }
0x114: {  	[sflag:s25] =	ssyncset.done @!p0 $0x0  }
0x115: {  	s1 =	rddreg [dreg:$0xc];
	[sflag:s25] =	ssyncadd.s32 @!p0 $0xFFFFFB00  }
0x116: {  	[hbm4b:s1+s31] =	stream.linear.scatter @!p0 [tilespmem:s16], [sflag:$0x4], $0x500, $0x38;
	[tilespmem:$0xEA60] =	vst v63  }
0x117: {  	s3 =	simm.s32 $0x280;
	_ =	swait.ge @!p0 [sflag:s25], $0x500  }
0x118: {  	s29 =	sadd.s32 $0x500, s13;
	s2 =	sadd.s32 $0x1400, s2;
	[sflag:s25] =	ssyncset.done @!p0 $0x0  }
.LBB2_15:
0x119: {  	[sflag:s25] =	ssyncadd.s32 @!p0 $0xFFFFFB00  }
0x11a: {  	s1 =	sadd.s32 $0xA0, s1;
	s13 =	smov.u32 s3;
	s3 =	sadd.s32 $0x280, s3  }
0x11b: {  	[tilespmem:s10], [sflag:$0x4] =	stream.linear.gather [spmem:s2], $0x1400, $0x38;
	[tilespmem:$0xEA60] =	vst v63  }
0x11c: {  	p1 =	sne.s32 s3, $0x1180;
	_ =	swait.ge [sflag:s30], $0x1400  }
0x11d: {  	[sflag:s30] =	ssyncset.done $0x0  }
0x11e: {  	s17 =	sadd.s32 @p0 s13, s19;
	[sflag:s30] =	ssyncadd.s32 $0xFFFFEC00  }
0x11f: {  	[hbm4b:s17+s9] =	stream.linear.scatter @p0 [tilespmem:s8], [sflag:$0x3], $0x1400, $0x38;
	[tilespmem:$0xEA60] =	vst v63  }
0x120: {  	_ =	swait.ge @p0 [sflag:s0], $0x1400  }
0x121: {  	[sflag:s0] =	ssyncset.done @p0 $0x0  }
0x122: {  	s13 =	sadd.s32 @!p0 s13, s20;
	[sflag:s0] =	ssyncadd.s32 @p0 $0xFFFFEC00  }
0x123: {  	[hbm4b:s13+s31] =	stream.linear.scatter @!p0 [tilespmem:s15], [sflag:$0x4], $0x1400, $0x38;
	[tilespmem:$0xEA60] =	vst v63  }
0x124: {  	_ =	swait.ge @!p0 [sflag:s25], $0x1400  }
0x125: {  	[sflag:s25] =	ssyncset.done @!p0 $0x0  }
0x126: {  	[sflag:s25] =	ssyncadd.s32 @!p0 $0xFFFFEC00  }
0x127: {  	[tilespmem:s16], [sflag:$0x4] =	stream.linear.gather @!p0 [spmem:s29], $0x500, $0x38;
	[tilespmem:$0xEA60] =	vst v63  }
0x128: {  	_ =	swait.ge @!p0 [sflag:s25], $0x500  }
.Ltmp9:
0x129: {  	[sflag:s25] =	ssyncset.done @!p0 $0x0;
	(pc) =	sbr.rel @p1 .LBB2_15-.Ltmp9, $4  }
0x12a: {  	[sflag:s25] =	ssyncadd.s32 @!p0 $0xFFFFFB00  }
0x12b: {  	[hbm4b:s1+s31] =	stream.linear.scatter @!p0 [tilespmem:s16], [sflag:$0x4], $0x500, $0x38;
	[tilespmem:$0xEA60] =	vst v63  }
0x12c: {  	_ =	swait.ge @!p0 [sflag:s25], $0x500  }
0x12d: {  	s2 =	sadd.s32 $0x1400, s2;
	s29 =	sadd.s32 $0x500, s29;
	[sflag:s25] =	ssyncset.done @!p0 $0x0  }
0x12e: {  	[sflag:s25] =	ssyncadd.s32 @!p0 $0xFFFFFB00;
	s29 =	rddreg [dreg:$0x6]  }
0x12f: {  	[tilespmem:s10], [sflag:$0x3] =	stream.linear.gather [spmem:s29], $0x1200, $0x38;
	[tilespmem:$0xEA60] =	vst v63  }
0x130: {  	_ =	swait.ge [sflag:s11], $0x1200  }
0x131: {  	[sflag:s11] =	ssyncset.done $0x0  }
0x132: {  	s1 =	rddreg [dreg:$0x8];
	[sflag:s11] =	ssyncadd.s32 $0xFFFFEE00  }
0x133: {  	[hbm4b:s1+s9] =	stream.linear.scatter @p0 [tilespmem:s8], [sflag:$0x3], $0x1200, $0x38;
	[tilespmem:$0xEA60] =	vst v63  }
0x134: {  	_ =	swait.ge @p0 [sflag:s0], $0x1200  }
0x135: {  	[sflag:s0] =	ssyncset.done @p0 $0x0  }
0x136: {  	[sflag:s0] =	ssyncadd.s32 @p0 $0xFFFFEE00;
	s0 =	rddreg [dreg:$0x9]  }
0x137: {  	[hbm4b:s0+s31] =	stream.linear.scatter @!p0 [tilespmem:s15], [sflag:$0x3], $0x1200, $0x38;
	[tilespmem:$0xEA60] =	vst v63  }
0x138: {  	s0 =	simm.s32 @!p0 $0x3  }
0x139: {  	_ =	swait.ge @!p0 [sflag:s0], $0x1200  }
0x13a: {  	[sflag:s0] =	ssyncset.done @!p0 $0x0  }
0x13b: {  	s1 =	rddreg [dreg:$0x7];
	[sflag:s0] =	ssyncadd.s32 @!p0 $0xFFFFEE00  }
0x13c: {  	[tilespmem:s16], [sflag:$0x3] =	stream.linear.gather @!p0 [spmem:s1], $0x480, $0x38;
	[tilespmem:$0xEA60] =	vst v63  }
0x13d: {  	_ =	swait.ge @!p0 [sflag:s0], $0x480  }
0x13e: {  	[sflag:s0] =	ssyncset.done @!p0 $0x0  }
0x13f: {  	s1 =	rddreg [dreg:$0xa];
	[sflag:s0] =	ssyncadd.s32 @!p0 $0xFFFFFB80  }
0x140: {  	[hbm4b:s1+s31] =	stream.linear.scatter @!p0 [tilespmem:s16], [sflag:$0x3], $0x480, $0x38;
	[tilespmem:$0xEA60] =	vst v63  }
0x141: {  	_ =	swait.ge @!p0 [sflag:s0], $0x480  }
0x142: {  	s17 =	rddreg [dreg:$0x5]  }
0x143: {  	s31 =	rddreg [dreg:$0xb];
	s25 =	sadd.s32 $0x1, s17  }
0x144: {  	p1 =	sne.s32 s25, s31  }
.Ltmp10:
0x145: {  	_ = 	snop;
	(pc) =	sbr.rel @p1 .LBB2_1-.Ltmp10, $4  }
0x146: {  	[sflag:s0] =	ssyncset.done @!p0 $0x0  }
0x147: {  	s13 =	rddreg [dreg:$0x14];
	[sflag:s0] =	ssyncadd.s32 @!p0 $0xFFFFFB80  }
0x148: {  	s16 =	rddreg [dreg:$0x2]  }
0x149: {  	s15 =	simm.s32 $0xFA00;
	s17 =	rddreg [dreg:$0x3]  }
0x14a: {  	_ =	sfence.sel $0x180000  }
0x14b: {  	[bflag:$0x0] =	sbarrier.arrive $0xFFFF  }
0x14c: {  	_ =	strace $0x9000004A  }
0x14d: {  	s0 =	stileid.u32;
	[bflag:$0x2] =	sbarrier.arrive $0xFFFF  }
0x14e: {  	p0 =	sne.s32 s0, $0x0;
	s0 =	rddreg [dreg:$0x4]  }
0x14f: {  	s0 =	sadd.s32 @!p0 $0x100000, s0  }
0x150: {  	[sflag:s0] =	ssyncadd.tile.s32 @!p0 $0x1;
	_ =	shalt  }
.Lfunc_end2:
_tile_overlayer_lowered:
.L_overlay_start_2:
0x151: {  	(tag) =	ssettag $0x2  }
0x152: {  	s0 =	rddreg [dreg:$0x0];
	s2 =	stileid.u32  }
0x153: {  	s1 =	rddreg [dreg:$0x1];
	p0 =	sne.s32 s2, $0x0  }
0x154: {  	s3 =	rddreg [dreg:$0x2];
	[bflag:$0x3] =	sbarrier.arrive $0xFFFF;
	s2 =	simm.s32 @!p0 $0x1C03  }
0x155: {  	[timem:s3], [sflag:s2] =	dma.local @!p0 [hbm:s0], s1  }
0x156: {  	s0 =	simm.s32 @!p0 $0x3  }
0x157: {  	_ =	swait.ge @!p0 [sflag:s0], s1  }
0x158: {  	s1 =	ssub.s32 @!p0 $0x0, s1;
	[sflag:s0] =	ssyncset.done @!p0 $0x0  }
0x159: {  	[sflag:s0] =	ssyncadd.s32 @!p0 s1  }
0x15a: {  	[bflag:$0x3] =	sbarrier.arrive $0xFFFF  }
0x15b: {  	_ =	shalt  }

// kernel: kernel.8.cloned.1.call-start
scs
__scs_entry_jumppad:
0x0: {  	(pc) =	sbr.rel $0x88, $3  }
0x1: {  	(tag) =	ssettag $0x0;
	lr =	simm.s32 $0x1  }
0x2: {  	[smem:$0x3F8E] =	sst lr;
	_ =	strace $0xD0000000  }
0x3: {  	_ = 	snop  }
0x4: {  	_ = 	snop  }
0x5: {  	_ = 	snop  }
0x6: {  	_ = 	snop  }
0x7: {  	_ = 	snop  }
__scs_overlays_trampoline_lowered:
0x8: {  	[smem:$0x3F9D] =	sst s0  }
0x9: {  	[smem:$0x3F9E] =	sst s1  }
0xa: {  	[smem:$0x3F9F] =	sst s2  }
0xb: {  	[smem:$0x3FA0] =	sst s3  }
0xc: {  	[smem:$0x3FA1] =	sst s4  }
0xd: {  	[smem:$0x3FA2] =	sst s5  }
0xe: {  	[smem:$0x3FA3] =	sst s6  }
0xf: {  	[smem:$0x3FA4] =	sst s7  }
0x10: {  	[smem:$0x3FA5] =	sst s8  }
0x11: {  	[smem:$0x3FA6] =	sst s9;
	s0 =	simm.s32 @!p0 $0x0  }
0x12: {  	s1 =	sld [smem:$0x3F8C];
	s0 =	simm.s32 @p0 $0x1  }
0x13: {  	[smem:$0x3FA7] =	sst s0;
	s0 =	simm.s32 @!p1 $0x0  }
0x14: {  	s2 =	sld [smem:$0x3F8B];
	s0 =	simm.s32 @p1 $0x1  }
0x15: {  	[smem:$0x3FA8] =	sst s0;
	s0 =	simm.s32 @!p2 $0x0  }
0x16: {  	s3 =	sld [smem:$0x3FDB];
	s0 =	simm.s32 @p2 $0x1  }
0x17: {  	s4 =	simm.s32 $0x1BF5;
	[smem:$0x3FAA] =	sst s0  }
0x18: {  	s0 =	sld [smem:$0x3F8D];
	_ =	swait.ge [sflag:s4], $0x0  }
0x19: {  	s7 =	sld [smem:$0x3F8E]  }
0x1a: {  	s8 =	sadd.s32 $0xFFFFE003, lr  }
0x1b: {  	s9 =	sadd.s32 $0xFFFFFEF7, lr;
	s5 =	simm.s32 $0xFFFFFFFF;
	p2 =	slt.u32 s8, $0xFFFFF086  }
0x1c: {  	p1 =	slt.u32 s9, $0xF7A;
	s5 =	simm.s32 @!p2 $0x0  }
0x1d: {  	s5 =	simm.s32 @p1 $0x1;
	p0 =	seq.s32 s7, s2  }
0x1e: {  	s7 =	smul.u32 @!p0 $0xF7A, s2;
	p2 =	seq.s32 @!p0 s5, $0x0  }
0x1f: {  	s9 =	smul.u32 $0xF7A, s1;
	s8 =	simm.s32 @!p0 $0x1BF5;
	p2 =	por !p2, p0  }
0x20: {  	[sflag:s8] =	ssyncset.s32 @!p0 $0xFFFFF086;
	s6 =	sadd.s32 @!p0 s3, s7;
	s7 =	simm.s32 @!p0 $0x108  }
0x21: {  	s3 =	sadd.s32 s3, s9;
	s6 =	sadd.s32 @!p0 $0x88, s6;
	s7 =	simm.s32 @p2 $0x1082  }
0x22: {  	[simem:s7], [sflag:s8] =	dma.local @!p0 [hbm:s6], $0xF7A  }
0x23: {  	s9 =	sor.u32 $0xD0000000, s2;
	s6 =	simm.s32 $0x108;
	_ =	swait.ge @!p0 [sflag:s8], $0x0  }
0x24: {  	s3 =	sadd.s32 $0x88, s3;
	s6 =	simm.s32 @!p1 $0x1082;
	[sflag:s4] =	ssyncset.s32 $0xFFFFF086  }
0x25: {  	[simem:s6], [sflag:s4] =	dma.local [hbm:s3], $0xF7A  }
0x26: {  	[smem:$0x3F8E] =	sst s1;
	(tag) =	ssettag s2;
	_ =	strace s9  }
0x27: {  	s1 =	sld [smem:$0x3F9E]  }
0x28: {  	s2 =	sld [smem:$0x3F9F]  }
0x29: {  	s4 =	sld [smem:$0x3FA1]  }
0x2a: {  	p0 =	seq.s32 s5, $0x0;
	s5 =	sld [smem:$0x3FA2]  }
0x2b: {  	s6 =	sld [smem:$0x3FA3]  }
0x2c: {  	s7 =	sld [smem:$0x3FA4]  }
0x2d: {  	s3 =	simm.s32 $0x108;
	s8 =	sld [smem:$0x3FA5]  }
0x2e: {  	s3 =	simm.s32 @!p0 $0x1082;
	s9 =	sld [smem:$0x3FA6]  }
0x2f: {  	lr =	sadd.s32 s0, s3;
	s0 =	sld [smem:$0x3F9D]  }
0x30: {  	s3 =	sld [smem:$0x3FA0]  }
0x31: {  	[smem:$0x3FA9] =	sst s10  }
0x32: {  	s10 =	sld [smem:$0x3FA7];
	_ =	sdelay $0x3  }
0x33: {  	p0 =	seq.s32 s10, $0x1;
	s10 =	sld [smem:$0x3FA9];
	_ =	sdelay $0x3  }
0x34: {  	[smem:$0x3FA9] =	sst s10  }
0x35: {  	s10 =	sld [smem:$0x3FA8];
	_ =	sdelay $0x3  }
0x36: {  	p1 =	seq.s32 s10, $0x1;
	s10 =	sld [smem:$0x3FA9];
	_ =	sdelay $0x3  }
0x37: {  	[smem:$0x3FA9] =	sst s10  }
0x38: {  	s10 =	sld [smem:$0x3FAA]  }
0x39: {  	_ = 	snop;
	(pc) =	sbr.ind lr, $3  }
0x3a: {  	_ = 	snop  }
0x3b: {  	_ = 	snop  }
0x3c: {  	p2 =	seq.s32 s10, $0x1;
	s10 =	sld [smem:$0x3FA9]  }
0x3d: {  	_ =	shalt  }
0x3e: {  	_ =	shalt  }
0x3f: {  	_ =	shalt  }
0x40: {  	_ =	shalt  }
0x41: {  	_ =	shalt  }
0x42: {  	_ =	shalt  }
0x43: {  	_ =	shalt  }
0x44: {  	_ =	shalt  }
0x45: {  	_ =	shalt  }
0x46: {  	_ =	shalt  }
0x47: {  	_ =	shalt  }
0x48: {  	_ =	shalt  }
0x49: {  	_ =	shalt  }
0x4a: {  	_ =	shalt  }
0x4b: {  	_ =	shalt  }
0x4c: {  	_ =	shalt  }
0x4d: {  	_ =	shalt  }
0x4e: {  	_ =	shalt  }
0x4f: {  	_ =	shalt  }
0x50: {  	_ =	shalt  }
0x51: {  	_ =	shalt  }
0x52: {  	_ =	shalt  }
0x53: {  	_ =	shalt  }
0x54: {  	_ =	shalt  }
0x55: {  	_ =	shalt  }
0x56: {  	_ =	shalt  }
0x57: {  	_ =	shalt  }
0x58: {  	_ =	shalt  }
0x59: {  	_ =	shalt  }
0x5a: {  	_ =	shalt  }
0x5b: {  	_ =	shalt  }
0x5c: {  	_ =	shalt  }
0x5d: {  	_ =	shalt  }
0x5e: {  	_ =	shalt  }
0x5f: {  	_ =	shalt  }
0x60: {  	_ =	shalt  }
0x61: {  	_ =	shalt  }
0x62: {  	_ =	shalt  }
0x63: {  	_ =	shalt  }
0x64: {  	_ =	shalt  }
0x65: {  	_ =	shalt  }
0x66: {  	_ =	shalt  }
0x67: {  	_ =	shalt  }
0x68: {  	_ =	shalt  }
0x69: {  	_ =	shalt  }
0x6a: {  	_ =	shalt  }
0x6b: {  	_ =	shalt  }
0x6c: {  	_ =	shalt  }
0x6d: {  	_ =	shalt  }
0x6e: {  	_ =	shalt  }
0x6f: {  	_ =	shalt  }
0x70: {  	_ =	shalt  }
0x71: {  	_ =	shalt  }
0x72: {  	_ =	shalt  }
0x73: {  	_ =	shalt  }
0x74: {  	_ =	shalt  }
0x75: {  	_ =	shalt  }
0x76: {  	_ =	shalt  }
0x77: {  	_ =	shalt  }
0x78: {  	_ =	shalt  }
0x79: {  	_ =	shalt  }
0x7a: {  	_ =	shalt  }
0x7b: {  	_ =	shalt  }
0x7c: {  	_ =	shalt  }
0x7d: {  	_ =	shalt  }
0x7e: {  	_ =	shalt  }
0x7f: {  	_ =	shalt  }
0x80: {  	_ =	shalt  }
0x81: {  	_ =	shalt  }
0x82: {  	_ =	shalt  }
0x83: {  	_ =	shalt  }
0x84: {  	_ =	shalt  }
0x85: {  	_ =	shalt  }
0x86: {  	_ =	shalt  }
0x87: {  	_ =	shalt  }
.Lfunc_end0:
.L_simem_size_0:
called_computation_lowered:
.L_overlay_start_0:
0x88: {  	s2 =	sld [smem:$0x3FD9]  }
0x89: {  	s3 =	sld [smem:$0x3FFE];
	_ =	sdelay $0x1  }
0x8a: {  	s1 =	srdreg.scid  }
0x8b: {  	s0 =	sand.u32 $0x1, s1  }
0x8c: {  	s16 =	sshll.u32 s0, $0xA;
	s2 =	sadd.s32 s3, s2  }
0x8d: {  	s2 =	sadd.s32 s2, s16  }
0x8e: {  	[smem:$0x3FB5] =	sst s2  }
0x8f: {  	_ = 	snop  }
0x90: {  	(tm) =	ssettm $0x1  }
0x91: {  	s17 =	sld [smem:$0x3FFB];
	_ =	sdelay $0x3  }
0x92: {  	_ =	strace s17  }
0x93: {  	s2 =	sld [smem:$0x3FFC];
	_ =	sdelay $0x3  }
0x94: {  	_ =	strace s2  }
0x95: {  	s2 =	sld [smem:$0x3FFD];
	_ =	sdelay $0x3  }
0x96: {  	_ =	strace s2  }
0x97: {  	_ =	strace $0x8FFFFFFF  }
0x98: {  	s18 =	sld [smem:$0x3FDB];
	_ =	sdelay $0x1  }
0x99: {  	s19 =	simm.s32 $_scs_section_size  }
0x9a: {  	s4 =	simm.s32 $_size__tile_overlayer_lowered;
	s5 =	simm.s32 $_tile_overlayer_lowered  }
0x9b: {  	s22 =	simm.s32 $0x1BFF;
	s21 =	sshll.u32 s5, $0x1;
	s2 =	sadd.s32 s19, s18  }
0x9c: {  	s6 =	simm.s32 $0x0;
	s20 =	sshll.u32 s4, $0x1;
	s4 =	sadd.s32 s21, s2  }
0x9d: {  	[timem:s6], [sflag:s22] =	dma.local [hbm:s4], s20  }
0x9e: {  	_ =	swait.ge [sflag:s22], s20  }
0x9f: {  	s3 =	ssub.s32 $0x0, s20;
	[sflag:s22] =	ssyncset.done $0x0  }
0xa0: {  	[sflag:s22] =	ssyncadd.s32 s3;
	_ =	sdelay $0x1  }
0xa1: {  	s23 =	simm.s32 $0x1B8B  }
0xa2: {  	_ =	swait.ge [sflag:s23], $0x1  }
0xa3: {  	[sflag:s23] =	ssyncset.done $0x0  }
0xa4: {  	s25 =	simm.s32 $0x1B8E;
	s24 =	sld [smem:$0x3FFE];
	[sflag:s23] =	ssyncadd.s32 $0xFFFFFFFF  }
0xa5: {  	s26 =	simm.s32 $execute0_lowered;
	[smem:$0x3FD2] =	sst s25  }
0xa6: {  	s4 =	sshll.u32 s26, $0x1;
	_ =	strace $0x80000046;
	[dreg:$0x1] =	wrdreg $0xFFFFFFFF  }
0xa7: {  	s28 =	simm.s32 $_size_execute0_lowered;
	s2 =	sadd.s32 s2, s4;
	[dreg:$0x0] =	wrdreg $0x0  }
0xa8: {  	s4 =	sshll.u32 s28, $0x1;
	[dreg:$0x2] =	wrdreg s2  }
0xa9: {  	[dreg:$0x3] =	wrdreg s4  }
0xaa: {  	[dreg:$0x4] =	wrdreg $0xC0  }
0xab: {  	_ =	task [dreg:s6], $0x5FFFF  }
0xac: {  	[dreg:$0x1] =	wrdreg $0xFFFFFFFF  }
0xad: {  	[dreg:$0x0] =	wrdreg $0x60  }
0xae: {  	[dreg:$0x2] =	wrdreg s24  }
0xaf: {  	[dreg:$0x3] =	wrdreg $0x0  }
0xb0: {  	[dreg:$0x4] =	wrdreg $0x13A000  }
0xb1: {  	[dreg:$0x5] =	wrdreg $0x9  }
0xb2: {  	_ =	task.clear_ibuf [dreg:s6], $0x6FFFF;
	_ =	strace $0x90000046  }
0xb3: {  	s29 =	simm.s32 $0x9;
	_ =	strace $0x80000048  }
0xb4: {  	_ =	swait.ge [sflag:s29], $0x1  }
0xb5: {  	[sflag:s29] =	ssyncadd.s32 $0xFFFFFFFF  }
0xb6: {  	_ =	strace $0x90000048  }
0xb7: {  	_ =	sfence  }
0xb8: {  	s30 =	sld [smem:$0x0];
	_ =	sdelay $0x2  }
0xb9: {  	s31 =	sshll.u32 s1, $0xD;
	s1 =	sshrl.u32 s1, $0x2  }
0xba: {  	s3 =	sand.u32 $0x4000, s31;
	s1 =	sadd.s32 s1, s30  }
0xbb: {  	s0 =	sor.u32 s3, s0;
	s1 =	sshll.u32 s1, $0x11  }
0xbc: {  	s0 =	sor.u32 s1, s0  }
0xbd: {  	s0 =	sadd.s32 $0x8F2B, s0  }
0xbe: {  	[sflag:s0] =	ssyncadd.remote.s32 $0x1  }
0xbf: {  	_ =	sfence.sel $0xFFFF  }
0xc0: {  	[dreg:$0x0] =	wrdreg $0xFFFFFFFF;
	(pc) =	sbr.abs _section_cstart, $3  }
0xc1: {  	[dreg:$0x1] =	wrdreg $0xFFFFFFFF  }
0xc2: {  	_ =	task.clear_ibuf [dreg:s6], $0x2FFFF;
	_ =	strace $0x9FFFFFFF  }
0xc3: {  	(tm) =	ssettm $0x7FFFFFFF  }
tec
execute0_lowered:
.L_overlay_start_1:
0x0: {  	(tag) =	ssettag $0x1  }
0x1: {  	s0 =	rddreg [dreg:$0x0]  }
0x2: {  	s15 =	rddreg [dreg:$0x1]  }
0x3: {  	s17 =	rddreg [dreg:$0x2];
	s13 =	stileid.u32  }
0x4: {  	s20 =	simm.s32 $0x0;
	s1 =	srdreg.scid;
	s3 =	smul.u32 $0x4E8, s13  }
0x5: {  	[smem:$0x7FF] =	sst s20;
	s1 =	sand.u32 $0x1, s1;
	s9 =	smul.u32 $0x4E800, s13  }
0x6: {  	s4 =	sadd.s32 $0xC5400, s0;
	s10 =	sadd.s32 $0x9E000, s0;
	s12 =	smul.u32 $0x13A00, s13  }
0x7: {  	s11 =	sadd.s32 $0x94200, s0;
	_ =	strace $0x80000047;
	s2 =	ssub.s32 $0x2, s1  }
0x8: {  	s8 =	sshrl.u32 s2, $0x1;
	s9 =	sshrl.u32 s9, $0x2;
	s21 =	sshrl.u32 s12, $0x2  }
0x9: {  	s3 =	sadd.s32 $0x480, s3;
	s25 =	sadd.s32 s9, s15;
	s14 =	sadd.s32 s21, s17  }
0xa: {  	s19 =	sshll.u32 s3, $0x6;
	s23 =	sshll.u32 s3, $0x3;
	[dreg:$0x7] =	wrdreg s14  }
0xb: {  	s22 =	sshll.u32 s3, $0x4;
	s24 =	sadd.s32 s10, s23;
	[dreg:$0x5] =	wrdreg s25  }
0xc: {  	s3 =	sshll.u32 s3, $0x1;
	s12 =	sadd.s32 s4, s23;
	[dreg:$0x9] =	wrdreg s24  }
0xd: {  	s2 =	ssub.s32 s2, s8;
	s3 =	sadd.s32 s11, s3;
	[dreg:$0xa] =	wrdreg s12  }
0xe: {  	s2 =	smax.u32 s2, $0x1;
	[dreg:$0xb] =	wrdreg s3  }
0xf: {  	s26 =	sadd.s32 s19, s15;
	s19 =	sadd.s32 $0x2000, s25;
	[dreg:$0xc] =	wrdreg s2  }
0x10: {  	s30 =	sadd.s32 s22, s17;
	s22 =	sadd.s32 $0x4000, s25;
	[dreg:$0xd] =	wrdreg s19  }
0x11: {  	s16 =	smul.u32 $0x9D0, s13;
	s23 =	sadd.s32 $0x6000, s25;
	[dreg:$0xe] =	wrdreg s22  }
0x12: {  	s8 =	smul.u32 $0x3E80, s13;
	s9 =	sadd.s32 $0x10000, s25;
	[dreg:$0x10] =	wrdreg s23  }
0x13: {  	s21 =	smul.u32 $0x2740, s13;
	s13 =	sadd.s32 $0x2000, s14;
	[dreg:$0x15] =	wrdreg s9  }
0x14: {  	s28 =	simm.s32 $0x18A00;
	s29 =	simm.s32 $0x18B80;
	[dreg:$0x19] =	wrdreg s13  }
0x15: {  	s31 =	simm.s32 $0x18A80;
	s5 =	sadd.s32 $0x7CA00, s0;
	[dreg:$0x6] =	wrdreg s26  }
0x16: {  	s6 =	sadd.s32 $0x69000, s0;
	s2 =	sadd.s32 s16, s11;
	[dreg:$0x8] =	wrdreg s30  }
0x17: {  	s7 =	sadd.s32 $0x55600, s0;
	s24 =	sadd.s32 $0x8000, s25;
	[dreg:$0xf] =	wrdreg s2  }
0x18: {  	s23 =	sadd.s32 s21, s4;
	s4 =	sadd.s32 $0xE000, s25;
	[dreg:$0x11] =	wrdreg s24  }
0x19: {  	s22 =	sadd.s32 s21, s10;
	s10 =	sadd.s32 $0x800, s14;
	[dreg:$0x14] =	wrdreg s4  }
0x1a: {  	p0 =	seq.s32 s1, $0x0;
	s11 =	sadd.s32 $0x1000, s14;
	[dreg:$0x16] =	wrdreg s10  }
0x1b: {  	s3 =	simm.s32 $0x7400;
	s12 =	sadd.s32 $0x1800, s14;
	[dreg:$0x17] =	wrdreg s11  }
0x1c: {  	s16 =	sadd.s32 $0x2800, s14;
	s19 =	sadd.s32 $0x3000, s14;
	[dreg:$0x18] =	wrdreg s12  }
0x1d: {  	s21 =	sadd.s32 $0x3800, s14;
	s13 =	simm.s32 $0x2;
	[dreg:$0x1a] =	wrdreg s16  }
0x1e: {  	s3 =	simm.s32 @!p0 $0x278400;
	p0 =	sne.s32 s1, $0x0;
	[dreg:$0x1b] =	wrdreg s19  }
0x1f: {  	s2 =	sadd.s32 $0xA000, s25;
	[dreg:$0x1c] =	wrdreg s21;
	s24 =	sadd.s32 $0x4000, s14  }
0x20: {  	s19 =	simm.s32 $0x1A380;
	s21 =	simm.s32 $0x3;
	s4 =	simm.s32 $0x1  }
0x21: {  	s14 =	simm.s32 $0x18B00;
	s16 =	simm.s32 $0x4;
	[dreg:$0x12] =	wrdreg s2  }
0x22: {  	s18 =	sadd.s32 s3, s0;
	s3 =	sadd.s32 $0xC000, s25;
	[dreg:$0x1d] =	wrdreg s24  }
0x23: {  	v0 =	vimm.f32 $0.0e+00;
	s24 =	simm.s32 $0x80;
	s0 =	simm.s32 $0x19380;
	[dreg:$0x13] =	wrdreg s3  }
.LBB2_1:
0x24: {  	s1 =	simm.s32 $0x1A3A0  }
0x25: {  	[tilespmem:s1+$0x0] =	vst v0  }
0x26: {  	[tilespmem:s1+$0xFFFFFFE0] =	vst v0  }
0x27: {  	[tilespmem:s1+$0x10] =	vst v0  }
0x28: {  	s2 =	simm.s32 $0x40;
	s3 =	simm.s32 $0x0;
	[tilespmem:s1+$0xFFFFFFF0] =	vst v0  }
.LBB2_2:
0x29: {  	p1 =	sne.s32 s2, $0x1FC0  }
0x2a: {  	[tilespmem:s3+$0x19B80] =	vst v0;
	s1 =	sadd.s32 $0x40, s1;
	s3 =	smov.u32 s2;
	s2 =	sadd.s32 $0x40, s2  }
.Ltmp0:
0x2b: {  	[tilespmem:s1+$0x0] =	vst v0;
	(pc) =	sbr.rel @p1 .LBB2_2-.Ltmp0, $4  }
0x2c: {  	_ = 	snop  }
0x2d: {  	[tilespmem:s1+$0xFFFFFFE0] =	vst v0  }
0x2e: {  	[tilespmem:s1+$0x10] =	vst v0  }
0x2f: {  	s3 =	sshra.s32 s3, $0x2;
	[tilespmem:s1+$0xFFFFFFF0] =	vst v0  }
0x30: {  	[tilespmem:s3+$0x19B80] =	vst v0  }
0x31: {  	[spmem:s25] =	stream.linear.scatter [tilespmem:s19], [sflag:$0x3], $0x2000, $0x38;
	[tilespmem:$0x1C380] =	vst v63  }
0x32: {  	_ =	swait.ge [sflag:s21], $0x2000  }
0x33: {  	[sflag:s21] =	ssyncset.done $0x0  }
0x34: {  	s1 =	rddreg [dreg:$0xd];
	[sflag:s21] =	ssyncadd.s32 $0xFFFFE000  }
0x35: {  	[spmem:s1] =	stream.linear.scatter [tilespmem:s19], [sflag:$0x3], $0x2000, $0x38;
	[tilespmem:$0x1C380] =	vst v63  }
0x36: {  	_ =	swait.ge [sflag:s21], $0x2000  }
0x37: {  	[sflag:s21] =	ssyncset.done $0x0  }
0x38: {  	s12 =	rddreg [dreg:$0xe];
	[sflag:s21] =	ssyncadd.s32 $0xFFFFE000  }
0x39: {  	[spmem:s12] =	stream.linear.scatter [tilespmem:s19], [sflag:$0x3], $0x2000, $0x38;
	[tilespmem:$0x1C380] =	vst v63  }
0x3a: {  	_ =	swait.ge [sflag:s21], $0x2000  }
0x3b: {  	[sflag:s21] =	ssyncset.done $0x0  }
0x3c: {  	s2 =	rddreg [dreg:$0x10];
	[sflag:s21] =	ssyncadd.s32 $0xFFFFE000  }
0x3d: {  	[spmem:s2] =	stream.linear.scatter [tilespmem:s19], [sflag:$0x3], $0x2000, $0x38;
	[tilespmem:$0x1C380] =	vst v63  }
0x3e: {  	_ =	swait.ge [sflag:s21], $0x2000  }
0x3f: {  	[sflag:s21] =	ssyncset.done $0x0  }
0x40: {  	s3 =	rddreg [dreg:$0x11];
	[sflag:s21] =	ssyncadd.s32 $0xFFFFE000  }
0x41: {  	[spmem:s3] =	stream.linear.scatter [tilespmem:s19], [sflag:$0x3], $0x2000, $0x38;
	[tilespmem:$0x1C380] =	vst v63  }
0x42: {  	_ =	swait.ge [sflag:s21], $0x2000  }
0x43: {  	[sflag:s21] =	ssyncset.done $0x0  }
0x44: {  	s9 =	rddreg [dreg:$0x12];
	[sflag:s21] =	ssyncadd.s32 $0xFFFFE000  }
0x45: {  	[spmem:s9] =	stream.linear.scatter [tilespmem:s19], [sflag:$0x3], $0x2000, $0x38;
	[tilespmem:$0x1C380] =	vst v63  }
0x46: {  	_ =	swait.ge [sflag:s21], $0x2000  }
0x47: {  	[sflag:s21] =	ssyncset.done $0x0  }
0x48: {  	s10 =	rddreg [dreg:$0x13];
	[sflag:s21] =	ssyncadd.s32 $0xFFFFE000  }
0x49: {  	[spmem:s10] =	stream.linear.scatter [tilespmem:s19], [sflag:$0x3], $0x2000, $0x38;
	[tilespmem:$0x1C380] =	vst v63  }
0x4a: {  	_ =	swait.ge [sflag:s21], $0x2000  }
0x4b: {  	[sflag:s21] =	ssyncset.done $0x0  }
0x4c: {  	s11 =	rddreg [dreg:$0x14];
	[sflag:s21] =	ssyncadd.s32 $0xFFFFE000  }
0x4d: {  	[spmem:s11] =	stream.linear.scatter [tilespmem:s19], [sflag:$0x3], $0x2000, $0x38;
	[tilespmem:$0x1C380] =	vst v63  }
0x4e: {  	_ =	swait.ge [sflag:s21], $0x2000  }
0x4f: {  	[sflag:s21] =	ssyncset.done $0x0  }
0x50: {  	s12 =	rddreg [dreg:$0x15];
	[sflag:s21] =	ssyncadd.s32 $0xFFFFE000  }
0x51: {  	[spmem:s12] =	stream.linear.scatter [tilespmem:s19], [sflag:$0x3], $0x2000, $0x38;
	[tilespmem:$0x1C380] =	vst v63  }
0x52: {  	_ =	swait.ge [sflag:s21], $0x2000  }
0x53: {  	[sflag:s21] =	ssyncset.done $0x0  }
0x54: {  	[sflag:s21] =	ssyncadd.s32 $0xFFFFE000  }
0x55: {  	[spmem:s26] =	stream.linear.scatter [tilespmem:s19], [sflag:$0x3], $0x1A00, $0x38;
	[tilespmem:$0x1C380] =	vst v63  }
0x56: {  	_ =	swait.ge [sflag:s21], $0x1A00  }
0x57: {  	[sflag:s21] =	ssyncset.done $0x0  }
0x58: {  	s1 =	simm.s32 @!p0 $0x19B80;
	s2 =	rddreg [dreg:$0x7];
	[sflag:s21] =	ssyncadd.s32 $0xFFFFE600  }
0x59: {  	[spmem:s2] =	stream.linear.scatter @!p0 [tilespmem:s1], [sflag:$0x3], $0x800, $0x38;
	[tilespmem:$0x1C380] =	vst v63  }
0x5a: {  	s2 =	simm.s32 @!p0 $0x3  }
0x5b: {  	_ =	swait.ge @!p0 [sflag:s2], $0x800  }
0x5c: {  	[sflag:s2] =	ssyncset.done @!p0 $0x0  }
0x5d: {  	s3 =	rddreg [dreg:$0x16];
	[sflag:s2] =	ssyncadd.s32 @!p0 $0xFFFFF800  }
0x5e: {  	[spmem:s3] =	stream.linear.scatter @!p0 [tilespmem:s1], [sflag:$0x3], $0x800, $0x38;
	[tilespmem:$0x1C380] =	vst v63  }
0x5f: {  	_ =	swait.ge @!p0 [sflag:s2], $0x800  }
0x60: {  	[sflag:s2] =	ssyncset.done @!p0 $0x0  }
0x61: {  	s3 =	rddreg [dreg:$0x17];
	[sflag:s2] =	ssyncadd.s32 @!p0 $0xFFFFF800  }
0x62: {  	[spmem:s3] =	stream.linear.scatter @!p0 [tilespmem:s1], [sflag:$0x3], $0x800, $0x38;
	[tilespmem:$0x1C380] =	vst v63  }
0x63: {  	_ =	swait.ge @!p0 [sflag:s2], $0x800  }
0x64: {  	[sflag:s2] =	ssyncset.done @!p0 $0x0  }
0x65: {  	s3 =	rddreg [dreg:$0x18];
	[sflag:s2] =	ssyncadd.s32 @!p0 $0xFFFFF800  }
0x66: {  	[spmem:s3] =	stream.linear.scatter @!p0 [tilespmem:s1], [sflag:$0x3], $0x800, $0x38;
	[tilespmem:$0x1C380] =	vst v63  }
0x67: {  	_ =	swait.ge @!p0 [sflag:s2], $0x800  }
0x68: {  	[sflag:s2] =	ssyncset.done @!p0 $0x0  }
0x69: {  	s3 =	rddreg [dreg:$0x19];
	[sflag:s2] =	ssyncadd.s32 @!p0 $0xFFFFF800  }
0x6a: {  	[spmem:s3] =	stream.linear.scatter @!p0 [tilespmem:s1], [sflag:$0x3], $0x800, $0x38;
	[tilespmem:$0x1C380] =	vst v63  }
0x6b: {  	_ =	swait.ge @!p0 [sflag:s2], $0x800  }
0x6c: {  	[sflag:s2] =	ssyncset.done @!p0 $0x0  }
0x6d: {  	s3 =	rddreg [dreg:$0x1a];
	[sflag:s2] =	ssyncadd.s32 @!p0 $0xFFFFF800  }
0x6e: {  	[spmem:s3] =	stream.linear.scatter @!p0 [tilespmem:s1], [sflag:$0x3], $0x800, $0x38;
	[tilespmem:$0x1C380] =	vst v63  }
0x6f: {  	_ =	swait.ge @!p0 [sflag:s2], $0x800  }
0x70: {  	[sflag:s2] =	ssyncset.done @!p0 $0x0  }
0x71: {  	s3 =	rddreg [dreg:$0x1b];
	[sflag:s2] =	ssyncadd.s32 @!p0 $0xFFFFF800  }
0x72: {  	[spmem:s3] =	stream.linear.scatter @!p0 [tilespmem:s1], [sflag:$0x3], $0x800, $0x38;
	[tilespmem:$0x1C380] =	vst v63  }
0x73: {  	_ =	swait.ge @!p0 [sflag:s2], $0x800  }
0x74: {  	[sflag:s2] =	ssyncset.done @!p0 $0x0  }
0x75: {  	s3 =	rddreg [dreg:$0x1c];
	[sflag:s2] =	ssyncadd.s32 @!p0 $0xFFFFF800  }
0x76: {  	[spmem:s3] =	stream.linear.scatter @!p0 [tilespmem:s1], [sflag:$0x3], $0x800, $0x38;
	[tilespmem:$0x1C380] =	vst v63  }
0x77: {  	_ =	swait.ge @!p0 [sflag:s2], $0x800  }
0x78: {  	[sflag:s2] =	ssyncset.done @!p0 $0x0  }
0x79: {  	s3 =	rddreg [dreg:$0x1d];
	[sflag:s2] =	ssyncadd.s32 @!p0 $0xFFFFF800  }
0x7a: {  	[spmem:s3] =	stream.linear.scatter @!p0 [tilespmem:s1], [sflag:$0x3], $0x800, $0x38;
	[tilespmem:$0x1C380] =	vst v63  }
0x7b: {  	_ =	swait.ge @!p0 [sflag:s2], $0x800  }
0x7c: {  	[sflag:s2] =	ssyncset.done @!p0 $0x0  }
0x7d: {  	[sflag:s2] =	ssyncadd.s32 @!p0 $0xFFFFF800  }
0x7e: {  	[spmem:s30] =	stream.linear.scatter @!p0 [tilespmem:s1], [sflag:$0x3], $0x680, $0x38;
	[tilespmem:$0x1C380] =	vst v63  }
.Ltmp1:
0x7f: {  	_ =	swait.ge @!p0 [sflag:s2], $0x680;
	(pc) =	sbr.rel .LBB2_4-.Ltmp1, $4  }
0x80: {  	[sflag:s2] =	ssyncset.done @!p0 $0x0  }
0x81: {  	[sflag:s2] =	ssyncadd.s32 @!p0 $0xFFFFF980  }
0x82: {  	[bflag:$0x0] =	sbarrier.arrive $0xFFFF  }
0x83: {  	s10 =	simm.s32 $0x0  }
.LBB2_13:
0x84: {  	s10 =	sadd.s32 $0x1, s10  }
0x85: {  	p1 =	sne.s32 s10, $0x7D  }
.Ltmp2:
0x86: {  	_ = 	snop;
	(pc) =	sbr.rel @!p1 .LBB2_14-.Ltmp2, $4  }
0x87: {  	_ = 	snop  }
0x88: {  	_ =	swait.ge [sflag:s4], $0x2000  }
0x89: {  	[sflag:s4] =	ssyncset.done $0x0  }
0x8a: {  	[sflag:s4] =	ssyncadd.s32 $0xFFFFE000  }
.LBB2_4:
0x8b: {  	s1 =	sshll.u32 s10, $0x7  }
0x8c: {  	s1 =	sadd.s32 s8, s1  }
0x8d: {  	s1 =	sshrl.u32 s1, $0x3  }
0x8e: {  	s2 =	simm.s32 $0x3E800;
	s3 =	simm.s32 $0x18880;
	s1 =	sadd.s32 s5, s1  }
0x8f: {  	[tilespmem:s3], [sflag:$0x3] =	stream.strided.gather [hbm4b:s1+s24], $0x180, s2, s24, $0x38;
	[tilespmem:$0x1C380] =	vst v63  }
0x90: {  	_ =	swait.ge [sflag:s21], $0x180  }
0x91: {  	[sflag:s21] =	ssyncset.done $0x0  }
0x92: {  	[sflag:s21] =	ssyncadd.s32 $0xFFFFFE80  }
0x93: {  	v1 =	vld [tilespmem:$0x18980]  }
0x94: {  	v2 =	vld [tilespmem:$0x18880]  }
0x95: {  	v3 =	vld [tilespmem:$0x18900]  }
0x96: {  	v4 =	vld [tilespmem:$0x18990]  }
0x97: {  	v5 =	vld [tilespmem:$0x18890]  }
0x98: {  	v7 =	vld [tilespmem:$0x18910];
	v6 =	vmul.u32 $0x2710, v1  }
0x99: {  	v8 =	vld [tilespmem:$0x189A0]  }
0x9a: {  	v9 =	vld [tilespmem:$0x188A0];
	v1 =	vmul.u32 $0x1388, v1;
	v2 =	vadd.s32 v2, v6  }
0x9b: {  	v10 =	vld [tilespmem:$0x18920];
	[tilespmem:$0x18A00] =	vst v2;
	v2 =	vadd.s32 v3, v6;
	v6 =	vmul.u32 $0x2710, v4  }
0x9c: {  	v1 =	vadd.s32 v3, v1;
	[tilespmem:$0x18A80] =	vst v2;
	v2 =	vld [tilespmem:$0x189B0]  }
0x9d: {  	[tilespmem:$0x18B00] =	vst v1;
	v3 =	vmul.u32 $0x1388, v4;
	v4 =	vld [tilespmem:$0x188B0];
	v1 =	vadd.s32 v5, v6  }
0x9e: {  	v5 =	vmul.u32 $0x2710, v8;
	[tilespmem:$0x18A10] =	vst v1;
	v1 =	vadd.s32 v7, v6;
	v6 =	vld [tilespmem:$0x18930]  }
0x9f: {  	[tilespmem:$0x18A90] =	vst v1;
	v1 =	vadd.s32 v7, v3;
	v3 =	vld [tilespmem:$0x189C0]  }
0xa0: {  	v60 =	vld [tilespmem:$0x188C0];
	v7 =	vmul.u32 $0x1388, v8;
	[tilespmem:$0x18B10] =	vst v1;
	v1 =	vadd.s32 v9, v5  }
0xa1: {  	v61 =	vld [tilespmem:$0x18940];
	[tilespmem:$0x18A20] =	vst v1;
	v1 =	vadd.s32 v10, v5;
	v5 =	vmul.u32 $0x2710, v2  }
0xa2: {  	[tilespmem:$0x18AA0] =	vst v1;
	v1 =	vadd.s32 v10, v7;
	v7 =	vld [tilespmem:$0x189D0]  }
0xa3: {  	v62 =	vld [tilespmem:$0x18950];
	v2 =	vmul.u32 $0x1388, v2;
	[tilespmem:$0x18B20] =	vst v1;
	v1 =	vadd.s32 v4, v5  }
0xa4: {  	v4 =	vld [tilespmem:$0x188D0];
	[tilespmem:$0x18A30] =	vst v1;
	v1 =	vadd.s32 v6, v5;
	v5 =	vmul.u32 $0x2710, v3  }
0xa5: {  	[tilespmem:$0x18AB0] =	vst v1;
	v1 =	vadd.s32 v6, v2;
	v2 =	vld [tilespmem:$0x189E0]  }
0xa6: {  	v63 =	vld [tilespmem:$0x18960];
	v3 =	vmul.u32 $0x1388, v3;
	[tilespmem:$0x18B30] =	vst v1;
	v1 =	vadd.s32 v60, v5  }
0xa7: {  	v6 =	vld [tilespmem:$0x188E0];
	[tilespmem:$0x18A40] =	vst v1;
	v1 =	vadd.s32 v61, v5;
	v5 =	vmul.u32 $0x2710, v7  }
0xa8: {  	[tilespmem:$0x18AC0] =	vst v1;
	v1 =	vadd.s32 v61, v3;
	v3 =	vld [tilespmem:$0x189F0]  }
0xa9: {  	[tilespmem:$0x18B40] =	vst v1;
	v1 =	vadd.s32 v4, v5;
	v4 =	vmul.u32 $0x1388, v7  }
0xaa: {  	v7 =	vld [tilespmem:$0x188F0];
	[tilespmem:$0x18A50] =	vst v1;
	v1 =	vadd.s32 v62, v5;
	v5 =	vmul.u32 $0x2710, v2  }
0xab: {  	[tilespmem:$0x18AD0] =	vst v1;
	v1 =	vadd.s32 v62, v4;
	v4 =	vld [tilespmem:$0x18970]  }
0xac: {  	v2 =	vmul.u32 $0x1388, v2;
	[tilespmem:$0x18B50] =	vst v1;
	v1 =	vadd.s32 v6, v5  }
0xad: {  	[tilespmem:$0x18A60] =	vst v1;
	v1 =	vadd.s32 v63, v5;
	v5 =	vmul.u32 $0x2710, v3  }
0xae: {  	[tilespmem:$0x18AE0] =	vst v1;
	v1 =	vadd.s32 v63, v2  }
0xaf: {  	v2 =	vmul.u32 $0x1388, v3;
	[tilespmem:$0x18B60] =	vst v1;
	v1 =	vadd.s32 v7, v5  }
0xb0: {  	[tilespmem:$0x18A70] =	vst v1;
	v1 =	vadd.s32 v4, v5  }
0xb1: {  	[tilespmem:$0x18AF0] =	vst v1;
	v1 =	vadd.s32 v4, v2  }
0xb2: {  	[tilespmem:$0x18B70] =	vst v1  }
0xb3: {  	[tilespmem:s29], [sflag:$0x1] =	stream.indirect.gather [hbm4b:s6+s24], $0x10, s28, s24, $0xb8;
	[tilespmem:$0x1C380] =	vst v63  }
0xb4: {  	_ = 	snop  }
0xb5: {  	[tilespmem:s0], [sflag:$0x1] =	stream.indirect.gather [hbm4b:s7+s24], $0x10, s31, s24, $0xb8;
	[tilespmem:$0x1C380] =	vst v63  }
0xb6: {  	_ = 	snop  }
0xb7: {  	[tilespmem:s19], [sflag:$0x2] =	stream.indirect.gather [hbm4b:s18+s24], $0x40, s28, s24, $0xb8;
	[tilespmem:$0x1C380] =	vst v63  }
0xb8: {  	_ =	swait.ge [sflag:s4], $0x800  }
0xb9: {  	[sflag:s4] =	ssyncset.done $0x0  }
0xba: {  	[sflag:s4] =	ssyncadd.s32 $0xFFFFF800  }
0xbb: {  	_ =	swait.ge [sflag:s4], $0x800  }
0xbc: {  	[sflag:s4] =	ssyncset.done $0x0  }
0xbd: {  	s9 =	simm.s32 $0x0;
	[sflag:s4] =	ssyncadd.s32 $0xFFFFF800  }
0xbe: {  	v1 =	vld [tilespmem:s9+$0x18B80]  }
0xbf: {  	v2 =	vld [tilespmem:s9+$0x19380];
	_ =	sdelay $0x4  }
0xc0: {  	v1 =	vadd.f32 v2, v1;
	_ =	sdelay $0x1  }
0xc1: {  	s11 =	simm.s32 $0x10;
	v2 =	vmul.f32 $2.000000030e-01, v1  }
0xc2: {  	v3 =	vld [tilespmem:s11+$0x18B80];
	vm0 =	vgt.f32 v1, $0.0e+00  }
0xc3: {  	v4 =	vld [tilespmem:s11+$0x19380];
	v1 =	vsel vm0, v1, v2  }
0xc4: {  	s1 =	simm.s32 $0x20;
	v1 =	vmul.f32 $1.442695020e+00, v1  }
0xc5: {  	v2 =	vld [tilespmem:s1+$0x18B80]  }
0xc6: {  	(erf) = vpow2.f32 v1;
	v1 =	vld [tilespmem:s1+$0x19380];
	_ =	sdelay $0x1  }
0xc7: {  	v3 =	vadd.f32 v4, v3;
	_ =	sdelay $0x1  }
0xc8: {  	v4 =	vmul.f32 $2.000000030e-01, v3  }
0xc9: {  	vm14 =	vgt.f32 v3, $0.0e+00;
	v5 =	vadd.f32 v1, v2  }
0xca: {  	v1 =	vsel vm14, v3, v4  }
0xcb: {  	s2 =	simm.s32 $0x30;
	v2 =	vmul.f32 $1.442695020e+00, v1;
	v3 =	vmul.f32 $2.000000030e-01, v5  }
0xcc: {  	v1 =	vld [tilespmem:s2+$0x18B80]  }
0xcd: {  	(erf) = vpow2.f32 v2;
	v2 =	vld [tilespmem:s2+$0x19380]  }
0xce: {  	vm15 =	vgt.f32 v5, $0.0e+00  }
0xcf: {  	s3 =	simm.s32 $0x100;
	v4 =	vsel vm15, v5, v3;
	v3 =	vpop (erf)  }
.LBB2_5:
0xd0: {  	s12 =	sshra.s32 s3, $0x2  }
0xd1: {  	v4 =	vmul.f32 $1.442695020e+00, v4;
	[tilespmem:s9+$0x19B80] =	vst v3;
	s9 =	smov.u32 s11;
	s11 =	smov.u32 s1;
	p1 =	sne.s32 s3, $0x1FC0  }
.Ltmp3:
0xd2: {  	s3 =	sadd.s32 $0x40, s3;
	v3 =	vadd.f32 v2, v1;
	v1 =	vld [tilespmem:s12+$0x18B80];
	(pc) =	sbr.rel @p1 .LBB2_5-.Ltmp3, $4  }
0xd3: {  	s1 =	smov.u32 s2;
	s2 =	smov.u32 s12;
	v2 =	vld [tilespmem:s12+$0x19380];
	(erf) = vpow2.f32 v4  }
0xd4: {  	v4 =	vmul.f32 $2.000000030e-01, v3  }
0xd5: {  	vm0 =	vgt.f32 v3, $0.0e+00  }
0xd6: {  	v4 =	vsel vm0, v3, v4;
	v3 =	vpop (erf)  }
0xd7: {  	_ = 	snop  }
0xd8: {  	v1 =	vadd.f32 v2, v1;
	_ =	sdelay $0x1  }
0xd9: {  	v2 =	vmul.f32 $2.000000030e-01, v1  }
0xda: {  	vm0 =	vgt.f32 v1, $0.0e+00  }
0xdb: {  	v1 =	vsel vm0, v1, v2;
	v2 =	vmul.f32 $1.442695020e+00, v4  }
0xdc: {  	v1 =	vmul.f32 $1.442695020e+00, v1  }
0xdd: {  	(erf) = vpow2.f32 v2  }
0xde: {  	(erf) = vpow2.f32 v1;
	_ =	sdelay $0x6  }
0xdf: {  	[tilespmem:s9+$0x19B80] =	vst v3;
	v1 =	vpop (erf)  }
0xe0: {  	[tilespmem:s11+$0x19B80] =	vst v1;
	v1 =	vpop (erf)  }
.Ltmp4:
0xe1: {  	[tilespmem:s1+$0x19B80] =	vst v1;
	v1 =	vpop (erf);
	(pc) =	sbr.rel @p0 .LBB2_10-.Ltmp4, $4  }
0xe2: {  	[tilespmem:s2+$0x19B80] =	vst v1  }
0xe3: {  	_ =	swait.ge [sflag:s13], $0x2000  }
0xe4: {  	[sflag:s13] =	ssyncset.done $0x0  }
0xe5: {  	s12 =	simm.s32 $0x1A3A0;
	s3 =	simm.s32 $0x0;
	[sflag:s13] =	ssyncadd.s32 $0xFFFFE000  }
0xe6: {  	v1 =	vld [tilespmem:s12+$0xFFFFFFF0];
	s2 =	simm.s32 $0x40;
	s1 =	simm.s32 $0x1A3A0  }
.LBB2_8:
0xe7: {  	p1 =	sne.s32 s2, $0x1FC0;
	v2 =	vld [tilespmem:s3+$0x19B80]  }
0xe8: {  	v3 =	vld [tilespmem:s12+$0x10]  }
0xe9: {  	v4 =	vld [tilespmem:s12+$0xFFFFFFE0]  }
0xea: {  	v5 =	vld [tilespmem:s12+$0x0];
	_ =	sdelay $0x1  }
0xeb: {  	v6 =	vbroadcast v2, $0x0;
	v2 =	vbroadcast v2, $0x1;
	_ =	sdelay $0x1  }
0xec: {  	v4 =	vmul.f32 v6, v4;
	v1 =	vmul.f32 v1, v6  }
.Ltmp5:
0xed: {  	v5 =	vmul.f32 v5, v2;
	v2 =	vmul.f32 v3, v2;
	(pc) =	sbr.rel @p1 .LBB2_8-.Ltmp5, $4  }
0xee: {  	[tilespmem:s12+$0xFFFFFFE0] =	vst v4  }
0xef: {  	[tilespmem:s12+$0xFFFFFFF0] =	vst v1  }
0xf0: {  	s12 =	sadd.s32 $0x40, s12;
	[tilespmem:s1+$0x0] =	vst v5  }
0xf1: {  	s3 =	sshra.s32 s2, $0x2;
	s2 =	sadd.s32 $0x40, s2;
	v1 =	vld [tilespmem:s12+$0xFFFFFFF0];
	[tilespmem:s1+$0x10] =	vst v2;
	s1 =	smov.u32 s12  }
0xf2: {  	v2 =	vld [tilespmem:s3+$0x19B80];
	_ =	sdelay $0x1  }
0xf3: {  	v3 =	vld [tilespmem:s12+$0xFFFFFFE0];
	_ =	sdelay $0x1  }
0xf4: {  	v4 =	vld [tilespmem:s12+$0x0]  }
0xf5: {  	v5 =	vld [tilespmem:s12+$0x10];
	v6 =	vbroadcast v2, $0x0;
	_ =	sdelay $0x1  }
0xf6: {  	v2 =	vbroadcast v2, $0x1;
	v3 =	vmul.f32 v6, v3  }
0xf7: {  	v1 =	vmul.f32 v1, v6  }
0xf8: {  	v4 =	vmul.f32 v4, v2;
	[tilespmem:s12+$0xFFFFFFE0] =	vst v3  }
0xf9: {  	v2 =	vmul.f32 v5, v2;
	[tilespmem:s12+$0xFFFFFFF0] =	vst v1  }
0xfa: {  	[tilespmem:s1+$0x0] =	vst v4  }
0xfb: {  	[tilespmem:s1+$0x10] =	vst v2  }
0xfc: {  	[spmem:s15] =	stream.indirect.scatter.add.f32 [tilespmem:s19], [sflag:$0x1], $0x40, s14, s24, $0xb8;
	[tilespmem:$0x1C380] =	vst v63  }
.Ltmp6:
0xfd: {  	s30 =	simm.s32 $0x19B80;
	(pc) =	sbr.rel .LBB2_13-.Ltmp6, $4  }
0xfe: {  	[spmem:s17] =	stream.indirect.scatter.add.f32 [tilespmem:s30], [sflag:$0x1], $0x10, s14, s24, $0xb8;
	[tilespmem:$0x1C380] =	vst v63  }
0xff: {  	_ =	swait.ge [sflag:s4], $0x800  }
0x100: {  	[sflag:s4] =	ssyncset.done $0x0  }
0x101: {  	[sflag:s4] =	ssyncadd.s32 $0xFFFFF800  }
.LBB2_10:
0x102: {  	v1 =	vld [tilespmem:s12+$0xFFFFFFF0];
	s2 =	simm.s32 $0x40;
	s1 =	simm.s32 $0x1A3A0  }
.LBB2_11:
0x103: {  	p1 =	sne.s32 s2, $0x1FC0;
	v2 =	vld [tilespmem:s3+$0x19B80]  }
0x104: {  	v3 =	vld [tilespmem:s12+$0x10]  }
0x105: {  	v4 =	vld [tilespmem:s12+$0xFFFFFFE0]  }
0x106: {  	v5 =	vld [tilespmem:s12+$0x0];
	_ =	sdelay $0x1  }
0x107: {  	v6 =	vbroadcast v2, $0x2;
	v2 =	vbroadcast v2, $0x3;
	_ =	sdelay $0x1  }
0x108: {  	v4 =	vmul.f32 v6, v4;
	v1 =	vmul.f32 v1, v6  }
.Ltmp7:
0x109: {  	v5 =	vmul.f32 v5, v2;
	v2 =	vmul.f32 v3, v2;
	(pc) =	sbr.rel @p1 .LBB2_11-.Ltmp7, $4  }
0x10a: {  	[tilespmem:s12+$0xFFFFFFE0] =	vst v4  }
0x10b: {  	[tilespmem:s12+$0xFFFFFFF0] =	vst v1  }
0x10c: {  	s12 =	sadd.s32 $0x40, s12;
	[tilespmem:s1+$0x0] =	vst v5  }
0x10d: {  	s3 =	sshra.s32 s2, $0x2;
	s2 =	sadd.s32 $0x40, s2;
	v1 =	vld [tilespmem:s12+$0xFFFFFFF0];
	[tilespmem:s1+$0x10] =	vst v2;
	s1 =	smov.u32 s12  }
0x10e: {  	v2 =	vld [tilespmem:s3+$0x19B80];
	_ =	sdelay $0x1  }
0x10f: {  	v3 =	vld [tilespmem:s12+$0xFFFFFFE0];
	_ =	sdelay $0x1  }
0x110: {  	v4 =	vld [tilespmem:s12+$0x0]  }
0x111: {  	v5 =	vld [tilespmem:s12+$0x10];
	v6 =	vbroadcast v2, $0x2;
	_ =	sdelay $0x1  }
0x112: {  	v2 =	vbroadcast v2, $0x3;
	v3 =	vmul.f32 v6, v3  }
0x113: {  	v1 =	vmul.f32 v1, v6  }
.Ltmp8:
0x114: {  	v4 =	vmul.f32 v4, v2;
	[tilespmem:s12+$0xFFFFFFE0] =	vst v3;
	(pc) =	sbr.rel .LBB2_13-.Ltmp8, $4  }
0x115: {  	v2 =	vmul.f32 v5, v2;
	[tilespmem:s12+$0xFFFFFFF0] =	vst v1  }
0x116: {  	[tilespmem:s1+$0x0] =	vst v4  }
0x117: {  	[tilespmem:s1+$0x10] =	vst v2  }
0x118: {  	[spmem:s15] =	stream.indirect.scatter.add.f32 [tilespmem:s19], [sflag:$0x1], $0x40, s14, s24, $0xb8;
	[tilespmem:$0x1C380] =	vst v63  }
.LBB2_14:
0x119: {  	[dreg:$0x4] =	wrdreg s20  }
0x11a: {  	[bflag:$0x0] =	sbarrier.arrive $0xFFFF  }
0x11b: {  	[tilespmem:s19], [sflag:$0x4] =	stream.linear.gather [spmem:s25], $0x2000, $0x38;
	[tilespmem:$0x1C380] =	vst v63  }
0x11c: {  	_ =	swait.ge [sflag:s16], $0x2000  }
0x11d: {  	s17 =	simm.s32 @p0 $0x1A380;
	s10 =	simm.s32 @p0 $0x3;
	[sflag:s16] =	ssyncset.done $0x0  }
0x11e: {  	s1 =	sadd.s32 @p0 $0x0, s22;
	s20 =	simm.s32 @p0 $0x0;
	[sflag:s16] =	ssyncadd.s32 $0xFFFFE000  }
0x11f: {  	[hbm4b:s1+s20] =	stream.linear.scatter @p0 [tilespmem:s17], [sflag:$0x3], $0x2000, $0x38;
	[tilespmem:$0x1C380] =	vst v63  }
0x120: {  	_ =	swait.ge @p0 [sflag:s10], $0x2000  }
0x121: {  	s30 =	simm.s32 @!p0 $0x1A380;
	s11 =	simm.s32 @!p0 $0x4;
	[sflag:s10] =	ssyncset.done @p0 $0x0  }
0x122: {  	s12 =	simm.s32 @!p0 $0x0;
	s1 =	sadd.s32 @!p0 $0x0, s23;
	[sflag:s10] =	ssyncadd.s32 @p0 $0xFFFFE000  }
0x123: {  	[hbm4b:s1+s12] =	stream.linear.scatter @!p0 [tilespmem:s30], [sflag:$0x4], $0x2000, $0x38;
	[tilespmem:$0x1C380] =	vst v63  }
0x124: {  	_ =	swait.ge @!p0 [sflag:s11], $0x2000  }
0x125: {  	[sflag:s11] =	ssyncset.done @!p0 $0x0  }
0x126: {  	s9 =	simm.s32 @!p0 $0x19B80;
	s1 =	rddreg [dreg:$0x7];
	[sflag:s11] =	ssyncadd.s32 @!p0 $0xFFFFE000  }
0x127: {  	[tilespmem:s9], [sflag:$0x4] =	stream.linear.gather @!p0 [spmem:s1], $0x800, $0x38;
	[tilespmem:$0x1C380] =	vst v63  }
0x128: {  	_ =	swait.ge @!p0 [sflag:s11], $0x800  }
0x129: {  	[sflag:s11] =	ssyncset.done @!p0 $0x0  }
0x12a: {  	s2 =	rddreg [dreg:$0xf];
	[sflag:s11] =	ssyncadd.s32 @!p0 $0xFFFFF800  }
0x12b: {  	[hbm4b:s2+s12] =	stream.linear.scatter @!p0 [tilespmem:s9], [sflag:$0x4], $0x800, $0x38;
	[tilespmem:$0x1C380] =	vst v63  }
0x12c: {  	_ =	swait.ge @!p0 [sflag:s11], $0x800  }
0x12d: {  	s15 =	rddreg [dreg:$0xd]  }
0x12e: {  	s3 =	simm.s32 $0x400;
	[sflag:s11] =	ssyncset.done @!p0 $0x0;
	s1 =	rddreg [dreg:$0x16]  }
.LBB2_15:
0x12f: {  	[sflag:s11] =	ssyncadd.s32 @!p0 $0xFFFFF800  }
0x130: {  	s2 =	sadd.s32 $0x100, s2;
	s25 =	smov.u32 s3;
	s3 =	sadd.s32 $0x400, s3  }
0x131: {  	[tilespmem:s19], [sflag:$0x4] =	stream.linear.gather [spmem:s15], $0x2000, $0x38;
	[tilespmem:$0x1C380] =	vst v63  }
0x132: {  	p1 =	sne.s32 s3, $0x2400;
	_ =	swait.ge [sflag:s16], $0x2000  }
0x133: {  	[sflag:s16] =	ssyncset.done $0x0  }
0x134: {  	s26 =	sadd.s32 @p0 s25, s22;
	[sflag:s16] =	ssyncadd.s32 $0xFFFFE000  }
0x135: {  	[hbm4b:s26+s20] =	stream.linear.scatter @p0 [tilespmem:s17], [sflag:$0x3], $0x2000, $0x38;
	[tilespmem:$0x1C380] =	vst v63  }
0x136: {  	_ =	swait.ge @p0 [sflag:s10], $0x2000  }
0x137: {  	[sflag:s10] =	ssyncset.done @p0 $0x0  }
0x138: {  	s25 =	sadd.s32 @!p0 s25, s23;
	[sflag:s10] =	ssyncadd.s32 @p0 $0xFFFFE000  }
0x139: {  	[hbm4b:s25+s12] =	stream.linear.scatter @!p0 [tilespmem:s30], [sflag:$0x4], $0x2000, $0x38;
	[tilespmem:$0x1C380] =	vst v63  }
0x13a: {  	_ =	swait.ge @!p0 [sflag:s11], $0x2000  }
0x13b: {  	[sflag:s11] =	ssyncset.done @!p0 $0x0  }
0x13c: {  	[sflag:s11] =	ssyncadd.s32 @!p0 $0xFFFFE000  }
0x13d: {  	[tilespmem:s9], [sflag:$0x4] =	stream.linear.gather @!p0 [spmem:s1], $0x800, $0x38;
	[tilespmem:$0x1C380] =	vst v63  }
0x13e: {  	_ =	swait.ge @!p0 [sflag:s11], $0x800  }
.Ltmp9:
0x13f: {  	[sflag:s11] =	ssyncset.done @!p0 $0x0;
	(pc) =	sbr.rel @p1 .LBB2_15-.Ltmp9, $4  }
0x140: {  	[sflag:s11] =	ssyncadd.s32 @!p0 $0xFFFFF800  }
0x141: {  	[hbm4b:s2+s12] =	stream.linear.scatter @!p0 [tilespmem:s9], [sflag:$0x4], $0x800, $0x38;
	[tilespmem:$0x1C380] =	vst v63  }
0x142: {  	_ =	swait.ge @!p0 [sflag:s11], $0x800  }
0x143: {  	s15 =	sadd.s32 $0x2000, s15;
	s1 =	sadd.s32 $0x800, s1;
	[sflag:s11] =	ssyncset.done @!p0 $0x0  }
0x144: {  	[sflag:s11] =	ssyncadd.s32 @!p0 $0xFFFFF800;
	s26 =	rddreg [dreg:$0x6]  }
0x145: {  	[tilespmem:s19], [sflag:$0x3] =	stream.linear.gather [spmem:s26], $0x1A00, $0x38;
	[tilespmem:$0x1C380] =	vst v63  }
0x146: {  	_ =	swait.ge [sflag:s21], $0x1A00  }
0x147: {  	[sflag:s21] =	ssyncset.done $0x0  }
0x148: {  	s1 =	rddreg [dreg:$0x9];
	[sflag:s21] =	ssyncadd.s32 $0xFFFFE600  }
0x149: {  	[hbm4b:s1+s20] =	stream.linear.scatter @p0 [tilespmem:s17], [sflag:$0x3], $0x1A00, $0x38;
	[tilespmem:$0x1C380] =	vst v63  }
0x14a: {  	_ =	swait.ge @p0 [sflag:s10], $0x1A00  }
0x14b: {  	[sflag:s10] =	ssyncset.done @p0 $0x0  }
0x14c: {  	s1 =	rddreg [dreg:$0xa];
	[sflag:s10] =	ssyncadd.s32 @p0 $0xFFFFE600  }
0x14d: {  	[hbm4b:s1+s12] =	stream.linear.scatter @!p0 [tilespmem:s30], [sflag:$0x3], $0x1A00, $0x38;
	[tilespmem:$0x1C380] =	vst v63  }
0x14e: {  	s1 =	simm.s32 @!p0 $0x3  }
0x14f: {  	_ =	swait.ge @!p0 [sflag:s1], $0x1A00  }
0x150: {  	[sflag:s1] =	ssyncset.done @!p0 $0x0  }
0x151: {  	s30 =	rddreg [dreg:$0x8];
	[sflag:s1] =	ssyncadd.s32 @!p0 $0xFFFFE600  }
0x152: {  	[tilespmem:s9], [sflag:$0x3] =	stream.linear.gather @!p0 [spmem:s30], $0x680, $0x38;
	[tilespmem:$0x1C380] =	vst v63  }
0x153: {  	_ =	swait.ge @!p0 [sflag:s1], $0x680  }
0x154: {  	[sflag:s1] =	ssyncset.done @!p0 $0x0  }
0x155: {  	s2 =	rddreg [dreg:$0xb];
	[sflag:s1] =	ssyncadd.s32 @!p0 $0xFFFFF980  }
0x156: {  	[hbm4b:s2+s12] =	stream.linear.scatter @!p0 [tilespmem:s9], [sflag:$0x3], $0x680, $0x38;
	[tilespmem:$0x1C380] =	vst v63  }
0x157: {  	_ =	swait.ge @!p0 [sflag:s1], $0x680  }
0x158: {  	s17 =	rddreg [dreg:$0x4]  }
0x159: {  	s25 =	rddreg [dreg:$0xc];
	s20 =	sadd.s32 $0x1, s17  }
0x15a: {  	p1 =	sne.s32 s20, s25  }
.Ltmp10:
0x15b: {  	[sflag:s1] =	ssyncset.done @!p0 $0x0;
	(pc) =	sbr.rel @p1 .LBB2_1-.Ltmp10, $4  }
0x15c: {  	[sflag:s1] =	ssyncadd.s32 @!p0 $0xFFFFF980  }
0x15d: {  	s15 =	rddreg [dreg:$0x1]  }
0x15e: {  	s17 =	rddreg [dreg:$0x2]  }
0x15f: {  	s25 =	rddreg [dreg:$0x5]  }
0x160: {  	_ =	sfence.sel $0x180000  }
0x161: {  	[bflag:$0x0] =	sbarrier.arrive $0xFFFF  }
0x162: {  	_ =	strace $0x90000047  }
0x163: {  	s0 =	stileid.u32;
	[bflag:$0x2] =	sbarrier.arrive $0xFFFF  }
0x164: {  	p0 =	sne.s32 s0, $0x0;
	s0 =	rddreg [dreg:$0x3]  }
0x165: {  	s0 =	sadd.s32 @!p0 $0x100000, s0  }
0x166: {  	[sflag:s0] =	ssyncadd.tile.s32 @!p0 $0x1;
	_ =	shalt  }
.Lfunc_end2:
_tile_overlayer_lowered:
.L_overlay_start_2:
0x167: {  	(tag) =	ssettag $0x2  }
0x168: {  	s0 =	rddreg [dreg:$0x0];
	s2 =	stileid.u32  }
0x169: {  	s1 =	rddreg [dreg:$0x1];
	p0 =	sne.s32 s2, $0x0  }
0x16a: {  	s3 =	rddreg [dreg:$0x2];
	[bflag:$0x3] =	sbarrier.arrive $0xFFFF;
	s2 =	simm.s32 @!p0 $0x1C03  }
0x16b: {  	[timem:s3], [sflag:s2] =	dma.local @!p0 [hbm:s0], s1  }
0x16c: {  	s0 =	simm.s32 @!p0 $0x3  }
0x16d: {  	_ =	swait.ge @!p0 [sflag:s0], s1  }
0x16e: {  	s1 =	ssub.s32 @!p0 $0x0, s1;
	[sflag:s0] =	ssyncset.done @!p0 $0x0  }
0x16f: {  	[sflag:s0] =	ssyncadd.s32 @!p0 s1  }
0x170: {  	[bflag:$0x3] =	sbarrier.arrive $0xFFFF  }
0x171: {  	_ =	shalt  }

</sc_bundles>
